<compile_context>
chip_gen: v7x
topology: tpu7x:2x2x1
jax: 0.10.2.dev20260603
libtpu: 0.0.44.dev20260713+nightly
codegen_flags: <defaults>
</compile_context>

<pallas_src>
import jax
import jax.numpy as jnp
from jax import lax
from jax.experimental import pallas as pl
from jax.experimental.pallas import tpu as pltpu
from jax.experimental.pallas import tpu_sc as plsc

D_MODEL = 2048
NUM_EXPERTS = 8
TOP_K = 2
NUM_TASKS = 64
D_TASK_EMBED = 64
D_FFN = 32
EF = NUM_EXPERTS * D_FFN

TOK_BLK = 512

SC_CORES = 2
SC_SUBCORES = 16
SC_WORKERS = SC_CORES * SC_SUBCORES
SC_LANES = 16


def _stage12_body(tid_ref, x_ref, w1_ref, b1_ref, gw_ref, gb_ref, temb_ref,
                  h_ref, lg_ref, w_ref, stats_ref):
    i = pl.program_id(0)
    nb = pl.num_programs(0) // 2
    blk_per_b = nb // stats_ref.shape[1]
    n_elem = jnp.float32(blk_per_b * TOK_BLK * D_MODEL)
    x = x_ref[...]

    @pl.when(i == 0)
    def _init():
        for b in range(stats_ref.shape[1]):
            stats_ref[0, b] = 0.0
            stats_ref[1, b] = 0.0

    @pl.when(i < nb)
    def _phase_a():
        b = i // blk_per_b
        stats_ref[0, b] += jnp.sum(x)
        stats_ref[1, b] += jnp.sum(x * x)
        h = jnp.dot(x.astype(jnp.bfloat16), w1_ref[...],
                    preferred_element_type=jnp.float32)
        h = h + b1_ref[...]
        h_ref[...] = (h * jax.nn.sigmoid(h)).astype(jnp.bfloat16)

    @pl.when(i >= nb)
    def _phase_b():
        b = (i - nb) // blk_per_b
        mean = stats_ref[0, b] / n_elem
        var = stats_ref[1, b] / n_elem - mean * mean
        std = jnp.sqrt(var + 1e-5)
        xn = (x - mean) / std
        tid = tid_ref[b]
        tb = temb_ref[pl.ds(tid, 1), :]
        te_row = jnp.dot(tb.astype(jnp.bfloat16),
                         gw_ref[pl.ds(D_MODEL, D_TASK_EMBED), :].astype(jnp.bfloat16),
                         preferred_element_type=jnp.float32) + gb_ref[...]
        logits = jnp.dot(xn.astype(jnp.bfloat16),
                         gw_ref[pl.ds(0, D_MODEL), :].astype(jnp.bfloat16),
                         preferred_element_type=jnp.float32) + te_row
        lg_ref[...] = logits
        ii = lax.broadcasted_iota(jnp.int32, logits.shape, 1)
        m1 = jnp.max(logits, axis=1, keepdims=True)
        i1 = jnp.min(jnp.where(logits == m1, ii, NUM_EXPERTS), axis=1,
                     keepdims=True)
        l2 = jnp.where(ii == i1, -jnp.inf, logits)
        m2 = jnp.max(l2, axis=1, keepdims=True)
        i2 = jnp.min(jnp.where(l2 == m2, ii, NUM_EXPERTS), axis=1,
                     keepdims=True)
        ed = jnp.exp(m2 - m1)
        p1 = 1.0 / (1.0 + ed)
        p2 = ed / (1.0 + ed)
        w_ref[...] = jnp.where(ii == i1, p1, 0.0) + jnp.where(ii == i2, p2, 0.0)


def _route_body(lg_hbm, idxt_hbm, cnt_hbm, lg_v, i1_v, i2_v, cnt_v):
    tok_per_w = lg_hbm.shape[0] // SC_WORKERS
    n_grp = tok_per_w // SC_LANES
    wid = lax.axis_index("s") * SC_CORES + lax.axis_index("c")
    base = wid * tok_per_w
    pltpu.sync_copy(lg_hbm.at[pl.ds(base, tok_per_w), :], lg_v)

    lane = lax.iota(jnp.int32, SC_LANES)
    neg_inf = jnp.full((SC_LANES,), -jnp.inf, jnp.float32)
    cnt = [jnp.zeros((SC_LANES,), jnp.float32) for _ in range(NUM_EXPERTS)]

    for j in range(n_grp):
        row = jnp.full((SC_LANES,), j * SC_LANES, jnp.int32) + lane
        v = [plsc.load_gather(lg_v, [row, jnp.full((SC_LANES,), e, jnp.int32)])
             for e in range(NUM_EXPERTS)]
        m1 = v[0]
        for e in range(1, NUM_EXPERTS):
            m1 = jnp.maximum(m1, v[e])
        i1 = jnp.full((SC_LANES,), NUM_EXPERTS, jnp.int32)
        for e in reversed(range(NUM_EXPERTS)):
            i1 = jnp.where(v[e] == m1, jnp.full((SC_LANES,), e, jnp.int32), i1)
        l2 = [jnp.where(i1 == e, neg_inf, v[e]) for e in range(NUM_EXPERTS)]
        m2 = l2[0]
        for e in range(1, NUM_EXPERTS):
            m2 = jnp.maximum(m2, l2[e])
        i2 = jnp.full((SC_LANES,), NUM_EXPERTS, jnp.int32)
        for e in reversed(range(NUM_EXPERTS)):
            i2 = jnp.where(l2[e] == m2, jnp.full((SC_LANES,), e, jnp.int32), i2)
        zero = jnp.zeros((SC_LANES,), jnp.float32)
        one = jnp.full((SC_LANES,), 1.0, jnp.float32)
        for e in range(NUM_EXPERTS):
            cnt[e] = (cnt[e] + jnp.where(i1 == e, one, zero)
                      + jnp.where(i2 == e, one, zero))
        i1_v[pl.ds(j * SC_LANES, SC_LANES)] = i1
        i2_v[pl.ds(j * SC_LANES, SC_LANES)] = i2

    for e in range(NUM_EXPERTS):
        cnt_v[e, :] = cnt[e]
    pltpu.sync_copy(i1_v, idxt_hbm.at[0, pl.ds(base, tok_per_w)])
    pltpu.sync_copy(i2_v, idxt_hbm.at[1, pl.ds(base, tok_per_w)])
    pltpu.sync_copy(cnt_v, cnt_hbm.at[wid])


def _stage3_body(h_ref, w_ref, w2_ref, b2_ref, out_ref):
    w = w_ref[...]
    exp_mat = jnp.where(
        lax.broadcasted_iota(jnp.int32, (NUM_EXPERTS, EF), 1) // D_FFN
        == lax.broadcasted_iota(jnp.int32, (NUM_EXPERTS, EF), 0),
        1.0, 0.0)
    w_exp = jnp.dot(w, exp_mat, preferred_element_type=jnp.float32)
    hw = (h_ref[...].astype(jnp.float32) * w_exp).astype(jnp.bfloat16)
    out = jnp.dot(hw, w2_ref[...], preferred_element_type=jnp.float32)
    out = out + jnp.dot(w, b2_ref[...], preferred_element_type=jnp.float32)
    out_ref[...] = out


@jax.jit
def kernel(x, task_id, task_emb, gate_W, gate_b, W1, b1, W2, b2):
    B, S, D = x.shape
    T = B * S
    nblk = T // TOK_BLK
    tok_per_w = T // SC_WORKERS

    x2d = x.reshape(T, D)
    w1a = W1.astype(jnp.bfloat16).transpose(1, 0, 2).reshape(D, EF)
    b1f = b1.reshape(1, EF)
    gbr = gate_b.reshape(1, NUM_EXPERTS)
    w2a = W2.reshape(EF, D).astype(jnp.bfloat16)
    tid32 = task_id.astype(jnp.int32)

    h, logits, w_tok = pl.pallas_call(
        _stage12_body,
        grid=(2 * nblk,),
        in_specs=[
            pl.BlockSpec(memory_space=pltpu.MemorySpace.SMEM),
            pl.BlockSpec((TOK_BLK, D),
                         lambda i: (jnp.where(i < nblk, i, i - nblk), 0)),
            pl.BlockSpec((D, EF), lambda i: (0, 0)),
            pl.BlockSpec((1, EF), lambda i: (0, 0)),
            pl.BlockSpec((D + D_TASK_EMBED, NUM_EXPERTS), lambda i: (0, 0)),
            pl.BlockSpec((1, NUM_EXPERTS), lambda i: (0, 0)),
            pl.BlockSpec((NUM_TASKS, D_TASK_EMBED), lambda i: (0, 0)),
        ],
        out_specs=[
            pl.BlockSpec((TOK_BLK, EF), lambda i: (jnp.minimum(i, nblk - 1), 0)),
            pl.BlockSpec((TOK_BLK, NUM_EXPERTS),
                         lambda i: (jnp.maximum(i - nblk, 0), 0)),
            pl.BlockSpec((TOK_BLK, NUM_EXPERTS),
                         lambda i: (jnp.maximum(i - nblk, 0), 0)),
        ],
        out_shape=[
            jax.ShapeDtypeStruct((T, EF), jnp.bfloat16),
            jax.ShapeDtypeStruct((T, NUM_EXPERTS), jnp.float32),
            jax.ShapeDtypeStruct((T, NUM_EXPERTS), jnp.float32),
        ],
        scratch_shapes=[pltpu.SMEM((2, B), jnp.float32)],
    )(tid32, x2d, w1a, b1f, gate_W, gbr, task_emb)

    mesh = plsc.VectorSubcoreMesh(core_axis_name="c", subcore_axis_name="s")
    idxt, cnt = pl.kernel(
        _route_body,
        out_type=[
            jax.ShapeDtypeStruct((TOP_K, T), jnp.int32),
            jax.ShapeDtypeStruct((SC_WORKERS, NUM_EXPERTS, SC_LANES),
                                 jnp.float32),
        ],
        mesh=mesh,
        compiler_params=pltpu.CompilerParams(needs_layout_passes=False),
        scratch_types=[
            pltpu.VMEM((tok_per_w, NUM_EXPERTS), jnp.float32),
            pltpu.VMEM((tok_per_w,), jnp.int32),
            pltpu.VMEM((tok_per_w,), jnp.int32),
            pltpu.VMEM((NUM_EXPERTS, SC_LANES), jnp.float32),
        ],
    )(logits)

    out = pl.pallas_call(
        _stage3_body,
        grid=(nblk,),
        in_specs=[
            pl.BlockSpec((TOK_BLK, EF), lambda i: (i, 0)),
            pl.BlockSpec((TOK_BLK, NUM_EXPERTS), lambda i: (i, 0)),
            pl.BlockSpec((EF, D), lambda i: (0, 0)),
            pl.BlockSpec((NUM_EXPERTS, D), lambda i: (0, 0)),
        ],
        out_specs=pl.BlockSpec((TOK_BLK, D), lambda i: (i, 0)),
        out_shape=jax.ShapeDtypeStruct((T, D), jnp.float32),
    )(h, w_tok, w2a, b2)

    final_output = out.reshape(B, S, D)
    topk_idx = jnp.transpose(idxt, (1, 0)).reshape(B, S, TOP_K)

    counts = jnp.sum(cnt, axis=(0, 2))
    usage_mean = jnp.mean(counts) + 1e-6
    usage_std = jnp.std(counts, ddof=1)
    lb_loss = (usage_std / usage_mean) ** 2
    return (final_output, lb_loss, topk_idx)

# --- scband reference (transcript-rebuilt; emitter-appended) ---
"""Pipeline reference for scband-standard-mo-elayer-53068615910180 (READ-ONLY COPY).

The authoritative reference and input builder live on the scoring server;
editing this copy changes nothing except your own understanding.
"""

import jax, jax.numpy as jnp
import numpy as np

D_MODEL = 2048
NUM_EXPERTS = 8
TOP_K = 2
NUM_TASKS = 64
D_TASK_EMBED = 64
D_FFN = 32


def setup_inputs(seed: int = 0) -> dict:
    key = jax.random.key(seed)
    ks = jax.random.split(key, 10)
    B, S = 4, 2048
    x = jax.random.normal(ks[0], (B, S, D_MODEL), dtype=jnp.float32)
    task_id = jax.random.randint(ks[1], (B,), 0, NUM_TASKS, dtype=jnp.int64 if jax.config.jax_enable_x64 else jnp.int32)
    task_emb = jax.random.normal(ks[2], (NUM_TASKS, D_TASK_EMBED), dtype=jnp.float32) * 0.02
    gate_W = jax.random.normal(ks[3], (D_MODEL + D_TASK_EMBED, NUM_EXPERTS), dtype=jnp.float32) * (1.0 / np.sqrt(D_MODEL + D_TASK_EMBED))
    gate_b = jnp.zeros((NUM_EXPERTS,), dtype=jnp.float32)
    W1 = jax.random.normal(ks[4], (NUM_EXPERTS, D_MODEL, D_FFN), dtype=jnp.float32) * (1.0 / np.sqrt(D_MODEL))
    b1 = jnp.zeros((NUM_EXPERTS, D_FFN), dtype=jnp.float32)
    W2 = jax.random.normal(ks[5], (NUM_EXPERTS, D_FFN, D_MODEL), dtype=jnp.float32) * (1.0 / np.sqrt(D_FFN))
    b2 = jnp.zeros((NUM_EXPERTS, D_MODEL), dtype=jnp.float32)
    return {"x": x, "task_id": task_id, "task_emb": task_emb, "gate_W": gate_W, "gate_b": gate_b, "W1": W1, "b1": b1, "W2": W2, "b2": b2}


def reference(x, task_id, task_emb, gate_W, gate_b, W1, b1, W2, b2):
    B, S, D = x.shape
    # F.layer_norm(x, x.shape[1:]) normalizes over the last TWO dims (seq, d_model)
    mean = jnp.mean(x, axis=(1, 2), keepdims=True)
    var = jnp.var(x, axis=(1, 2), keepdims=True)
    x_norm = (x - mean) / jnp.sqrt(var + 1e-5)
    # task embedding broadcast over sequence
    t_emb = task_emb[task_id]  # [B, d_task_embed]
    t_emb = jnp.broadcast_to(t_emb[:, None, :], (B, S, D_TASK_EMBED))
    gate_input = jnp.concatenate([x_norm, t_emb], axis=-1)
    logits = gate_input @ gate_W + gate_b  # [B, S, E]
    topk_vals, topk_idx = jax.lax.top_k(logits, TOP_K)
    topk_probs = jax.nn.softmax(topk_vals, axis=-1)
    flat_x = x.reshape(-1, D)  # [T, D]
    flat_idx = topk_idx.reshape(-1, TOP_K)
    flat_probs = topk_probs.reshape(-1, TOP_K)
    # combine weights: weight[t, e] = sum_k probs[t,k] * (idx[t,k]==e)
    onehot = jax.nn.one_hot(flat_idx, NUM_EXPERTS, dtype=flat_x.dtype)  # [T, K, E]
    weights = jnp.einsum('tk,tke->te', flat_probs, onehot)  # [T, E]
    # dense expert compute (mathematically identical to masked dispatch)
    h = jnp.einsum('td,edf->etf', flat_x, W1) + b1[:, None, :]
    h = h * jax.nn.sigmoid(h)  # SiLU
    o = jnp.einsum('etf,efd->etd', h, W2) + b2[:, None, :]
    final_flat = jnp.einsum('te,etd->td', weights, o)
    final_output = final_flat.reshape(B, S, D)
    # load balance loss from expert usage counts
    counts = jnp.sum(onehot, axis=(0, 1))  # [E]
    usage_mean = jnp.mean(counts) + 1e-6
    usage_std = jnp.std(counts, ddof=1)
    lb_loss = (usage_std / usage_mean) ** 2
    return (final_output, lb_loss, topk_idx)

if __name__ == "__main__":
    import jax
    _d = setup_inputs()
    print(jax.jit(kernel)(*tuple(_d.values())))

</pallas_src>

<mosaic_0001>
#map = affine_map<(d0, d1) -> (0, 0)>
#map1 = affine_map<(d0, d1) -> (0, 0, 0)>
module attributes {stable_mosaic.version = 14 : i64} {
  func.func @_route_body(%arg0: i32, %arg1: i32, %arg2: memref<8192x8xf32, #tpu.memory_space<hbm>>, %arg3: memref<2x8192xi32, #tpu.memory_space<hbm>>, %arg4: memref<32x8x16xf32, #tpu.memory_space<hbm>>, %arg5: memref<256x8xf32, #tpu.memory_space<vmem>>, %arg6: memref<256xi32, #tpu.memory_space<vmem>>, %arg7: memref<256xi32, #tpu.memory_space<vmem>>, %arg8: memref<8x16xf32, #tpu.memory_space<vmem>>) attributes {dimension_semantics = [#tpu.dimension_semantics<core_parallel>, #tpu.dimension_semantics<subcore_parallel>], iteration_bounds = array<i64: 2, 16>, scalar_prefetch = 0 : i64, scratch_operands = 4 : i64, tpu.core_type = #tpu.core_type<sc_vector_subcore>, window_params = [{transform_indices = #map}, {transform_indices = #map}, {transform_indices = #map1}]} {
    %mul3A = arith.constant 2 : i32
    %mul3A_0 = arith.muli %arg1, %mul3A : i32
    %add3A = arith.addi %mul3A_0, %arg0 : i32
    %mul3A_1 = arith.constant 256 : i32
    %mul3A_2 = arith.muli %add3A, %mul3A_1 : i32
    "tpu.region"() ({
      %run_scoped3A_3712 = tpu.sem_alloc : memref<!tpu.dma_semaphore, #tpu.memory_space<semaphore_mem>>
      %dma_start3A = arith.constant 0 : i32
      %dma_start3A_3713 = tpu.memref_slice %arg2[%mul3A_2, %dma_start3A] : memref<8192x8xf32, #tpu.memory_space<hbm>> -> memref<256x8xf32, #tpu.memory_space<hbm>>
      %dma_start3A_3714 = arith.constant 0 : i32
      %dma_start3A_3715 = tpu.memref_slice %arg2[%mul3A_2, %dma_start3A_3714] : memref<8192x8xf32, #tpu.memory_space<hbm>> -> memref<256x8xf32, #tpu.memory_space<hbm>>
      tpu.enqueue_dma source(%dma_start3A_3715 : memref<256x8xf32, #tpu.memory_space<hbm>>) target(%arg5 : memref<256x8xf32, #tpu.memory_space<vmem>>) target_semaphore(%run_scoped3A_3712 : memref<!tpu.dma_semaphore, #tpu.memory_space<semaphore_mem>>)
      %dma_wait3A = arith.constant 0 : i32
      %dma_wait3A_3716 = tpu.memref_slice %arg2[%mul3A_2, %dma_wait3A] : memref<8192x8xf32, #tpu.memory_space<hbm>> -> memref<256x8xf32, #tpu.memory_space<hbm>>
      %dma_wait3A_3717 = arith.constant 0 : i32
      %dma_wait3A_3718 = tpu.memref_slice %arg2[%mul3A_2, %dma_wait3A_3717] : memref<8192x8xf32, #tpu.memory_space<hbm>> -> memref<256x8xf32, #tpu.memory_space<hbm>>
      tpu.wait_dma2 semaphore(%run_scoped3A_3712 : memref<!tpu.dma_semaphore, #tpu.memory_space<semaphore_mem>>) src(%dma_wait3A_3718 : memref<256x8xf32, #tpu.memory_space<hbm>>) dst(%arg5 : memref<256x8xf32, #tpu.memory_space<vmem>>)
      tpu.yield
    }) : () -> ()
    %iota3A = tpu.iota {dimensions = array<i32: 0>} : vector<16xi32>
    %broadcast_in_dim3A = arith.constant 0xFF800000 : f32
    %broadcast_in_dim3A_3 = vector.broadcast %broadcast_in_dim3A : f32 to vector<16xf32>
    %broadcast_in_dim3A_4 = arith.constant 0.000000e+00 : f32
    %broadcast_in_dim3A_5 = vector.broadcast %broadcast_in_dim3A_4 : f32 to vector<16xf32>
    %broadcast_in_dim3A_6 = arith.constant 0.000000e+00 : f32
    %broadcast_in_dim3A_7 = vector.broadcast %broadcast_in_dim3A_6 : f32 to vector<16xf32>
    %broadcast_in_dim3A_8 = arith.constant 0.000000e+00 : f32
    %broadcast_in_dim3A_9 = vector.broadcast %broadcast_in_dim3A_8 : f32 to vector<16xf32>
    %broadcast_in_dim3A_10 = arith.constant 0.000000e+00 : f32
    %broadcast_in_dim3A_11 = vector.broadcast %broadcast_in_dim3A_10 : f32 to vector<16xf32>
    %broadcast_in_dim3A_12 = arith.constant 0.000000e+00 : f32
    %broadcast_in_dim3A_13 = vector.broadcast %broadcast_in_dim3A_12 : f32 to vector<16xf32>
    %broadcast_in_dim3A_14 = arith.constant 0.000000e+00 : f32
    %broadcast_in_dim3A_15 = vector.broadcast %broadcast_in_dim3A_14 : f32 to vector<16xf32>
    %broadcast_in_dim3A_16 = arith.constant 0.000000e+00 : f32
    %broadcast_in_dim3A_17 = vector.broadcast %broadcast_in_dim3A_16 : f32 to vector<16xf32>
    %broadcast_in_dim3A_18 = arith.constant 0.000000e+00 : f32
    %broadcast_in_dim3A_19 = vector.broadcast %broadcast_in_dim3A_18 : f32 to vector<16xf32>
    %broadcast_in_dim3A_20 = arith.constant 0 : i32
    %broadcast_in_dim3A_21 = vector.broadcast %broadcast_in_dim3A_20 : i32 to vector<16xi32>
    %add3A_22 = arith.addi %broadcast_in_dim3A_21, %iota3A : vector<16xi32>
    %broadcast_in_dim3A_23 = arith.constant 0 : i32
    %broadcast_in_dim3A_24 = vector.broadcast %broadcast_in_dim3A_23 : i32 to vector<16xi32>
    %gather3A = tpu.vector_load_idx %arg5[%add3A_22, %broadcast_in_dim3A_24] : memref<256x8xf32, #tpu.memory_space<vmem>>[vector<16xi32>, vector<16xi32>], vector<16xf32>,
    %broadcast_in_dim3A_25 = arith.constant 1 : i32
    %broadcast_in_dim3A_26 = vector.broadcast %broadcast_in_dim3A_25 : i32 to vector<16xi32>
    %gather3A_27 = tpu.vector_load_idx %arg5[%add3A_22, %broadcast_in_dim3A_26] : memref<256x8xf32, #tpu.memory_space<vmem>>[vector<16xi32>, vector<16xi32>], vector<16xf32>,
    %broadcast_in_dim3A_28 = arith.constant 2 : i32
    %broadcast_in_dim3A_29 = vector.broadcast %broadcast_in_dim3A_28 : i32 to vector<16xi32>
    %gather3A_30 = tpu.vector_load_idx %arg5[%add3A_22, %broadcast_in_dim3A_29] : memref<256x8xf32, #tpu.memory_space<vmem>>[vector<16xi32>, vector<16xi32>], vector<16xf32>,
    %broadcast_in_dim3A_31 = arith.constant 3 : i32
    %broadcast_in_dim3A_32 = vector.broadcast %broadcast_in_dim3A_31 : i32 to vector<16xi32>
    %gather3A_33 = tpu.vector_load_idx %arg5[%add3A_22, %broadcast_in_dim3A_32] : memref<256x8xf32, #tpu.memory_space<vmem>>[vector<16xi32>, vector<16xi32>], vector<16xf32>,
    %broadcast_in_dim3A_34 = arith.constant 4 : i32
    %broadcast_in_dim3A_35 = vector.broadcast %broadcast_in_dim3A_34 : i32 to vector<16xi32>
    %gather3A_36 = tpu.vector_load_idx %arg5[%add3A_22, %broadcast_in_dim3A_35] : memref<256x8xf32, #tpu.memory_space<vmem>>[vector<16xi32>, vector<16xi32>], vector<16xf32>,
    %broadcast_in_dim3A_37 = arith.constant 5 : i32
    %broadcast_in_dim3A_38 = vector.broadcast %broadcast_in_dim3A_37 : i32 to vector<16xi32>
    %gather3A_39 = tpu.vector_load_idx %arg5[%add3A_22, %broadcast_in_dim3A_38] : memref<256x8xf32, #tpu.memory_space<vmem>>[vector<16xi32>, vector<16xi32>], vector<16xf32>,
    %broadcast_in_dim3A_40 = arith.constant 6 : i32
    %broadcast_in_dim3A_41 = vector.broadcast %broadcast_in_dim3A_40 : i32 to vector<16xi32>
    %gather3A_42 = tpu.vector_load_idx %arg5[%add3A_22, %broadcast_in_dim3A_41] : memref<256x8xf32, #tpu.memory_space<vmem>>[vector<16xi32>, vector<16xi32>], vector<16xf32>,
    %broadcast_in_dim3A_43 = arith.constant 7 : i32
    %broadcast_in_dim3A_44 = vector.broadcast %broadcast_in_dim3A_43 : i32 to vector<16xi32>
    %gather3A_45 = tpu.vector_load_idx %arg5[%add3A_22, %broadcast_in_dim3A_44] : memref<256x8xf32, #tpu.memory_space<vmem>>[vector<16xi32>, vector<16xi32>], vector<16xf32>,
    %max3A = arith.maximumf %gather3A, %gather3A_27 : vector<16xf32>
    %max3A_46 = arith.maximumf %max3A, %gather3A_30 : vector<16xf32>
    %max3A_47 = arith.maximumf %max3A_46, %gather3A_33 : vector<16xf32>
    %max3A_48 = arith.maximumf %max3A_47, %gather3A_36 : vector<16xf32>
    %max3A_49 = arith.maximumf %max3A_48, %gather3A_39 : vector<16xf32>
    %max3A_50 = arith.maximumf %max3A_49, %gather3A_42 : vector<16xf32>
    %max3A_51 = arith.maximumf %max3A_50, %gather3A_45 : vector<16xf32>
    %broadcast_in_dim3A_52 = arith.constant 8 : i32
    %broadcast_in_dim3A_53 = vector.broadcast %broadcast_in_dim3A_52 : i32 to vector<16xi32>
    %eq3A = arith.cmpf oeq, %gather3A_45, %max3A_51 : vector<16xf32>
    %broadcast_in_dim3A_54 = arith.constant 7 : i32
    %broadcast_in_dim3A_55 = vector.broadcast %broadcast_in_dim3A_54 : i32 to vector<16xi32>
    %select_n3A = arith.select %eq3A, %broadcast_in_dim3A_55, %broadcast_in_dim3A_53 : vector<16xi1>, vector<16xi32>
    %eq3A_56 = arith.cmpf oeq, %gather3A_42, %max3A_51 : vector<16xf32>
    %broadcast_in_dim3A_57 = arith.constant 6 : i32
    %broadcast_in_dim3A_58 = vector.broadcast %broadcast_in_dim3A_57 : i32 to vector<16xi32>
    %select_n3A_59 = arith.select %eq3A_56, %broadcast_in_dim3A_58, %select_n3A : vector<16xi1>, vector<16xi32>
    %eq3A_60 = arith.cmpf oeq, %gather3A_39, %max3A_51 : vector<16xf32>
    %broadcast_in_dim3A_61 = arith.constant 5 : i32
    %broadcast_in_dim3A_62 = vector.broadcast %broadcast_in_dim3A_61 : i32 to vector<16xi32>
    %select_n3A_63 = arith.select %eq3A_60, %broadcast_in_dim3A_62, %select_n3A_59 : vector<16xi1>, vector<16xi32>
    %eq3A_64 = arith.cmpf oeq, %gather3A_36, %max3A_51 : vector<16xf32>
    %broadcast_in_dim3A_65 = arith.constant 4 : i32
    %broadcast_in_dim3A_66 = vector.broadcast %broadcast_in_dim3A_65 : i32 to vector<16xi32>
    %select_n3A_67 = arith.select %eq3A_64, %broadcast_in_dim3A_66, %select_n3A_63 : vector<16xi1>, vector<16xi32>
    %eq3A_68 = arith.cmpf oeq, %gather3A_33, %max3A_51 : vector<16xf32>
    %broadcast_in_dim3A_69 = arith.constant 3 : i32
    %broadcast_in_dim3A_70 = vector.broadcast %broadcast_in_dim3A_69 : i32 to vector<16xi32>
    %select_n3A_71 = arith.select %eq3A_68, %broadcast_in_dim3A_70, %select_n3A_67 : vector<16xi1>, vector<16xi32>
    %eq3A_72 = arith.cmpf oeq, %gather3A_30, %max3A_51 : vector<16xf32>
    %broadcast_in_dim3A_73 = arith.constant 2 : i32
    %broadcast_in_dim3A_74 = vector.broadcast %broadcast_in_dim3A_73 : i32 to vector<16xi32>
    %select_n3A_75 = arith.select %eq3A_72, %broadcast_in_dim3A_74, %select_n3A_71 : vector<16xi1>, vector<16xi32>
    %eq3A_76 = arith.cmpf oeq, %gather3A_27, %max3A_51 : vector<16xf32>
    %broadcast_in_dim3A_77 = arith.constant 1 : i32
    %broadcast_in_dim3A_78 = vector.broadcast %broadcast_in_dim3A_77 : i32 to vector<16xi32>
    %select_n3A_79 = arith.select %eq3A_76, %broadcast_in_dim3A_78, %select_n3A_75 : vector<16xi1>, vector<16xi32>
    %eq3A_80 = arith.cmpf oeq, %gather3A, %max3A_51 : vector<16xf32>
    %broadcast_in_dim3A_81 = arith.constant 0 : i32
    %broadcast_in_dim3A_82 = vector.broadcast %broadcast_in_dim3A_81 : i32 to vector<16xi32>
    %select_n3A_83 = arith.select %eq3A_80, %broadcast_in_dim3A_82, %select_n3A_79 : vector<16xi1>, vector<16xi32>
    %eq3A_84 = arith.constant 0 : i32
    %eq3A_85 = vector.broadcast %eq3A_84 : i32 to vector<16xi32>
    %eq3A_86 = arith.cmpi eq, %select_n3A_83, %eq3A_85 : vector<16xi32>
    %select_n3A_87 = arith.select %eq3A_86, %broadcast_in_dim3A_3, %gather3A : vector<16xi1>, vector<16xf32>
    %eq3A_88 = arith.constant 1 : i32
    %eq3A_89 = vector.broadcast %eq3A_88 : i32 to vector<16xi32>
    %eq3A_90 = arith.cmpi eq, %select_n3A_83, %eq3A_89 : vector<16xi32>
    %select_n3A_91 = arith.select %eq3A_90, %broadcast_in_dim3A_3, %gather3A_27 : vector<16xi1>, vector<16xf32>
    %eq3A_92 = arith.constant 2 : i32
    %eq3A_93 = vector.broadcast %eq3A_92 : i32 to vector<16xi32>
    %eq3A_94 = arith.cmpi eq, %select_n3A_83, %eq3A_93 : vector<16xi32>
    %select_n3A_95 = arith.select %eq3A_94, %broadcast_in_dim3A_3, %gather3A_30 : vector<16xi1>, vector<16xf32>
    %eq3A_96 = arith.constant 3 : i32
    %eq3A_97 = vector.broadcast %eq3A_96 : i32 to vector<16xi32>
    %eq3A_98 = arith.cmpi eq, %select_n3A_83, %eq3A_97 : vector<16xi32>
    %select_n3A_99 = arith.select %eq3A_98, %broadcast_in_dim3A_3, %gather3A_33 : vector<16xi1>, vector<16xf32>
    %eq3A_100 = arith.constant 4 : i32
    %eq3A_101 = vector.broadcast %eq3A_100 : i32 to vector<16xi32>
    %eq3A_102 = arith.cmpi eq, %select_n3A_83, %eq3A_101 : vector<16xi32>
    %select_n3A_103 = arith.select %eq3A_102, %broadcast_in_dim3A_3, %gather3A_36 : vector<16xi1>, vector<16xf32>
    %eq3A_104 = arith.constant 5 : i32
    %eq3A_105 = vector.broadcast %eq3A_104 : i32 to vector<16xi32>
    %eq3A_106 = arith.cmpi eq, %select_n3A_83, %eq3A_105 : vector<16xi32>
    %select_n3A_107 = arith.select %eq3A_106, %broadcast_in_dim3A_3, %gather3A_39 : vector<16xi1>, vector<16xf32>
    %eq3A_108 = arith.constant 6 : i32
    %eq3A_109 = vector.broadcast %eq3A_108 : i32 to vector<16xi32>
    %eq3A_110 = arith.cmpi eq, %select_n3A_83, %eq3A_109 : vector<16xi32>
    %select_n3A_111 = arith.select %eq3A_110, %broadcast_in_dim3A_3, %gather3A_42 : vector<16xi1>, vector<16xf32>
    %eq3A_112 = arith.constant 7 : i32
    %eq3A_113 = vector.broadcast %eq3A_112 : i32 to vector<16xi32>
    %eq3A_114 = arith.cmpi eq, %select_n3A_83, %eq3A_113 : vector<16xi32>
    %select_n3A_115 = arith.select %eq3A_114, %broadcast_in_dim3A_3, %gather3A_45 : vector<16xi1>, vector<16xf32>
    %max3A_116 = arith.maximumf %select_n3A_87, %select_n3A_91 : vector<16xf32>
    %max3A_117 = arith.maximumf %max3A_116, %select_n3A_95 : vector<16xf32>
    %max3A_118 = arith.maximumf %max3A_117, %select_n3A_99 : vector<16xf32>
    %max3A_119 = arith.maximumf %max3A_118, %select_n3A_103 : vector<16xf32>
    %max3A_120 = arith.maximumf %max3A_119, %select_n3A_107 : vector<16xf32>
    %max3A_121 = arith.maximumf %max3A_120, %select_n3A_111 : vector<16xf32>
    %max3A_122 = arith.maximumf %max3A_121, %select_n3A_115 : vector<16xf32>
    %broadcast_in_dim3A_123 = arith.constant 8 : i32
    %broadcast_in_dim3A_124 = vector.broadcast %broadcast_in_dim3A_123 : i32 to vector<16xi32>
    %eq3A_125 = arith.cmpf oeq, %select_n3A_115, %max3A_122 : vector<16xf32>
    %broadcast_in_dim3A_126 = arith.constant 7 : i32
    %broadcast_in_dim3A_127 = vector.broadcast %broadcast_in_dim3A_126 : i32 to vector<16xi32>
    %select_n3A_128 = arith.select %eq3A_125, %broadcast_in_dim3A_127, %broadcast_in_dim3A_124 : vector<16xi1>, vector<16xi32>
    %eq3A_129 = arith.cmpf oeq, %select_n3A_111, %max3A_122 : vector<16xf32>
    %broadcast_in_dim3A_130 = arith.constant 6 : i32
    %broadcast_in_dim3A_131 = vector.broadcast %broadcast_in_dim3A_130 : i32 to vector<16xi32>
    %select_n3A_132 = arith.select %eq3A_129, %broadcast_in_dim3A_131, %select_n3A_128 : vector<16xi1>, vector<16xi32>
    %eq3A_133 = arith.cmpf oeq, %select_n3A_107, %max3A_122 : vector<16xf32>
    %broadcast_in_dim3A_134 = arith.constant 5 : i32
    %broadcast_in_dim3A_135 = vector.broadcast %broadcast_in_dim3A_134 : i32 to vector<16xi32>
    %select_n3A_136 = arith.select %eq3A_133, %broadcast_in_dim3A_135, %select_n3A_132 : vector<16xi1>, vector<16xi32>
    %eq3A_137 = arith.cmpf oeq, %select_n3A_103, %max3A_122 : vector<16xf32>
    %broadcast_in_dim3A_138 = arith.constant 4 : i32
    %broadcast_in_dim3A_139 = vector.broadcast %broadcast_in_dim3A_138 : i32 to vector<16xi32>
    %select_n3A_140 = arith.select %eq3A_137, %broadcast_in_dim3A_139, %select_n3A_136 : vector<16xi1>, vector<16xi32>
    %eq3A_141 = arith.cmpf oeq, %select_n3A_99, %max3A_122 : vector<16xf32>
    %broadcast_in_dim3A_142 = arith.constant 3 : i32
    %broadcast_in_dim3A_143 = vector.broadcast %broadcast_in_dim3A_142 : i32 to vector<16xi32>
    %select_n3A_144 = arith.select %eq3A_141, %broadcast_in_dim3A_143, %select_n3A_140 : vector<16xi1>, vector<16xi32>
    %eq3A_145 = arith.cmpf oeq, %select_n3A_95, %max3A_122 : vector<16xf32>
    %broadcast_in_dim3A_146 = arith.constant 2 : i32
    %broadcast_in_dim3A_147 = vector.broadcast %broadcast_in_dim3A_146 : i32 to vector<16xi32>
    %select_n3A_148 = arith.select %eq3A_145, %broadcast_in_dim3A_147, %select_n3A_144 : vector<16xi1>, vector<16xi32>
    %eq3A_149 = arith.cmpf oeq, %select_n3A_91, %max3A_122 : vector<16xf32>
    %broadcast_in_dim3A_150 = arith.constant 1 : i32
    %broadcast_in_dim3A_151 = vector.broadcast %broadcast_in_dim3A_150 : i32 to vector<16xi32>
    %select_n3A_152 = arith.select %eq3A_149, %broadcast_in_dim3A_151, %select_n3A_148 : vector<16xi1>, vector<16xi32>
    %eq3A_153 = arith.cmpf oeq, %select_n3A_87, %max3A_122 : vector<16xf32>
    %broadcast_in_dim3A_154 = arith.constant 0 : i32
    %broadcast_in_dim3A_155 = vector.broadcast %broadcast_in_dim3A_154 : i32 to vector<16xi32>
    %select_n3A_156 = arith.select %eq3A_153, %broadcast_in_dim3A_155, %select_n3A_152 : vector<16xi1>, vector<16xi32>
    %broadcast_in_dim3A_157 = arith.constant 0.000000e+00 : f32
    %broadcast_in_dim3A_158 = vector.broadcast %broadcast_in_dim3A_157 : f32 to vector<16xf32>
    %broadcast_in_dim3A_159 = arith.constant 1.000000e+00 : f32
    %broadcast_in_dim3A_160 = vector.broadcast %broadcast_in_dim3A_159 : f32 to vector<16xf32>
    %eq3A_161 = arith.constant 0 : i32
    %eq3A_162 = vector.broadcast %eq3A_161 : i32 to vector<16xi32>
    %eq3A_163 = arith.cmpi eq, %select_n3A_83, %eq3A_162 : vector<16xi32>
    %select_n3A_164 = arith.select %eq3A_163, %broadcast_in_dim3A_160, %broadcast_in_dim3A_158 : vector<16xi1>, vector<16xf32>
    %add3A_165 = arith.addf %broadcast_in_dim3A_5, %select_n3A_164 : vector<16xf32>
    %eq3A_166 = arith.constant 0 : i32
    %eq3A_167 = vector.broadcast %eq3A_166 : i32 to vector<16xi32>
    %eq3A_168 = arith.cmpi eq, %select_n3A_156, %eq3A_167 : vector<16xi32>
    %select_n3A_169 = arith.select %eq3A_168, %broadcast_in_dim3A_160, %broadcast_in_dim3A_158 : vector<16xi1>, vector<16xf32>
    %add3A_170 = arith.addf %add3A_165, %select_n3A_169 : vector<16xf32>
    %eq3A_171 = arith.constant 1 : i32
    %eq3A_172 = vector.broadcast %eq3A_171 : i32 to vector<16xi32>
    %eq3A_173 = arith.cmpi eq, %select_n3A_83, %eq3A_172 : vector<16xi32>
    %select_n3A_174 = arith.select %eq3A_173, %broadcast_in_dim3A_160, %broadcast_in_dim3A_158 : vector<16xi1>, vector<16xf32>
    %add3A_175 = arith.addf %broadcast_in_dim3A_7, %select_n3A_174 : vector<16xf32>
    %eq3A_176 = arith.constant 1 : i32
    %eq3A_177 = vector.broadcast %eq3A_176 : i32 to vector<16xi32>
    %eq3A_178 = arith.cmpi eq, %select_n3A_156, %eq3A_177 : vector<16xi32>
    %select_n3A_179 = arith.select %eq3A_178, %broadcast_in_dim3A_160, %broadcast_in_dim3A_158 : vector<16xi1>, vector<16xf32>
    %add3A_180 = arith.addf %add3A_175, %select_n3A_179 : vector<16xf32>
    %eq3A_181 = arith.constant 2 : i32
    %eq3A_182 = vector.broadcast %eq3A_181 : i32 to vector<16xi32>
    %eq3A_183 = arith.cmpi eq, %select_n3A_83, %eq3A_182 : vector<16xi32>
    %select_n3A_184 = arith.select %eq3A_183, %broadcast_in_dim3A_160, %broadcast_in_dim3A_158 : vector<16xi1>, vector<16xf32>
    %add3A_185 = arith.addf %broadcast_in_dim3A_9, %select_n3A_184 : vector<16xf32>
    %eq3A_186 = arith.constant 2 : i32
    %eq3A_187 = vector.broadcast %eq3A_186 : i32 to vector<16xi32>
    %eq3A_188 = arith.cmpi eq, %select_n3A_156, %eq3A_187 : vector<16xi32>
    %select_n3A_189 = arith.select %eq3A_188, %broadcast_in_dim3A_160, %broadcast_in_dim3A_158 : vector<16xi1>, vector<16xf32>
    %add3A_190 = arith.addf %add3A_185, %select_n3A_189 : vector<16xf32>
    %eq3A_191 = arith.constant 3 : i32
    %eq3A_192 = vector.broadcast %eq3A_191 : i32 to vector<16xi32>
    %eq3A_193 = arith.cmpi eq, %select_n3A_83, %eq3A_192 : vector<16xi32>
    %select_n3A_194 = arith.select %eq3A_193, %broadcast_in_dim3A_160, %broadcast_in_dim3A_158 : vector<16xi1>, vector<16xf32>
    %add3A_195 = arith.addf %broadcast_in_dim3A_11, %select_n3A_194 : vector<16xf32>
    %eq3A_196 = arith.constant 3 : i32
    %eq3A_197 = vector.broadcast %eq3A_196 : i32 to vector<16xi32>
    %eq3A_198 = arith.cmpi eq, %select_n3A_156, %eq3A_197 : vector<16xi32>
    %select_n3A_199 = arith.select %eq3A_198, %broadcast_in_dim3A_160, %broadcast_in_dim3A_158 : vector<16xi1>, vector<16xf32>
    %add3A_200 = arith.addf %add3A_195, %select_n3A_199 : vector<16xf32>
    %eq3A_201 = arith.constant 4 : i32
    %eq3A_202 = vector.broadcast %eq3A_201 : i32 to vector<16xi32>
    %eq3A_203 = arith.cmpi eq, %select_n3A_83, %eq3A_202 : vector<16xi32>
    %select_n3A_204 = arith.select %eq3A_203, %broadcast_in_dim3A_160, %broadcast_in_dim3A_158 : vector<16xi1>, vector<16xf32>
    %add3A_205 = arith.addf %broadcast_in_dim3A_13, %select_n3A_204 : vector<16xf32>
    %eq3A_206 = arith.constant 4 : i32
    %eq3A_207 = vector.broadcast %eq3A_206 : i32 to vector<16xi32>
    %eq3A_208 = arith.cmpi eq, %select_n3A_156, %eq3A_207 : vector<16xi32>
    %select_n3A_209 = arith.select %eq3A_208, %broadcast_in_dim3A_160, %broadcast_in_dim3A_158 : vector<16xi1>, vector<16xf32>
    %add3A_210 = arith.addf %add3A_205, %select_n3A_209 : vector<16xf32>
    %eq3A_211 = arith.constant 5 : i32
    %eq3A_212 = vector.broadcast %eq3A_211 : i32 to vector<16xi32>
    %eq3A_213 = arith.cmpi eq, %select_n3A_83, %eq3A_212 : vector<16xi32>
    %select_n3A_214 = arith.select %eq3A_213, %broadcast_in_dim3A_160, %broadcast_in_dim3A_158 : vector<16xi1>, vector<16xf32>
    %add3A_215 = arith.addf %broadcast_in_dim3A_15, %select_n3A_214 : vector<16xf32>
    %eq3A_216 = arith.constant 5 : i32
    %eq3A_217 = vector.broadcast %eq3A_216 : i32 to vector<16xi32>
    %eq3A_218 = arith.cmpi eq, %select_n3A_156, %eq3A_217 : vector<16xi32>
    %select_n3A_219 = arith.select %eq3A_218, %broadcast_in_dim3A_160, %broadcast_in_dim3A_158 : vector<16xi1>, vector<16xf32>
    %add3A_220 = arith.addf %add3A_215, %select_n3A_219 : vector<16xf32>
    %eq3A_221 = arith.constant 6 : i32
    %eq3A_222 = vector.broadcast %eq3A_221 : i32 to vector<16xi32>
    %eq3A_223 = arith.cmpi eq, %select_n3A_83, %eq3A_222 : vector<16xi32>
    %select_n3A_224 = arith.select %eq3A_223, %broadcast_in_dim3A_160, %broadcast_in_dim3A_158 : vector<16xi1>, vector<16xf32>
    %add3A_225 = arith.addf %broadcast_in_dim3A_17, %select_n3A_224 : vector<16xf32>
    %eq3A_226 = arith.constant 6 : i32
    %eq3A_227 = vector.broadcast %eq3A_226 : i32 to vector<16xi32>
    %eq3A_228 = arith.cmpi eq, %select_n3A_156, %eq3A_227 : vector<16xi32>
    %select_n3A_229 = arith.select %eq3A_228, %broadcast_in_dim3A_160, %broadcast_in_dim3A_158 : vector<16xi1>, vector<16xf32>
    %add3A_230 = arith.addf %add3A_225, %select_n3A_229 : vector<16xf32>
    %eq3A_231 = arith.constant 7 : i32
    %eq3A_232 = vector.broadcast %eq3A_231 : i32 to vector<16xi32>
    %eq3A_233 = arith.cmpi eq, %select_n3A_83, %eq3A_232 : vector<16xi32>
    %select_n3A_234 = arith.select %eq3A_233, %broadcast_in_dim3A_160, %broadcast_in_dim3A_158 : vector<16xi1>, vector<16xf32>
    %add3A_235 = arith.addf %broadcast_in_dim3A_19, %select_n3A_234 : vector<16xf32>
    %eq3A_236 = arith.constant 7 : i32
    %eq3A_237 = vector.broadcast %eq3A_236 : i32 to vector<16xi32>
    %eq3A_238 = arith.cmpi eq, %select_n3A_156, %eq3A_237 : vector<16xi32>
    %select_n3A_239 = arith.select %eq3A_238, %broadcast_in_dim3A_160, %broadcast_in_dim3A_158 : vector<16xi1>, vector<16xf32>
    %add3A_240 = arith.addf %add3A_235, %select_n3A_239 : vector<16xf32>
    %swap3A = arith.constant 0 : index
    %swap3A_241 = tpu.vector_load %arg6[%swap3A] {strides = array<i32>} : memref<256xi32, #tpu.memory_space<vmem>>, vector<16xi32>,
    tpu.vector_store %arg6[%swap3A], %select_n3A_83 {strides = array<i32>} : memref<256xi32, #tpu.memory_space<vmem>>, vector<16xi32>,
    %swap3A_242 = arith.constant 0 : index
    %swap3A_243 = tpu.vector_load %arg7[%swap3A_242] {strides = array<i32>} : memref<256xi32, #tpu.memory_space<vmem>>, vector<16xi32>,
    tpu.vector_store %arg7[%swap3A_242], %select_n3A_156 {strides = array<i32>} : memref<256xi32, #tpu.memory_space<vmem>>, vector<16xi32>,
    %broadcast_in_dim3A_244 = arith.constant 16 : i32
    %broadcast_in_dim3A_245 = vector.broadcast %broadcast_in_dim3A_244 : i32 to vector<16xi32>
    %add3A_246 = arith.addi %broadcast_in_dim3A_245, %iota3A : vector<16xi32>
    %broadcast_in_dim3A_247 = arith.constant 0 : i32
    %broadcast_in_dim3A_248 = vector.broadcast %broadcast_in_dim3A_247 : i32 to vector<16xi32>
    %gather3A_249 = tpu.vector_load_idx %arg5[%add3A_246, %broadcast_in_dim3A_248] : memref<256x8xf32, #tpu.memory_space<vmem>>[vector<16xi32>, vector<16xi32>], vector<16xf32>,
    %broadcast_in_dim3A_250 = arith.constant 1 : i32
    %broadcast_in_dim3A_251 = vector.broadcast %broadcast_in_dim3A_250 : i32 to vector<16xi32>
    %gather3A_252 = tpu.vector_load_idx %arg5[%add3A_246, %broadcast_in_dim3A_251] : memref<256x8xf32, #tpu.memory_space<vmem>>[vector<16xi32>, vector<16xi32>], vector<16xf32>,
    %broadcast_in_dim3A_253 = arith.constant 2 : i32
    %broadcast_in_dim3A_254 = vector.broadcast %broadcast_in_dim3A_253 : i32 to vector<16xi32>
    %gather3A_255 = tpu.vector_load_idx %arg5[%add3A_246, %broadcast_in_dim3A_254] : memref<256x8xf32, #tpu.memory_space<vmem>>[vector<16xi32>, vector<16xi32>], vector<16xf32>,
    %broadcast_in_dim3A_256 = arith.constant 3 : i32
    %broadcast_in_dim3A_257 = vector.broadcast %broadcast_in_dim3A_256 : i32 to vector<16xi32>
    %gather3A_258 = tpu.vector_load_idx %arg5[%add3A_246, %broadcast_in_dim3A_257] : memref<256x8xf32, #tpu.memory_space<vmem>>[vector<16xi32>, vector<16xi32>], vector<16xf32>,
    %broadcast_in_dim3A_259 = arith.constant 4 : i32
    %broadcast_in_dim3A_260 = vector.broadcast %broadcast_in_dim3A_259 : i32 to vector<16xi32>
    %gather3A_261 = tpu.vector_load_idx %arg5[%add3A_246, %broadcast_in_dim3A_260] : memref<256x8xf32, #tpu.memory_space<vmem>>[vector<16xi32>, vector<16xi32>], vector<16xf32>,
    %broadcast_in_dim3A_262 = arith.constant 5 : i32
    %broadcast_in_dim3A_263 = vector.broadcast %broadcast_in_dim3A_262 : i32 to vector<16xi32>
    %gather3A_264 = tpu.vector_load_idx %arg5[%add3A_246, %broadcast_in_dim3A_263] : memref<256x8xf32, #tpu.memory_space<vmem>>[vector<16xi32>, vector<16xi32>], vector<16xf32>,
    %broadcast_in_dim3A_265 = arith.constant 6 : i32
    %broadcast_in_dim3A_266 = vector.broadcast %broadcast_in_dim3A_265 : i32 to vector<16xi32>
    %gather3A_267 = tpu.vector_load_idx %arg5[%add3A_246, %broadcast_in_dim3A_266] : memref<256x8xf32, #tpu.memory_space<vmem>>[vector<16xi32>, vector<16xi32>], vector<16xf32>,
    %broadcast_in_dim3A_268 = arith.constant 7 : i32
    %broadcast_in_dim3A_269 = vector.broadcast %broadcast_in_dim3A_268 : i32 to vector<16xi32>
    %gather3A_270 = tpu.vector_load_idx %arg5[%add3A_246, %broadcast_in_dim3A_269] : memref<256x8xf32, #tpu.memory_space<vmem>>[vector<16xi32>, vector<16xi32>], vector<16xf32>,
    %max3A_271 = arith.maximumf %gather3A_249, %gather3A_252 : vector<16xf32>
    %max3A_272 = arith.maximumf %max3A_271, %gather3A_255 : vector<16xf32>
    %max3A_273 = arith.maximumf %max3A_272, %gather3A_258 : vector<16xf32>
    %max3A_274 = arith.maximumf %max3A_273, %gather3A_261 : vector<16xf32>
    %max3A_275 = arith.maximumf %max3A_274, %gather3A_264 : vector<16xf32>
    %max3A_276 = arith.maximumf %max3A_275, %gather3A_267 : vector<16xf32>
    %max3A_277 = arith.maximumf %max3A_276, %gather3A_270 : vector<16xf32>
    %broadcast_in_dim3A_278 = arith.constant 8 : i32
    %broadcast_in_dim3A_279 = vector.broadcast %broadcast_in_dim3A_278 : i32 to vector<16xi32>
    %eq3A_280 = arith.cmpf oeq, %gather3A_270, %max3A_277 : vector<16xf32>
    %broadcast_in_dim3A_281 = arith.constant 7 : i32
    %broadcast_in_dim3A_282 = vector.broadcast %broadcast_in_dim3A_281 : i32 to vector<16xi32>
    %select_n3A_283 = arith.select %eq3A_280, %broadcast_in_dim3A_282, %broadcast_in_dim3A_279 : vector<16xi1>, vector<16xi32>
    %eq3A_284 = arith.cmpf oeq, %gather3A_267, %max3A_277 : vector<16xf32>
    %broadcast_in_dim3A_285 = arith.constant 6 : i32
    %broadcast_in_dim3A_286 = vector.broadcast %broadcast_in_dim3A_285 : i32 to vector<16xi32>
    %select_n3A_287 = arith.select %eq3A_284, %broadcast_in_dim3A_286, %select_n3A_283 : vector<16xi1>, vector<16xi32>
    %eq3A_288 = arith.cmpf oeq, %gather3A_264, %max3A_277 : vector<16xf32>
    %broadcast_in_dim3A_289 = arith.constant 5 : i32
    %broadcast_in_dim3A_290 = vector.broadcast %broadcast_in_dim3A_289 : i32 to vector<16xi32>
    %select_n3A_291 = arith.select %eq3A_288, %broadcast_in_dim3A_290, %select_n3A_287 : vector<16xi1>, vector<16xi32>
    %eq3A_292 = arith.cmpf oeq, %gather3A_261, %max3A_277 : vector<16xf32>
    %broadcast_in_dim3A_293 = arith.constant 4 : i32
    %broadcast_in_dim3A_294 = vector.broadcast %broadcast_in_dim3A_293 : i32 to vector<16xi32>
    %select_n3A_295 = arith.select %eq3A_292, %broadcast_in_dim3A_294, %select_n3A_291 : vector<16xi1>, vector<16xi32>
    %eq3A_296 = arith.cmpf oeq, %gather3A_258, %max3A_277 : vector<16xf32>
    %broadcast_in_dim3A_297 = arith.constant 3 : i32
    %broadcast_in_dim3A_298 = vector.broadcast %broadcast_in_dim3A_297 : i32 to vector<16xi32>
    %select_n3A_299 = arith.select %eq3A_296, %broadcast_in_dim3A_298, %select_n3A_295 : vector<16xi1>, vector<16xi32>
    %eq3A_300 = arith.cmpf oeq, %gather3A_255, %max3A_277 : vector<16xf32>
    %broadcast_in_dim3A_301 = arith.constant 2 : i32
    %broadcast_in_dim3A_302 = vector.broadcast %broadcast_in_dim3A_301 : i32 to vector<16xi32>
    %select_n3A_303 = arith.select %eq3A_300, %broadcast_in_dim3A_302, %select_n3A_299 : vector<16xi1>, vector<16xi32>
    %eq3A_304 = arith.cmpf oeq, %gather3A_252, %max3A_277 : vector<16xf32>
    %broadcast_in_dim3A_305 = arith.constant 1 : i32
    %broadcast_in_dim3A_306 = vector.broadcast %broadcast_in_dim3A_305 : i32 to vector<16xi32>
    %select_n3A_307 = arith.select %eq3A_304, %broadcast_in_dim3A_306, %select_n3A_303 : vector<16xi1>, vector<16xi32>
    %eq3A_308 = arith.cmpf oeq, %gather3A_249, %max3A_277 : vector<16xf32>
    %broadcast_in_dim3A_309 = arith.constant 0 : i32
    %broadcast_in_dim3A_310 = vector.broadcast %broadcast_in_dim3A_309 : i32 to vector<16xi32>
    %select_n3A_311 = arith.select %eq3A_308, %broadcast_in_dim3A_310, %select_n3A_307 : vector<16xi1>, vector<16xi32>
    %eq3A_312 = arith.constant 0 : i32
    %eq3A_313 = vector.broadcast %eq3A_312 : i32 to vector<16xi32>
    %eq3A_314 = arith.cmpi eq, %select_n3A_311, %eq3A_313 : vector<16xi32>
    %select_n3A_315 = arith.select %eq3A_314, %broadcast_in_dim3A_3, %gather3A_249 : vector<16xi1>, vector<16xf32>
    %eq3A_316 = arith.constant 1 : i32
    %eq3A_317 = vector.broadcast %eq3A_316 : i32 to vector<16xi32>
    %eq3A_318 = arith.cmpi eq, %select_n3A_311, %eq3A_317 : vector<16xi32>
    %select_n3A_319 = arith.select %eq3A_318, %broadcast_in_dim3A_3, %gather3A_252 : vector<16xi1>, vector<16xf32>
    %eq3A_320 = arith.constant 2 : i32
    %eq3A_321 = vector.broadcast %eq3A_320 : i32 to vector<16xi32>
    %eq3A_322 = arith.cmpi eq, %select_n3A_311, %eq3A_321 : vector<16xi32>
    %select_n3A_323 = arith.select %eq3A_322, %broadcast_in_dim3A_3, %gather3A_255 : vector<16xi1>, vector<16xf32>
    %eq3A_324 = arith.constant 3 : i32
    %eq3A_325 = vector.broadcast %eq3A_324 : i32 to vector<16xi32>
    %eq3A_326 = arith.cmpi eq, %select_n3A_311, %eq3A_325 : vector<16xi32>
    %select_n3A_327 = arith.select %eq3A_326, %broadcast_in_dim3A_3, %gather3A_258 : vector<16xi1>, vector<16xf32>
    %eq3A_328 = arith.constant 4 : i32
    %eq3A_329 = vector.broadcast %eq3A_328 : i32 to vector<16xi32>
    %eq3A_330 = arith.cmpi eq, %select_n3A_311, %eq3A_329 : vector<16xi32>
    %select_n3A_331 = arith.select %eq3A_330, %broadcast_in_dim3A_3, %gather3A_261 : vector<16xi1>, vector<16xf32>
    %eq3A_332 = arith.constant 5 : i32
    %eq3A_333 = vector.broadcast %eq3A_332 : i32 to vector<16xi32>
    %eq3A_334 = arith.cmpi eq, %select_n3A_311, %eq3A_333 : vector<16xi32>
    %select_n3A_335 = arith.select %eq3A_334, %broadcast_in_dim3A_3, %gather3A_264 : vector<16xi1>, vector<16xf32>
    %eq3A_336 = arith.constant 6 : i32
    %eq3A_337 = vector.broadcast %eq3A_336 : i32 to vector<16xi32>
    %eq3A_338 = arith.cmpi eq, %select_n3A_311, %eq3A_337 : vector<16xi32>
    %select_n3A_339 = arith.select %eq3A_338, %broadcast_in_dim3A_3, %gather3A_267 : vector<16xi1>, vector<16xf32>
    %eq3A_340 = arith.constant 7 : i32
    %eq3A_341 = vector.broadcast %eq3A_340 : i32 to vector<16xi32>
    %eq3A_342 = arith.cmpi eq, %select_n3A_311, %eq3A_341 : vector<16xi32>
    %select_n3A_343 = arith.select %eq3A_342, %broadcast_in_dim3A_3, %gather3A_270 : vector<16xi1>, vector<16xf32>
    %max3A_344 = arith.maximumf %select_n3A_315, %select_n3A_319 : vector<16xf32>
    %max3A_345 = arith.maximumf %max3A_344, %select_n3A_323 : vector<16xf32>
    %max3A_346 = arith.maximumf %max3A_345, %select_n3A_327 : vector<16xf32>
    %max3A_347 = arith.maximumf %max3A_346, %select_n3A_331 : vector<16xf32>
    %max3A_348 = arith.maximumf %max3A_347, %select_n3A_335 : vector<16xf32>
    %max3A_349 = arith.maximumf %max3A_348, %select_n3A_339 : vector<16xf32>
    %max3A_350 = arith.maximumf %max3A_349, %select_n3A_343 : vector<16xf32>
    %broadcast_in_dim3A_351 = arith.constant 8 : i32
    %broadcast_in_dim3A_352 = vector.broadcast %broadcast_in_dim3A_351 : i32 to vector<16xi32>
    %eq3A_353 = arith.cmpf oeq, %select_n3A_343, %max3A_350 : vector<16xf32>
    %broadcast_in_dim3A_354 = arith.constant 7 : i32
    %broadcast_in_dim3A_355 = vector.broadcast %broadcast_in_dim3A_354 : i32 to vector<16xi32>
    %select_n3A_356 = arith.select %eq3A_353, %broadcast_in_dim3A_355, %broadcast_in_dim3A_352 : vector<16xi1>, vector<16xi32>
    %eq3A_357 = arith.cmpf oeq, %select_n3A_339, %max3A_350 : vector<16xf32>
    %broadcast_in_dim3A_358 = arith.constant 6 : i32
    %broadcast_in_dim3A_359 = vector.broadcast %broadcast_in_dim3A_358 : i32 to vector<16xi32>
    %select_n3A_360 = arith.select %eq3A_357, %broadcast_in_dim3A_359, %select_n3A_356 : vector<16xi1>, vector<16xi32>
    %eq3A_361 = arith.cmpf oeq, %select_n3A_335, %max3A_350 : vector<16xf32>
    %broadcast_in_dim3A_362 = arith.constant 5 : i32
    %broadcast_in_dim3A_363 = vector.broadcast %broadcast_in_dim3A_362 : i32 to vector<16xi32>
    %select_n3A_364 = arith.select %eq3A_361, %broadcast_in_dim3A_363, %select_n3A_360 : vector<16xi1>, vector<16xi32>
    %eq3A_365 = arith.cmpf oeq, %select_n3A_331, %max3A_350 : vector<16xf32>
    %broadcast_in_dim3A_366 = arith.constant 4 : i32
    %broadcast_in_dim3A_367 = vector.broadcast %broadcast_in_dim3A_366 : i32 to vector<16xi32>
    %select_n3A_368 = arith.select %eq3A_365, %broadcast_in_dim3A_367, %select_n3A_364 : vector<16xi1>, vector<16xi32>
    %eq3A_369 = arith.cmpf oeq, %select_n3A_327, %max3A_350 : vector<16xf32>
    %broadcast_in_dim3A_370 = arith.constant 3 : i32
    %broadcast_in_dim3A_371 = vector.broadcast %broadcast_in_dim3A_370 : i32 to vector<16xi32>
    %select_n3A_372 = arith.select %eq3A_369, %broadcast_in_dim3A_371, %select_n3A_368 : vector<16xi1>, vector<16xi32>
    %eq3A_373 = arith.cmpf oeq, %select_n3A_323, %max3A_350 : vector<16xf32>
    %broadcast_in_dim3A_374 = arith.constant 2 : i32
    %broadcast_in_dim3A_375 = vector.broadcast %broadcast_in_dim3A_374 : i32 to vector<16xi32>
    %select_n3A_376 = arith.select %eq3A_373, %broadcast_in_dim3A_375, %select_n3A_372 : vector<16xi1>, vector<16xi32>
    %eq3A_377 = arith.cmpf oeq, %select_n3A_319, %max3A_350 : vector<16xf32>
    %broadcast_in_dim3A_378 = arith.constant 1 : i32
    %broadcast_in_dim3A_379 = vector.broadcast %broadcast_in_dim3A_378 : i32 to vector<16xi32>
    %select_n3A_380 = arith.select %eq3A_377, %broadcast_in_dim3A_379, %select_n3A_376 : vector<16xi1>, vector<16xi32>
    %eq3A_381 = arith.cmpf oeq, %select_n3A_315, %max3A_350 : vector<16xf32>
    %broadcast_in_dim3A_382 = arith.constant 0 : i32
    %broadcast_in_dim3A_383 = vector.broadcast %broadcast_in_dim3A_382 : i32 to vector<16xi32>
    %select_n3A_384 = arith.select %eq3A_381, %broadcast_in_dim3A_383, %select_n3A_380 : vector<16xi1>, vector<16xi32>
    %broadcast_in_dim3A_385 = arith.constant 0.000000e+00 : f32
    %broadcast_in_dim3A_386 = vector.broadcast %broadcast_in_dim3A_385 : f32 to vector<16xf32>
    %broadcast_in_dim3A_387 = arith.constant 1.000000e+00 : f32
    %broadcast_in_dim3A_388 = vector.broadcast %broadcast_in_dim3A_387 : f32 to vector<16xf32>
    %eq3A_389 = arith.constant 0 : i32
    %eq3A_390 = vector.broadcast %eq3A_389 : i32 to vector<16xi32>
    %eq3A_391 = arith.cmpi eq, %select_n3A_311, %eq3A_390 : vector<16xi32>
    %select_n3A_392 = arith.select %eq3A_391, %broadcast_in_dim3A_388, %broadcast_in_dim3A_386 : vector<16xi1>, vector<16xf32>
    %add3A_393 = arith.addf %add3A_170, %select_n3A_392 : vector<16xf32>
    %eq3A_394 = arith.constant 0 : i32
    %eq3A_395 = vector.broadcast %eq3A_394 : i32 to vector<16xi32>
    %eq3A_396 = arith.cmpi eq, %select_n3A_384, %eq3A_395 : vector<16xi32>
    %select_n3A_397 = arith.select %eq3A_396, %broadcast_in_dim3A_388, %broadcast_in_dim3A_386 : vector<16xi1>, vector<16xf32>
    %add3A_398 = arith.addf %add3A_393, %select_n3A_397 : vector<16xf32>
    %eq3A_399 = arith.constant 1 : i32
    %eq3A_400 = vector.broadcast %eq3A_399 : i32 to vector<16xi32>
    %eq3A_401 = arith.cmpi eq, %select_n3A_311, %eq3A_400 : vector<16xi32>
    %select_n3A_402 = arith.select %eq3A_401, %broadcast_in_dim3A_388, %broadcast_in_dim3A_386 : vector<16xi1>, vector<16xf32>
    %add3A_403 = arith.addf %add3A_180, %select_n3A_402 : vector<16xf32>
    %eq3A_404 = arith.constant 1 : i32
    %eq3A_405 = vector.broadcast %eq3A_404 : i32 to vector<16xi32>
    %eq3A_406 = arith.cmpi eq, %select_n3A_384, %eq3A_405 : vector<16xi32>
    %select_n3A_407 = arith.select %eq3A_406, %broadcast_in_dim3A_388, %broadcast_in_dim3A_386 : vector<16xi1>, vector<16xf32>
    %add3A_408 = arith.addf %add3A_403, %select_n3A_407 : vector<16xf32>
    %eq3A_409 = arith.constant 2 : i32
    %eq3A_410 = vector.broadcast %eq3A_409 : i32 to vector<16xi32>
    %eq3A_411 = arith.cmpi eq, %select_n3A_311, %eq3A_410 : vector<16xi32>
    %select_n3A_412 = arith.select %eq3A_411, %broadcast_in_dim3A_388, %broadcast_in_dim3A_386 : vector<16xi1>, vector<16xf32>
    %add3A_413 = arith.addf %add3A_190, %select_n3A_412 : vector<16xf32>
    %eq3A_414 = arith.constant 2 : i32
    %eq3A_415 = vector.broadcast %eq3A_414 : i32 to vector<16xi32>
    %eq3A_416 = arith.cmpi eq, %select_n3A_384, %eq3A_415 : vector<16xi32>
    %select_n3A_417 = arith.select %eq3A_416, %broadcast_in_dim3A_388, %broadcast_in_dim3A_386 : vector<16xi1>, vector<16xf32>
    %add3A_418 = arith.addf %add3A_413, %select_n3A_417 : vector<16xf32>
    %eq3A_419 = arith.constant 3 : i32
    %eq3A_420 = vector.broadcast %eq3A_419 : i32 to vector<16xi32>
    %eq3A_421 = arith.cmpi eq, %select_n3A_311, %eq3A_420 : vector<16xi32>
    %select_n3A_422 = arith.select %eq3A_421, %broadcast_in_dim3A_388, %broadcast_in_dim3A_386 : vector<16xi1>, vector<16xf32>
    %add3A_423 = arith.addf %add3A_200, %select_n3A_422 : vector<16xf32>
    %eq3A_424 = arith.constant 3 : i32
    %eq3A_425 = vector.broadcast %eq3A_424 : i32 to vector<16xi32>
    %eq3A_426 = arith.cmpi eq, %select_n3A_384, %eq3A_425 : vector<16xi32>
    %select_n3A_427 = arith.select %eq3A_426, %broadcast_in_dim3A_388, %broadcast_in_dim3A_386 : vector<16xi1>, vector<16xf32>
    %add3A_428 = arith.addf %add3A_423, %select_n3A_427 : vector<16xf32>
    %eq3A_429 = arith.constant 4 : i32
    %eq3A_430 = vector.broadcast %eq3A_429 : i32 to vector<16xi32>
    %eq3A_431 = arith.cmpi eq, %select_n3A_311, %eq3A_430 : vector<16xi32>
    %select_n3A_432 = arith.select %eq3A_431, %broadcast_in_dim3A_388, %broadcast_in_dim3A_386 : vector<16xi1>, vector<16xf32>
    %add3A_433 = arith.addf %add3A_210, %select_n3A_432 : vector<16xf32>
    %eq3A_434 = arith.constant 4 : i32
    %eq3A_435 = vector.broadcast %eq3A_434 : i32 to vector<16xi32>
    %eq3A_436 = arith.cmpi eq, %select_n3A_384, %eq3A_435 : vector<16xi32>
    %select_n3A_437 = arith.select %eq3A_436, %broadcast_in_dim3A_388, %broadcast_in_dim3A_386 : vector<16xi1>, vector<16xf32>
    %add3A_438 = arith.addf %add3A_433, %select_n3A_437 : vector<16xf32>
    %eq3A_439 = arith.constant 5 : i32
    %eq3A_440 = vector.broadcast %eq3A_439 : i32 to vector<16xi32>
    %eq3A_441 = arith.cmpi eq, %select_n3A_311, %eq3A_440 : vector<16xi32>
    %select_n3A_442 = arith.select %eq3A_441, %broadcast_in_dim3A_388, %broadcast_in_dim3A_386 : vector<16xi1>, vector<16xf32>
    %add3A_443 = arith.addf %add3A_220, %select_n3A_442 : vector<16xf32>
    %eq3A_444 = arith.constant 5 : i32
    %eq3A_445 = vector.broadcast %eq3A_444 : i32 to vector<16xi32>
    %eq3A_446 = arith.cmpi eq, %select_n3A_384, %eq3A_445 : vector<16xi32>
    %select_n3A_447 = arith.select %eq3A_446, %broadcast_in_dim3A_388, %broadcast_in_dim3A_386 : vector<16xi1>, vector<16xf32>
    %add3A_448 = arith.addf %add3A_443, %select_n3A_447 : vector<16xf32>
    %eq3A_449 = arith.constant 6 : i32
    %eq3A_450 = vector.broadcast %eq3A_449 : i32 to vector<16xi32>
    %eq3A_451 = arith.cmpi eq, %select_n3A_311, %eq3A_450 : vector<16xi32>
    %select_n3A_452 = arith.select %eq3A_451, %broadcast_in_dim3A_388, %broadcast_in_dim3A_386 : vector<16xi1>, vector<16xf32>
    %add3A_453 = arith.addf %add3A_230, %select_n3A_452 : vector<16xf32>
    %eq3A_454 = arith.constant 6 : i32
    %eq3A_455 = vector.broadcast %eq3A_454 : i32 to vector<16xi32>
    %eq3A_456 = arith.cmpi eq, %select_n3A_384, %eq3A_455 : vector<16xi32>
    %select_n3A_457 = arith.select %eq3A_456, %broadcast_in_dim3A_388, %broadcast_in_dim3A_386 : vector<16xi1>, vector<16xf32>
    %add3A_458 = arith.addf %add3A_453, %select_n3A_457 : vector<16xf32>
    %eq3A_459 = arith.constant 7 : i32
    %eq3A_460 = vector.broadcast %eq3A_459 : i32 to vector<16xi32>
    %eq3A_461 = arith.cmpi eq, %select_n3A_311, %eq3A_460 : vector<16xi32>
    %select_n3A_462 = arith.select %eq3A_461, %broadcast_in_dim3A_388, %broadcast_in_dim3A_386 : vector<16xi1>, vector<16xf32>
    %add3A_463 = arith.addf %add3A_240, %select_n3A_462 : vector<16xf32>
    %eq3A_464 = arith.constant 7 : i32
    %eq3A_465 = vector.broadcast %eq3A_464 : i32 to vector<16xi32>
    %eq3A_466 = arith.cmpi eq, %select_n3A_384, %eq3A_465 : vector<16xi32>
    %select_n3A_467 = arith.select %eq3A_466, %broadcast_in_dim3A_388, %broadcast_in_dim3A_386 : vector<16xi1>, vector<16xf32>
    %add3A_468 = arith.addf %add3A_463, %select_n3A_467 : vector<16xf32>
    %swap3A_469 = arith.constant 16 : index
    %swap3A_470 = tpu.vector_load %arg6[%swap3A_469] {strides = array<i32>} : memref<256xi32, #tpu.memory_space<vmem>>, vector<16xi32>,
    tpu.vector_store %arg6[%swap3A_469], %select_n3A_311 {strides = array<i32>} : memref<256xi32, #tpu.memory_space<vmem>>, vector<16xi32>,
    %swap3A_471 = arith.constant 16 : index
    %swap3A_472 = tpu.vector_load %arg7[%swap3A_471] {strides = array<i32>} : memref<256xi32, #tpu.memory_space<vmem>>, vector<16xi32>,
    tpu.vector_store %arg7[%swap3A_471], %select_n3A_384 {strides = array<i32>} : memref<256xi32, #tpu.memory_space<vmem>>, vector<16xi32>,
    %broadcast_in_dim3A_473 = arith.constant 32 : i32
    %broadcast_in_dim3A_474 = vector.broadcast %broadcast_in_dim3A_473 : i32 to vector<16xi32>
    %add3A_475 = arith.addi %broadcast_in_dim3A_474, %iota3A : vector<16xi32>
    %broadcast_in_dim3A_476 = arith.constant 0 : i32
    %broadcast_in_dim3A_477 = vector.broadcast %broadcast_in_dim3A_476 : i32 to vector<16xi32>
    %gather3A_478 = tpu.vector_load_idx %arg5[%add3A_475, %broadcast_in_dim3A_477] : memref<256x8xf32, #tpu.memory_space<vmem>>[vector<16xi32>, vector<16xi32>], vector<16xf32>,
    %broadcast_in_dim3A_479 = arith.constant 1 : i32
    %broadcast_in_dim3A_480 = vector.broadcast %broadcast_in_dim3A_479 : i32 to vector<16xi32>
    %gather3A_481 = tpu.vector_load_idx %arg5[%add3A_475, %broadcast_in_dim3A_480] : memref<256x8xf32, #tpu.memory_space<vmem>>[vector<16xi32>, vector<16xi32>], vector<16xf32>,
    %broadcast_in_dim3A_482 = arith.constant 2 : i32
    %broadcast_in_dim3A_483 = vector.broadcast %broadcast_in_dim3A_482 : i32 to vector<16xi32>
    %gather3A_484 = tpu.vector_load_idx %arg5[%add3A_475, %broadcast_in_dim3A_483] : memref<256x8xf32, #tpu.memory_space<vmem>>[vector<16xi32>, vector<16xi32>], vector<16xf32>,
    %broadcast_in_dim3A_485 = arith.constant 3 : i32
    %broadcast_in_dim3A_486 = vector.broadcast %broadcast_in_dim3A_485 : i32 to vector<16xi32>
    %gather3A_487 = tpu.vector_load_idx %arg5[%add3A_475, %broadcast_in_dim3A_486] : memref<256x8xf32, #tpu.memory_space<vmem>>[vector<16xi32>, vector<16xi32>], vector<16xf32>,
    %broadcast_in_dim3A_488 = arith.constant 4 : i32
    %broadcast_in_dim3A_489 = vector.broadcast %broadcast_in_dim3A_488 : i32 to vector<16xi32>
    %gather3A_490 = tpu.vector_load_idx %arg5[%add3A_475, %broadcast_in_dim3A_489] : memref<256x8xf32, #tpu.memory_space<vmem>>[vector<16xi32>, vector<16xi32>], vector<16xf32>,
    %broadcast_in_dim3A_491 = arith.constant 5 : i32
    %broadcast_in_dim3A_492 = vector.broadcast %broadcast_in_dim3A_491 : i32 to vector<16xi32>
    %gather3A_493 = tpu.vector_load_idx %arg5[%add3A_475, %broadcast_in_dim3A_492] : memref<256x8xf32, #tpu.memory_space<vmem>>[vector<16xi32>, vector<16xi32>], vector<16xf32>,
    %broadcast_in_dim3A_494 = arith.constant 6 : i32
    %broadcast_in_dim3A_495 = vector.broadcast %broadcast_in_dim3A_494 : i32 to vector<16xi32>
    %gather3A_496 = tpu.vector_load_idx %arg5[%add3A_475, %broadcast_in_dim3A_495] : memref<256x8xf32, #tpu.memory_space<vmem>>[vector<16xi32>, vector<16xi32>], vector<16xf32>,
    %broadcast_in_dim3A_497 = arith.constant 7 : i32
    %broadcast_in_dim3A_498 = vector.broadcast %broadcast_in_dim3A_497 : i32 to vector<16xi32>
    %gather3A_499 = tpu.vector_load_idx %arg5[%add3A_475, %broadcast_in_dim3A_498] : memref<256x8xf32, #tpu.memory_space<vmem>>[vector<16xi32>, vector<16xi32>], vector<16xf32>,
    %max3A_500 = arith.maximumf %gather3A_478, %gather3A_481 : vector<16xf32>
    %max3A_501 = arith.maximumf %max3A_500, %gather3A_484 : vector<16xf32>
    %max3A_502 = arith.maximumf %max3A_501, %gather3A_487 : vector<16xf32>
    %max3A_503 = arith.maximumf %max3A_502, %gather3A_490 : vector<16xf32>
    %max3A_504 = arith.maximumf %max3A_503, %gather3A_493 : vector<16xf32>
    %max3A_505 = arith.maximumf %max3A_504, %gather3A_496 : vector<16xf32>
    %max3A_506 = arith.maximumf %max3A_505, %gather3A_499 : vector<16xf32>
    %broadcast_in_dim3A_507 = arith.constant 8 : i32
    %broadcast_in_dim3A_508 = vector.broadcast %broadcast_in_dim3A_507 : i32 to vector<16xi32>
    %eq3A_509 = arith.cmpf oeq, %gather3A_499, %max3A_506 : vector<16xf32>
    %broadcast_in_dim3A_510 = arith.constant 7 : i32
    %broadcast_in_dim3A_511 = vector.broadcast %broadcast_in_dim3A_510 : i32 to vector<16xi32>
    %select_n3A_512 = arith.select %eq3A_509, %broadcast_in_dim3A_511, %broadcast_in_dim3A_508 : vector<16xi1>, vector<16xi32>
    %eq3A_513 = arith.cmpf oeq, %gather3A_496, %max3A_506 : vector<16xf32>
    %broadcast_in_dim3A_514 = arith.constant 6 : i32
    %broadcast_in_dim3A_515 = vector.broadcast %broadcast_in_dim3A_514 : i32 to vector<16xi32>
    %select_n3A_516 = arith.select %eq3A_513, %broadcast_in_dim3A_515, %select_n3A_512 : vector<16xi1>, vector<16xi32>
    %eq3A_517 = arith.cmpf oeq, %gather3A_493, %max3A_506 : vector<16xf32>
    %broadcast_in_dim3A_518 = arith.constant 5 : i32
    %broadcast_in_dim3A_519 = vector.broadcast %broadcast_in_dim3A_518 : i32 to vector<16xi32>
    %select_n3A_520 = arith.select %eq3A_517, %broadcast_in_dim3A_519, %select_n3A_516 : vector<16xi1>, vector<16xi32>
    %eq3A_521 = arith.cmpf oeq, %gather3A_490, %max3A_506 : vector<16xf32>
    %broadcast_in_dim3A_522 = arith.constant 4 : i32
    %broadcast_in_dim3A_523 = vector.broadcast %broadcast_in_dim3A_522 : i32 to vector<16xi32>
    %select_n3A_524 = arith.select %eq3A_521, %broadcast_in_dim3A_523, %select_n3A_520 : vector<16xi1>, vector<16xi32>
    %eq3A_525 = arith.cmpf oeq, %gather3A_487, %max3A_506 : vector<16xf32>
    %broadcast_in_dim3A_526 = arith.constant 3 : i32
    %broadcast_in_dim3A_527 = vector.broadcast %broadcast_in_dim3A_526 : i32 to vector<16xi32>
    %select_n3A_528 = arith.select %eq3A_525, %broadcast_in_dim3A_527, %select_n3A_524 : vector<16xi1>, vector<16xi32>
    %eq3A_529 = arith.cmpf oeq, %gather3A_484, %max3A_506 : vector<16xf32>
    %broadcast_in_dim3A_530 = arith.constant 2 : i32
    %broadcast_in_dim3A_531 = vector.broadcast %broadcast_in_dim3A_530 : i32 to vector<16xi32>
    %select_n3A_532 = arith.select %eq3A_529, %broadcast_in_dim3A_531, %select_n3A_528 : vector<16xi1>, vector<16xi32>
    %eq3A_533 = arith.cmpf oeq, %gather3A_481, %max3A_506 : vector<16xf32>
    %broadcast_in_dim3A_534 = arith.constant 1 : i32
    %broadcast_in_dim3A_535 = vector.broadcast %broadcast_in_dim3A_534 : i32 to vector<16xi32>
    %select_n3A_536 = arith.select %eq3A_533, %broadcast_in_dim3A_535, %select_n3A_532 : vector<16xi1>, vector<16xi32>
    %eq3A_537 = arith.cmpf oeq, %gather3A_478, %max3A_506 : vector<16xf32>
    %broadcast_in_dim3A_538 = arith.constant 0 : i32
    %broadcast_in_dim3A_539 = vector.broadcast %broadcast_in_dim3A_538 : i32 to vector<16xi32>
    %select_n3A_540 = arith.select %eq3A_537, %broadcast_in_dim3A_539, %select_n3A_536 : vector<16xi1>, vector<16xi32>
    %eq3A_541 = arith.constant 0 : i32
    %eq3A_542 = vector.broadcast %eq3A_541 : i32 to vector<16xi32>
    %eq3A_543 = arith.cmpi eq, %select_n3A_540, %eq3A_542 : vector<16xi32>
    %select_n3A_544 = arith.select %eq3A_543, %broadcast_in_dim3A_3, %gather3A_478 : vector<16xi1>, vector<16xf32>
    %eq3A_545 = arith.constant 1 : i32
    %eq3A_546 = vector.broadcast %eq3A_545 : i32 to vector<16xi32>
    %eq3A_547 = arith.cmpi eq, %select_n3A_540, %eq3A_546 : vector<16xi32>
    %select_n3A_548 = arith.select %eq3A_547, %broadcast_in_dim3A_3, %gather3A_481 : vector<16xi1>, vector<16xf32>
    %eq3A_549 = arith.constant 2 : i32
    %eq3A_550 = vector.broadcast %eq3A_549 : i32 to vector<16xi32>
    %eq3A_551 = arith.cmpi eq, %select_n3A_540, %eq3A_550 : vector<16xi32>
    %select_n3A_552 = arith.select %eq3A_551, %broadcast_in_dim3A_3, %gather3A_484 : vector<16xi1>, vector<16xf32>
    %eq3A_553 = arith.constant 3 : i32
    %eq3A_554 = vector.broadcast %eq3A_553 : i32 to vector<16xi32>
    %eq3A_555 = arith.cmpi eq, %select_n3A_540, %eq3A_554 : vector<16xi32>
    %select_n3A_556 = arith.select %eq3A_555, %broadcast_in_dim3A_3, %gather3A_487 : vector<16xi1>, vector<16xf32>
    %eq3A_557 = arith.constant 4 : i32
    %eq3A_558 = vector.broadcast %eq3A_557 : i32 to vector<16xi32>
    %eq3A_559 = arith.cmpi eq, %select_n3A_540, %eq3A_558 : vector<16xi32>
    %select_n3A_560 = arith.select %eq3A_559, %broadcast_in_dim3A_3, %gather3A_490 : vector<16xi1>, vector<16xf32>
    %eq3A_561 = arith.constant 5 : i32
    %eq3A_562 = vector.broadcast %eq3A_561 : i32 to vector<16xi32>
    %eq3A_563 = arith.cmpi eq, %select_n3A_540, %eq3A_562 : vector<16xi32>
    %select_n3A_564 = arith.select %eq3A_563, %broadcast_in_dim3A_3, %gather3A_493 : vector<16xi1>, vector<16xf32>
    %eq3A_565 = arith.constant 6 : i32
    %eq3A_566 = vector.broadcast %eq3A_565 : i32 to vector<16xi32>
    %eq3A_567 = arith.cmpi eq, %select_n3A_540, %eq3A_566 : vector<16xi32>
    %select_n3A_568 = arith.select %eq3A_567, %broadcast_in_dim3A_3, %gather3A_496 : vector<16xi1>, vector<16xf32>
    %eq3A_569 = arith.constant 7 : i32
    %eq3A_570 = vector.broadcast %eq3A_569 : i32 to vector<16xi32>
    %eq3A_571 = arith.cmpi eq, %select_n3A_540, %eq3A_570 : vector<16xi32>
    %select_n3A_572 = arith.select %eq3A_571, %broadcast_in_dim3A_3, %gather3A_499 : vector<16xi1>, vector<16xf32>
    %max3A_573 = arith.maximumf %select_n3A_544, %select_n3A_548 : vector<16xf32>
    %max3A_574 = arith.maximumf %max3A_573, %select_n3A_552 : vector<16xf32>
    %max3A_575 = arith.maximumf %max3A_574, %select_n3A_556 : vector<16xf32>
    %max3A_576 = arith.maximumf %max3A_575, %select_n3A_560 : vector<16xf32>
    %max3A_577 = arith.maximumf %max3A_576, %select_n3A_564 : vector<16xf32>
    %max3A_578 = arith.maximumf %max3A_577, %select_n3A_568 : vector<16xf32>
    %max3A_579 = arith.maximumf %max3A_578, %select_n3A_572 : vector<16xf32>
    %broadcast_in_dim3A_580 = arith.constant 8 : i32
    %broadcast_in_dim3A_581 = vector.broadcast %broadcast_in_dim3A_580 : i32 to vector<16xi32>
    %eq3A_582 = arith.cmpf oeq, %select_n3A_572, %max3A_579 : vector<16xf32>
    %broadcast_in_dim3A_583 = arith.constant 7 : i32
    %broadcast_in_dim3A_584 = vector.broadcast %broadcast_in_dim3A_583 : i32 to vector<16xi32>
    %select_n3A_585 = arith.select %eq3A_582, %broadcast_in_dim3A_584, %broadcast_in_dim3A_581 : vector<16xi1>, vector<16xi32>
    %eq3A_586 = arith.cmpf oeq, %select_n3A_568, %max3A_579 : vector<16xf32>
    %broadcast_in_dim3A_587 = arith.constant 6 : i32
    %broadcast_in_dim3A_588 = vector.broadcast %broadcast_in_dim3A_587 : i32 to vector<16xi32>
    %select_n3A_589 = arith.select %eq3A_586, %broadcast_in_dim3A_588, %select_n3A_585 : vector<16xi1>, vector<16xi32>
    %eq3A_590 = arith.cmpf oeq, %select_n3A_564, %max3A_579 : vector<16xf32>
    %broadcast_in_dim3A_591 = arith.constant 5 : i32
    %broadcast_in_dim3A_592 = vector.broadcast %broadcast_in_dim3A_591 : i32 to vector<16xi32>
    %select_n3A_593 = arith.select %eq3A_590, %broadcast_in_dim3A_592, %select_n3A_589 : vector<16xi1>, vector<16xi32>
    %eq3A_594 = arith.cmpf oeq, %select_n3A_560, %max3A_579 : vector<16xf32>
    %broadcast_in_dim3A_595 = arith.constant 4 : i32
    %broadcast_in_dim3A_596 = vector.broadcast %broadcast_in_dim3A_595 : i32 to vector<16xi32>
    %select_n3A_597 = arith.select %eq3A_594, %broadcast_in_dim3A_596, %select_n3A_593 : vector<16xi1>, vector<16xi32>
    %eq3A_598 = arith.cmpf oeq, %select_n3A_556, %max3A_579 : vector<16xf32>
    %broadcast_in_dim3A_599 = arith.constant 3 : i32
    %broadcast_in_dim3A_600 = vector.broadcast %broadcast_in_dim3A_599 : i32 to vector<16xi32>
    %select_n3A_601 = arith.select %eq3A_598, %broadcast_in_dim3A_600, %select_n3A_597 : vector<16xi1>, vector<16xi32>
    %eq3A_602 = arith.cmpf oeq, %select_n3A_552, %max3A_579 : vector<16xf32>
    %broadcast_in_dim3A_603 = arith.constant 2 : i32
    %broadcast_in_dim3A_604 = vector.broadcast %broadcast_in_dim3A_603 : i32 to vector<16xi32>
    %select_n3A_605 = arith.select %eq3A_602, %broadcast_in_dim3A_604, %select_n3A_601 : vector<16xi1>, vector<16xi32>
    %eq3A_606 = arith.cmpf oeq, %select_n3A_548, %max3A_579 : vector<16xf32>
    %broadcast_in_dim3A_607 = arith.constant 1 : i32
    %broadcast_in_dim3A_608 = vector.broadcast %broadcast_in_dim3A_607 : i32 to vector<16xi32>
    %select_n3A_609 = arith.select %eq3A_606, %broadcast_in_dim3A_608, %select_n3A_605 : vector<16xi1>, vector<16xi32>
    %eq3A_610 = arith.cmpf oeq, %select_n3A_544, %max3A_579 : vector<16xf32>
    %broadcast_in_dim3A_611 = arith.constant 0 : i32
    %broadcast_in_dim3A_612 = vector.broadcast %broadcast_in_dim3A_611 : i32 to vector<16xi32>
    %select_n3A_613 = arith.select %eq3A_610, %broadcast_in_dim3A_612, %select_n3A_609 : vector<16xi1>, vector<16xi32>
    %broadcast_in_dim3A_614 = arith.constant 0.000000e+00 : f32
    %broadcast_in_dim3A_615 = vector.broadcast %broadcast_in_dim3A_614 : f32 to vector<16xf32>
    %broadcast_in_dim3A_616 = arith.constant 1.000000e+00 : f32
    %broadcast_in_dim3A_617 = vector.broadcast %broadcast_in_dim3A_616 : f32 to vector<16xf32>
    %eq3A_618 = arith.constant 0 : i32
    %eq3A_619 = vector.broadcast %eq3A_618 : i32 to vector<16xi32>
    %eq3A_620 = arith.cmpi eq, %select_n3A_540, %eq3A_619 : vector<16xi32>
    %select_n3A_621 = arith.select %eq3A_620, %broadcast_in_dim3A_617, %broadcast_in_dim3A_615 : vector<16xi1>, vector<16xf32>
    %add3A_622 = arith.addf %add3A_398, %select_n3A_621 : vector<16xf32>
    %eq3A_623 = arith.constant 0 : i32
    %eq3A_624 = vector.broadcast %eq3A_623 : i32 to vector<16xi32>
    %eq3A_625 = arith.cmpi eq, %select_n3A_613, %eq3A_624 : vector<16xi32>
    %select_n3A_626 = arith.select %eq3A_625, %broadcast_in_dim3A_617, %broadcast_in_dim3A_615 : vector<16xi1>, vector<16xf32>
    %add3A_627 = arith.addf %add3A_622, %select_n3A_626 : vector<16xf32>
    %eq3A_628 = arith.constant 1 : i32
    %eq3A_629 = vector.broadcast %eq3A_628 : i32 to vector<16xi32>
    %eq3A_630 = arith.cmpi eq, %select_n3A_540, %eq3A_629 : vector<16xi32>
    %select_n3A_631 = arith.select %eq3A_630, %broadcast_in_dim3A_617, %broadcast_in_dim3A_615 : vector<16xi1>, vector<16xf32>
    %add3A_632 = arith.addf %add3A_408, %select_n3A_631 : vector<16xf32>
    %eq3A_633 = arith.constant 1 : i32
    %eq3A_634 = vector.broadcast %eq3A_633 : i32 to vector<16xi32>
    %eq3A_635 = arith.cmpi eq, %select_n3A_613, %eq3A_634 : vector<16xi32>
    %select_n3A_636 = arith.select %eq3A_635, %broadcast_in_dim3A_617, %broadcast_in_dim3A_615 : vector<16xi1>, vector<16xf32>
    %add3A_637 = arith.addf %add3A_632, %select_n3A_636 : vector<16xf32>
    %eq3A_638 = arith.constant 2 : i32
    %eq3A_639 = vector.broadcast %eq3A_638 : i32 to vector<16xi32>
    %eq3A_640 = arith.cmpi eq, %select_n3A_540, %eq3A_639 : vector<16xi32>
    %select_n3A_641 = arith.select %eq3A_640, %broadcast_in_dim3A_617, %broadcast_in_dim3A_615 : vector<16xi1>, vector<16xf32>
    %add3A_642 = arith.addf %add3A_418, %select_n3A_641 : vector<16xf32>
    %eq3A_643 = arith.constant 2 : i32
    %eq3A_644 = vector.broadcast %eq3A_643 : i32 to vector<16xi32>
    %eq3A_645 = arith.cmpi eq, %select_n3A_613, %eq3A_644 : vector<16xi32>
    %select_n3A_646 = arith.select %eq3A_645, %broadcast_in_dim3A_617, %broadcast_in_dim3A_615 : vector<16xi1>, vector<16xf32>
    %add3A_647 = arith.addf %add3A_642, %select_n3A_646 : vector<16xf32>
    %eq3A_648 = arith.constant 3 : i32
    %eq3A_649 = vector.broadcast %eq3A_648 : i32 to vector<16xi32>
    %eq3A_650 = arith.cmpi eq, %select_n3A_540, %eq3A_649 : vector<16xi32>
    %select_n3A_651 = arith.select %eq3A_650, %broadcast_in_dim3A_617, %broadcast_in_dim3A_615 : vector<16xi1>, vector<16xf32>
    %add3A_652 = arith.addf %add3A_428, %select_n3A_651 : vector<16xf32>
    %eq3A_653 = arith.constant 3 : i32
    %eq3A_654 = vector.broadcast %eq3A_653 : i32 to vector<16xi32>
    %eq3A_655 = arith.cmpi eq, %select_n3A_613, %eq3A_654 : vector<16xi32>
    %select_n3A_656 = arith.select %eq3A_655, %broadcast_in_dim3A_617, %broadcast_in_dim3A_615 : vector<16xi1>, vector<16xf32>
    %add3A_657 = arith.addf %add3A_652, %select_n3A_656 : vector<16xf32>
    %eq3A_658 = arith.constant 4 : i32
    %eq3A_659 = vector.broadcast %eq3A_658 : i32 to vector<16xi32>
    %eq3A_660 = arith.cmpi eq, %select_n3A_540, %eq3A_659 : vector<16xi32>
    %select_n3A_661 = arith.select %eq3A_660, %broadcast_in_dim3A_617, %broadcast_in_dim3A_615 : vector<16xi1>, vector<16xf32>
    %add3A_662 = arith.addf %add3A_438, %select_n3A_661 : vector<16xf32>
    %eq3A_663 = arith.constant 4 : i32
    %eq3A_664 = vector.broadcast %eq3A_663 : i32 to vector<16xi32>
    %eq3A_665 = arith.cmpi eq, %select_n3A_613, %eq3A_664 : vector<16xi32>
    %select_n3A_666 = arith.select %eq3A_665, %broadcast_in_dim3A_617, %broadcast_in_dim3A_615 : vector<16xi1>, vector<16xf32>
    %add3A_667 = arith.addf %add3A_662, %select_n3A_666 : vector<16xf32>
    %eq3A_668 = arith.constant 5 : i32
    %eq3A_669 = vector.broadcast %eq3A_668 : i32 to vector<16xi32>
    %eq3A_670 = arith.cmpi eq, %select_n3A_540, %eq3A_669 : vector<16xi32>
    %select_n3A_671 = arith.select %eq3A_670, %broadcast_in_dim3A_617, %broadcast_in_dim3A_615 : vector<16xi1>, vector<16xf32>
    %add3A_672 = arith.addf %add3A_448, %select_n3A_671 : vector<16xf32>
    %eq3A_673 = arith.constant 5 : i32
    %eq3A_674 = vector.broadcast %eq3A_673 : i32 to vector<16xi32>
    %eq3A_675 = arith.cmpi eq, %select_n3A_613, %eq3A_674 : vector<16xi32>
    %select_n3A_676 = arith.select %eq3A_675, %broadcast_in_dim3A_617, %broadcast_in_dim3A_615 : vector<16xi1>, vector<16xf32>
    %add3A_677 = arith.addf %add3A_672, %select_n3A_676 : vector<16xf32>
    %eq3A_678 = arith.constant 6 : i32
    %eq3A_679 = vector.broadcast %eq3A_678 : i32 to vector<16xi32>
    %eq3A_680 = arith.cmpi eq, %select_n3A_540, %eq3A_679 : vector<16xi32>
    %select_n3A_681 = arith.select %eq3A_680, %broadcast_in_dim3A_617, %broadcast_in_dim3A_615 : vector<16xi1>, vector<16xf32>
    %add3A_682 = arith.addf %add3A_458, %select_n3A_681 : vector<16xf32>
    %eq3A_683 = arith.constant 6 : i32
    %eq3A_684 = vector.broadcast %eq3A_683 : i32 to vector<16xi32>
    %eq3A_685 = arith.cmpi eq, %select_n3A_613, %eq3A_684 : vector<16xi32>
    %select_n3A_686 = arith.select %eq3A_685, %broadcast_in_dim3A_617, %broadcast_in_dim3A_615 : vector<16xi1>, vector<16xf32>
    %add3A_687 = arith.addf %add3A_682, %select_n3A_686 : vector<16xf32>
    %eq3A_688 = arith.constant 7 : i32
    %eq3A_689 = vector.broadcast %eq3A_688 : i32 to vector<16xi32>
    %eq3A_690 = arith.cmpi eq, %select_n3A_540, %eq3A_689 : vector<16xi32>
    %select_n3A_691 = arith.select %eq3A_690, %broadcast_in_dim3A_617, %broadcast_in_dim3A_615 : vector<16xi1>, vector<16xf32>
    %add3A_692 = arith.addf %add3A_468, %select_n3A_691 : vector<16xf32>
    %eq3A_693 = arith.constant 7 : i32
    %eq3A_694 = vector.broadcast %eq3A_693 : i32 to vector<16xi32>
    %eq3A_695 = arith.cmpi eq, %select_n3A_613, %eq3A_694 : vector<16xi32>
    %select_n3A_696 = arith.select %eq3A_695, %broadcast_in_dim3A_617, %broadcast_in_dim3A_615 : vector<16xi1>, vector<16xf32>
    %add3A_697 = arith.addf %add3A_692, %select_n3A_696 : vector<16xf32>
    %swap3A_698 = arith.constant 32 : index
    %swap3A_699 = tpu.vector_load %arg6[%swap3A_698] {strides = array<i32>} : memref<256xi32, #tpu.memory_space<vmem>>, vector<16xi32>,
    tpu.vector_store %arg6[%swap3A_698], %select_n3A_540 {strides = array<i32>} : memref<256xi32, #tpu.memory_space<vmem>>, vector<16xi32>,
    %swap3A_700 = arith.constant 32 : index
    %swap3A_701 = tpu.vector_load %arg7[%swap3A_700] {strides = array<i32>} : memref<256xi32, #tpu.memory_space<vmem>>, vector<16xi32>,
    tpu.vector_store %arg7[%swap3A_700], %select_n3A_613 {strides = array<i32>} : memref<256xi32, #tpu.memory_space<vmem>>, vector<16xi32>,
    %broadcast_in_dim3A_702 = arith.constant 48 : i32
    %broadcast_in_dim3A_703 = vector.broadcast %broadcast_in_dim3A_702 : i32 to vector<16xi32>
    %add3A_704 = arith.addi %broadcast_in_dim3A_703, %iota3A : vector<16xi32>
    %broadcast_in_dim3A_705 = arith.constant 0 : i32
    %broadcast_in_dim3A_706 = vector.broadcast %broadcast_in_dim3A_705 : i32 to vector<16xi32>
    %gather3A_707 = tpu.vector_load_idx %arg5[%add3A_704, %broadcast_in_dim3A_706] : memref<256x8xf32, #tpu.memory_space<vmem>>[vector<16xi32>, vector<16xi32>], vector<16xf32>,
    %broadcast_in_dim3A_708 = arith.constant 1 : i32
    %broadcast_in_dim3A_709 = vector.broadcast %broadcast_in_dim3A_708 : i32 to vector<16xi32>
    %gather3A_710 = tpu.vector_load_idx %arg5[%add3A_704, %broadcast_in_dim3A_709] : memref<256x8xf32, #tpu.memory_space<vmem>>[vector<16xi32>, vector<16xi32>], vector<16xf32>,
    %broadcast_in_dim3A_711 = arith.constant 2 : i32
    %broadcast_in_dim3A_712 = vector.broadcast %broadcast_in_dim3A_711 : i32 to vector<16xi32>
    %gather3A_713 = tpu.vector_load_idx %arg5[%add3A_704, %broadcast_in_dim3A_712] : memref<256x8xf32, #tpu.memory_space<vmem>>[vector<16xi32>, vector<16xi32>], vector<16xf32>,
    %broadcast_in_dim3A_714 = arith.constant 3 : i32
    %broadcast_in_dim3A_715 = vector.broadcast %broadcast_in_dim3A_714 : i32 to vector<16xi32>
    %gather3A_716 = tpu.vector_load_idx %arg5[%add3A_704, %broadcast_in_dim3A_715] : memref<256x8xf32, #tpu.memory_space<vmem>>[vector<16xi32>, vector<16xi32>], vector<16xf32>,
    %broadcast_in_dim3A_717 = arith.constant 4 : i32
    %broadcast_in_dim3A_718 = vector.broadcast %broadcast_in_dim3A_717 : i32 to vector<16xi32>
    %gather3A_719 = tpu.vector_load_idx %arg5[%add3A_704, %broadcast_in_dim3A_718] : memref<256x8xf32, #tpu.memory_space<vmem>>[vector<16xi32>, vector<16xi32>], vector<16xf32>,
    %broadcast_in_dim3A_720 = arith.constant 5 : i32
    %broadcast_in_dim3A_721 = vector.broadcast %broadcast_in_dim3A_720 : i32 to vector<16xi32>
    %gather3A_722 = tpu.vector_load_idx %arg5[%add3A_704, %broadcast_in_dim3A_721] : memref<256x8xf32, #tpu.memory_space<vmem>>[vector<16xi32>, vector<16xi32>], vector<16xf32>,
    %broadcast_in_dim3A_723 = arith.constant 6 : i32
    %broadcast_in_dim3A_724 = vector.broadcast %broadcast_in_dim3A_723 : i32 to vector<16xi32>
    %gather3A_725 = tpu.vector_load_idx %arg5[%add3A_704, %broadcast_in_dim3A_724] : memref<256x8xf32, #tpu.memory_space<vmem>>[vector<16xi32>, vector<16xi32>], vector<16xf32>,
    %broadcast_in_dim3A_726 = arith.constant 7 : i32
    %broadcast_in_dim3A_727 = vector.broadcast %broadcast_in_dim3A_726 : i32 to vector<16xi32>
    %gather3A_728 = tpu.vector_load_idx %arg5[%add3A_704, %broadcast_in_dim3A_727] : memref<256x8xf32, #tpu.memory_space<vmem>>[vector<16xi32>, vector<16xi32>], vector<16xf32>,
    %max3A_729 = arith.maximumf %gather3A_707, %gather3A_710 : vector<16xf32>
    %max3A_730 = arith.maximumf %max3A_729, %gather3A_713 : vector<16xf32>
    %max3A_731 = arith.maximumf %max3A_730, %gather3A_716 : vector<16xf32>
    %max3A_732 = arith.maximumf %max3A_731, %gather3A_719 : vector<16xf32>
    %max3A_733 = arith.maximumf %max3A_732, %gather3A_722 : vector<16xf32>
    %max3A_734 = arith.maximumf %max3A_733, %gather3A_725 : vector<16xf32>
    %max3A_735 = arith.maximumf %max3A_734, %gather3A_728 : vector<16xf32>
    %broadcast_in_dim3A_736 = arith.constant 8 : i32
    %broadcast_in_dim3A_737 = vector.broadcast %broadcast_in_dim3A_736 : i32 to vector<16xi32>
    %eq3A_738 = arith.cmpf oeq, %gather3A_728, %max3A_735 : vector<16xf32>
    %broadcast_in_dim3A_739 = arith.constant 7 : i32
    %broadcast_in_dim3A_740 = vector.broadcast %broadcast_in_dim3A_739 : i32 to vector<16xi32>
    %select_n3A_741 = arith.select %eq3A_738, %broadcast_in_dim3A_740, %broadcast_in_dim3A_737 : vector<16xi1>, vector<16xi32>
    %eq3A_742 = arith.cmpf oeq, %gather3A_725, %max3A_735 : vector<16xf32>
    %broadcast_in_dim3A_743 = arith.constant 6 : i32
    %broadcast_in_dim3A_744 = vector.broadcast %broadcast_in_dim3A_743 : i32 to vector<16xi32>
    %select_n3A_745 = arith.select %eq3A_742, %broadcast_in_dim3A_744, %select_n3A_741 : vector<16xi1>, vector<16xi32>
    %eq3A_746 = arith.cmpf oeq, %gather3A_722, %max3A_735 : vector<16xf32>
    %broadcast_in_dim3A_747 = arith.constant 5 : i32
    %broadcast_in_dim3A_748 = vector.broadcast %broadcast_in_dim3A_747 : i32 to vector<16xi32>
    %select_n3A_749 = arith.select %eq3A_746, %broadcast_in_dim3A_748, %select_n3A_745 : vector<16xi1>, vector<16xi32>
    %eq3A_750 = arith.cmpf oeq, %gather3A_719, %max3A_735 : vector<16xf32>
    %broadcast_in_dim3A_751 = arith.constant 4 : i32
    %broadcast_in_dim3A_752 = vector.broadcast %broadcast_in_dim3A_751 : i32 to vector<16xi32>
    %select_n3A_753 = arith.select %eq3A_750, %broadcast_in_dim3A_752, %select_n3A_749 : vector<16xi1>, vector<16xi32>
    %eq3A_754 = arith.cmpf oeq, %gather3A_716, %max3A_735 : vector<16xf32>
    %broadcast_in_dim3A_755 = arith.constant 3 : i32
    %broadcast_in_dim3A_756 = vector.broadcast %broadcast_in_dim3A_755 : i32 to vector<16xi32>
    %select_n3A_757 = arith.select %eq3A_754, %broadcast_in_dim3A_756, %select_n3A_753 : vector<16xi1>, vector<16xi32>
    %eq3A_758 = arith.cmpf oeq, %gather3A_713, %max3A_735 : vector<16xf32>
    %broadcast_in_dim3A_759 = arith.constant 2 : i32
    %broadcast_in_dim3A_760 = vector.broadcast %broadcast_in_dim3A_759 : i32 to vector<16xi32>
    %select_n3A_761 = arith.select %eq3A_758, %broadcast_in_dim3A_760, %select_n3A_757 : vector<16xi1>, vector<16xi32>
    %eq3A_762 = arith.cmpf oeq, %gather3A_710, %max3A_735 : vector<16xf32>
    %broadcast_in_dim3A_763 = arith.constant 1 : i32
    %broadcast_in_dim3A_764 = vector.broadcast %broadcast_in_dim3A_763 : i32 to vector<16xi32>
    %select_n3A_765 = arith.select %eq3A_762, %broadcast_in_dim3A_764, %select_n3A_761 : vector<16xi1>, vector<16xi32>
    %eq3A_766 = arith.cmpf oeq, %gather3A_707, %max3A_735 : vector<16xf32>
    %broadcast_in_dim3A_767 = arith.constant 0 : i32
    %broadcast_in_dim3A_768 = vector.broadcast %broadcast_in_dim3A_767 : i32 to vector<16xi32>
    %select_n3A_769 = arith.select %eq3A_766, %broadcast_in_dim3A_768, %select_n3A_765 : vector<16xi1>, vector<16xi32>
    %eq3A_770 = arith.constant 0 : i32
    %eq3A_771 = vector.broadcast %eq3A_770 : i32 to vector<16xi32>
    %eq3A_772 = arith.cmpi eq, %select_n3A_769, %eq3A_771 : vector<16xi32>
    %select_n3A_773 = arith.select %eq3A_772, %broadcast_in_dim3A_3, %gather3A_707 : vector<16xi1>, vector<16xf32>
    %eq3A_774 = arith.constant 1 : i32
    %eq3A_775 = vector.broadcast %eq3A_774 : i32 to vector<16xi32>
    %eq3A_776 = arith.cmpi eq, %select_n3A_769, %eq3A_775 : vector<16xi32>
    %select_n3A_777 = arith.select %eq3A_776, %broadcast_in_dim3A_3, %gather3A_710 : vector<16xi1>, vector<16xf32>
    %eq3A_778 = arith.constant 2 : i32
    %eq3A_779 = vector.broadcast %eq3A_778 : i32 to vector<16xi32>
    %eq3A_780 = arith.cmpi eq, %select_n3A_769, %eq3A_779 : vector<16xi32>
    %select_n3A_781 = arith.select %eq3A_780, %broadcast_in_dim3A_3, %gather3A_713 : vector<16xi1>, vector<16xf32>
    %eq3A_782 = arith.constant 3 : i32
    %eq3A_783 = vector.broadcast %eq3A_782 : i32 to vector<16xi32>
    %eq3A_784 = arith.cmpi eq, %select_n3A_769, %eq3A_783 : vector<16xi32>
    %select_n3A_785 = arith.select %eq3A_784, %broadcast_in_dim3A_3, %gather3A_716 : vector<16xi1>, vector<16xf32>
    %eq3A_786 = arith.constant 4 : i32
    %eq3A_787 = vector.broadcast %eq3A_786 : i32 to vector<16xi32>
    %eq3A_788 = arith.cmpi eq, %select_n3A_769, %eq3A_787 : vector<16xi32>
    %select_n3A_789 = arith.select %eq3A_788, %broadcast_in_dim3A_3, %gather3A_719 : vector<16xi1>, vector<16xf32>
    %eq3A_790 = arith.constant 5 : i32
    %eq3A_791 = vector.broadcast %eq3A_790 : i32 to vector<16xi32>
    %eq3A_792 = arith.cmpi eq, %select_n3A_769, %eq3A_791 : vector<16xi32>
    %select_n3A_793 = arith.select %eq3A_792, %broadcast_in_dim3A_3, %gather3A_722 : vector<16xi1>, vector<16xf32>
    %eq3A_794 = arith.constant 6 : i32
    %eq3A_795 = vector.broadcast %eq3A_794 : i32 to vector<16xi32>
    %eq3A_796 = arith.cmpi eq, %select_n3A_769, %eq3A_795 : vector<16xi32>
    %select_n3A_797 = arith.select %eq3A_796, %broadcast_in_dim3A_3, %gather3A_725 : vector<16xi1>, vector<16xf32>
    %eq3A_798 = arith.constant 7 : i32
    %eq3A_799 = vector.broadcast %eq3A_798 : i32 to vector<16xi32>
    %eq3A_800 = arith.cmpi eq, %select_n3A_769, %eq3A_799 : vector<16xi32>
    %select_n3A_801 = arith.select %eq3A_800, %broadcast_in_dim3A_3, %gather3A_728 : vector<16xi1>, vector<16xf32>
    %max3A_802 = arith.maximumf %select_n3A_773, %select_n3A_777 : vector<16xf32>
    %max3A_803 = arith.maximumf %max3A_802, %select_n3A_781 : vector<16xf32>
    %max3A_804 = arith.maximumf %max3A_803, %select_n3A_785 : vector<16xf32>
    %max3A_805 = arith.maximumf %max3A_804, %select_n3A_789 : vector<16xf32>
    %max3A_806 = arith.maximumf %max3A_805, %select_n3A_793 : vector<16xf32>
    %max3A_807 = arith.maximumf %max3A_806, %select_n3A_797 : vector<16xf32>
    %max3A_808 = arith.maximumf %max3A_807, %select_n3A_801 : vector<16xf32>
    %broadcast_in_dim3A_809 = arith.constant 8 : i32
    %broadcast_in_dim3A_810 = vector.broadcast %broadcast_in_dim3A_809 : i32 to vector<16xi32>
    %eq3A_811 = arith.cmpf oeq, %select_n3A_801, %max3A_808 : vector<16xf32>
    %broadcast_in_dim3A_812 = arith.constant 7 : i32
    %broadcast_in_dim3A_813 = vector.broadcast %broadcast_in_dim3A_812 : i32 to vector<16xi32>
    %select_n3A_814 = arith.select %eq3A_811, %broadcast_in_dim3A_813, %broadcast_in_dim3A_810 : vector<16xi1>, vector<16xi32>
    %eq3A_815 = arith.cmpf oeq, %select_n3A_797, %max3A_808 : vector<16xf32>
    %broadcast_in_dim3A_816 = arith.constant 6 : i32
    %broadcast_in_dim3A_817 = vector.broadcast %broadcast_in_dim3A_816 : i32 to vector<16xi32>
    %select_n3A_818 = arith.select %eq3A_815, %broadcast_in_dim3A_817, %select_n3A_814 : vector<16xi1>, vector<16xi32>
    %eq3A_819 = arith.cmpf oeq, %select_n3A_793, %max3A_808 : vector<16xf32>
    %broadcast_in_dim3A_820 = arith.constant 5 : i32
    %broadcast_in_dim3A_821 = vector.broadcast %broadcast_in_dim3A_820 : i32 to vector<16xi32>
    %select_n3A_822 = arith.select %eq3A_819, %broadcast_in_dim3A_821, %select_n3A_818 : vector<16xi1>, vector<16xi32>
    %eq3A_823 = arith.cmpf oeq, %select_n3A_789, %max3A_808 : vector<16xf32>
    %broadcast_in_dim3A_824 = arith.constant 4 : i32
    %broadcast_in_dim3A_825 = vector.broadcast %broadcast_in_dim3A_824 : i32 to vector<16xi32>
    %select_n3A_826 = arith.select %eq3A_823, %broadcast_in_dim3A_825, %select_n3A_822 : vector<16xi1>, vector<16xi32>
    %eq3A_827 = arith.cmpf oeq, %select_n3A_785, %max3A_808 : vector<16xf32>
    %broadcast_in_dim3A_828 = arith.constant 3 : i32
    %broadcast_in_dim3A_829 = vector.broadcast %broadcast_in_dim3A_828 : i32 to vector<16xi32>
    %select_n3A_830 = arith.select %eq3A_827, %broadcast_in_dim3A_829, %select_n3A_826 : vector<16xi1>, vector<16xi32>
    %eq3A_831 = arith.cmpf oeq, %select_n3A_781, %max3A_808 : vector<16xf32>
    %broadcast_in_dim3A_832 = arith.constant 2 : i32
    %broadcast_in_dim3A_833 = vector.broadcast %broadcast_in_dim3A_832 : i32 to vector<16xi32>
    %select_n3A_834 = arith.select %eq3A_831, %broadcast_in_dim3A_833, %select_n3A_830 : vector<16xi1>, vector<16xi32>
    %eq3A_835 = arith.cmpf oeq, %select_n3A_777, %max3A_808 : vector<16xf32>
    %broadcast_in_dim3A_836 = arith.constant 1 : i32
    %broadcast_in_dim3A_837 = vector.broadcast %broadcast_in_dim3A_836 : i32 to vector<16xi32>
    %select_n3A_838 = arith.select %eq3A_835, %broadcast_in_dim3A_837, %select_n3A_834 : vector<16xi1>, vector<16xi32>
    %eq3A_839 = arith.cmpf oeq, %select_n3A_773, %max3A_808 : vector<16xf32>
    %broadcast_in_dim3A_840 = arith.constant 0 : i32
    %broadcast_in_dim3A_841 = vector.broadcast %broadcast_in_dim3A_840 : i32 to vector<16xi32>
    %select_n3A_842 = arith.select %eq3A_839, %broadcast_in_dim3A_841, %select_n3A_838 : vector<16xi1>, vector<16xi32>
    %broadcast_in_dim3A_843 = arith.constant 0.000000e+00 : f32
    %broadcast_in_dim3A_844 = vector.broadcast %broadcast_in_dim3A_843 : f32 to vector<16xf32>
    %broadcast_in_dim3A_845 = arith.constant 1.000000e+00 : f32
    %broadcast_in_dim3A_846 = vector.broadcast %broadcast_in_dim3A_845 : f32 to vector<16xf32>
    %eq3A_847 = arith.constant 0 : i32
    %eq3A_848 = vector.broadcast %eq3A_847 : i32 to vector<16xi32>
    %eq3A_849 = arith.cmpi eq, %select_n3A_769, %eq3A_848 : vector<16xi32>
    %select_n3A_850 = arith.select %eq3A_849, %broadcast_in_dim3A_846, %broadcast_in_dim3A_844 : vector<16xi1>, vector<16xf32>
    %add3A_851 = arith.addf %add3A_627, %select_n3A_850 : vector<16xf32>
    %eq3A_852 = arith.constant 0 : i32
    %eq3A_853 = vector.broadcast %eq3A_852 : i32 to vector<16xi32>
    %eq3A_854 = arith.cmpi eq, %select_n3A_842, %eq3A_853 : vector<16xi32>
    %select_n3A_855 = arith.select %eq3A_854, %broadcast_in_dim3A_846, %broadcast_in_dim3A_844 : vector<16xi1>, vector<16xf32>
    %add3A_856 = arith.addf %add3A_851, %select_n3A_855 : vector<16xf32>
    %eq3A_857 = arith.constant 1 : i32
    %eq3A_858 = vector.broadcast %eq3A_857 : i32 to vector<16xi32>
    %eq3A_859 = arith.cmpi eq, %select_n3A_769, %eq3A_858 : vector<16xi32>
    %select_n3A_860 = arith.select %eq3A_859, %broadcast_in_dim3A_846, %broadcast_in_dim3A_844 : vector<16xi1>, vector<16xf32>
    %add3A_861 = arith.addf %add3A_637, %select_n3A_860 : vector<16xf32>
    %eq3A_862 = arith.constant 1 : i32
    %eq3A_863 = vector.broadcast %eq3A_862 : i32 to vector<16xi32>
    %eq3A_864 = arith.cmpi eq, %select_n3A_842, %eq3A_863 : vector<16xi32>
    %select_n3A_865 = arith.select %eq3A_864, %broadcast_in_dim3A_846, %broadcast_in_dim3A_844 : vector<16xi1>, vector<16xf32>
    %add3A_866 = arith.addf %add3A_861, %select_n3A_865 : vector<16xf32>
    %eq3A_867 = arith.constant 2 : i32
    %eq3A_868 = vector.broadcast %eq3A_867 : i32 to vector<16xi32>
    %eq3A_869 = arith.cmpi eq, %select_n3A_769, %eq3A_868 : vector<16xi32>
    %select_n3A_870 = arith.select %eq3A_869, %broadcast_in_dim3A_846, %broadcast_in_dim3A_844 : vector<16xi1>, vector<16xf32>
    %add3A_871 = arith.addf %add3A_647, %select_n3A_870 : vector<16xf32>
    %eq3A_872 = arith.constant 2 : i32
    %eq3A_873 = vector.broadcast %eq3A_872 : i32 to vector<16xi32>
    %eq3A_874 = arith.cmpi eq, %select_n3A_842, %eq3A_873 : vector<16xi32>
    %select_n3A_875 = arith.select %eq3A_874, %broadcast_in_dim3A_846, %broadcast_in_dim3A_844 : vector<16xi1>, vector<16xf32>
    %add3A_876 = arith.addf %add3A_871, %select_n3A_875 : vector<16xf32>
    %eq3A_877 = arith.constant 3 : i32
    %eq3A_878 = vector.broadcast %eq3A_877 : i32 to vector<16xi32>
    %eq3A_879 = arith.cmpi eq, %select_n3A_769, %eq3A_878 : vector<16xi32>
    %select_n3A_880 = arith.select %eq3A_879, %broadcast_in_dim3A_846, %broadcast_in_dim3A_844 : vector<16xi1>, vector<16xf32>
    %add3A_881 = arith.addf %add3A_657, %select_n3A_880 : vector<16xf32>
    %eq3A_882 = arith.constant 3 : i32
    %eq3A_883 = vector.broadcast %eq3A_882 : i32 to vector<16xi32>
    %eq3A_884 = arith.cmpi eq, %select_n3A_842, %eq3A_883 : vector<16xi32>
    %select_n3A_885 = arith.select %eq3A_884, %broadcast_in_dim3A_846, %broadcast_in_dim3A_844 : vector<16xi1>, vector<16xf32>
    %add3A_886 = arith.addf %add3A_881, %select_n3A_885 : vector<16xf32>
    %eq3A_887 = arith.constant 4 : i32
    %eq3A_888 = vector.broadcast %eq3A_887 : i32 to vector<16xi32>
    %eq3A_889 = arith.cmpi eq, %select_n3A_769, %eq3A_888 : vector<16xi32>
    %select_n3A_890 = arith.select %eq3A_889, %broadcast_in_dim3A_846, %broadcast_in_dim3A_844 : vector<16xi1>, vector<16xf32>
    %add3A_891 = arith.addf %add3A_667, %select_n3A_890 : vector<16xf32>
    %eq3A_892 = arith.constant 4 : i32
    %eq3A_893 = vector.broadcast %eq3A_892 : i32 to vector<16xi32>
    %eq3A_894 = arith.cmpi eq, %select_n3A_842, %eq3A_893 : vector<16xi32>
    %select_n3A_895 = arith.select %eq3A_894, %broadcast_in_dim3A_846, %broadcast_in_dim3A_844 : vector<16xi1>, vector<16xf32>
    %add3A_896 = arith.addf %add3A_891, %select_n3A_895 : vector<16xf32>
    %eq3A_897 = arith.constant 5 : i32
    %eq3A_898 = vector.broadcast %eq3A_897 : i32 to vector<16xi32>
    %eq3A_899 = arith.cmpi eq, %select_n3A_769, %eq3A_898 : vector<16xi32>
    %select_n3A_900 = arith.select %eq3A_899, %broadcast_in_dim3A_846, %broadcast_in_dim3A_844 : vector<16xi1>, vector<16xf32>
    %add3A_901 = arith.addf %add3A_677, %select_n3A_900 : vector<16xf32>
    %eq3A_902 = arith.constant 5 : i32
    %eq3A_903 = vector.broadcast %eq3A_902 : i32 to vector<16xi32>
    %eq3A_904 = arith.cmpi eq, %select_n3A_842, %eq3A_903 : vector<16xi32>
    %select_n3A_905 = arith.select %eq3A_904, %broadcast_in_dim3A_846, %broadcast_in_dim3A_844 : vector<16xi1>, vector<16xf32>
    %add3A_906 = arith.addf %add3A_901, %select_n3A_905 : vector<16xf32>
    %eq3A_907 = arith.constant 6 : i32
    %eq3A_908 = vector.broadcast %eq3A_907 : i32 to vector<16xi32>
    %eq3A_909 = arith.cmpi eq, %select_n3A_769, %eq3A_908 : vector<16xi32>
    %select_n3A_910 = arith.select %eq3A_909, %broadcast_in_dim3A_846, %broadcast_in_dim3A_844 : vector<16xi1>, vector<16xf32>
    %add3A_911 = arith.addf %add3A_687, %select_n3A_910 : vector<16xf32>
    %eq3A_912 = arith.constant 6 : i32
    %eq3A_913 = vector.broadcast %eq3A_912 : i32 to vector<16xi32>
    %eq3A_914 = arith.cmpi eq, %select_n3A_842, %eq3A_913 : vector<16xi32>
    %select_n3A_915 = arith.select %eq3A_914, %broadcast_in_dim3A_846, %broadcast_in_dim3A_844 : vector<16xi1>, vector<16xf32>
    %add3A_916 = arith.addf %add3A_911, %select_n3A_915 : vector<16xf32>
    %eq3A_917 = arith.constant 7 : i32
    %eq3A_918 = vector.broadcast %eq3A_917 : i32 to vector<16xi32>
    %eq3A_919 = arith.cmpi eq, %select_n3A_769, %eq3A_918 : vector<16xi32>
    %select_n3A_920 = arith.select %eq3A_919, %broadcast_in_dim3A_846, %broadcast_in_dim3A_844 : vector<16xi1>, vector<16xf32>
    %add3A_921 = arith.addf %add3A_697, %select_n3A_920 : vector<16xf32>
    %eq3A_922 = arith.constant 7 : i32
    %eq3A_923 = vector.broadcast %eq3A_922 : i32 to vector<16xi32>
    %eq3A_924 = arith.cmpi eq, %select_n3A_842, %eq3A_923 : vector<16xi32>
    %select_n3A_925 = arith.select %eq3A_924, %broadcast_in_dim3A_846, %broadcast_in_dim3A_844 : vector<16xi1>, vector<16xf32>
    %add3A_926 = arith.addf %add3A_921, %select_n3A_925 : vector<16xf32>
    %swap3A_927 = arith.constant 48 : index
    %swap3A_928 = tpu.vector_load %arg6[%swap3A_927] {strides = array<i32>} : memref<256xi32, #tpu.memory_space<vmem>>, vector<16xi32>,
    tpu.vector_store %arg6[%swap3A_927], %select_n3A_769 {strides = array<i32>} : memref<256xi32, #tpu.memory_space<vmem>>, vector<16xi32>,
    %swap3A_929 = arith.constant 48 : index
    %swap3A_930 = tpu.vector_load %arg7[%swap3A_929] {strides = array<i32>} : memref<256xi32, #tpu.memory_space<vmem>>, vector<16xi32>,
    tpu.vector_store %arg7[%swap3A_929], %select_n3A_842 {strides = array<i32>} : memref<256xi32, #tpu.memory_space<vmem>>, vector<16xi32>,
    %broadcast_in_dim3A_931 = arith.constant 64 : i32
    %broadcast_in_dim3A_932 = vector.broadcast %broadcast_in_dim3A_931 : i32 to vector<16xi32>
    %add3A_933 = arith.addi %broadcast_in_dim3A_932, %iota3A : vector<16xi32>
    %broadcast_in_dim3A_934 = arith.constant 0 : i32
    %broadcast_in_dim3A_935 = vector.broadcast %broadcast_in_dim3A_934 : i32 to vector<16xi32>
    %gather3A_936 = tpu.vector_load_idx %arg5[%add3A_933, %broadcast_in_dim3A_935] : memref<256x8xf32, #tpu.memory_space<vmem>>[vector<16xi32>, vector<16xi32>], vector<16xf32>,
    %broadcast_in_dim3A_937 = arith.constant 1 : i32
    %broadcast_in_dim3A_938 = vector.broadcast %broadcast_in_dim3A_937 : i32 to vector<16xi32>
    %gather3A_939 = tpu.vector_load_idx %arg5[%add3A_933, %broadcast_in_dim3A_938] : memref<256x8xf32, #tpu.memory_space<vmem>>[vector<16xi32>, vector<16xi32>], vector<16xf32>,
    %broadcast_in_dim3A_940 = arith.constant 2 : i32
    %broadcast_in_dim3A_941 = vector.broadcast %broadcast_in_dim3A_940 : i32 to vector<16xi32>
    %gather3A_942 = tpu.vector_load_idx %arg5[%add3A_933, %broadcast_in_dim3A_941] : memref<256x8xf32, #tpu.memory_space<vmem>>[vector<16xi32>, vector<16xi32>], vector<16xf32>,
    %broadcast_in_dim3A_943 = arith.constant 3 : i32
    %broadcast_in_dim3A_944 = vector.broadcast %broadcast_in_dim3A_943 : i32 to vector<16xi32>
    %gather3A_945 = tpu.vector_load_idx %arg5[%add3A_933, %broadcast_in_dim3A_944] : memref<256x8xf32, #tpu.memory_space<vmem>>[vector<16xi32>, vector<16xi32>], vector<16xf32>,
    %broadcast_in_dim3A_946 = arith.constant 4 : i32
    %broadcast_in_dim3A_947 = vector.broadcast %broadcast_in_dim3A_946 : i32 to vector<16xi32>
    %gather3A_948 = tpu.vector_load_idx %arg5[%add3A_933, %broadcast_in_dim3A_947] : memref<256x8xf32, #tpu.memory_space<vmem>>[vector<16xi32>, vector<16xi32>], vector<16xf32>,
    %broadcast_in_dim3A_949 = arith.constant 5 : i32
    %broadcast_in_dim3A_950 = vector.broadcast %broadcast_in_dim3A_949 : i32 to vector<16xi32>
    %gather3A_951 = tpu.vector_load_idx %arg5[%add3A_933, %broadcast_in_dim3A_950] : memref<256x8xf32, #tpu.memory_space<vmem>>[vector<16xi32>, vector<16xi32>], vector<16xf32>,
    %broadcast_in_dim3A_952 = arith.constant 6 : i32
    %broadcast_in_dim3A_953 = vector.broadcast %broadcast_in_dim3A_952 : i32 to vector<16xi32>
    %gather3A_954 = tpu.vector_load_idx %arg5[%add3A_933, %broadcast_in_dim3A_953] : memref<256x8xf32, #tpu.memory_space<vmem>>[vector<16xi32>, vector<16xi32>], vector<16xf32>,
    %broadcast_in_dim3A_955 = arith.constant 7 : i32
    %broadcast_in_dim3A_956 = vector.broadcast %broadcast_in_dim3A_955 : i32 to vector<16xi32>
    %gather3A_957 = tpu.vector_load_idx %arg5[%add3A_933, %broadcast_in_dim3A_956] : memref<256x8xf32, #tpu.memory_space<vmem>>[vector<16xi32>, vector<16xi32>], vector<16xf32>,
    %max3A_958 = arith.maximumf %gather3A_936, %gather3A_939 : vector<16xf32>
    %max3A_959 = arith.maximumf %max3A_958, %gather3A_942 : vector<16xf32>
    %max3A_960 = arith.maximumf %max3A_959, %gather3A_945 : vector<16xf32>
    %max3A_961 = arith.maximumf %max3A_960, %gather3A_948 : vector<16xf32>
    %max3A_962 = arith.maximumf %max3A_961, %gather3A_951 : vector<16xf32>
    %max3A_963 = arith.maximumf %max3A_962, %gather3A_954 : vector<16xf32>
    %max3A_964 = arith.maximumf %max3A_963, %gather3A_957 : vector<16xf32>
    %broadcast_in_dim3A_965 = arith.constant 8 : i32
    %broadcast_in_dim3A_966 = vector.broadcast %broadcast_in_dim3A_965 : i32 to vector<16xi32>
    %eq3A_967 = arith.cmpf oeq, %gather3A_957, %max3A_964 : vector<16xf32>
    %broadcast_in_dim3A_968 = arith.constant 7 : i32
    %broadcast_in_dim3A_969 = vector.broadcast %broadcast_in_dim3A_968 : i32 to vector<16xi32>
    %select_n3A_970 = arith.select %eq3A_967, %broadcast_in_dim3A_969, %broadcast_in_dim3A_966 : vector<16xi1>, vector<16xi32>
    %eq3A_971 = arith.cmpf oeq, %gather3A_954, %max3A_964 : vector<16xf32>
    %broadcast_in_dim3A_972 = arith.constant 6 : i32
    %broadcast_in_dim3A_973 = vector.broadcast %broadcast_in_dim3A_972 : i32 to vector<16xi32>
    %select_n3A_974 = arith.select %eq3A_971, %broadcast_in_dim3A_973, %select_n3A_970 : vector<16xi1>, vector<16xi32>
    %eq3A_975 = arith.cmpf oeq, %gather3A_951, %max3A_964 : vector<16xf32>
    %broadcast_in_dim3A_976 = arith.constant 5 : i32
    %broadcast_in_dim3A_977 = vector.broadcast %broadcast_in_dim3A_976 : i32 to vector<16xi32>
    %select_n3A_978 = arith.select %eq3A_975, %broadcast_in_dim3A_977, %select_n3A_974 : vector<16xi1>, vector<16xi32>
    %eq3A_979 = arith.cmpf oeq, %gather3A_948, %max3A_964 : vector<16xf32>
    %broadcast_in_dim3A_980 = arith.constant 4 : i32
    %broadcast_in_dim3A_981 = vector.broadcast %broadcast_in_dim3A_980 : i32 to vector<16xi32>
    %select_n3A_982 = arith.select %eq3A_979, %broadcast_in_dim3A_981, %select_n3A_978 : vector<16xi1>, vector<16xi32>
    %eq3A_983 = arith.cmpf oeq, %gather3A_945, %max3A_964 : vector<16xf32>
    %broadcast_in_dim3A_984 = arith.constant 3 : i32
    %broadcast_in_dim3A_985 = vector.broadcast %broadcast_in_dim3A_984 : i32 to vector<16xi32>
    %select_n3A_986 = arith.select %eq3A_983, %broadcast_in_dim3A_985, %select_n3A_982 : vector<16xi1>, vector<16xi32>
    %eq3A_987 = arith.cmpf oeq, %gather3A_942, %max3A_964 : vector<16xf32>
    %broadcast_in_dim3A_988 = arith.constant 2 : i32
    %broadcast_in_dim3A_989 = vector.broadcast %broadcast_in_dim3A_988 : i32 to vector<16xi32>
    %select_n3A_990 = arith.select %eq3A_987, %broadcast_in_dim3A_989, %select_n3A_986 : vector<16xi1>, vector<16xi32>
    %eq3A_991 = arith.cmpf oeq, %gather3A_939, %max3A_964 : vector<16xf32>
    %broadcast_in_dim3A_992 = arith.constant 1 : i32
    %broadcast_in_dim3A_993 = vector.broadcast %broadcast_in_dim3A_992 : i32 to vector<16xi32>
    %select_n3A_994 = arith.select %eq3A_991, %broadcast_in_dim3A_993, %select_n3A_990 : vector<16xi1>, vector<16xi32>
    %eq3A_995 = arith.cmpf oeq, %gather3A_936, %max3A_964 : vector<16xf32>
    %broadcast_in_dim3A_996 = arith.constant 0 : i32
    %broadcast_in_dim3A_997 = vector.broadcast %broadcast_in_dim3A_996 : i32 to vector<16xi32>
    %select_n3A_998 = arith.select %eq3A_995, %broadcast_in_dim3A_997, %select_n3A_994 : vector<16xi1>, vector<16xi32>
    %eq3A_999 = arith.constant 0 : i32
    %eq3A_1000 = vector.broadcast %eq3A_999 : i32 to vector<16xi32>
    %eq3A_1001 = arith.cmpi eq, %select_n3A_998, %eq3A_1000 : vector<16xi32>
    %select_n3A_1002 = arith.select %eq3A_1001, %broadcast_in_dim3A_3, %gather3A_936 : vector<16xi1>, vector<16xf32>
    %eq3A_1003 = arith.constant 1 : i32
    %eq3A_1004 = vector.broadcast %eq3A_1003 : i32 to vector<16xi32>
    %eq3A_1005 = arith.cmpi eq, %select_n3A_998, %eq3A_1004 : vector<16xi32>
    %select_n3A_1006 = arith.select %eq3A_1005, %broadcast_in_dim3A_3, %gather3A_939 : vector<16xi1>, vector<16xf32>
    %eq3A_1007 = arith.constant 2 : i32
    %eq3A_1008 = vector.broadcast %eq3A_1007 : i32 to vector<16xi32>
    %eq3A_1009 = arith.cmpi eq, %select_n3A_998, %eq3A_1008 : vector<16xi32>
    %select_n3A_1010 = arith.select %eq3A_1009, %broadcast_in_dim3A_3, %gather3A_942 : vector<16xi1>, vector<16xf32>
    %eq3A_1011 = arith.constant 3 : i32
    %eq3A_1012 = vector.broadcast %eq3A_1011 : i32 to vector<16xi32>
    %eq3A_1013 = arith.cmpi eq, %select_n3A_998, %eq3A_1012 : vector<16xi32>
    %select_n3A_1014 = arith.select %eq3A_1013, %broadcast_in_dim3A_3, %gather3A_945 : vector<16xi1>, vector<16xf32>
    %eq3A_1015 = arith.constant 4 : i32
    %eq3A_1016 = vector.broadcast %eq3A_1015 : i32 to vector<16xi32>
    %eq3A_1017 = arith.cmpi eq, %select_n3A_998, %eq3A_1016 : vector<16xi32>
    %select_n3A_1018 = arith.select %eq3A_1017, %broadcast_in_dim3A_3, %gather3A_948 : vector<16xi1>, vector<16xf32>
    %eq3A_1019 = arith.constant 5 : i32
    %eq3A_1020 = vector.broadcast %eq3A_1019 : i32 to vector<16xi32>
    %eq3A_1021 = arith.cmpi eq, %select_n3A_998, %eq3A_1020 : vector<16xi32>
    %select_n3A_1022 = arith.select %eq3A_1021, %broadcast_in_dim3A_3, %gather3A_951 : vector<16xi1>, vector<16xf32>
    %eq3A_1023 = arith.constant 6 : i32
    %eq3A_1024 = vector.broadcast %eq3A_1023 : i32 to vector<16xi32>
    %eq3A_1025 = arith.cmpi eq, %select_n3A_998, %eq3A_1024 : vector<16xi32>
    %select_n3A_1026 = arith.select %eq3A_1025, %broadcast_in_dim3A_3, %gather3A_954 : vector<16xi1>, vector<16xf32>
    %eq3A_1027 = arith.constant 7 : i32
    %eq3A_1028 = vector.broadcast %eq3A_1027 : i32 to vector<16xi32>
    %eq3A_1029 = arith.cmpi eq, %select_n3A_998, %eq3A_1028 : vector<16xi32>
    %select_n3A_1030 = arith.select %eq3A_1029, %broadcast_in_dim3A_3, %gather3A_957 : vector<16xi1>, vector<16xf32>
    %max3A_1031 = arith.maximumf %select_n3A_1002, %select_n3A_1006 : vector<16xf32>
    %max3A_1032 = arith.maximumf %max3A_1031, %select_n3A_1010 : vector<16xf32>
    %max3A_1033 = arith.maximumf %max3A_1032, %select_n3A_1014 : vector<16xf32>
    %max3A_1034 = arith.maximumf %max3A_1033, %select_n3A_1018 : vector<16xf32>
    %max3A_1035 = arith.maximumf %max3A_1034, %select_n3A_1022 : vector<16xf32>
    %max3A_1036 = arith.maximumf %max3A_1035, %select_n3A_1026 : vector<16xf32>
    %max3A_1037 = arith.maximumf %max3A_1036, %select_n3A_1030 : vector<16xf32>
    %broadcast_in_dim3A_1038 = arith.constant 8 : i32
    %broadcast_in_dim3A_1039 = vector.broadcast %broadcast_in_dim3A_1038 : i32 to vector<16xi32>
    %eq3A_1040 = arith.cmpf oeq, %select_n3A_1030, %max3A_1037 : vector<16xf32>
    %broadcast_in_dim3A_1041 = arith.constant 7 : i32
    %broadcast_in_dim3A_1042 = vector.broadcast %broadcast_in_dim3A_1041 : i32 to vector<16xi32>
    %select_n3A_1043 = arith.select %eq3A_1040, %broadcast_in_dim3A_1042, %broadcast_in_dim3A_1039 : vector<16xi1>, vector<16xi32>
    %eq3A_1044 = arith.cmpf oeq, %select_n3A_1026, %max3A_1037 : vector<16xf32>
    %broadcast_in_dim3A_1045 = arith.constant 6 : i32
    %broadcast_in_dim3A_1046 = vector.broadcast %broadcast_in_dim3A_1045 : i32 to vector<16xi32>
    %select_n3A_1047 = arith.select %eq3A_1044, %broadcast_in_dim3A_1046, %select_n3A_1043 : vector<16xi1>, vector<16xi32>
    %eq3A_1048 = arith.cmpf oeq, %select_n3A_1022, %max3A_1037 : vector<16xf32>
    %broadcast_in_dim3A_1049 = arith.constant 5 : i32
    %broadcast_in_dim3A_1050 = vector.broadcast %broadcast_in_dim3A_1049 : i32 to vector<16xi32>
    %select_n3A_1051 = arith.select %eq3A_1048, %broadcast_in_dim3A_1050, %select_n3A_1047 : vector<16xi1>, vector<16xi32>
    %eq3A_1052 = arith.cmpf oeq, %select_n3A_1018, %max3A_1037 : vector<16xf32>
    %broadcast_in_dim3A_1053 = arith.constant 4 : i32
    %broadcast_in_dim3A_1054 = vector.broadcast %broadcast_in_dim3A_1053 : i32 to vector<16xi32>
    %select_n3A_1055 = arith.select %eq3A_1052, %broadcast_in_dim3A_1054, %select_n3A_1051 : vector<16xi1>, vector<16xi32>
    %eq3A_1056 = arith.cmpf oeq, %select_n3A_1014, %max3A_1037 : vector<16xf32>
    %broadcast_in_dim3A_1057 = arith.constant 3 : i32
    %broadcast_in_dim3A_1058 = vector.broadcast %broadcast_in_dim3A_1057 : i32 to vector<16xi32>
    %select_n3A_1059 = arith.select %eq3A_1056, %broadcast_in_dim3A_1058, %select_n3A_1055 : vector<16xi1>, vector<16xi32>
    %eq3A_1060 = arith.cmpf oeq, %select_n3A_1010, %max3A_1037 : vector<16xf32>
    %broadcast_in_dim3A_1061 = arith.constant 2 : i32
    %broadcast_in_dim3A_1062 = vector.broadcast %broadcast_in_dim3A_1061 : i32 to vector<16xi32>
    %select_n3A_1063 = arith.select %eq3A_1060, %broadcast_in_dim3A_1062, %select_n3A_1059 : vector<16xi1>, vector<16xi32>
    %eq3A_1064 = arith.cmpf oeq, %select_n3A_1006, %max3A_1037 : vector<16xf32>
    %broadcast_in_dim3A_1065 = arith.constant 1 : i32
    %broadcast_in_dim3A_1066 = vector.broadcast %broadcast_in_dim3A_1065 : i32 to vector<16xi32>
    %select_n3A_1067 = arith.select %eq3A_1064, %broadcast_in_dim3A_1066, %select_n3A_1063 : vector<16xi1>, vector<16xi32>
    %eq3A_1068 = arith.cmpf oeq, %select_n3A_1002, %max3A_1037 : vector<16xf32>
    %broadcast_in_dim3A_1069 = arith.constant 0 : i32
    %broadcast_in_dim3A_1070 = vector.broadcast %broadcast_in_dim3A_1069 : i32 to vector<16xi32>
    %select_n3A_1071 = arith.select %eq3A_1068, %broadcast_in_dim3A_1070, %select_n3A_1067 : vector<16xi1>, vector<16xi32>
    %broadcast_in_dim3A_1072 = arith.constant 0.000000e+00 : f32
    %broadcast_in_dim3A_1073 = vector.broadcast %broadcast_in_dim3A_1072 : f32 to vector<16xf32>
    %broadcast_in_dim3A_1074 = arith.constant 1.000000e+00 : f32
    %broadcast_in_dim3A_1075 = vector.broadcast %broadcast_in_dim3A_1074 : f32 to vector<16xf32>
    %eq3A_1076 = arith.constant 0 : i32
    %eq3A_1077 = vector.broadcast %eq3A_1076 : i32 to vector<16xi32>
    %eq3A_1078 = arith.cmpi eq, %select_n3A_998, %eq3A_1077 : vector<16xi32>
    %select_n3A_1079 = arith.select %eq3A_1078, %broadcast_in_dim3A_1075, %broadcast_in_dim3A_1073 : vector<16xi1>, vector<16xf32>
    %add3A_1080 = arith.addf %add3A_856, %select_n3A_1079 : vector<16xf32>
    %eq3A_1081 = arith.constant 0 : i32
    %eq3A_1082 = vector.broadcast %eq3A_1081 : i32 to vector<16xi32>
    %eq3A_1083 = arith.cmpi eq, %select_n3A_1071, %eq3A_1082 : vector<16xi32>
    %select_n3A_1084 = arith.select %eq3A_1083, %broadcast_in_dim3A_1075, %broadcast_in_dim3A_1073 : vector<16xi1>, vector<16xf32>
    %add3A_1085 = arith.addf %add3A_1080, %select_n3A_1084 : vector<16xf32>
    %eq3A_1086 = arith.constant 1 : i32
    %eq3A_1087 = vector.broadcast %eq3A_1086 : i32 to vector<16xi32>
    %eq3A_1088 = arith.cmpi eq, %select_n3A_998, %eq3A_1087 : vector<16xi32>
    %select_n3A_1089 = arith.select %eq3A_1088, %broadcast_in_dim3A_1075, %broadcast_in_dim3A_1073 : vector<16xi1>, vector<16xf32>
    %add3A_1090 = arith.addf %add3A_866, %select_n3A_1089 : vector<16xf32>
    %eq3A_1091 = arith.constant 1 : i32
    %eq3A_1092 = vector.broadcast %eq3A_1091 : i32 to vector<16xi32>
    %eq3A_1093 = arith.cmpi eq, %select_n3A_1071, %eq3A_1092 : vector<16xi32>
    %select_n3A_1094 = arith.select %eq3A_1093, %broadcast_in_dim3A_1075, %broadcast_in_dim3A_1073 : vector<16xi1>, vector<16xf32>
    %add3A_1095 = arith.addf %add3A_1090, %select_n3A_1094 : vector<16xf32>
    %eq3A_1096 = arith.constant 2 : i32
    %eq3A_1097 = vector.broadcast %eq3A_1096 : i32 to vector<16xi32>
    %eq3A_1098 = arith.cmpi eq, %select_n3A_998, %eq3A_1097 : vector<16xi32>
    %select_n3A_1099 = arith.select %eq3A_1098, %broadcast_in_dim3A_1075, %broadcast_in_dim3A_1073 : vector<16xi1>, vector<16xf32>
    %add3A_1100 = arith.addf %add3A_876, %select_n3A_1099 : vector<16xf32>
    %eq3A_1101 = arith.constant 2 : i32
    %eq3A_1102 = vector.broadcast %eq3A_1101 : i32 to vector<16xi32>
    %eq3A_1103 = arith.cmpi eq, %select_n3A_1071, %eq3A_1102 : vector<16xi32>
    %select_n3A_1104 = arith.select %eq3A_1103, %broadcast_in_dim3A_1075, %broadcast_in_dim3A_1073 : vector<16xi1>, vector<16xf32>
    %add3A_1105 = arith.addf %add3A_1100, %select_n3A_1104 : vector<16xf32>
    %eq3A_1106 = arith.constant 3 : i32
    %eq3A_1107 = vector.broadcast %eq3A_1106 : i32 to vector<16xi32>
    %eq3A_1108 = arith.cmpi eq, %select_n3A_998, %eq3A_1107 : vector<16xi32>
    %select_n3A_1109 = arith.select %eq3A_1108, %broadcast_in_dim3A_1075, %broadcast_in_dim3A_1073 : vector<16xi1>, vector<16xf32>
    %add3A_1110 = arith.addf %add3A_886, %select_n3A_1109 : vector<16xf32>
    %eq3A_1111 = arith.constant 3 : i32
    %eq3A_1112 = vector.broadcast %eq3A_1111 : i32 to vector<16xi32>
    %eq3A_1113 = arith.cmpi eq, %select_n3A_1071, %eq3A_1112 : vector<16xi32>
    %select_n3A_1114 = arith.select %eq3A_1113, %broadcast_in_dim3A_1075, %broadcast_in_dim3A_1073 : vector<16xi1>, vector<16xf32>
    %add3A_1115 = arith.addf %add3A_1110, %select_n3A_1114 : vector<16xf32>
    %eq3A_1116 = arith.constant 4 : i32
    %eq3A_1117 = vector.broadcast %eq3A_1116 : i32 to vector<16xi32>
    %eq3A_1118 = arith.cmpi eq, %select_n3A_998, %eq3A_1117 : vector<16xi32>
    %select_n3A_1119 = arith.select %eq3A_1118, %broadcast_in_dim3A_1075, %broadcast_in_dim3A_1073 : vector<16xi1>, vector<16xf32>
    %add3A_1120 = arith.addf %add3A_896, %select_n3A_1119 : vector<16xf32>
    %eq3A_1121 = arith.constant 4 : i32
    %eq3A_1122 = vector.broadcast %eq3A_1121 : i32 to vector<16xi32>
    %eq3A_1123 = arith.cmpi eq, %select_n3A_1071, %eq3A_1122 : vector<16xi32>
    %select_n3A_1124 = arith.select %eq3A_1123, %broadcast_in_dim3A_1075, %broadcast_in_dim3A_1073 : vector<16xi1>, vector<16xf32>
    %add3A_1125 = arith.addf %add3A_1120, %select_n3A_1124 : vector<16xf32>
    %eq3A_1126 = arith.constant 5 : i32
    %eq3A_1127 = vector.broadcast %eq3A_1126 : i32 to vector<16xi32>
    %eq3A_1128 = arith.cmpi eq, %select_n3A_998, %eq3A_1127 : vector<16xi32>
    %select_n3A_1129 = arith.select %eq3A_1128, %broadcast_in_dim3A_1075, %broadcast_in_dim3A_1073 : vector<16xi1>, vector<16xf32>
    %add3A_1130 = arith.addf %add3A_906, %select_n3A_1129 : vector<16xf32>
    %eq3A_1131 = arith.constant 5 : i32
    %eq3A_1132 = vector.broadcast %eq3A_1131 : i32 to vector<16xi32>
    %eq3A_1133 = arith.cmpi eq, %select_n3A_1071, %eq3A_1132 : vector<16xi32>
    %select_n3A_1134 = arith.select %eq3A_1133, %broadcast_in_dim3A_1075, %broadcast_in_dim3A_1073 : vector<16xi1>, vector<16xf32>
    %add3A_1135 = arith.addf %add3A_1130, %select_n3A_1134 : vector<16xf32>
    %eq3A_1136 = arith.constant 6 : i32
    %eq3A_1137 = vector.broadcast %eq3A_1136 : i32 to vector<16xi32>
    %eq3A_1138 = arith.cmpi eq, %select_n3A_998, %eq3A_1137 : vector<16xi32>
    %select_n3A_1139 = arith.select %eq3A_1138, %broadcast_in_dim3A_1075, %broadcast_in_dim3A_1073 : vector<16xi1>, vector<16xf32>
    %add3A_1140 = arith.addf %add3A_916, %select_n3A_1139 : vector<16xf32>
    %eq3A_1141 = arith.constant 6 : i32
    %eq3A_1142 = vector.broadcast %eq3A_1141 : i32 to vector<16xi32>
    %eq3A_1143 = arith.cmpi eq, %select_n3A_1071, %eq3A_1142 : vector<16xi32>
    %select_n3A_1144 = arith.select %eq3A_1143, %broadcast_in_dim3A_1075, %broadcast_in_dim3A_1073 : vector<16xi1>, vector<16xf32>
    %add3A_1145 = arith.addf %add3A_1140, %select_n3A_1144 : vector<16xf32>
    %eq3A_1146 = arith.constant 7 : i32
    %eq3A_1147 = vector.broadcast %eq3A_1146 : i32 to vector<16xi32>
    %eq3A_1148 = arith.cmpi eq, %select_n3A_998, %eq3A_1147 : vector<16xi32>
    %select_n3A_1149 = arith.select %eq3A_1148, %broadcast_in_dim3A_1075, %broadcast_in_dim3A_1073 : vector<16xi1>, vector<16xf32>
    %add3A_1150 = arith.addf %add3A_926, %select_n3A_1149 : vector<16xf32>
    %eq3A_1151 = arith.constant 7 : i32
    %eq3A_1152 = vector.broadcast %eq3A_1151 : i32 to vector<16xi32>
    %eq3A_1153 = arith.cmpi eq, %select_n3A_1071, %eq3A_1152 : vector<16xi32>
    %select_n3A_1154 = arith.select %eq3A_1153, %broadcast_in_dim3A_1075, %broadcast_in_dim3A_1073 : vector<16xi1>, vector<16xf32>
    %add3A_1155 = arith.addf %add3A_1150, %select_n3A_1154 : vector<16xf32>
    %swap3A_1156 = arith.constant 64 : index
    %swap3A_1157 = tpu.vector_load %arg6[%swap3A_1156] {strides = array<i32>} : memref<256xi32, #tpu.memory_space<vmem>>, vector<16xi32>,
    tpu.vector_store %arg6[%swap3A_1156], %select_n3A_998 {strides = array<i32>} : memref<256xi32, #tpu.memory_space<vmem>>, vector<16xi32>,
    %swap3A_1158 = arith.constant 64 : index
    %swap3A_1159 = tpu.vector_load %arg7[%swap3A_1158] {strides = array<i32>} : memref<256xi32, #tpu.memory_space<vmem>>, vector<16xi32>,
    tpu.vector_store %arg7[%swap3A_1158], %select_n3A_1071 {strides = array<i32>} : memref<256xi32, #tpu.memory_space<vmem>>, vector<16xi32>,
    %broadcast_in_dim3A_1160 = arith.constant 80 : i32
    %broadcast_in_dim3A_1161 = vector.broadcast %broadcast_in_dim3A_1160 : i32 to vector<16xi32>
    %add3A_1162 = arith.addi %broadcast_in_dim3A_1161, %iota3A : vector<16xi32>
    %broadcast_in_dim3A_1163 = arith.constant 0 : i32
    %broadcast_in_dim3A_1164 = vector.broadcast %broadcast_in_dim3A_1163 : i32 to vector<16xi32>
    %gather3A_1165 = tpu.vector_load_idx %arg5[%add3A_1162, %broadcast_in_dim3A_1164] : memref<256x8xf32, #tpu.memory_space<vmem>>[vector<16xi32>, vector<16xi32>], vector<16xf32>,
    %broadcast_in_dim3A_1166 = arith.constant 1 : i32
    %broadcast_in_dim3A_1167 = vector.broadcast %broadcast_in_dim3A_1166 : i32 to vector<16xi32>
    %gather3A_1168 = tpu.vector_load_idx %arg5[%add3A_1162, %broadcast_in_dim3A_1167] : memref<256x8xf32, #tpu.memory_space<vmem>>[vector<16xi32>, vector<16xi32>], vector<16xf32>,
    %broadcast_in_dim3A_1169 = arith.constant 2 : i32
    %broadcast_in_dim3A_1170 = vector.broadcast %broadcast_in_dim3A_1169 : i32 to vector<16xi32>
    %gather3A_1171 = tpu.vector_load_idx %arg5[%add3A_1162, %broadcast_in_dim3A_1170] : memref<256x8xf32, #tpu.memory_space<vmem>>[vector<16xi32>, vector<16xi32>], vector<16xf32>,
    %broadcast_in_dim3A_1172 = arith.constant 3 : i32
    %broadcast_in_dim3A_1173 = vector.broadcast %broadcast_in_dim3A_1172 : i32 to vector<16xi32>
    %gather3A_1174 = tpu.vector_load_idx %arg5[%add3A_1162, %broadcast_in_dim3A_1173] : memref<256x8xf32, #tpu.memory_space<vmem>>[vector<16xi32>, vector<16xi32>], vector<16xf32>,
    %broadcast_in_dim3A_1175 = arith.constant 4 : i32
    %broadcast_in_dim3A_1176 = vector.broadcast %broadcast_in_dim3A_1175 : i32 to vector<16xi32>
    %gather3A_1177 = tpu.vector_load_idx %arg5[%add3A_1162, %broadcast_in_dim3A_1176] : memref<256x8xf32, #tpu.memory_space<vmem>>[vector<16xi32>, vector<16xi32>], vector<16xf32>,
    %broadcast_in_dim3A_1178 = arith.constant 5 : i32
    %broadcast_in_dim3A_1179 = vector.broadcast %broadcast_in_dim3A_1178 : i32 to vector<16xi32>
    %gather3A_1180 = tpu.vector_load_idx %arg5[%add3A_1162, %broadcast_in_dim3A_1179] : memref<256x8xf32, #tpu.memory_space<vmem>>[vector<16xi32>, vector<16xi32>], vector<16xf32>,
    %broadcast_in_dim3A_1181 = arith.constant 6 : i32
    %broadcast_in_dim3A_1182 = vector.broadcast %broadcast_in_dim3A_1181 : i32 to vector<16xi32>
    %gather3A_1183 = tpu.vector_load_idx %arg5[%add3A_1162, %broadcast_in_dim3A_1182] : memref<256x8xf32, #tpu.memory_space<vmem>>[vector<16xi32>, vector<16xi32>], vector<16xf32>,
    %broadcast_in_dim3A_1184 = arith.constant 7 : i32
    %broadcast_in_dim3A_1185 = vector.broadcast %broadcast_in_dim3A_1184 : i32 to vector<16xi32>
    %gather3A_1186 = tpu.vector_load_idx %arg5[%add3A_1162, %broadcast_in_dim3A_1185] : memref<256x8xf32, #tpu.memory_space<vmem>>[vector<16xi32>, vector<16xi32>], vector<16xf32>,
    %max3A_1187 = arith.maximumf %gather3A_1165, %gather3A_1168 : vector<16xf32>
    %max3A_1188 = arith.maximumf %max3A_1187, %gather3A_1171 : vector<16xf32>
    %max3A_1189 = arith.maximumf %max3A_1188, %gather3A_1174 : vector<16xf32>
    %max3A_1190 = arith.maximumf %max3A_1189, %gather3A_1177 : vector<16xf32>
    %max3A_1191 = arith.maximumf %max3A_1190, %gather3A_1180 : vector<16xf32>
    %max3A_1192 = arith.maximumf %max3A_1191, %gather3A_1183 : vector<16xf32>
    %max3A_1193 = arith.maximumf %max3A_1192, %gather3A_1186 : vector<16xf32>
    %broadcast_in_dim3A_1194 = arith.constant 8 : i32
    %broadcast_in_dim3A_1195 = vector.broadcast %broadcast_in_dim3A_1194 : i32 to vector<16xi32>
    %eq3A_1196 = arith.cmpf oeq, %gather3A_1186, %max3A_1193 : vector<16xf32>
    %broadcast_in_dim3A_1197 = arith.constant 7 : i32
    %broadcast_in_dim3A_1198 = vector.broadcast %broadcast_in_dim3A_1197 : i32 to vector<16xi32>
    %select_n3A_1199 = arith.select %eq3A_1196, %broadcast_in_dim3A_1198, %broadcast_in_dim3A_1195 : vector<16xi1>, vector<16xi32>
    %eq3A_1200 = arith.cmpf oeq, %gather3A_1183, %max3A_1193 : vector<16xf32>
    %broadcast_in_dim3A_1201 = arith.constant 6 : i32
    %broadcast_in_dim3A_1202 = vector.broadcast %broadcast_in_dim3A_1201 : i32 to vector<16xi32>
    %select_n3A_1203 = arith.select %eq3A_1200, %broadcast_in_dim3A_1202, %select_n3A_1199 : vector<16xi1>, vector<16xi32>
    %eq3A_1204 = arith.cmpf oeq, %gather3A_1180, %max3A_1193 : vector<16xf32>
    %broadcast_in_dim3A_1205 = arith.constant 5 : i32
    %broadcast_in_dim3A_1206 = vector.broadcast %broadcast_in_dim3A_1205 : i32 to vector<16xi32>
    %select_n3A_1207 = arith.select %eq3A_1204, %broadcast_in_dim3A_1206, %select_n3A_1203 : vector<16xi1>, vector<16xi32>
    %eq3A_1208 = arith.cmpf oeq, %gather3A_1177, %max3A_1193 : vector<16xf32>
    %broadcast_in_dim3A_1209 = arith.constant 4 : i32
    %broadcast_in_dim3A_1210 = vector.broadcast %broadcast_in_dim3A_1209 : i32 to vector<16xi32>
    %select_n3A_1211 = arith.select %eq3A_1208, %broadcast_in_dim3A_1210, %select_n3A_1207 : vector<16xi1>, vector<16xi32>
    %eq3A_1212 = arith.cmpf oeq, %gather3A_1174, %max3A_1193 : vector<16xf32>
    %broadcast_in_dim3A_1213 = arith.constant 3 : i32
    %broadcast_in_dim3A_1214 = vector.broadcast %broadcast_in_dim3A_1213 : i32 to vector<16xi32>
    %select_n3A_1215 = arith.select %eq3A_1212, %broadcast_in_dim3A_1214, %select_n3A_1211 : vector<16xi1>, vector<16xi32>
    %eq3A_1216 = arith.cmpf oeq, %gather3A_1171, %max3A_1193 : vector<16xf32>
    %broadcast_in_dim3A_1217 = arith.constant 2 : i32
    %broadcast_in_dim3A_1218 = vector.broadcast %broadcast_in_dim3A_1217 : i32 to vector<16xi32>
    %select_n3A_1219 = arith.select %eq3A_1216, %broadcast_in_dim3A_1218, %select_n3A_1215 : vector<16xi1>, vector<16xi32>
    %eq3A_1220 = arith.cmpf oeq, %gather3A_1168, %max3A_1193 : vector<16xf32>
    %broadcast_in_dim3A_1221 = arith.constant 1 : i32
    %broadcast_in_dim3A_1222 = vector.broadcast %broadcast_in_dim3A_1221 : i32 to vector<16xi32>
    %select_n3A_1223 = arith.select %eq3A_1220, %broadcast_in_dim3A_1222, %select_n3A_1219 : vector<16xi1>, vector<16xi32>
    %eq3A_1224 = arith.cmpf oeq, %gather3A_1165, %max3A_1193 : vector<16xf32>
    %broadcast_in_dim3A_1225 = arith.constant 0 : i32
    %broadcast_in_dim3A_1226 = vector.broadcast %broadcast_in_dim3A_1225 : i32 to vector<16xi32>
    %select_n3A_1227 = arith.select %eq3A_1224, %broadcast_in_dim3A_1226, %select_n3A_1223 : vector<16xi1>, vector<16xi32>
    %eq3A_1228 = arith.constant 0 : i32
    %eq3A_1229 = vector.broadcast %eq3A_1228 : i32 to vector<16xi32>
    %eq3A_1230 = arith.cmpi eq, %select_n3A_1227, %eq3A_1229 : vector<16xi32>
    %select_n3A_1231 = arith.select %eq3A_1230, %broadcast_in_dim3A_3, %gather3A_1165 : vector<16xi1>, vector<16xf32>
    %eq3A_1232 = arith.constant 1 : i32
    %eq3A_1233 = vector.broadcast %eq3A_1232 : i32 to vector<16xi32>
    %eq3A_1234 = arith.cmpi eq, %select_n3A_1227, %eq3A_1233 : vector<16xi32>
    %select_n3A_1235 = arith.select %eq3A_1234, %broadcast_in_dim3A_3, %gather3A_1168 : vector<16xi1>, vector<16xf32>
    %eq3A_1236 = arith.constant 2 : i32
    %eq3A_1237 = vector.broadcast %eq3A_1236 : i32 to vector<16xi32>
    %eq3A_1238 = arith.cmpi eq, %select_n3A_1227, %eq3A_1237 : vector<16xi32>
    %select_n3A_1239 = arith.select %eq3A_1238, %broadcast_in_dim3A_3, %gather3A_1171 : vector<16xi1>, vector<16xf32>
    %eq3A_1240 = arith.constant 3 : i32
    %eq3A_1241 = vector.broadcast %eq3A_1240 : i32 to vector<16xi32>
    %eq3A_1242 = arith.cmpi eq, %select_n3A_1227, %eq3A_1241 : vector<16xi32>
    %select_n3A_1243 = arith.select %eq3A_1242, %broadcast_in_dim3A_3, %gather3A_1174 : vector<16xi1>, vector<16xf32>
    %eq3A_1244 = arith.constant 4 : i32
    %eq3A_1245 = vector.broadcast %eq3A_1244 : i32 to vector<16xi32>
    %eq3A_1246 = arith.cmpi eq, %select_n3A_1227, %eq3A_1245 : vector<16xi32>
    %select_n3A_1247 = arith.select %eq3A_1246, %broadcast_in_dim3A_3, %gather3A_1177 : vector<16xi1>, vector<16xf32>
    %eq3A_1248 = arith.constant 5 : i32
    %eq3A_1249 = vector.broadcast %eq3A_1248 : i32 to vector<16xi32>
    %eq3A_1250 = arith.cmpi eq, %select_n3A_1227, %eq3A_1249 : vector<16xi32>
    %select_n3A_1251 = arith.select %eq3A_1250, %broadcast_in_dim3A_3, %gather3A_1180 : vector<16xi1>, vector<16xf32>
    %eq3A_1252 = arith.constant 6 : i32
    %eq3A_1253 = vector.broadcast %eq3A_1252 : i32 to vector<16xi32>
    %eq3A_1254 = arith.cmpi eq, %select_n3A_1227, %eq3A_1253 : vector<16xi32>
    %select_n3A_1255 = arith.select %eq3A_1254, %broadcast_in_dim3A_3, %gather3A_1183 : vector<16xi1>, vector<16xf32>
    %eq3A_1256 = arith.constant 7 : i32
    %eq3A_1257 = vector.broadcast %eq3A_1256 : i32 to vector<16xi32>
    %eq3A_1258 = arith.cmpi eq, %select_n3A_1227, %eq3A_1257 : vector<16xi32>
    %select_n3A_1259 = arith.select %eq3A_1258, %broadcast_in_dim3A_3, %gather3A_1186 : vector<16xi1>, vector<16xf32>
    %max3A_1260 = arith.maximumf %select_n3A_1231, %select_n3A_1235 : vector<16xf32>
    %max3A_1261 = arith.maximumf %max3A_1260, %select_n3A_1239 : vector<16xf32>
    %max3A_1262 = arith.maximumf %max3A_1261, %select_n3A_1243 : vector<16xf32>
    %max3A_1263 = arith.maximumf %max3A_1262, %select_n3A_1247 : vector<16xf32>
    %max3A_1264 = arith.maximumf %max3A_1263, %select_n3A_1251 : vector<16xf32>
    %max3A_1265 = arith.maximumf %max3A_1264, %select_n3A_1255 : vector<16xf32>
    %max3A_1266 = arith.maximumf %max3A_1265, %select_n3A_1259 : vector<16xf32>
    %broadcast_in_dim3A_1267 = arith.constant 8 : i32
    %broadcast_in_dim3A_1268 = vector.broadcast %broadcast_in_dim3A_1267 : i32 to vector<16xi32>
    %eq3A_1269 = arith.cmpf oeq, %select_n3A_1259, %max3A_1266 : vector<16xf32>
    %broadcast_in_dim3A_1270 = arith.constant 7 : i32
    %broadcast_in_dim3A_1271 = vector.broadcast %broadcast_in_dim3A_1270 : i32 to vector<16xi32>
    %select_n3A_1272 = arith.select %eq3A_1269, %broadcast_in_dim3A_1271, %broadcast_in_dim3A_1268 : vector<16xi1>, vector<16xi32>
    %eq3A_1273 = arith.cmpf oeq, %select_n3A_1255, %max3A_1266 : vector<16xf32>
    %broadcast_in_dim3A_1274 = arith.constant 6 : i32
    %broadcast_in_dim3A_1275 = vector.broadcast %broadcast_in_dim3A_1274 : i32 to vector<16xi32>
    %select_n3A_1276 = arith.select %eq3A_1273, %broadcast_in_dim3A_1275, %select_n3A_1272 : vector<16xi1>, vector<16xi32>
    %eq3A_1277 = arith.cmpf oeq, %select_n3A_1251, %max3A_1266 : vector<16xf32>
    %broadcast_in_dim3A_1278 = arith.constant 5 : i32
    %broadcast_in_dim3A_1279 = vector.broadcast %broadcast_in_dim3A_1278 : i32 to vector<16xi32>
    %select_n3A_1280 = arith.select %eq3A_1277, %broadcast_in_dim3A_1279, %select_n3A_1276 : vector<16xi1>, vector<16xi32>
    %eq3A_1281 = arith.cmpf oeq, %select_n3A_1247, %max3A_1266 : vector<16xf32>
    %broadcast_in_dim3A_1282 = arith.constant 4 : i32
    %broadcast_in_dim3A_1283 = vector.broadcast %broadcast_in_dim3A_1282 : i32 to vector<16xi32>
    %select_n3A_1284 = arith.select %eq3A_1281, %broadcast_in_dim3A_1283, %select_n3A_1280 : vector<16xi1>, vector<16xi32>
    %eq3A_1285 = arith.cmpf oeq, %select_n3A_1243, %max3A_1266 : vector<16xf32>
    %broadcast_in_dim3A_1286 = arith.constant 3 : i32
    %broadcast_in_dim3A_1287 = vector.broadcast %broadcast_in_dim3A_1286 : i32 to vector<16xi32>
    %select_n3A_1288 = arith.select %eq3A_1285, %broadcast_in_dim3A_1287, %select_n3A_1284 : vector<16xi1>, vector<16xi32>
    %eq3A_1289 = arith.cmpf oeq, %select_n3A_1239, %max3A_1266 : vector<16xf32>
    %broadcast_in_dim3A_1290 = arith.constant 2 : i32
    %broadcast_in_dim3A_1291 = vector.broadcast %broadcast_in_dim3A_1290 : i32 to vector<16xi32>
    %select_n3A_1292 = arith.select %eq3A_1289, %broadcast_in_dim3A_1291, %select_n3A_1288 : vector<16xi1>, vector<16xi32>
    %eq3A_1293 = arith.cmpf oeq, %select_n3A_1235, %max3A_1266 : vector<16xf32>
    %broadcast_in_dim3A_1294 = arith.constant 1 : i32
    %broadcast_in_dim3A_1295 = vector.broadcast %broadcast_in_dim3A_1294 : i32 to vector<16xi32>
    %select_n3A_1296 = arith.select %eq3A_1293, %broadcast_in_dim3A_1295, %select_n3A_1292 : vector<16xi1>, vector<16xi32>
    %eq3A_1297 = arith.cmpf oeq, %select_n3A_1231, %max3A_1266 : vector<16xf32>
    %broadcast_in_dim3A_1298 = arith.constant 0 : i32
    %broadcast_in_dim3A_1299 = vector.broadcast %broadcast_in_dim3A_1298 : i32 to vector<16xi32>
    %select_n3A_1300 = arith.select %eq3A_1297, %broadcast_in_dim3A_1299, %select_n3A_1296 : vector<16xi1>, vector<16xi32>
    %broadcast_in_dim3A_1301 = arith.constant 0.000000e+00 : f32
    %broadcast_in_dim3A_1302 = vector.broadcast %broadcast_in_dim3A_1301 : f32 to vector<16xf32>
    %broadcast_in_dim3A_1303 = arith.constant 1.000000e+00 : f32
    %broadcast_in_dim3A_1304 = vector.broadcast %broadcast_in_dim3A_1303 : f32 to vector<16xf32>
    %eq3A_1305 = arith.constant 0 : i32
    %eq3A_1306 = vector.broadcast %eq3A_1305 : i32 to vector<16xi32>
    %eq3A_1307 = arith.cmpi eq, %select_n3A_1227, %eq3A_1306 : vector<16xi32>
    %select_n3A_1308 = arith.select %eq3A_1307, %broadcast_in_dim3A_1304, %broadcast_in_dim3A_1302 : vector<16xi1>, vector<16xf32>
    %add3A_1309 = arith.addf %add3A_1085, %select_n3A_1308 : vector<16xf32>
    %eq3A_1310 = arith.constant 0 : i32
    %eq3A_1311 = vector.broadcast %eq3A_1310 : i32 to vector<16xi32>
    %eq3A_1312 = arith.cmpi eq, %select_n3A_1300, %eq3A_1311 : vector<16xi32>
    %select_n3A_1313 = arith.select %eq3A_1312, %broadcast_in_dim3A_1304, %broadcast_in_dim3A_1302 : vector<16xi1>, vector<16xf32>
    %add3A_1314 = arith.addf %add3A_1309, %select_n3A_1313 : vector<16xf32>
    %eq3A_1315 = arith.constant 1 : i32
    %eq3A_1316 = vector.broadcast %eq3A_1315 : i32 to vector<16xi32>
    %eq3A_1317 = arith.cmpi eq, %select_n3A_1227, %eq3A_1316 : vector<16xi32>
    %select_n3A_1318 = arith.select %eq3A_1317, %broadcast_in_dim3A_1304, %broadcast_in_dim3A_1302 : vector<16xi1>, vector<16xf32>
    %add3A_1319 = arith.addf %add3A_1095, %select_n3A_1318 : vector<16xf32>
    %eq3A_1320 = arith.constant 1 : i32
    %eq3A_1321 = vector.broadcast %eq3A_1320 : i32 to vector<16xi32>
    %eq3A_1322 = arith.cmpi eq, %select_n3A_1300, %eq3A_1321 : vector<16xi32>
    %select_n3A_1323 = arith.select %eq3A_1322, %broadcast_in_dim3A_1304, %broadcast_in_dim3A_1302 : vector<16xi1>, vector<16xf32>
    %add3A_1324 = arith.addf %add3A_1319, %select_n3A_1323 : vector<16xf32>
    %eq3A_1325 = arith.constant 2 : i32
    %eq3A_1326 = vector.broadcast %eq3A_1325 : i32 to vector<16xi32>
    %eq3A_1327 = arith.cmpi eq, %select_n3A_1227, %eq3A_1326 : vector<16xi32>
    %select_n3A_1328 = arith.select %eq3A_1327, %broadcast_in_dim3A_1304, %broadcast_in_dim3A_1302 : vector<16xi1>, vector<16xf32>
    %add3A_1329 = arith.addf %add3A_1105, %select_n3A_1328 : vector<16xf32>
    %eq3A_1330 = arith.constant 2 : i32
    %eq3A_1331 = vector.broadcast %eq3A_1330 : i32 to vector<16xi32>
    %eq3A_1332 = arith.cmpi eq, %select_n3A_1300, %eq3A_1331 : vector<16xi32>
    %select_n3A_1333 = arith.select %eq3A_1332, %broadcast_in_dim3A_1304, %broadcast_in_dim3A_1302 : vector<16xi1>, vector<16xf32>
    %add3A_1334 = arith.addf %add3A_1329, %select_n3A_1333 : vector<16xf32>
    %eq3A_1335 = arith.constant 3 : i32
    %eq3A_1336 = vector.broadcast %eq3A_1335 : i32 to vector<16xi32>
    %eq3A_1337 = arith.cmpi eq, %select_n3A_1227, %eq3A_1336 : vector<16xi32>
    %select_n3A_1338 = arith.select %eq3A_1337, %broadcast_in_dim3A_1304, %broadcast_in_dim3A_1302 : vector<16xi1>, vector<16xf32>
    %add3A_1339 = arith.addf %add3A_1115, %select_n3A_1338 : vector<16xf32>
    %eq3A_1340 = arith.constant 3 : i32
    %eq3A_1341 = vector.broadcast %eq3A_1340 : i32 to vector<16xi32>
    %eq3A_1342 = arith.cmpi eq, %select_n3A_1300, %eq3A_1341 : vector<16xi32>
    %select_n3A_1343 = arith.select %eq3A_1342, %broadcast_in_dim3A_1304, %broadcast_in_dim3A_1302 : vector<16xi1>, vector<16xf32>
    %add3A_1344 = arith.addf %add3A_1339, %select_n3A_1343 : vector<16xf32>
    %eq3A_1345 = arith.constant 4 : i32
    %eq3A_1346 = vector.broadcast %eq3A_1345 : i32 to vector<16xi32>
    %eq3A_1347 = arith.cmpi eq, %select_n3A_1227, %eq3A_1346 : vector<16xi32>
    %select_n3A_1348 = arith.select %eq3A_1347, %broadcast_in_dim3A_1304, %broadcast_in_dim3A_1302 : vector<16xi1>, vector<16xf32>
    %add3A_1349 = arith.addf %add3A_1125, %select_n3A_1348 : vector<16xf32>
    %eq3A_1350 = arith.constant 4 : i32
    %eq3A_1351 = vector.broadcast %eq3A_1350 : i32 to vector<16xi32>
    %eq3A_1352 = arith.cmpi eq, %select_n3A_1300, %eq3A_1351 : vector<16xi32>
    %select_n3A_1353 = arith.select %eq3A_1352, %broadcast_in_dim3A_1304, %broadcast_in_dim3A_1302 : vector<16xi1>, vector<16xf32>
    %add3A_1354 = arith.addf %add3A_1349, %select_n3A_1353 : vector<16xf32>
    %eq3A_1355 = arith.constant 5 : i32
    %eq3A_1356 = vector.broadcast %eq3A_1355 : i32 to vector<16xi32>
    %eq3A_1357 = arith.cmpi eq, %select_n3A_1227, %eq3A_1356 : vector<16xi32>
    %select_n3A_1358 = arith.select %eq3A_1357, %broadcast_in_dim3A_1304, %broadcast_in_dim3A_1302 : vector<16xi1>, vector<16xf32>
    %add3A_1359 = arith.addf %add3A_1135, %select_n3A_1358 : vector<16xf32>
    %eq3A_1360 = arith.constant 5 : i32
    %eq3A_1361 = vector.broadcast %eq3A_1360 : i32 to vector<16xi32>
    %eq3A_1362 = arith.cmpi eq, %select_n3A_1300, %eq3A_1361 : vector<16xi32>
    %select_n3A_1363 = arith.select %eq3A_1362, %broadcast_in_dim3A_1304, %broadcast_in_dim3A_1302 : vector<16xi1>, vector<16xf32>
    %add3A_1364 = arith.addf %add3A_1359, %select_n3A_1363 : vector<16xf32>
    %eq3A_1365 = arith.constant 6 : i32
    %eq3A_1366 = vector.broadcast %eq3A_1365 : i32 to vector<16xi32>
    %eq3A_1367 = arith.cmpi eq, %select_n3A_1227, %eq3A_1366 : vector<16xi32>
    %select_n3A_1368 = arith.select %eq3A_1367, %broadcast_in_dim3A_1304, %broadcast_in_dim3A_1302 : vector<16xi1>, vector<16xf32>
    %add3A_1369 = arith.addf %add3A_1145, %select_n3A_1368 : vector<16xf32>
    %eq3A_1370 = arith.constant 6 : i32
    %eq3A_1371 = vector.broadcast %eq3A_1370 : i32 to vector<16xi32>
    %eq3A_1372 = arith.cmpi eq, %select_n3A_1300, %eq3A_1371 : vector<16xi32>
    %select_n3A_1373 = arith.select %eq3A_1372, %broadcast_in_dim3A_1304, %broadcast_in_dim3A_1302 : vector<16xi1>, vector<16xf32>
    %add3A_1374 = arith.addf %add3A_1369, %select_n3A_1373 : vector<16xf32>
    %eq3A_1375 = arith.constant 7 : i32
    %eq3A_1376 = vector.broadcast %eq3A_1375 : i32 to vector<16xi32>
    %eq3A_1377 = arith.cmpi eq, %select_n3A_1227, %eq3A_1376 : vector<16xi32>
    %select_n3A_1378 = arith.select %eq3A_1377, %broadcast_in_dim3A_1304, %broadcast_in_dim3A_1302 : vector<16xi1>, vector<16xf32>
    %add3A_1379 = arith.addf %add3A_1155, %select_n3A_1378 : vector<16xf32>
    %eq3A_1380 = arith.constant 7 : i32
    %eq3A_1381 = vector.broadcast %eq3A_1380 : i32 to vector<16xi32>
    %eq3A_1382 = arith.cmpi eq, %select_n3A_1300, %eq3A_1381 : vector<16xi32>
    %select_n3A_1383 = arith.select %eq3A_1382, %broadcast_in_dim3A_1304, %broadcast_in_dim3A_1302 : vector<16xi1>, vector<16xf32>
    %add3A_1384 = arith.addf %add3A_1379, %select_n3A_1383 : vector<16xf32>
    %swap3A_1385 = arith.constant 80 : index
    %swap3A_1386 = tpu.vector_load %arg6[%swap3A_1385] {strides = array<i32>} : memref<256xi32, #tpu.memory_space<vmem>>, vector<16xi32>,
    tpu.vector_store %arg6[%swap3A_1385], %select_n3A_1227 {strides = array<i32>} : memref<256xi32, #tpu.memory_space<vmem>>, vector<16xi32>,
    %swap3A_1387 = arith.constant 80 : index
    %swap3A_1388 = tpu.vector_load %arg7[%swap3A_1387] {strides = array<i32>} : memref<256xi32, #tpu.memory_space<vmem>>, vector<16xi32>,
    tpu.vector_store %arg7[%swap3A_1387], %select_n3A_1300 {strides = array<i32>} : memref<256xi32, #tpu.memory_space<vmem>>, vector<16xi32>,
    %broadcast_in_dim3A_1389 = arith.constant 96 : i32
    %broadcast_in_dim3A_1390 = vector.broadcast %broadcast_in_dim3A_1389 : i32 to vector<16xi32>
    %add3A_1391 = arith.addi %broadcast_in_dim3A_1390, %iota3A : vector<16xi32>
    %broadcast_in_dim3A_1392 = arith.constant 0 : i32
    %broadcast_in_dim3A_1393 = vector.broadcast %broadcast_in_dim3A_1392 : i32 to vector<16xi32>
    %gather3A_1394 = tpu.vector_load_idx %arg5[%add3A_1391, %broadcast_in_dim3A_1393] : memref<256x8xf32, #tpu.memory_space<vmem>>[vector<16xi32>, vector<16xi32>], vector<16xf32>,
    %broadcast_in_dim3A_1395 = arith.constant 1 : i32
    %broadcast_in_dim3A_1396 = vector.broadcast %broadcast_in_dim3A_1395 : i32 to vector<16xi32>
    %gather3A_1397 = tpu.vector_load_idx %arg5[%add3A_1391, %broadcast_in_dim3A_1396] : memref<256x8xf32, #tpu.memory_space<vmem>>[vector<16xi32>, vector<16xi32>], vector<16xf32>,
    %broadcast_in_dim3A_1398 = arith.constant 2 : i32
    %broadcast_in_dim3A_1399 = vector.broadcast %broadcast_in_dim3A_1398 : i32 to vector<16xi32>
    %gather3A_1400 = tpu.vector_load_idx %arg5[%add3A_1391, %broadcast_in_dim3A_1399] : memref<256x8xf32, #tpu.memory_space<vmem>>[vector<16xi32>, vector<16xi32>], vector<16xf32>,
    %broadcast_in_dim3A_1401 = arith.constant 3 : i32
    %broadcast_in_dim3A_1402 = vector.broadcast %broadcast_in_dim3A_1401 : i32 to vector<16xi32>
    %gather3A_1403 = tpu.vector_load_idx %arg5[%add3A_1391, %broadcast_in_dim3A_1402] : memref<256x8xf32, #tpu.memory_space<vmem>>[vector<16xi32>, vector<16xi32>], vector<16xf32>,
    %broadcast_in_dim3A_1404 = arith.constant 4 : i32
    %broadcast_in_dim3A_1405 = vector.broadcast %broadcast_in_dim3A_1404 : i32 to vector<16xi32>
    %gather3A_1406 = tpu.vector_load_idx %arg5[%add3A_1391, %broadcast_in_dim3A_1405] : memref<256x8xf32, #tpu.memory_space<vmem>>[vector<16xi32>, vector<16xi32>], vector<16xf32>,
    %broadcast_in_dim3A_1407 = arith.constant 5 : i32
    %broadcast_in_dim3A_1408 = vector.broadcast %broadcast_in_dim3A_1407 : i32 to vector<16xi32>
    %gather3A_1409 = tpu.vector_load_idx %arg5[%add3A_1391, %broadcast_in_dim3A_1408] : memref<256x8xf32, #tpu.memory_space<vmem>>[vector<16xi32>, vector<16xi32>], vector<16xf32>,
    %broadcast_in_dim3A_1410 = arith.constant 6 : i32
    %broadcast_in_dim3A_1411 = vector.broadcast %broadcast_in_dim3A_1410 : i32 to vector<16xi32>
    %gather3A_1412 = tpu.vector_load_idx %arg5[%add3A_1391, %broadcast_in_dim3A_1411] : memref<256x8xf32, #tpu.memory_space<vmem>>[vector<16xi32>, vector<16xi32>], vector<16xf32>,
    %broadcast_in_dim3A_1413 = arith.constant 7 : i32
    %broadcast_in_dim3A_1414 = vector.broadcast %broadcast_in_dim3A_1413 : i32 to vector<16xi32>
    %gather3A_1415 = tpu.vector_load_idx %arg5[%add3A_1391, %broadcast_in_dim3A_1414] : memref<256x8xf32, #tpu.memory_space<vmem>>[vector<16xi32>, vector<16xi32>], vector<16xf32>,
    %max3A_1416 = arith.maximumf %gather3A_1394, %gather3A_1397 : vector<16xf32>
    %max3A_1417 = arith.maximumf %max3A_1416, %gather3A_1400 : vector<16xf32>
    %max3A_1418 = arith.maximumf %max3A_1417, %gather3A_1403 : vector<16xf32>
    %max3A_1419 = arith.maximumf %max3A_1418, %gather3A_1406 : vector<16xf32>
    %max3A_1420 = arith.maximumf %max3A_1419, %gather3A_1409 : vector<16xf32>
    %max3A_1421 = arith.maximumf %max3A_1420, %gather3A_1412 : vector<16xf32>
    %max3A_1422 = arith.maximumf %max3A_1421, %gather3A_1415 : vector<16xf32>
    %broadcast_in_dim3A_1423 = arith.constant 8 : i32
    %broadcast_in_dim3A_1424 = vector.broadcast %broadcast_in_dim3A_1423 : i32 to vector<16xi32>
    %eq3A_1425 = arith.cmpf oeq, %gather3A_1415, %max3A_1422 : vector<16xf32>
    %broadcast_in_dim3A_1426 = arith.constant 7 : i32
    %broadcast_in_dim3A_1427 = vector.broadcast %broadcast_in_dim3A_1426 : i32 to vector<16xi32>
    %select_n3A_1428 = arith.select %eq3A_1425, %broadcast_in_dim3A_1427, %broadcast_in_dim3A_1424 : vector<16xi1>, vector<16xi32>
    %eq3A_1429 = arith.cmpf oeq, %gather3A_1412, %max3A_1422 : vector<16xf32>
    %broadcast_in_dim3A_1430 = arith.constant 6 : i32
    %broadcast_in_dim3A_1431 = vector.broadcast %broadcast_in_dim3A_1430 : i32 to vector<16xi32>
    %select_n3A_1432 = arith.select %eq3A_1429, %broadcast_in_dim3A_1431, %select_n3A_1428 : vector<16xi1>, vector<16xi32>
    %eq3A_1433 = arith.cmpf oeq, %gather3A_1409, %max3A_1422 : vector<16xf32>
    %broadcast_in_dim3A_1434 = arith.constant 5 : i32
    %broadcast_in_dim3A_1435 = vector.broadcast %broadcast_in_dim3A_1434 : i32 to vector<16xi32>
    %select_n3A_1436 = arith.select %eq3A_1433, %broadcast_in_dim3A_1435, %select_n3A_1432 : vector<16xi1>, vector<16xi32>
    %eq3A_1437 = arith.cmpf oeq, %gather3A_1406, %max3A_1422 : vector<16xf32>
    %broadcast_in_dim3A_1438 = arith.constant 4 : i32
    %broadcast_in_dim3A_1439 = vector.broadcast %broadcast_in_dim3A_1438 : i32 to vector<16xi32>
    %select_n3A_1440 = arith.select %eq3A_1437, %broadcast_in_dim3A_1439, %select_n3A_1436 : vector<16xi1>, vector<16xi32>
    %eq3A_1441 = arith.cmpf oeq, %gather3A_1403, %max3A_1422 : vector<16xf32>
    %broadcast_in_dim3A_1442 = arith.constant 3 : i32
    %broadcast_in_dim3A_1443 = vector.broadcast %broadcast_in_dim3A_1442 : i32 to vector<16xi32>
    %select_n3A_1444 = arith.select %eq3A_1441, %broadcast_in_dim3A_1443, %select_n3A_1440 : vector<16xi1>, vector<16xi32>
    %eq3A_1445 = arith.cmpf oeq, %gather3A_1400, %max3A_1422 : vector<16xf32>
    %broadcast_in_dim3A_1446 = arith.constant 2 : i32
    %broadcast_in_dim3A_1447 = vector.broadcast %broadcast_in_dim3A_1446 : i32 to vector<16xi32>
    %select_n3A_1448 = arith.select %eq3A_1445, %broadcast_in_dim3A_1447, %select_n3A_1444 : vector<16xi1>, vector<16xi32>
    %eq3A_1449 = arith.cmpf oeq, %gather3A_1397, %max3A_1422 : vector<16xf32>
    %broadcast_in_dim3A_1450 = arith.constant 1 : i32
    %broadcast_in_dim3A_1451 = vector.broadcast %broadcast_in_dim3A_1450 : i32 to vector<16xi32>
    %select_n3A_1452 = arith.select %eq3A_1449, %broadcast_in_dim3A_1451, %select_n3A_1448 : vector<16xi1>, vector<16xi32>
    %eq3A_1453 = arith.cmpf oeq, %gather3A_1394, %max3A_1422 : vector<16xf32>
    %broadcast_in_dim3A_1454 = arith.constant 0 : i32
    %broadcast_in_dim3A_1455 = vector.broadcast %broadcast_in_dim3A_1454 : i32 to vector<16xi32>
    %select_n3A_1456 = arith.select %eq3A_1453, %broadcast_in_dim3A_1455, %select_n3A_1452 : vector<16xi1>, vector<16xi32>
    %eq3A_1457 = arith.constant 0 : i32
    %eq3A_1458 = vector.broadcast %eq3A_1457 : i32 to vector<16xi32>
    %eq3A_1459 = arith.cmpi eq, %select_n3A_1456, %eq3A_1458 : vector<16xi32>
    %select_n3A_1460 = arith.select %eq3A_1459, %broadcast_in_dim3A_3, %gather3A_1394 : vector<16xi1>, vector<16xf32>
    %eq3A_1461 = arith.constant 1 : i32
    %eq3A_1462 = vector.broadcast %eq3A_1461 : i32 to vector<16xi32>
    %eq3A_1463 = arith.cmpi eq, %select_n3A_1456, %eq3A_1462 : vector<16xi32>
    %select_n3A_1464 = arith.select %eq3A_1463, %broadcast_in_dim3A_3, %gather3A_1397 : vector<16xi1>, vector<16xf32>
    %eq3A_1465 = arith.constant 2 : i32
    %eq3A_1466 = vector.broadcast %eq3A_1465 : i32 to vector<16xi32>
    %eq3A_1467 = arith.cmpi eq, %select_n3A_1456, %eq3A_1466 : vector<16xi32>
    %select_n3A_1468 = arith.select %eq3A_1467, %broadcast_in_dim3A_3, %gather3A_1400 : vector<16xi1>, vector<16xf32>
    %eq3A_1469 = arith.constant 3 : i32
    %eq3A_1470 = vector.broadcast %eq3A_1469 : i32 to vector<16xi32>
    %eq3A_1471 = arith.cmpi eq, %select_n3A_1456, %eq3A_1470 : vector<16xi32>
    %select_n3A_1472 = arith.select %eq3A_1471, %broadcast_in_dim3A_3, %gather3A_1403 : vector<16xi1>, vector<16xf32>
    %eq3A_1473 = arith.constant 4 : i32
    %eq3A_1474 = vector.broadcast %eq3A_1473 : i32 to vector<16xi32>
    %eq3A_1475 = arith.cmpi eq, %select_n3A_1456, %eq3A_1474 : vector<16xi32>
    %select_n3A_1476 = arith.select %eq3A_1475, %broadcast_in_dim3A_3, %gather3A_1406 : vector<16xi1>, vector<16xf32>
    %eq3A_1477 = arith.constant 5 : i32
    %eq3A_1478 = vector.broadcast %eq3A_1477 : i32 to vector<16xi32>
    %eq3A_1479 = arith.cmpi eq, %select_n3A_1456, %eq3A_1478 : vector<16xi32>
    %select_n3A_1480 = arith.select %eq3A_1479, %broadcast_in_dim3A_3, %gather3A_1409 : vector<16xi1>, vector<16xf32>
    %eq3A_1481 = arith.constant 6 : i32
    %eq3A_1482 = vector.broadcast %eq3A_1481 : i32 to vector<16xi32>
    %eq3A_1483 = arith.cmpi eq, %select_n3A_1456, %eq3A_1482 : vector<16xi32>
    %select_n3A_1484 = arith.select %eq3A_1483, %broadcast_in_dim3A_3, %gather3A_1412 : vector<16xi1>, vector<16xf32>
    %eq3A_1485 = arith.constant 7 : i32
    %eq3A_1486 = vector.broadcast %eq3A_1485 : i32 to vector<16xi32>
    %eq3A_1487 = arith.cmpi eq, %select_n3A_1456, %eq3A_1486 : vector<16xi32>
    %select_n3A_1488 = arith.select %eq3A_1487, %broadcast_in_dim3A_3, %gather3A_1415 : vector<16xi1>, vector<16xf32>
    %max3A_1489 = arith.maximumf %select_n3A_1460, %select_n3A_1464 : vector<16xf32>
    %max3A_1490 = arith.maximumf %max3A_1489, %select_n3A_1468 : vector<16xf32>
    %max3A_1491 = arith.maximumf %max3A_1490, %select_n3A_1472 : vector<16xf32>
    %max3A_1492 = arith.maximumf %max3A_1491, %select_n3A_1476 : vector<16xf32>
    %max3A_1493 = arith.maximumf %max3A_1492, %select_n3A_1480 : vector<16xf32>
    %max3A_1494 = arith.maximumf %max3A_1493, %select_n3A_1484 : vector<16xf32>
    %max3A_1495 = arith.maximumf %max3A_1494, %select_n3A_1488 : vector<16xf32>
    %broadcast_in_dim3A_1496 = arith.constant 8 : i32
    %broadcast_in_dim3A_1497 = vector.broadcast %broadcast_in_dim3A_1496 : i32 to vector<16xi32>
    %eq3A_1498 = arith.cmpf oeq, %select_n3A_1488, %max3A_1495 : vector<16xf32>
    %broadcast_in_dim3A_1499 = arith.constant 7 : i32
    %broadcast_in_dim3A_1500 = vector.broadcast %broadcast_in_dim3A_1499 : i32 to vector<16xi32>
    %select_n3A_1501 = arith.select %eq3A_1498, %broadcast_in_dim3A_1500, %broadcast_in_dim3A_1497 : vector<16xi1>, vector<16xi32>
    %eq3A_1502 = arith.cmpf oeq, %select_n3A_1484, %max3A_1495 : vector<16xf32>
    %broadcast_in_dim3A_1503 = arith.constant 6 : i32
    %broadcast_in_dim3A_1504 = vector.broadcast %broadcast_in_dim3A_1503 : i32 to vector<16xi32>
    %select_n3A_1505 = arith.select %eq3A_1502, %broadcast_in_dim3A_1504, %select_n3A_1501 : vector<16xi1>, vector<16xi32>
    %eq3A_1506 = arith.cmpf oeq, %select_n3A_1480, %max3A_1495 : vector<16xf32>
    %broadcast_in_dim3A_1507 = arith.constant 5 : i32
    %broadcast_in_dim3A_1508 = vector.broadcast %broadcast_in_dim3A_1507 : i32 to vector<16xi32>
    %select_n3A_1509 = arith.select %eq3A_1506, %broadcast_in_dim3A_1508, %select_n3A_1505 : vector<16xi1>, vector<16xi32>
    %eq3A_1510 = arith.cmpf oeq, %select_n3A_1476, %max3A_1495 : vector<16xf32>
    %broadcast_in_dim3A_1511 = arith.constant 4 : i32
    %broadcast_in_dim3A_1512 = vector.broadcast %broadcast_in_dim3A_1511 : i32 to vector<16xi32>
    %select_n3A_1513 = arith.select %eq3A_1510, %broadcast_in_dim3A_1512, %select_n3A_1509 : vector<16xi1>, vector<16xi32>
    %eq3A_1514 = arith.cmpf oeq, %select_n3A_1472, %max3A_1495 : vector<16xf32>
    %broadcast_in_dim3A_1515 = arith.constant 3 : i32
    %broadcast_in_dim3A_1516 = vector.broadcast %broadcast_in_dim3A_1515 : i32 to vector<16xi32>
    %select_n3A_1517 = arith.select %eq3A_1514, %broadcast_in_dim3A_1516, %select_n3A_1513 : vector<16xi1>, vector<16xi32>
    %eq3A_1518 = arith.cmpf oeq, %select_n3A_1468, %max3A_1495 : vector<16xf32>
    %broadcast_in_dim3A_1519 = arith.constant 2 : i32
    %broadcast_in_dim3A_1520 = vector.broadcast %broadcast_in_dim3A_1519 : i32 to vector<16xi32>
    %select_n3A_1521 = arith.select %eq3A_1518, %broadcast_in_dim3A_1520, %select_n3A_1517 : vector<16xi1>, vector<16xi32>
    %eq3A_1522 = arith.cmpf oeq, %select_n3A_1464, %max3A_1495 : vector<16xf32>
    %broadcast_in_dim3A_1523 = arith.constant 1 : i32
    %broadcast_in_dim3A_1524 = vector.broadcast %broadcast_in_dim3A_1523 : i32 to vector<16xi32>
    %select_n3A_1525 = arith.select %eq3A_1522, %broadcast_in_dim3A_1524, %select_n3A_1521 : vector<16xi1>, vector<16xi32>
    %eq3A_1526 = arith.cmpf oeq, %select_n3A_1460, %max3A_1495 : vector<16xf32>
    %broadcast_in_dim3A_1527 = arith.constant 0 : i32
    %broadcast_in_dim3A_1528 = vector.broadcast %broadcast_in_dim3A_1527 : i32 to vector<16xi32>
    %select_n3A_1529 = arith.select %eq3A_1526, %broadcast_in_dim3A_1528, %select_n3A_1525 : vector<16xi1>, vector<16xi32>
    %broadcast_in_dim3A_1530 = arith.constant 0.000000e+00 : f32
    %broadcast_in_dim3A_1531 = vector.broadcast %broadcast_in_dim3A_1530 : f32 to vector<16xf32>
    %broadcast_in_dim3A_1532 = arith.constant 1.000000e+00 : f32
    %broadcast_in_dim3A_1533 = vector.broadcast %broadcast_in_dim3A_1532 : f32 to vector<16xf32>
    %eq3A_1534 = arith.constant 0 : i32
    %eq3A_1535 = vector.broadcast %eq3A_1534 : i32 to vector<16xi32>
    %eq3A_1536 = arith.cmpi eq, %select_n3A_1456, %eq3A_1535 : vector<16xi32>
    %select_n3A_1537 = arith.select %eq3A_1536, %broadcast_in_dim3A_1533, %broadcast_in_dim3A_1531 : vector<16xi1>, vector<16xf32>
    %add3A_1538 = arith.addf %add3A_1314, %select_n3A_1537 : vector<16xf32>
    %eq3A_1539 = arith.constant 0 : i32
    %eq3A_1540 = vector.broadcast %eq3A_1539 : i32 to vector<16xi32>
    %eq3A_1541 = arith.cmpi eq, %select_n3A_1529, %eq3A_1540 : vector<16xi32>
    %select_n3A_1542 = arith.select %eq3A_1541, %broadcast_in_dim3A_1533, %broadcast_in_dim3A_1531 : vector<16xi1>, vector<16xf32>
    %add3A_1543 = arith.addf %add3A_1538, %select_n3A_1542 : vector<16xf32>
    %eq3A_1544 = arith.constant 1 : i32
    %eq3A_1545 = vector.broadcast %eq3A_1544 : i32 to vector<16xi32>
    %eq3A_1546 = arith.cmpi eq, %select_n3A_1456, %eq3A_1545 : vector<16xi32>
    %select_n3A_1547 = arith.select %eq3A_1546, %broadcast_in_dim3A_1533, %broadcast_in_dim3A_1531 : vector<16xi1>, vector<16xf32>
    %add3A_1548 = arith.addf %add3A_1324, %select_n3A_1547 : vector<16xf32>
    %eq3A_1549 = arith.constant 1 : i32
    %eq3A_1550 = vector.broadcast %eq3A_1549 : i32 to vector<16xi32>
    %eq3A_1551 = arith.cmpi eq, %select_n3A_1529, %eq3A_1550 : vector<16xi32>
    %select_n3A_1552 = arith.select %eq3A_1551, %broadcast_in_dim3A_1533, %broadcast_in_dim3A_1531 : vector<16xi1>, vector<16xf32>
    %add3A_1553 = arith.addf %add3A_1548, %select_n3A_1552 : vector<16xf32>
    %eq3A_1554 = arith.constant 2 : i32
    %eq3A_1555 = vector.broadcast %eq3A_1554 : i32 to vector<16xi32>
    %eq3A_1556 = arith.cmpi eq, %select_n3A_1456, %eq3A_1555 : vector<16xi32>
    %select_n3A_1557 = arith.select %eq3A_1556, %broadcast_in_dim3A_1533, %broadcast_in_dim3A_1531 : vector<16xi1>, vector<16xf32>
    %add3A_1558 = arith.addf %add3A_1334, %select_n3A_1557 : vector<16xf32>
    %eq3A_1559 = arith.constant 2 : i32
    %eq3A_1560 = vector.broadcast %eq3A_1559 : i32 to vector<16xi32>
    %eq3A_1561 = arith.cmpi eq, %select_n3A_1529, %eq3A_1560 : vector<16xi32>
    %select_n3A_1562 = arith.select %eq3A_1561, %broadcast_in_dim3A_1533, %broadcast_in_dim3A_1531 : vector<16xi1>, vector<16xf32>
    %add3A_1563 = arith.addf %add3A_1558, %select_n3A_1562 : vector<16xf32>
    %eq3A_1564 = arith.constant 3 : i32
    %eq3A_1565 = vector.broadcast %eq3A_1564 : i32 to vector<16xi32>
    %eq3A_1566 = arith.cmpi eq, %select_n3A_1456, %eq3A_1565 : vector<16xi32>
    %select_n3A_1567 = arith.select %eq3A_1566, %broadcast_in_dim3A_1533, %broadcast_in_dim3A_1531 : vector<16xi1>, vector<16xf32>
    %add3A_1568 = arith.addf %add3A_1344, %select_n3A_1567 : vector<16xf32>
    %eq3A_1569 = arith.constant 3 : i32
    %eq3A_1570 = vector.broadcast %eq3A_1569 : i32 to vector<16xi32>
    %eq3A_1571 = arith.cmpi eq, %select_n3A_1529, %eq3A_1570 : vector<16xi32>
    %select_n3A_1572 = arith.select %eq3A_1571, %broadcast_in_dim3A_1533, %broadcast_in_dim3A_1531 : vector<16xi1>, vector<16xf32>
    %add3A_1573 = arith.addf %add3A_1568, %select_n3A_1572 : vector<16xf32>
    %eq3A_1574 = arith.constant 4 : i32
    %eq3A_1575 = vector.broadcast %eq3A_1574 : i32 to vector<16xi32>
    %eq3A_1576 = arith.cmpi eq, %select_n3A_1456, %eq3A_1575 : vector<16xi32>
    %select_n3A_1577 = arith.select %eq3A_1576, %broadcast_in_dim3A_1533, %broadcast_in_dim3A_1531 : vector<16xi1>, vector<16xf32>
    %add3A_1578 = arith.addf %add3A_1354, %select_n3A_1577 : vector<16xf32>
    %eq3A_1579 = arith.constant 4 : i32
    %eq3A_1580 = vector.broadcast %eq3A_1579 : i32 to vector<16xi32>
    %eq3A_1581 = arith.cmpi eq, %select_n3A_1529, %eq3A_1580 : vector<16xi32>
    %select_n3A_1582 = arith.select %eq3A_1581, %broadcast_in_dim3A_1533, %broadcast_in_dim3A_1531 : vector<16xi1>, vector<16xf32>
    %add3A_1583 = arith.addf %add3A_1578, %select_n3A_1582 : vector<16xf32>
    %eq3A_1584 = arith.constant 5 : i32
    %eq3A_1585 = vector.broadcast %eq3A_1584 : i32 to vector<16xi32>
    %eq3A_1586 = arith.cmpi eq, %select_n3A_1456, %eq3A_1585 : vector<16xi32>
    %select_n3A_1587 = arith.select %eq3A_1586, %broadcast_in_dim3A_1533, %broadcast_in_dim3A_1531 : vector<16xi1>, vector<16xf32>
    %add3A_1588 = arith.addf %add3A_1364, %select_n3A_1587 : vector<16xf32>
    %eq3A_1589 = arith.constant 5 : i32
    %eq3A_1590 = vector.broadcast %eq3A_1589 : i32 to vector<16xi32>
    %eq3A_1591 = arith.cmpi eq, %select_n3A_1529, %eq3A_1590 : vector<16xi32>
    %select_n3A_1592 = arith.select %eq3A_1591, %broadcast_in_dim3A_1533, %broadcast_in_dim3A_1531 : vector<16xi1>, vector<16xf32>
    %add3A_1593 = arith.addf %add3A_1588, %select_n3A_1592 : vector<16xf32>
    %eq3A_1594 = arith.constant 6 : i32
    %eq3A_1595 = vector.broadcast %eq3A_1594 : i32 to vector<16xi32>
    %eq3A_1596 = arith.cmpi eq, %select_n3A_1456, %eq3A_1595 : vector<16xi32>
    %select_n3A_1597 = arith.select %eq3A_1596, %broadcast_in_dim3A_1533, %broadcast_in_dim3A_1531 : vector<16xi1>, vector<16xf32>
    %add3A_1598 = arith.addf %add3A_1374, %select_n3A_1597 : vector<16xf32>
    %eq3A_1599 = arith.constant 6 : i32
    %eq3A_1600 = vector.broadcast %eq3A_1599 : i32 to vector<16xi32>
    %eq3A_1601 = arith.cmpi eq, %select_n3A_1529, %eq3A_1600 : vector<16xi32>
    %select_n3A_1602 = arith.select %eq3A_1601, %broadcast_in_dim3A_1533, %broadcast_in_dim3A_1531 : vector<16xi1>, vector<16xf32>
    %add3A_1603 = arith.addf %add3A_1598, %select_n3A_1602 : vector<16xf32>
    %eq3A_1604 = arith.constant 7 : i32
    %eq3A_1605 = vector.broadcast %eq3A_1604 : i32 to vector<16xi32>
    %eq3A_1606 = arith.cmpi eq, %select_n3A_1456, %eq3A_1605 : vector<16xi32>
    %select_n3A_1607 = arith.select %eq3A_1606, %broadcast_in_dim3A_1533, %broadcast_in_dim3A_1531 : vector<16xi1>, vector<16xf32>
    %add3A_1608 = arith.addf %add3A_1384, %select_n3A_1607 : vector<16xf32>
    %eq3A_1609 = arith.constant 7 : i32
    %eq3A_1610 = vector.broadcast %eq3A_1609 : i32 to vector<16xi32>
    %eq3A_1611 = arith.cmpi eq, %select_n3A_1529, %eq3A_1610 : vector<16xi32>
    %select_n3A_1612 = arith.select %eq3A_1611, %broadcast_in_dim3A_1533, %broadcast_in_dim3A_1531 : vector<16xi1>, vector<16xf32>
    %add3A_1613 = arith.addf %add3A_1608, %select_n3A_1612 : vector<16xf32>
    %swap3A_1614 = arith.constant 96 : index
    %swap3A_1615 = tpu.vector_load %arg6[%swap3A_1614] {strides = array<i32>} : memref<256xi32, #tpu.memory_space<vmem>>, vector<16xi32>,
    tpu.vector_store %arg6[%swap3A_1614], %select_n3A_1456 {strides = array<i32>} : memref<256xi32, #tpu.memory_space<vmem>>, vector<16xi32>,
    %swap3A_1616 = arith.constant 96 : index
    %swap3A_1617 = tpu.vector_load %arg7[%swap3A_1616] {strides = array<i32>} : memref<256xi32, #tpu.memory_space<vmem>>, vector<16xi32>,
    tpu.vector_store %arg7[%swap3A_1616], %select_n3A_1529 {strides = array<i32>} : memref<256xi32, #tpu.memory_space<vmem>>, vector<16xi32>,
    %broadcast_in_dim3A_1618 = arith.constant 112 : i32
    %broadcast_in_dim3A_1619 = vector.broadcast %broadcast_in_dim3A_1618 : i32 to vector<16xi32>
    %add3A_1620 = arith.addi %broadcast_in_dim3A_1619, %iota3A : vector<16xi32>
    %broadcast_in_dim3A_1621 = arith.constant 0 : i32
    %broadcast_in_dim3A_1622 = vector.broadcast %broadcast_in_dim3A_1621 : i32 to vector<16xi32>
    %gather3A_1623 = tpu.vector_load_idx %arg5[%add3A_1620, %broadcast_in_dim3A_1622] : memref<256x8xf32, #tpu.memory_space<vmem>>[vector<16xi32>, vector<16xi32>], vector<16xf32>,
    %broadcast_in_dim3A_1624 = arith.constant 1 : i32
    %broadcast_in_dim3A_1625 = vector.broadcast %broadcast_in_dim3A_1624 : i32 to vector<16xi32>
    %gather3A_1626 = tpu.vector_load_idx %arg5[%add3A_1620, %broadcast_in_dim3A_1625] : memref<256x8xf32, #tpu.memory_space<vmem>>[vector<16xi32>, vector<16xi32>], vector<16xf32>,
    %broadcast_in_dim3A_1627 = arith.constant 2 : i32
    %broadcast_in_dim3A_1628 = vector.broadcast %broadcast_in_dim3A_1627 : i32 to vector<16xi32>
    %gather3A_1629 = tpu.vector_load_idx %arg5[%add3A_1620, %broadcast_in_dim3A_1628] : memref<256x8xf32, #tpu.memory_space<vmem>>[vector<16xi32>, vector<16xi32>], vector<16xf32>,
    %broadcast_in_dim3A_1630 = arith.constant 3 : i32
    %broadcast_in_dim3A_1631 = vector.broadcast %broadcast_in_dim3A_1630 : i32 to vector<16xi32>
    %gather3A_1632 = tpu.vector_load_idx %arg5[%add3A_1620, %broadcast_in_dim3A_1631] : memref<256x8xf32, #tpu.memory_space<vmem>>[vector<16xi32>, vector<16xi32>], vector<16xf32>,
    %broadcast_in_dim3A_1633 = arith.constant 4 : i32
    %broadcast_in_dim3A_1634 = vector.broadcast %broadcast_in_dim3A_1633 : i32 to vector<16xi32>
    %gather3A_1635 = tpu.vector_load_idx %arg5[%add3A_1620, %broadcast_in_dim3A_1634] : memref<256x8xf32, #tpu.memory_space<vmem>>[vector<16xi32>, vector<16xi32>], vector<16xf32>,
    %broadcast_in_dim3A_1636 = arith.constant 5 : i32
    %broadcast_in_dim3A_1637 = vector.broadcast %broadcast_in_dim3A_1636 : i32 to vector<16xi32>
    %gather3A_1638 = tpu.vector_load_idx %arg5[%add3A_1620, %broadcast_in_dim3A_1637] : memref<256x8xf32, #tpu.memory_space<vmem>>[vector<16xi32>, vector<16xi32>], vector<16xf32>,
    %broadcast_in_dim3A_1639 = arith.constant 6 : i32
    %broadcast_in_dim3A_1640 = vector.broadcast %broadcast_in_dim3A_1639 : i32 to vector<16xi32>
    %gather3A_1641 = tpu.vector_load_idx %arg5[%add3A_1620, %broadcast_in_dim3A_1640] : memref<256x8xf32, #tpu.memory_space<vmem>>[vector<16xi32>, vector<16xi32>], vector<16xf32>,
    %broadcast_in_dim3A_1642 = arith.constant 7 : i32
    %broadcast_in_dim3A_1643 = vector.broadcast %broadcast_in_dim3A_1642 : i32 to vector<16xi32>
    %gather3A_1644 = tpu.vector_load_idx %arg5[%add3A_1620, %broadcast_in_dim3A_1643] : memref<256x8xf32, #tpu.memory_space<vmem>>[vector<16xi32>, vector<16xi32>], vector<16xf32>,
    %max3A_1645 = arith.maximumf %gather3A_1623, %gather3A_1626 : vector<16xf32>
    %max3A_1646 = arith.maximumf %max3A_1645, %gather3A_1629 : vector<16xf32>
    %max3A_1647 = arith.maximumf %max3A_1646, %gather3A_1632 : vector<16xf32>
    %max3A_1648 = arith.maximumf %max3A_1647, %gather3A_1635 : vector<16xf32>
    %max3A_1649 = arith.maximumf %max3A_1648, %gather3A_1638 : vector<16xf32>
    %max3A_1650 = arith.maximumf %max3A_1649, %gather3A_1641 : vector<16xf32>
    %max3A_1651 = arith.maximumf %max3A_1650, %gather3A_1644 : vector<16xf32>
    %broadcast_in_dim3A_1652 = arith.constant 8 : i32
    %broadcast_in_dim3A_1653 = vector.broadcast %broadcast_in_dim3A_1652 : i32 to vector<16xi32>
    %eq3A_1654 = arith.cmpf oeq, %gather3A_1644, %max3A_1651 : vector<16xf32>
    %broadcast_in_dim3A_1655 = arith.constant 7 : i32
    %broadcast_in_dim3A_1656 = vector.broadcast %broadcast_in_dim3A_1655 : i32 to vector<16xi32>
    %select_n3A_1657 = arith.select %eq3A_1654, %broadcast_in_dim3A_1656, %broadcast_in_dim3A_1653 : vector<16xi1>, vector<16xi32>
    %eq3A_1658 = arith.cmpf oeq, %gather3A_1641, %max3A_1651 : vector<16xf32>
    %broadcast_in_dim3A_1659 = arith.constant 6 : i32
    %broadcast_in_dim3A_1660 = vector.broadcast %broadcast_in_dim3A_1659 : i32 to vector<16xi32>
    %select_n3A_1661 = arith.select %eq3A_1658, %broadcast_in_dim3A_1660, %select_n3A_1657 : vector<16xi1>, vector<16xi32>
    %eq3A_1662 = arith.cmpf oeq, %gather3A_1638, %max3A_1651 : vector<16xf32>
    %broadcast_in_dim3A_1663 = arith.constant 5 : i32
    %broadcast_in_dim3A_1664 = vector.broadcast %broadcast_in_dim3A_1663 : i32 to vector<16xi32>
    %select_n3A_1665 = arith.select %eq3A_1662, %broadcast_in_dim3A_1664, %select_n3A_1661 : vector<16xi1>, vector<16xi32>
    %eq3A_1666 = arith.cmpf oeq, %gather3A_1635, %max3A_1651 : vector<16xf32>
    %broadcast_in_dim3A_1667 = arith.constant 4 : i32
    %broadcast_in_dim3A_1668 = vector.broadcast %broadcast_in_dim3A_1667 : i32 to vector<16xi32>
    %select_n3A_1669 = arith.select %eq3A_1666, %broadcast_in_dim3A_1668, %select_n3A_1665 : vector<16xi1>, vector<16xi32>
    %eq3A_1670 = arith.cmpf oeq, %gather3A_1632, %max3A_1651 : vector<16xf32>
    %broadcast_in_dim3A_1671 = arith.constant 3 : i32
    %broadcast_in_dim3A_1672 = vector.broadcast %broadcast_in_dim3A_1671 : i32 to vector<16xi32>
    %select_n3A_1673 = arith.select %eq3A_1670, %broadcast_in_dim3A_1672, %select_n3A_1669 : vector<16xi1>, vector<16xi32>
    %eq3A_1674 = arith.cmpf oeq, %gather3A_1629, %max3A_1651 : vector<16xf32>
    %broadcast_in_dim3A_1675 = arith.constant 2 : i32
    %broadcast_in_dim3A_1676 = vector.broadcast %broadcast_in_dim3A_1675 : i32 to vector<16xi32>
    %select_n3A_1677 = arith.select %eq3A_1674, %broadcast_in_dim3A_1676, %select_n3A_1673 : vector<16xi1>, vector<16xi32>
    %eq3A_1678 = arith.cmpf oeq, %gather3A_1626, %max3A_1651 : vector<16xf32>
    %broadcast_in_dim3A_1679 = arith.constant 1 : i32
    %broadcast_in_dim3A_1680 = vector.broadcast %broadcast_in_dim3A_1679 : i32 to vector<16xi32>
    %select_n3A_1681 = arith.select %eq3A_1678, %broadcast_in_dim3A_1680, %select_n3A_1677 : vector<16xi1>, vector<16xi32>
    %eq3A_1682 = arith.cmpf oeq, %gather3A_1623, %max3A_1651 : vector<16xf32>
    %broadcast_in_dim3A_1683 = arith.constant 0 : i32
    %broadcast_in_dim3A_1684 = vector.broadcast %broadcast_in_dim3A_1683 : i32 to vector<16xi32>
    %select_n3A_1685 = arith.select %eq3A_1682, %broadcast_in_dim3A_1684, %select_n3A_1681 : vector<16xi1>, vector<16xi32>
    %eq3A_1686 = arith.constant 0 : i32
    %eq3A_1687 = vector.broadcast %eq3A_1686 : i32 to vector<16xi32>
    %eq3A_1688 = arith.cmpi eq, %select_n3A_1685, %eq3A_1687 : vector<16xi32>
    %select_n3A_1689 = arith.select %eq3A_1688, %broadcast_in_dim3A_3, %gather3A_1623 : vector<16xi1>, vector<16xf32>
    %eq3A_1690 = arith.constant 1 : i32
    %eq3A_1691 = vector.broadcast %eq3A_1690 : i32 to vector<16xi32>
    %eq3A_1692 = arith.cmpi eq, %select_n3A_1685, %eq3A_1691 : vector<16xi32>
    %select_n3A_1693 = arith.select %eq3A_1692, %broadcast_in_dim3A_3, %gather3A_1626 : vector<16xi1>, vector<16xf32>
    %eq3A_1694 = arith.constant 2 : i32
    %eq3A_1695 = vector.broadcast %eq3A_1694 : i32 to vector<16xi32>
    %eq3A_1696 = arith.cmpi eq, %select_n3A_1685, %eq3A_1695 : vector<16xi32>
    %select_n3A_1697 = arith.select %eq3A_1696, %broadcast_in_dim3A_3, %gather3A_1629 : vector<16xi1>, vector<16xf32>
    %eq3A_1698 = arith.constant 3 : i32
    %eq3A_1699 = vector.broadcast %eq3A_1698 : i32 to vector<16xi32>
    %eq3A_1700 = arith.cmpi eq, %select_n3A_1685, %eq3A_1699 : vector<16xi32>
    %select_n3A_1701 = arith.select %eq3A_1700, %broadcast_in_dim3A_3, %gather3A_1632 : vector<16xi1>, vector<16xf32>
    %eq3A_1702 = arith.constant 4 : i32
    %eq3A_1703 = vector.broadcast %eq3A_1702 : i32 to vector<16xi32>
    %eq3A_1704 = arith.cmpi eq, %select_n3A_1685, %eq3A_1703 : vector<16xi32>
    %select_n3A_1705 = arith.select %eq3A_1704, %broadcast_in_dim3A_3, %gather3A_1635 : vector<16xi1>, vector<16xf32>
    %eq3A_1706 = arith.constant 5 : i32
    %eq3A_1707 = vector.broadcast %eq3A_1706 : i32 to vector<16xi32>
    %eq3A_1708 = arith.cmpi eq, %select_n3A_1685, %eq3A_1707 : vector<16xi32>
    %select_n3A_1709 = arith.select %eq3A_1708, %broadcast_in_dim3A_3, %gather3A_1638 : vector<16xi1>, vector<16xf32>
    %eq3A_1710 = arith.constant 6 : i32
    %eq3A_1711 = vector.broadcast %eq3A_1710 : i32 to vector<16xi32>
    %eq3A_1712 = arith.cmpi eq, %select_n3A_1685, %eq3A_1711 : vector<16xi32>
    %select_n3A_1713 = arith.select %eq3A_1712, %broadcast_in_dim3A_3, %gather3A_1641 : vector<16xi1>, vector<16xf32>
    %eq3A_1714 = arith.constant 7 : i32
    %eq3A_1715 = vector.broadcast %eq3A_1714 : i32 to vector<16xi32>
    %eq3A_1716 = arith.cmpi eq, %select_n3A_1685, %eq3A_1715 : vector<16xi32>
    %select_n3A_1717 = arith.select %eq3A_1716, %broadcast_in_dim3A_3, %gather3A_1644 : vector<16xi1>, vector<16xf32>
    %max3A_1718 = arith.maximumf %select_n3A_1689, %select_n3A_1693 : vector<16xf32>
    %max3A_1719 = arith.maximumf %max3A_1718, %select_n3A_1697 : vector<16xf32>
    %max3A_1720 = arith.maximumf %max3A_1719, %select_n3A_1701 : vector<16xf32>
    %max3A_1721 = arith.maximumf %max3A_1720, %select_n3A_1705 : vector<16xf32>
    %max3A_1722 = arith.maximumf %max3A_1721, %select_n3A_1709 : vector<16xf32>
    %max3A_1723 = arith.maximumf %max3A_1722, %select_n3A_1713 : vector<16xf32>
    %max3A_1724 = arith.maximumf %max3A_1723, %select_n3A_1717 : vector<16xf32>
    %broadcast_in_dim3A_1725 = arith.constant 8 : i32
    %broadcast_in_dim3A_1726 = vector.broadcast %broadcast_in_dim3A_1725 : i32 to vector<16xi32>
    %eq3A_1727 = arith.cmpf oeq, %select_n3A_1717, %max3A_1724 : vector<16xf32>
    %broadcast_in_dim3A_1728 = arith.constant 7 : i32
    %broadcast_in_dim3A_1729 = vector.broadcast %broadcast_in_dim3A_1728 : i32 to vector<16xi32>
    %select_n3A_1730 = arith.select %eq3A_1727, %broadcast_in_dim3A_1729, %broadcast_in_dim3A_1726 : vector<16xi1>, vector<16xi32>
    %eq3A_1731 = arith.cmpf oeq, %select_n3A_1713, %max3A_1724 : vector<16xf32>
    %broadcast_in_dim3A_1732 = arith.constant 6 : i32
    %broadcast_in_dim3A_1733 = vector.broadcast %broadcast_in_dim3A_1732 : i32 to vector<16xi32>
    %select_n3A_1734 = arith.select %eq3A_1731, %broadcast_in_dim3A_1733, %select_n3A_1730 : vector<16xi1>, vector<16xi32>
    %eq3A_1735 = arith.cmpf oeq, %select_n3A_1709, %max3A_1724 : vector<16xf32>
    %broadcast_in_dim3A_1736 = arith.constant 5 : i32
    %broadcast_in_dim3A_1737 = vector.broadcast %broadcast_in_dim3A_1736 : i32 to vector<16xi32>
    %select_n3A_1738 = arith.select %eq3A_1735, %broadcast_in_dim3A_1737, %select_n3A_1734 : vector<16xi1>, vector<16xi32>
    %eq3A_1739 = arith.cmpf oeq, %select_n3A_1705, %max3A_1724 : vector<16xf32>
    %broadcast_in_dim3A_1740 = arith.constant 4 : i32
    %broadcast_in_dim3A_1741 = vector.broadcast %broadcast_in_dim3A_1740 : i32 to vector<16xi32>
    %select_n3A_1742 = arith.select %eq3A_1739, %broadcast_in_dim3A_1741, %select_n3A_1738 : vector<16xi1>, vector<16xi32>
    %eq3A_1743 = arith.cmpf oeq, %select_n3A_1701, %max3A_1724 : vector<16xf32>
    %broadcast_in_dim3A_1744 = arith.constant 3 : i32
    %broadcast_in_dim3A_1745 = vector.broadcast %broadcast_in_dim3A_1744 : i32 to vector<16xi32>
    %select_n3A_1746 = arith.select %eq3A_1743, %broadcast_in_dim3A_1745, %select_n3A_1742 : vector<16xi1>, vector<16xi32>
    %eq3A_1747 = arith.cmpf oeq, %select_n3A_1697, %max3A_1724 : vector<16xf32>
    %broadcast_in_dim3A_1748 = arith.constant 2 : i32
    %broadcast_in_dim3A_1749 = vector.broadcast %broadcast_in_dim3A_1748 : i32 to vector<16xi32>
    %select_n3A_1750 = arith.select %eq3A_1747, %broadcast_in_dim3A_1749, %select_n3A_1746 : vector<16xi1>, vector<16xi32>
    %eq3A_1751 = arith.cmpf oeq, %select_n3A_1693, %max3A_1724 : vector<16xf32>
    %broadcast_in_dim3A_1752 = arith.constant 1 : i32
    %broadcast_in_dim3A_1753 = vector.broadcast %broadcast_in_dim3A_1752 : i32 to vector<16xi32>
    %select_n3A_1754 = arith.select %eq3A_1751, %broadcast_in_dim3A_1753, %select_n3A_1750 : vector<16xi1>, vector<16xi32>
    %eq3A_1755 = arith.cmpf oeq, %select_n3A_1689, %max3A_1724 : vector<16xf32>
    %broadcast_in_dim3A_1756 = arith.constant 0 : i32
    %broadcast_in_dim3A_1757 = vector.broadcast %broadcast_in_dim3A_1756 : i32 to vector<16xi32>
    %select_n3A_1758 = arith.select %eq3A_1755, %broadcast_in_dim3A_1757, %select_n3A_1754 : vector<16xi1>, vector<16xi32>
    %broadcast_in_dim3A_1759 = arith.constant 0.000000e+00 : f32
    %broadcast_in_dim3A_1760 = vector.broadcast %broadcast_in_dim3A_1759 : f32 to vector<16xf32>
    %broadcast_in_dim3A_1761 = arith.constant 1.000000e+00 : f32
    %broadcast_in_dim3A_1762 = vector.broadcast %broadcast_in_dim3A_1761 : f32 to vector<16xf32>
    %eq3A_1763 = arith.constant 0 : i32
    %eq3A_1764 = vector.broadcast %eq3A_1763 : i32 to vector<16xi32>
    %eq3A_1765 = arith.cmpi eq, %select_n3A_1685, %eq3A_1764 : vector<16xi32>
    %select_n3A_1766 = arith.select %eq3A_1765, %broadcast_in_dim3A_1762, %broadcast_in_dim3A_1760 : vector<16xi1>, vector<16xf32>
    %add3A_1767 = arith.addf %add3A_1543, %select_n3A_1766 : vector<16xf32>
    %eq3A_1768 = arith.constant 0 : i32
    %eq3A_1769 = vector.broadcast %eq3A_1768 : i32 to vector<16xi32>
    %eq3A_1770 = arith.cmpi eq, %select_n3A_1758, %eq3A_1769 : vector<16xi32>
    %select_n3A_1771 = arith.select %eq3A_1770, %broadcast_in_dim3A_1762, %broadcast_in_dim3A_1760 : vector<16xi1>, vector<16xf32>
    %add3A_1772 = arith.addf %add3A_1767, %select_n3A_1771 : vector<16xf32>
    %eq3A_1773 = arith.constant 1 : i32
    %eq3A_1774 = vector.broadcast %eq3A_1773 : i32 to vector<16xi32>
    %eq3A_1775 = arith.cmpi eq, %select_n3A_1685, %eq3A_1774 : vector<16xi32>
    %select_n3A_1776 = arith.select %eq3A_1775, %broadcast_in_dim3A_1762, %broadcast_in_dim3A_1760 : vector<16xi1>, vector<16xf32>
    %add3A_1777 = arith.addf %add3A_1553, %select_n3A_1776 : vector<16xf32>
    %eq3A_1778 = arith.constant 1 : i32
    %eq3A_1779 = vector.broadcast %eq3A_1778 : i32 to vector<16xi32>
    %eq3A_1780 = arith.cmpi eq, %select_n3A_1758, %eq3A_1779 : vector<16xi32>
    %select_n3A_1781 = arith.select %eq3A_1780, %broadcast_in_dim3A_1762, %broadcast_in_dim3A_1760 : vector<16xi1>, vector<16xf32>
    %add3A_1782 = arith.addf %add3A_1777, %select_n3A_1781 : vector<16xf32>
    %eq3A_1783 = arith.constant 2 : i32
    %eq3A_1784 = vector.broadcast %eq3A_1783 : i32 to vector<16xi32>
    %eq3A_1785 = arith.cmpi eq, %select_n3A_1685, %eq3A_1784 : vector<16xi32>
    %select_n3A_1786 = arith.select %eq3A_1785, %broadcast_in_dim3A_1762, %broadcast_in_dim3A_1760 : vector<16xi1>, vector<16xf32>
    %add3A_1787 = arith.addf %add3A_1563, %select_n3A_1786 : vector<16xf32>
    %eq3A_1788 = arith.constant 2 : i32
    %eq3A_1789 = vector.broadcast %eq3A_1788 : i32 to vector<16xi32>
    %eq3A_1790 = arith.cmpi eq, %select_n3A_1758, %eq3A_1789 : vector<16xi32>
    %select_n3A_1791 = arith.select %eq3A_1790, %broadcast_in_dim3A_1762, %broadcast_in_dim3A_1760 : vector<16xi1>, vector<16xf32>
    %add3A_1792 = arith.addf %add3A_1787, %select_n3A_1791 : vector<16xf32>
    %eq3A_1793 = arith.constant 3 : i32
    %eq3A_1794 = vector.broadcast %eq3A_1793 : i32 to vector<16xi32>
    %eq3A_1795 = arith.cmpi eq, %select_n3A_1685, %eq3A_1794 : vector<16xi32>
    %select_n3A_1796 = arith.select %eq3A_1795, %broadcast_in_dim3A_1762, %broadcast_in_dim3A_1760 : vector<16xi1>, vector<16xf32>
    %add3A_1797 = arith.addf %add3A_1573, %select_n3A_1796 : vector<16xf32>
    %eq3A_1798 = arith.constant 3 : i32
    %eq3A_1799 = vector.broadcast %eq3A_1798 : i32 to vector<16xi32>
    %eq3A_1800 = arith.cmpi eq, %select_n3A_1758, %eq3A_1799 : vector<16xi32>
    %select_n3A_1801 = arith.select %eq3A_1800, %broadcast_in_dim3A_1762, %broadcast_in_dim3A_1760 : vector<16xi1>, vector<16xf32>
    %add3A_1802 = arith.addf %add3A_1797, %select_n3A_1801 : vector<16xf32>
    %eq3A_1803 = arith.constant 4 : i32
    %eq3A_1804 = vector.broadcast %eq3A_1803 : i32 to vector<16xi32>
    %eq3A_1805 = arith.cmpi eq, %select_n3A_1685, %eq3A_1804 : vector<16xi32>
    %select_n3A_1806 = arith.select %eq3A_1805, %broadcast_in_dim3A_1762, %broadcast_in_dim3A_1760 : vector<16xi1>, vector<16xf32>
    %add3A_1807 = arith.addf %add3A_1583, %select_n3A_1806 : vector<16xf32>
    %eq3A_1808 = arith.constant 4 : i32
    %eq3A_1809 = vector.broadcast %eq3A_1808 : i32 to vector<16xi32>
    %eq3A_1810 = arith.cmpi eq, %select_n3A_1758, %eq3A_1809 : vector<16xi32>
    %select_n3A_1811 = arith.select %eq3A_1810, %broadcast_in_dim3A_1762, %broadcast_in_dim3A_1760 : vector<16xi1>, vector<16xf32>
    %add3A_1812 = arith.addf %add3A_1807, %select_n3A_1811 : vector<16xf32>
    %eq3A_1813 = arith.constant 5 : i32
    %eq3A_1814 = vector.broadcast %eq3A_1813 : i32 to vector<16xi32>
    %eq3A_1815 = arith.cmpi eq, %select_n3A_1685, %eq3A_1814 : vector<16xi32>
    %select_n3A_1816 = arith.select %eq3A_1815, %broadcast_in_dim3A_1762, %broadcast_in_dim3A_1760 : vector<16xi1>, vector<16xf32>
    %add3A_1817 = arith.addf %add3A_1593, %select_n3A_1816 : vector<16xf32>
    %eq3A_1818 = arith.constant 5 : i32
    %eq3A_1819 = vector.broadcast %eq3A_1818 : i32 to vector<16xi32>
    %eq3A_1820 = arith.cmpi eq, %select_n3A_1758, %eq3A_1819 : vector<16xi32>
    %select_n3A_1821 = arith.select %eq3A_1820, %broadcast_in_dim3A_1762, %broadcast_in_dim3A_1760 : vector<16xi1>, vector<16xf32>
    %add3A_1822 = arith.addf %add3A_1817, %select_n3A_1821 : vector<16xf32>
    %eq3A_1823 = arith.constant 6 : i32
    %eq3A_1824 = vector.broadcast %eq3A_1823 : i32 to vector<16xi32>
    %eq3A_1825 = arith.cmpi eq, %select_n3A_1685, %eq3A_1824 : vector<16xi32>
    %select_n3A_1826 = arith.select %eq3A_1825, %broadcast_in_dim3A_1762, %broadcast_in_dim3A_1760 : vector<16xi1>, vector<16xf32>
    %add3A_1827 = arith.addf %add3A_1603, %select_n3A_1826 : vector<16xf32>
    %eq3A_1828 = arith.constant 6 : i32
    %eq3A_1829 = vector.broadcast %eq3A_1828 : i32 to vector<16xi32>
    %eq3A_1830 = arith.cmpi eq, %select_n3A_1758, %eq3A_1829 : vector<16xi32>
    %select_n3A_1831 = arith.select %eq3A_1830, %broadcast_in_dim3A_1762, %broadcast_in_dim3A_1760 : vector<16xi1>, vector<16xf32>
    %add3A_1832 = arith.addf %add3A_1827, %select_n3A_1831 : vector<16xf32>
    %eq3A_1833 = arith.constant 7 : i32
    %eq3A_1834 = vector.broadcast %eq3A_1833 : i32 to vector<16xi32>
    %eq3A_1835 = arith.cmpi eq, %select_n3A_1685, %eq3A_1834 : vector<16xi32>
    %select_n3A_1836 = arith.select %eq3A_1835, %broadcast_in_dim3A_1762, %broadcast_in_dim3A_1760 : vector<16xi1>, vector<16xf32>
    %add3A_1837 = arith.addf %add3A_1613, %select_n3A_1836 : vector<16xf32>
    %eq3A_1838 = arith.constant 7 : i32
    %eq3A_1839 = vector.broadcast %eq3A_1838 : i32 to vector<16xi32>
    %eq3A_1840 = arith.cmpi eq, %select_n3A_1758, %eq3A_1839 : vector<16xi32>
    %select_n3A_1841 = arith.select %eq3A_1840, %broadcast_in_dim3A_1762, %broadcast_in_dim3A_1760 : vector<16xi1>, vector<16xf32>
    %add3A_1842 = arith.addf %add3A_1837, %select_n3A_1841 : vector<16xf32>
    %swap3A_1843 = arith.constant 112 : index
    %swap3A_1844 = tpu.vector_load %arg6[%swap3A_1843] {strides = array<i32>} : memref<256xi32, #tpu.memory_space<vmem>>, vector<16xi32>,
    tpu.vector_store %arg6[%swap3A_1843], %select_n3A_1685 {strides = array<i32>} : memref<256xi32, #tpu.memory_space<vmem>>, vector<16xi32>,
    %swap3A_1845 = arith.constant 112 : index
    %swap3A_1846 = tpu.vector_load %arg7[%swap3A_1845] {strides = array<i32>} : memref<256xi32, #tpu.memory_space<vmem>>, vector<16xi32>,
    tpu.vector_store %arg7[%swap3A_1845], %select_n3A_1758 {strides = array<i32>} : memref<256xi32, #tpu.memory_space<vmem>>, vector<16xi32>,
    %broadcast_in_dim3A_1847 = arith.constant 128 : i32
    %broadcast_in_dim3A_1848 = vector.broadcast %broadcast_in_dim3A_1847 : i32 to vector<16xi32>
    %add3A_1849 = arith.addi %broadcast_in_dim3A_1848, %iota3A : vector<16xi32>
    %broadcast_in_dim3A_1850 = arith.constant 0 : i32
    %broadcast_in_dim3A_1851 = vector.broadcast %broadcast_in_dim3A_1850 : i32 to vector<16xi32>
    %gather3A_1852 = tpu.vector_load_idx %arg5[%add3A_1849, %broadcast_in_dim3A_1851] : memref<256x8xf32, #tpu.memory_space<vmem>>[vector<16xi32>, vector<16xi32>], vector<16xf32>,
    %broadcast_in_dim3A_1853 = arith.constant 1 : i32
    %broadcast_in_dim3A_1854 = vector.broadcast %broadcast_in_dim3A_1853 : i32 to vector<16xi32>
    %gather3A_1855 = tpu.vector_load_idx %arg5[%add3A_1849, %broadcast_in_dim3A_1854] : memref<256x8xf32, #tpu.memory_space<vmem>>[vector<16xi32>, vector<16xi32>], vector<16xf32>,
    %broadcast_in_dim3A_1856 = arith.constant 2 : i32
    %broadcast_in_dim3A_1857 = vector.broadcast %broadcast_in_dim3A_1856 : i32 to vector<16xi32>
    %gather3A_1858 = tpu.vector_load_idx %arg5[%add3A_1849, %broadcast_in_dim3A_1857] : memref<256x8xf32, #tpu.memory_space<vmem>>[vector<16xi32>, vector<16xi32>], vector<16xf32>,
    %broadcast_in_dim3A_1859 = arith.constant 3 : i32
    %broadcast_in_dim3A_1860 = vector.broadcast %broadcast_in_dim3A_1859 : i32 to vector<16xi32>
    %gather3A_1861 = tpu.vector_load_idx %arg5[%add3A_1849, %broadcast_in_dim3A_1860] : memref<256x8xf32, #tpu.memory_space<vmem>>[vector<16xi32>, vector<16xi32>], vector<16xf32>,
    %broadcast_in_dim3A_1862 = arith.constant 4 : i32
    %broadcast_in_dim3A_1863 = vector.broadcast %broadcast_in_dim3A_1862 : i32 to vector<16xi32>
    %gather3A_1864 = tpu.vector_load_idx %arg5[%add3A_1849, %broadcast_in_dim3A_1863] : memref<256x8xf32, #tpu.memory_space<vmem>>[vector<16xi32>, vector<16xi32>], vector<16xf32>,
    %broadcast_in_dim3A_1865 = arith.constant 5 : i32
    %broadcast_in_dim3A_1866 = vector.broadcast %broadcast_in_dim3A_1865 : i32 to vector<16xi32>
    %gather3A_1867 = tpu.vector_load_idx %arg5[%add3A_1849, %broadcast_in_dim3A_1866] : memref<256x8xf32, #tpu.memory_space<vmem>>[vector<16xi32>, vector<16xi32>], vector<16xf32>,
    %broadcast_in_dim3A_1868 = arith.constant 6 : i32
    %broadcast_in_dim3A_1869 = vector.broadcast %broadcast_in_dim3A_1868 : i32 to vector<16xi32>
    %gather3A_1870 = tpu.vector_load_idx %arg5[%add3A_1849, %broadcast_in_dim3A_1869] : memref<256x8xf32, #tpu.memory_space<vmem>>[vector<16xi32>, vector<16xi32>], vector<16xf32>,
    %broadcast_in_dim3A_1871 = arith.constant 7 : i32
    %broadcast_in_dim3A_1872 = vector.broadcast %broadcast_in_dim3A_1871 : i32 to vector<16xi32>
    %gather3A_1873 = tpu.vector_load_idx %arg5[%add3A_1849, %broadcast_in_dim3A_1872] : memref<256x8xf32, #tpu.memory_space<vmem>>[vector<16xi32>, vector<16xi32>], vector<16xf32>,
    %max3A_1874 = arith.maximumf %gather3A_1852, %gather3A_1855 : vector<16xf32>
    %max3A_1875 = arith.maximumf %max3A_1874, %gather3A_1858 : vector<16xf32>
    %max3A_1876 = arith.maximumf %max3A_1875, %gather3A_1861 : vector<16xf32>
    %max3A_1877 = arith.maximumf %max3A_1876, %gather3A_1864 : vector<16xf32>
    %max3A_1878 = arith.maximumf %max3A_1877, %gather3A_1867 : vector<16xf32>
    %max3A_1879 = arith.maximumf %max3A_1878, %gather3A_1870 : vector<16xf32>
    %max3A_1880 = arith.maximumf %max3A_1879, %gather3A_1873 : vector<16xf32>
    %broadcast_in_dim3A_1881 = arith.constant 8 : i32
    %broadcast_in_dim3A_1882 = vector.broadcast %broadcast_in_dim3A_1881 : i32 to vector<16xi32>
    %eq3A_1883 = arith.cmpf oeq, %gather3A_1873, %max3A_1880 : vector<16xf32>
    %broadcast_in_dim3A_1884 = arith.constant 7 : i32
    %broadcast_in_dim3A_1885 = vector.broadcast %broadcast_in_dim3A_1884 : i32 to vector<16xi32>
    %select_n3A_1886 = arith.select %eq3A_1883, %broadcast_in_dim3A_1885, %broadcast_in_dim3A_1882 : vector<16xi1>, vector<16xi32>
    %eq3A_1887 = arith.cmpf oeq, %gather3A_1870, %max3A_1880 : vector<16xf32>
    %broadcast_in_dim3A_1888 = arith.constant 6 : i32
    %broadcast_in_dim3A_1889 = vector.broadcast %broadcast_in_dim3A_1888 : i32 to vector<16xi32>
    %select_n3A_1890 = arith.select %eq3A_1887, %broadcast_in_dim3A_1889, %select_n3A_1886 : vector<16xi1>, vector<16xi32>
    %eq3A_1891 = arith.cmpf oeq, %gather3A_1867, %max3A_1880 : vector<16xf32>
    %broadcast_in_dim3A_1892 = arith.constant 5 : i32
    %broadcast_in_dim3A_1893 = vector.broadcast %broadcast_in_dim3A_1892 : i32 to vector<16xi32>
    %select_n3A_1894 = arith.select %eq3A_1891, %broadcast_in_dim3A_1893, %select_n3A_1890 : vector<16xi1>, vector<16xi32>
    %eq3A_1895 = arith.cmpf oeq, %gather3A_1864, %max3A_1880 : vector<16xf32>
    %broadcast_in_dim3A_1896 = arith.constant 4 : i32
    %broadcast_in_dim3A_1897 = vector.broadcast %broadcast_in_dim3A_1896 : i32 to vector<16xi32>
    %select_n3A_1898 = arith.select %eq3A_1895, %broadcast_in_dim3A_1897, %select_n3A_1894 : vector<16xi1>, vector<16xi32>
    %eq3A_1899 = arith.cmpf oeq, %gather3A_1861, %max3A_1880 : vector<16xf32>
    %broadcast_in_dim3A_1900 = arith.constant 3 : i32
    %broadcast_in_dim3A_1901 = vector.broadcast %broadcast_in_dim3A_1900 : i32 to vector<16xi32>
    %select_n3A_1902 = arith.select %eq3A_1899, %broadcast_in_dim3A_1901, %select_n3A_1898 : vector<16xi1>, vector<16xi32>
    %eq3A_1903 = arith.cmpf oeq, %gather3A_1858, %max3A_1880 : vector<16xf32>
    %broadcast_in_dim3A_1904 = arith.constant 2 : i32
    %broadcast_in_dim3A_1905 = vector.broadcast %broadcast_in_dim3A_1904 : i32 to vector<16xi32>
    %select_n3A_1906 = arith.select %eq3A_1903, %broadcast_in_dim3A_1905, %select_n3A_1902 : vector<16xi1>, vector<16xi32>
    %eq3A_1907 = arith.cmpf oeq, %gather3A_1855, %max3A_1880 : vector<16xf32>
    %broadcast_in_dim3A_1908 = arith.constant 1 : i32
    %broadcast_in_dim3A_1909 = vector.broadcast %broadcast_in_dim3A_1908 : i32 to vector<16xi32>
    %select_n3A_1910 = arith.select %eq3A_1907, %broadcast_in_dim3A_1909, %select_n3A_1906 : vector<16xi1>, vector<16xi32>
    %eq3A_1911 = arith.cmpf oeq, %gather3A_1852, %max3A_1880 : vector<16xf32>
    %broadcast_in_dim3A_1912 = arith.constant 0 : i32
    %broadcast_in_dim3A_1913 = vector.broadcast %broadcast_in_dim3A_1912 : i32 to vector<16xi32>
    %select_n3A_1914 = arith.select %eq3A_1911, %broadcast_in_dim3A_1913, %select_n3A_1910 : vector<16xi1>, vector<16xi32>
    %eq3A_1915 = arith.constant 0 : i32
    %eq3A_1916 = vector.broadcast %eq3A_1915 : i32 to vector<16xi32>
    %eq3A_1917 = arith.cmpi eq, %select_n3A_1914, %eq3A_1916 : vector<16xi32>
    %select_n3A_1918 = arith.select %eq3A_1917, %broadcast_in_dim3A_3, %gather3A_1852 : vector<16xi1>, vector<16xf32>
    %eq3A_1919 = arith.constant 1 : i32
    %eq3A_1920 = vector.broadcast %eq3A_1919 : i32 to vector<16xi32>
    %eq3A_1921 = arith.cmpi eq, %select_n3A_1914, %eq3A_1920 : vector<16xi32>
    %select_n3A_1922 = arith.select %eq3A_1921, %broadcast_in_dim3A_3, %gather3A_1855 : vector<16xi1>, vector<16xf32>
    %eq3A_1923 = arith.constant 2 : i32
    %eq3A_1924 = vector.broadcast %eq3A_1923 : i32 to vector<16xi32>
    %eq3A_1925 = arith.cmpi eq, %select_n3A_1914, %eq3A_1924 : vector<16xi32>
    %select_n3A_1926 = arith.select %eq3A_1925, %broadcast_in_dim3A_3, %gather3A_1858 : vector<16xi1>, vector<16xf32>
    %eq3A_1927 = arith.constant 3 : i32
    %eq3A_1928 = vector.broadcast %eq3A_1927 : i32 to vector<16xi32>
    %eq3A_1929 = arith.cmpi eq, %select_n3A_1914, %eq3A_1928 : vector<16xi32>
    %select_n3A_1930 = arith.select %eq3A_1929, %broadcast_in_dim3A_3, %gather3A_1861 : vector<16xi1>, vector<16xf32>
    %eq3A_1931 = arith.constant 4 : i32
    %eq3A_1932 = vector.broadcast %eq3A_1931 : i32 to vector<16xi32>
    %eq3A_1933 = arith.cmpi eq, %select_n3A_1914, %eq3A_1932 : vector<16xi32>
    %select_n3A_1934 = arith.select %eq3A_1933, %broadcast_in_dim3A_3, %gather3A_1864 : vector<16xi1>, vector<16xf32>
    %eq3A_1935 = arith.constant 5 : i32
    %eq3A_1936 = vector.broadcast %eq3A_1935 : i32 to vector<16xi32>
    %eq3A_1937 = arith.cmpi eq, %select_n3A_1914, %eq3A_1936 : vector<16xi32>
    %select_n3A_1938 = arith.select %eq3A_1937, %broadcast_in_dim3A_3, %gather3A_1867 : vector<16xi1>, vector<16xf32>
    %eq3A_1939 = arith.constant 6 : i32
    %eq3A_1940 = vector.broadcast %eq3A_1939 : i32 to vector<16xi32>
    %eq3A_1941 = arith.cmpi eq, %select_n3A_1914, %eq3A_1940 : vector<16xi32>
    %select_n3A_1942 = arith.select %eq3A_1941, %broadcast_in_dim3A_3, %gather3A_1870 : vector<16xi1>, vector<16xf32>
    %eq3A_1943 = arith.constant 7 : i32
    %eq3A_1944 = vector.broadcast %eq3A_1943 : i32 to vector<16xi32>
    %eq3A_1945 = arith.cmpi eq, %select_n3A_1914, %eq3A_1944 : vector<16xi32>
    %select_n3A_1946 = arith.select %eq3A_1945, %broadcast_in_dim3A_3, %gather3A_1873 : vector<16xi1>, vector<16xf32>
    %max3A_1947 = arith.maximumf %select_n3A_1918, %select_n3A_1922 : vector<16xf32>
    %max3A_1948 = arith.maximumf %max3A_1947, %select_n3A_1926 : vector<16xf32>
    %max3A_1949 = arith.maximumf %max3A_1948, %select_n3A_1930 : vector<16xf32>
    %max3A_1950 = arith.maximumf %max3A_1949, %select_n3A_1934 : vector<16xf32>
    %max3A_1951 = arith.maximumf %max3A_1950, %select_n3A_1938 : vector<16xf32>
    %max3A_1952 = arith.maximumf %max3A_1951, %select_n3A_1942 : vector<16xf32>
    %max3A_1953 = arith.maximumf %max3A_1952, %select_n3A_1946 : vector<16xf32>
    %broadcast_in_dim3A_1954 = arith.constant 8 : i32
    %broadcast_in_dim3A_1955 = vector.broadcast %broadcast_in_dim3A_1954 : i32 to vector<16xi32>
    %eq3A_1956 = arith.cmpf oeq, %select_n3A_1946, %max3A_1953 : vector<16xf32>
    %broadcast_in_dim3A_1957 = arith.constant 7 : i32
    %broadcast_in_dim3A_1958 = vector.broadcast %broadcast_in_dim3A_1957 : i32 to vector<16xi32>
    %select_n3A_1959 = arith.select %eq3A_1956, %broadcast_in_dim3A_1958, %broadcast_in_dim3A_1955 : vector<16xi1>, vector<16xi32>
    %eq3A_1960 = arith.cmpf oeq, %select_n3A_1942, %max3A_1953 : vector<16xf32>
    %broadcast_in_dim3A_1961 = arith.constant 6 : i32
    %broadcast_in_dim3A_1962 = vector.broadcast %broadcast_in_dim3A_1961 : i32 to vector<16xi32>
    %select_n3A_1963 = arith.select %eq3A_1960, %broadcast_in_dim3A_1962, %select_n3A_1959 : vector<16xi1>, vector<16xi32>
    %eq3A_1964 = arith.cmpf oeq, %select_n3A_1938, %max3A_1953 : vector<16xf32>
    %broadcast_in_dim3A_1965 = arith.constant 5 : i32
    %broadcast_in_dim3A_1966 = vector.broadcast %broadcast_in_dim3A_1965 : i32 to vector<16xi32>
    %select_n3A_1967 = arith.select %eq3A_1964, %broadcast_in_dim3A_1966, %select_n3A_1963 : vector<16xi1>, vector<16xi32>
    %eq3A_1968 = arith.cmpf oeq, %select_n3A_1934, %max3A_1953 : vector<16xf32>
    %broadcast_in_dim3A_1969 = arith.constant 4 : i32
    %broadcast_in_dim3A_1970 = vector.broadcast %broadcast_in_dim3A_1969 : i32 to vector<16xi32>
    %select_n3A_1971 = arith.select %eq3A_1968, %broadcast_in_dim3A_1970, %select_n3A_1967 : vector<16xi1>, vector<16xi32>
    %eq3A_1972 = arith.cmpf oeq, %select_n3A_1930, %max3A_1953 : vector<16xf32>
    %broadcast_in_dim3A_1973 = arith.constant 3 : i32
    %broadcast_in_dim3A_1974 = vector.broadcast %broadcast_in_dim3A_1973 : i32 to vector<16xi32>
    %select_n3A_1975 = arith.select %eq3A_1972, %broadcast_in_dim3A_1974, %select_n3A_1971 : vector<16xi1>, vector<16xi32>
    %eq3A_1976 = arith.cmpf oeq, %select_n3A_1926, %max3A_1953 : vector<16xf32>
    %broadcast_in_dim3A_1977 = arith.constant 2 : i32
    %broadcast_in_dim3A_1978 = vector.broadcast %broadcast_in_dim3A_1977 : i32 to vector<16xi32>
    %select_n3A_1979 = arith.select %eq3A_1976, %broadcast_in_dim3A_1978, %select_n3A_1975 : vector<16xi1>, vector<16xi32>
    %eq3A_1980 = arith.cmpf oeq, %select_n3A_1922, %max3A_1953 : vector<16xf32>
    %broadcast_in_dim3A_1981 = arith.constant 1 : i32
    %broadcast_in_dim3A_1982 = vector.broadcast %broadcast_in_dim3A_1981 : i32 to vector<16xi32>
    %select_n3A_1983 = arith.select %eq3A_1980, %broadcast_in_dim3A_1982, %select_n3A_1979 : vector<16xi1>, vector<16xi32>
    %eq3A_1984 = arith.cmpf oeq, %select_n3A_1918, %max3A_1953 : vector<16xf32>
    %broadcast_in_dim3A_1985 = arith.constant 0 : i32
    %broadcast_in_dim3A_1986 = vector.broadcast %broadcast_in_dim3A_1985 : i32 to vector<16xi32>
    %select_n3A_1987 = arith.select %eq3A_1984, %broadcast_in_dim3A_1986, %select_n3A_1983 : vector<16xi1>, vector<16xi32>
    %broadcast_in_dim3A_1988 = arith.constant 0.000000e+00 : f32
    %broadcast_in_dim3A_1989 = vector.broadcast %broadcast_in_dim3A_1988 : f32 to vector<16xf32>
    %broadcast_in_dim3A_1990 = arith.constant 1.000000e+00 : f32
    %broadcast_in_dim3A_1991 = vector.broadcast %broadcast_in_dim3A_1990 : f32 to vector<16xf32>
    %eq3A_1992 = arith.constant 0 : i32
    %eq3A_1993 = vector.broadcast %eq3A_1992 : i32 to vector<16xi32>
    %eq3A_1994 = arith.cmpi eq, %select_n3A_1914, %eq3A_1993 : vector<16xi32>
    %select_n3A_1995 = arith.select %eq3A_1994, %broadcast_in_dim3A_1991, %broadcast_in_dim3A_1989 : vector<16xi1>, vector<16xf32>
    %add3A_1996 = arith.addf %add3A_1772, %select_n3A_1995 : vector<16xf32>
    %eq3A_1997 = arith.constant 0 : i32
    %eq3A_1998 = vector.broadcast %eq3A_1997 : i32 to vector<16xi32>
    %eq3A_1999 = arith.cmpi eq, %select_n3A_1987, %eq3A_1998 : vector<16xi32>
    %select_n3A_2000 = arith.select %eq3A_1999, %broadcast_in_dim3A_1991, %broadcast_in_dim3A_1989 : vector<16xi1>, vector<16xf32>
    %add3A_2001 = arith.addf %add3A_1996, %select_n3A_2000 : vector<16xf32>
    %eq3A_2002 = arith.constant 1 : i32
    %eq3A_2003 = vector.broadcast %eq3A_2002 : i32 to vector<16xi32>
    %eq3A_2004 = arith.cmpi eq, %select_n3A_1914, %eq3A_2003 : vector<16xi32>
    %select_n3A_2005 = arith.select %eq3A_2004, %broadcast_in_dim3A_1991, %broadcast_in_dim3A_1989 : vector<16xi1>, vector<16xf32>
    %add3A_2006 = arith.addf %add3A_1782, %select_n3A_2005 : vector<16xf32>
    %eq3A_2007 = arith.constant 1 : i32
    %eq3A_2008 = vector.broadcast %eq3A_2007 : i32 to vector<16xi32>
    %eq3A_2009 = arith.cmpi eq, %select_n3A_1987, %eq3A_2008 : vector<16xi32>
    %select_n3A_2010 = arith.select %eq3A_2009, %broadcast_in_dim3A_1991, %broadcast_in_dim3A_1989 : vector<16xi1>, vector<16xf32>
    %add3A_2011 = arith.addf %add3A_2006, %select_n3A_2010 : vector<16xf32>
    %eq3A_2012 = arith.constant 2 : i32
    %eq3A_2013 = vector.broadcast %eq3A_2012 : i32 to vector<16xi32>
    %eq3A_2014 = arith.cmpi eq, %select_n3A_1914, %eq3A_2013 : vector<16xi32>
    %select_n3A_2015 = arith.select %eq3A_2014, %broadcast_in_dim3A_1991, %broadcast_in_dim3A_1989 : vector<16xi1>, vector<16xf32>
    %add3A_2016 = arith.addf %add3A_1792, %select_n3A_2015 : vector<16xf32>
    %eq3A_2017 = arith.constant 2 : i32
    %eq3A_2018 = vector.broadcast %eq3A_2017 : i32 to vector<16xi32>
    %eq3A_2019 = arith.cmpi eq, %select_n3A_1987, %eq3A_2018 : vector<16xi32>
    %select_n3A_2020 = arith.select %eq3A_2019, %broadcast_in_dim3A_1991, %broadcast_in_dim3A_1989 : vector<16xi1>, vector<16xf32>
    %add3A_2021 = arith.addf %add3A_2016, %select_n3A_2020 : vector<16xf32>
    %eq3A_2022 = arith.constant 3 : i32
    %eq3A_2023 = vector.broadcast %eq3A_2022 : i32 to vector<16xi32>
    %eq3A_2024 = arith.cmpi eq, %select_n3A_1914, %eq3A_2023 : vector<16xi32>
    %select_n3A_2025 = arith.select %eq3A_2024, %broadcast_in_dim3A_1991, %broadcast_in_dim3A_1989 : vector<16xi1>, vector<16xf32>
    %add3A_2026 = arith.addf %add3A_1802, %select_n3A_2025 : vector<16xf32>
    %eq3A_2027 = arith.constant 3 : i32
    %eq3A_2028 = vector.broadcast %eq3A_2027 : i32 to vector<16xi32>
    %eq3A_2029 = arith.cmpi eq, %select_n3A_1987, %eq3A_2028 : vector<16xi32>
    %select_n3A_2030 = arith.select %eq3A_2029, %broadcast_in_dim3A_1991, %broadcast_in_dim3A_1989 : vector<16xi1>, vector<16xf32>
    %add3A_2031 = arith.addf %add3A_2026, %select_n3A_2030 : vector<16xf32>
    %eq3A_2032 = arith.constant 4 : i32
    %eq3A_2033 = vector.broadcast %eq3A_2032 : i32 to vector<16xi32>
    %eq3A_2034 = arith.cmpi eq, %select_n3A_1914, %eq3A_2033 : vector<16xi32>
    %select_n3A_2035 = arith.select %eq3A_2034, %broadcast_in_dim3A_1991, %broadcast_in_dim3A_1989 : vector<16xi1>, vector<16xf32>
    %add3A_2036 = arith.addf %add3A_1812, %select_n3A_2035 : vector<16xf32>
    %eq3A_2037 = arith.constant 4 : i32
    %eq3A_2038 = vector.broadcast %eq3A_2037 : i32 to vector<16xi32>
    %eq3A_2039 = arith.cmpi eq, %select_n3A_1987, %eq3A_2038 : vector<16xi32>
    %select_n3A_2040 = arith.select %eq3A_2039, %broadcast_in_dim3A_1991, %broadcast_in_dim3A_1989 : vector<16xi1>, vector<16xf32>
    %add3A_2041 = arith.addf %add3A_2036, %select_n3A_2040 : vector<16xf32>
    %eq3A_2042 = arith.constant 5 : i32
    %eq3A_2043 = vector.broadcast %eq3A_2042 : i32 to vector<16xi32>
    %eq3A_2044 = arith.cmpi eq, %select_n3A_1914, %eq3A_2043 : vector<16xi32>
    %select_n3A_2045 = arith.select %eq3A_2044, %broadcast_in_dim3A_1991, %broadcast_in_dim3A_1989 : vector<16xi1>, vector<16xf32>
    %add3A_2046 = arith.addf %add3A_1822, %select_n3A_2045 : vector<16xf32>
    %eq3A_2047 = arith.constant 5 : i32
    %eq3A_2048 = vector.broadcast %eq3A_2047 : i32 to vector<16xi32>
    %eq3A_2049 = arith.cmpi eq, %select_n3A_1987, %eq3A_2048 : vector<16xi32>
    %select_n3A_2050 = arith.select %eq3A_2049, %broadcast_in_dim3A_1991, %broadcast_in_dim3A_1989 : vector<16xi1>, vector<16xf32>
    %add3A_2051 = arith.addf %add3A_2046, %select_n3A_2050 : vector<16xf32>
    %eq3A_2052 = arith.constant 6 : i32
    %eq3A_2053 = vector.broadcast %eq3A_2052 : i32 to vector<16xi32>
    %eq3A_2054 = arith.cmpi eq, %select_n3A_1914, %eq3A_2053 : vector<16xi32>
    %select_n3A_2055 = arith.select %eq3A_2054, %broadcast_in_dim3A_1991, %broadcast_in_dim3A_1989 : vector<16xi1>, vector<16xf32>
    %add3A_2056 = arith.addf %add3A_1832, %select_n3A_2055 : vector<16xf32>
    %eq3A_2057 = arith.constant 6 : i32
    %eq3A_2058 = vector.broadcast %eq3A_2057 : i32 to vector<16xi32>
    %eq3A_2059 = arith.cmpi eq, %select_n3A_1987, %eq3A_2058 : vector<16xi32>
    %select_n3A_2060 = arith.select %eq3A_2059, %broadcast_in_dim3A_1991, %broadcast_in_dim3A_1989 : vector<16xi1>, vector<16xf32>
    %add3A_2061 = arith.addf %add3A_2056, %select_n3A_2060 : vector<16xf32>
    %eq3A_2062 = arith.constant 7 : i32
    %eq3A_2063 = vector.broadcast %eq3A_2062 : i32 to vector<16xi32>
    %eq3A_2064 = arith.cmpi eq, %select_n3A_1914, %eq3A_2063 : vector<16xi32>
    %select_n3A_2065 = arith.select %eq3A_2064, %broadcast_in_dim3A_1991, %broadcast_in_dim3A_1989 : vector<16xi1>, vector<16xf32>
    %add3A_2066 = arith.addf %add3A_1842, %select_n3A_2065 : vector<16xf32>
    %eq3A_2067 = arith.constant 7 : i32
    %eq3A_2068 = vector.broadcast %eq3A_2067 : i32 to vector<16xi32>
    %eq3A_2069 = arith.cmpi eq, %select_n3A_1987, %eq3A_2068 : vector<16xi32>
    %select_n3A_2070 = arith.select %eq3A_2069, %broadcast_in_dim3A_1991, %broadcast_in_dim3A_1989 : vector<16xi1>, vector<16xf32>
    %add3A_2071 = arith.addf %add3A_2066, %select_n3A_2070 : vector<16xf32>
    %swap3A_2072 = arith.constant 128 : index
    %swap3A_2073 = tpu.vector_load %arg6[%swap3A_2072] {strides = array<i32>} : memref<256xi32, #tpu.memory_space<vmem>>, vector<16xi32>,
    tpu.vector_store %arg6[%swap3A_2072], %select_n3A_1914 {strides = array<i32>} : memref<256xi32, #tpu.memory_space<vmem>>, vector<16xi32>,
    %swap3A_2074 = arith.constant 128 : index
    %swap3A_2075 = tpu.vector_load %arg7[%swap3A_2074] {strides = array<i32>} : memref<256xi32, #tpu.memory_space<vmem>>, vector<16xi32>,
    tpu.vector_store %arg7[%swap3A_2074], %select_n3A_1987 {strides = array<i32>} : memref<256xi32, #tpu.memory_space<vmem>>, vector<16xi32>,
    %broadcast_in_dim3A_2076 = arith.constant 144 : i32
    %broadcast_in_dim3A_2077 = vector.broadcast %broadcast_in_dim3A_2076 : i32 to vector<16xi32>
    %add3A_2078 = arith.addi %broadcast_in_dim3A_2077, %iota3A : vector<16xi32>
    %broadcast_in_dim3A_2079 = arith.constant 0 : i32
    %broadcast_in_dim3A_2080 = vector.broadcast %broadcast_in_dim3A_2079 : i32 to vector<16xi32>
    %gather3A_2081 = tpu.vector_load_idx %arg5[%add3A_2078, %broadcast_in_dim3A_2080] : memref<256x8xf32, #tpu.memory_space<vmem>>[vector<16xi32>, vector<16xi32>], vector<16xf32>,
    %broadcast_in_dim3A_2082 = arith.constant 1 : i32
    %broadcast_in_dim3A_2083 = vector.broadcast %broadcast_in_dim3A_2082 : i32 to vector<16xi32>
    %gather3A_2084 = tpu.vector_load_idx %arg5[%add3A_2078, %broadcast_in_dim3A_2083] : memref<256x8xf32, #tpu.memory_space<vmem>>[vector<16xi32>, vector<16xi32>], vector<16xf32>,
    %broadcast_in_dim3A_2085 = arith.constant 2 : i32
    %broadcast_in_dim3A_2086 = vector.broadcast %broadcast_in_dim3A_2085 : i32 to vector<16xi32>
    %gather3A_2087 = tpu.vector_load_idx %arg5[%add3A_2078, %broadcast_in_dim3A_2086] : memref<256x8xf32, #tpu.memory_space<vmem>>[vector<16xi32>, vector<16xi32>], vector<16xf32>,
    %broadcast_in_dim3A_2088 = arith.constant 3 : i32
    %broadcast_in_dim3A_2089 = vector.broadcast %broadcast_in_dim3A_2088 : i32 to vector<16xi32>
    %gather3A_2090 = tpu.vector_load_idx %arg5[%add3A_2078, %broadcast_in_dim3A_2089] : memref<256x8xf32, #tpu.memory_space<vmem>>[vector<16xi32>, vector<16xi32>], vector<16xf32>,
    %broadcast_in_dim3A_2091 = arith.constant 4 : i32
    %broadcast_in_dim3A_2092 = vector.broadcast %broadcast_in_dim3A_2091 : i32 to vector<16xi32>
    %gather3A_2093 = tpu.vector_load_idx %arg5[%add3A_2078, %broadcast_in_dim3A_2092] : memref<256x8xf32, #tpu.memory_space<vmem>>[vector<16xi32>, vector<16xi32>], vector<16xf32>,
    %broadcast_in_dim3A_2094 = arith.constant 5 : i32
    %broadcast_in_dim3A_2095 = vector.broadcast %broadcast_in_dim3A_2094 : i32 to vector<16xi32>
    %gather3A_2096 = tpu.vector_load_idx %arg5[%add3A_2078, %broadcast_in_dim3A_2095] : memref<256x8xf32, #tpu.memory_space<vmem>>[vector<16xi32>, vector<16xi32>], vector<16xf32>,
    %broadcast_in_dim3A_2097 = arith.constant 6 : i32
    %broadcast_in_dim3A_2098 = vector.broadcast %broadcast_in_dim3A_2097 : i32 to vector<16xi32>
    %gather3A_2099 = tpu.vector_load_idx %arg5[%add3A_2078, %broadcast_in_dim3A_2098] : memref<256x8xf32, #tpu.memory_space<vmem>>[vector<16xi32>, vector<16xi32>], vector<16xf32>,
    %broadcast_in_dim3A_2100 = arith.constant 7 : i32
    %broadcast_in_dim3A_2101 = vector.broadcast %broadcast_in_dim3A_2100 : i32 to vector<16xi32>
    %gather3A_2102 = tpu.vector_load_idx %arg5[%add3A_2078, %broadcast_in_dim3A_2101] : memref<256x8xf32, #tpu.memory_space<vmem>>[vector<16xi32>, vector<16xi32>], vector<16xf32>,
    %max3A_2103 = arith.maximumf %gather3A_2081, %gather3A_2084 : vector<16xf32>
    %max3A_2104 = arith.maximumf %max3A_2103, %gather3A_2087 : vector<16xf32>
    %max3A_2105 = arith.maximumf %max3A_2104, %gather3A_2090 : vector<16xf32>
    %max3A_2106 = arith.maximumf %max3A_2105, %gather3A_2093 : vector<16xf32>
    %max3A_2107 = arith.maximumf %max3A_2106, %gather3A_2096 : vector<16xf32>
    %max3A_2108 = arith.maximumf %max3A_2107, %gather3A_2099 : vector<16xf32>
    %max3A_2109 = arith.maximumf %max3A_2108, %gather3A_2102 : vector<16xf32>
    %broadcast_in_dim3A_2110 = arith.constant 8 : i32
    %broadcast_in_dim3A_2111 = vector.broadcast %broadcast_in_dim3A_2110 : i32 to vector<16xi32>
    %eq3A_2112 = arith.cmpf oeq, %gather3A_2102, %max3A_2109 : vector<16xf32>
    %broadcast_in_dim3A_2113 = arith.constant 7 : i32
    %broadcast_in_dim3A_2114 = vector.broadcast %broadcast_in_dim3A_2113 : i32 to vector<16xi32>
    %select_n3A_2115 = arith.select %eq3A_2112, %broadcast_in_dim3A_2114, %broadcast_in_dim3A_2111 : vector<16xi1>, vector<16xi32>
    %eq3A_2116 = arith.cmpf oeq, %gather3A_2099, %max3A_2109 : vector<16xf32>
    %broadcast_in_dim3A_2117 = arith.constant 6 : i32
    %broadcast_in_dim3A_2118 = vector.broadcast %broadcast_in_dim3A_2117 : i32 to vector<16xi32>
    %select_n3A_2119 = arith.select %eq3A_2116, %broadcast_in_dim3A_2118, %select_n3A_2115 : vector<16xi1>, vector<16xi32>
    %eq3A_2120 = arith.cmpf oeq, %gather3A_2096, %max3A_2109 : vector<16xf32>
    %broadcast_in_dim3A_2121 = arith.constant 5 : i32
    %broadcast_in_dim3A_2122 = vector.broadcast %broadcast_in_dim3A_2121 : i32 to vector<16xi32>
    %select_n3A_2123 = arith.select %eq3A_2120, %broadcast_in_dim3A_2122, %select_n3A_2119 : vector<16xi1>, vector<16xi32>
    %eq3A_2124 = arith.cmpf oeq, %gather3A_2093, %max3A_2109 : vector<16xf32>
    %broadcast_in_dim3A_2125 = arith.constant 4 : i32
    %broadcast_in_dim3A_2126 = vector.broadcast %broadcast_in_dim3A_2125 : i32 to vector<16xi32>
    %select_n3A_2127 = arith.select %eq3A_2124, %broadcast_in_dim3A_2126, %select_n3A_2123 : vector<16xi1>, vector<16xi32>
    %eq3A_2128 = arith.cmpf oeq, %gather3A_2090, %max3A_2109 : vector<16xf32>
    %broadcast_in_dim3A_2129 = arith.constant 3 : i32
    %broadcast_in_dim3A_2130 = vector.broadcast %broadcast_in_dim3A_2129 : i32 to vector<16xi32>
    %select_n3A_2131 = arith.select %eq3A_2128, %broadcast_in_dim3A_2130, %select_n3A_2127 : vector<16xi1>, vector<16xi32>
    %eq3A_2132 = arith.cmpf oeq, %gather3A_2087, %max3A_2109 : vector<16xf32>
    %broadcast_in_dim3A_2133 = arith.constant 2 : i32
    %broadcast_in_dim3A_2134 = vector.broadcast %broadcast_in_dim3A_2133 : i32 to vector<16xi32>
    %select_n3A_2135 = arith.select %eq3A_2132, %broadcast_in_dim3A_2134, %select_n3A_2131 : vector<16xi1>, vector<16xi32>
    %eq3A_2136 = arith.cmpf oeq, %gather3A_2084, %max3A_2109 : vector<16xf32>
    %broadcast_in_dim3A_2137 = arith.constant 1 : i32
    %broadcast_in_dim3A_2138 = vector.broadcast %broadcast_in_dim3A_2137 : i32 to vector<16xi32>
    %select_n3A_2139 = arith.select %eq3A_2136, %broadcast_in_dim3A_2138, %select_n3A_2135 : vector<16xi1>, vector<16xi32>
    %eq3A_2140 = arith.cmpf oeq, %gather3A_2081, %max3A_2109 : vector<16xf32>
    %broadcast_in_dim3A_2141 = arith.constant 0 : i32
    %broadcast_in_dim3A_2142 = vector.broadcast %broadcast_in_dim3A_2141 : i32 to vector<16xi32>
    %select_n3A_2143 = arith.select %eq3A_2140, %broadcast_in_dim3A_2142, %select_n3A_2139 : vector<16xi1>, vector<16xi32>
    %eq3A_2144 = arith.constant 0 : i32
    %eq3A_2145 = vector.broadcast %eq3A_2144 : i32 to vector<16xi32>
    %eq3A_2146 = arith.cmpi eq, %select_n3A_2143, %eq3A_2145 : vector<16xi32>
    %select_n3A_2147 = arith.select %eq3A_2146, %broadcast_in_dim3A_3, %gather3A_2081 : vector<16xi1>, vector<16xf32>
    %eq3A_2148 = arith.constant 1 : i32
    %eq3A_2149 = vector.broadcast %eq3A_2148 : i32 to vector<16xi32>
    %eq3A_2150 = arith.cmpi eq, %select_n3A_2143, %eq3A_2149 : vector<16xi32>
    %select_n3A_2151 = arith.select %eq3A_2150, %broadcast_in_dim3A_3, %gather3A_2084 : vector<16xi1>, vector<16xf32>
    %eq3A_2152 = arith.constant 2 : i32
    %eq3A_2153 = vector.broadcast %eq3A_2152 : i32 to vector<16xi32>
    %eq3A_2154 = arith.cmpi eq, %select_n3A_2143, %eq3A_2153 : vector<16xi32>
    %select_n3A_2155 = arith.select %eq3A_2154, %broadcast_in_dim3A_3, %gather3A_2087 : vector<16xi1>, vector<16xf32>
    %eq3A_2156 = arith.constant 3 : i32
    %eq3A_2157 = vector.broadcast %eq3A_2156 : i32 to vector<16xi32>
    %eq3A_2158 = arith.cmpi eq, %select_n3A_2143, %eq3A_2157 : vector<16xi32>
    %select_n3A_2159 = arith.select %eq3A_2158, %broadcast_in_dim3A_3, %gather3A_2090 : vector<16xi1>, vector<16xf32>
    %eq3A_2160 = arith.constant 4 : i32
    %eq3A_2161 = vector.broadcast %eq3A_2160 : i32 to vector<16xi32>
    %eq3A_2162 = arith.cmpi eq, %select_n3A_2143, %eq3A_2161 : vector<16xi32>
    %select_n3A_2163 = arith.select %eq3A_2162, %broadcast_in_dim3A_3, %gather3A_2093 : vector<16xi1>, vector<16xf32>
    %eq3A_2164 = arith.constant 5 : i32
    %eq3A_2165 = vector.broadcast %eq3A_2164 : i32 to vector<16xi32>
    %eq3A_2166 = arith.cmpi eq, %select_n3A_2143, %eq3A_2165 : vector<16xi32>
    %select_n3A_2167 = arith.select %eq3A_2166, %broadcast_in_dim3A_3, %gather3A_2096 : vector<16xi1>, vector<16xf32>
    %eq3A_2168 = arith.constant 6 : i32
    %eq3A_2169 = vector.broadcast %eq3A_2168 : i32 to vector<16xi32>
    %eq3A_2170 = arith.cmpi eq, %select_n3A_2143, %eq3A_2169 : vector<16xi32>
    %select_n3A_2171 = arith.select %eq3A_2170, %broadcast_in_dim3A_3, %gather3A_2099 : vector<16xi1>, vector<16xf32>
    %eq3A_2172 = arith.constant 7 : i32
    %eq3A_2173 = vector.broadcast %eq3A_2172 : i32 to vector<16xi32>
    %eq3A_2174 = arith.cmpi eq, %select_n3A_2143, %eq3A_2173 : vector<16xi32>
    %select_n3A_2175 = arith.select %eq3A_2174, %broadcast_in_dim3A_3, %gather3A_2102 : vector<16xi1>, vector<16xf32>
    %max3A_2176 = arith.maximumf %select_n3A_2147, %select_n3A_2151 : vector<16xf32>
    %max3A_2177 = arith.maximumf %max3A_2176, %select_n3A_2155 : vector<16xf32>
    %max3A_2178 = arith.maximumf %max3A_2177, %select_n3A_2159 : vector<16xf32>
    %max3A_2179 = arith.maximumf %max3A_2178, %select_n3A_2163 : vector<16xf32>
    %max3A_2180 = arith.maximumf %max3A_2179, %select_n3A_2167 : vector<16xf32>
    %max3A_2181 = arith.maximumf %max3A_2180, %select_n3A_2171 : vector<16xf32>
    %max3A_2182 = arith.maximumf %max3A_2181, %select_n3A_2175 : vector<16xf32>
    %broadcast_in_dim3A_2183 = arith.constant 8 : i32
    %broadcast_in_dim3A_2184 = vector.broadcast %broadcast_in_dim3A_2183 : i32 to vector<16xi32>
    %eq3A_2185 = arith.cmpf oeq, %select_n3A_2175, %max3A_2182 : vector<16xf32>
    %broadcast_in_dim3A_2186 = arith.constant 7 : i32
    %broadcast_in_dim3A_2187 = vector.broadcast %broadcast_in_dim3A_2186 : i32 to vector<16xi32>
    %select_n3A_2188 = arith.select %eq3A_2185, %broadcast_in_dim3A_2187, %broadcast_in_dim3A_2184 : vector<16xi1>, vector<16xi32>
    %eq3A_2189 = arith.cmpf oeq, %select_n3A_2171, %max3A_2182 : vector<16xf32>
    %broadcast_in_dim3A_2190 = arith.constant 6 : i32
    %broadcast_in_dim3A_2191 = vector.broadcast %broadcast_in_dim3A_2190 : i32 to vector<16xi32>
    %select_n3A_2192 = arith.select %eq3A_2189, %broadcast_in_dim3A_2191, %select_n3A_2188 : vector<16xi1>, vector<16xi32>
    %eq3A_2193 = arith.cmpf oeq, %select_n3A_2167, %max3A_2182 : vector<16xf32>
    %broadcast_in_dim3A_2194 = arith.constant 5 : i32
    %broadcast_in_dim3A_2195 = vector.broadcast %broadcast_in_dim3A_2194 : i32 to vector<16xi32>
    %select_n3A_2196 = arith.select %eq3A_2193, %broadcast_in_dim3A_2195, %select_n3A_2192 : vector<16xi1>, vector<16xi32>
    %eq3A_2197 = arith.cmpf oeq, %select_n3A_2163, %max3A_2182 : vector<16xf32>
    %broadcast_in_dim3A_2198 = arith.constant 4 : i32
    %broadcast_in_dim3A_2199 = vector.broadcast %broadcast_in_dim3A_2198 : i32 to vector<16xi32>
    %select_n3A_2200 = arith.select %eq3A_2197, %broadcast_in_dim3A_2199, %select_n3A_2196 : vector<16xi1>, vector<16xi32>
    %eq3A_2201 = arith.cmpf oeq, %select_n3A_2159, %max3A_2182 : vector<16xf32>
    %broadcast_in_dim3A_2202 = arith.constant 3 : i32
    %broadcast_in_dim3A_2203 = vector.broadcast %broadcast_in_dim3A_2202 : i32 to vector<16xi32>
    %select_n3A_2204 = arith.select %eq3A_2201, %broadcast_in_dim3A_2203, %select_n3A_2200 : vector<16xi1>, vector<16xi32>
    %eq3A_2205 = arith.cmpf oeq, %select_n3A_2155, %max3A_2182 : vector<16xf32>
    %broadcast_in_dim3A_2206 = arith.constant 2 : i32
    %broadcast_in_dim3A_2207 = vector.broadcast %broadcast_in_dim3A_2206 : i32 to vector<16xi32>
    %select_n3A_2208 = arith.select %eq3A_2205, %broadcast_in_dim3A_2207, %select_n3A_2204 : vector<16xi1>, vector<16xi32>
    %eq3A_2209 = arith.cmpf oeq, %select_n3A_2151, %max3A_2182 : vector<16xf32>
    %broadcast_in_dim3A_2210 = arith.constant 1 : i32
    %broadcast_in_dim3A_2211 = vector.broadcast %broadcast_in_dim3A_2210 : i32 to vector<16xi32>
    %select_n3A_2212 = arith.select %eq3A_2209, %broadcast_in_dim3A_2211, %select_n3A_2208 : vector<16xi1>, vector<16xi32>
    %eq3A_2213 = arith.cmpf oeq, %select_n3A_2147, %max3A_2182 : vector<16xf32>
    %broadcast_in_dim3A_2214 = arith.constant 0 : i32
    %broadcast_in_dim3A_2215 = vector.broadcast %broadcast_in_dim3A_2214 : i32 to vector<16xi32>
    %select_n3A_2216 = arith.select %eq3A_2213, %broadcast_in_dim3A_2215, %select_n3A_2212 : vector<16xi1>, vector<16xi32>
    %broadcast_in_dim3A_2217 = arith.constant 0.000000e+00 : f32
    %broadcast_in_dim3A_2218 = vector.broadcast %broadcast_in_dim3A_2217 : f32 to vector<16xf32>
    %broadcast_in_dim3A_2219 = arith.constant 1.000000e+00 : f32
    %broadcast_in_dim3A_2220 = vector.broadcast %broadcast_in_dim3A_2219 : f32 to vector<16xf32>
    %eq3A_2221 = arith.constant 0 : i32
    %eq3A_2222 = vector.broadcast %eq3A_2221 : i32 to vector<16xi32>
    %eq3A_2223 = arith.cmpi eq, %select_n3A_2143, %eq3A_2222 : vector<16xi32>
    %select_n3A_2224 = arith.select %eq3A_2223, %broadcast_in_dim3A_2220, %broadcast_in_dim3A_2218 : vector<16xi1>, vector<16xf32>
    %add3A_2225 = arith.addf %add3A_2001, %select_n3A_2224 : vector<16xf32>
    %eq3A_2226 = arith.constant 0 : i32
    %eq3A_2227 = vector.broadcast %eq3A_2226 : i32 to vector<16xi32>
    %eq3A_2228 = arith.cmpi eq, %select_n3A_2216, %eq3A_2227 : vector<16xi32>
    %select_n3A_2229 = arith.select %eq3A_2228, %broadcast_in_dim3A_2220, %broadcast_in_dim3A_2218 : vector<16xi1>, vector<16xf32>
    %add3A_2230 = arith.addf %add3A_2225, %select_n3A_2229 : vector<16xf32>
    %eq3A_2231 = arith.constant 1 : i32
    %eq3A_2232 = vector.broadcast %eq3A_2231 : i32 to vector<16xi32>
    %eq3A_2233 = arith.cmpi eq, %select_n3A_2143, %eq3A_2232 : vector<16xi32>
    %select_n3A_2234 = arith.select %eq3A_2233, %broadcast_in_dim3A_2220, %broadcast_in_dim3A_2218 : vector<16xi1>, vector<16xf32>
    %add3A_2235 = arith.addf %add3A_2011, %select_n3A_2234 : vector<16xf32>
    %eq3A_2236 = arith.constant 1 : i32
    %eq3A_2237 = vector.broadcast %eq3A_2236 : i32 to vector<16xi32>
    %eq3A_2238 = arith.cmpi eq, %select_n3A_2216, %eq3A_2237 : vector<16xi32>
    %select_n3A_2239 = arith.select %eq3A_2238, %broadcast_in_dim3A_2220, %broadcast_in_dim3A_2218 : vector<16xi1>, vector<16xf32>
    %add3A_2240 = arith.addf %add3A_2235, %select_n3A_2239 : vector<16xf32>
    %eq3A_2241 = arith.constant 2 : i32
    %eq3A_2242 = vector.broadcast %eq3A_2241 : i32 to vector<16xi32>
    %eq3A_2243 = arith.cmpi eq, %select_n3A_2143, %eq3A_2242 : vector<16xi32>
    %select_n3A_2244 = arith.select %eq3A_2243, %broadcast_in_dim3A_2220, %broadcast_in_dim3A_2218 : vector<16xi1>, vector<16xf32>
    %add3A_2245 = arith.addf %add3A_2021, %select_n3A_2244 : vector<16xf32>
    %eq3A_2246 = arith.constant 2 : i32
    %eq3A_2247 = vector.broadcast %eq3A_2246 : i32 to vector<16xi32>
    %eq3A_2248 = arith.cmpi eq, %select_n3A_2216, %eq3A_2247 : vector<16xi32>
    %select_n3A_2249 = arith.select %eq3A_2248, %broadcast_in_dim3A_2220, %broadcast_in_dim3A_2218 : vector<16xi1>, vector<16xf32>
    %add3A_2250 = arith.addf %add3A_2245, %select_n3A_2249 : vector<16xf32>
    %eq3A_2251 = arith.constant 3 : i32
    %eq3A_2252 = vector.broadcast %eq3A_2251 : i32 to vector<16xi32>
    %eq3A_2253 = arith.cmpi eq, %select_n3A_2143, %eq3A_2252 : vector<16xi32>
    %select_n3A_2254 = arith.select %eq3A_2253, %broadcast_in_dim3A_2220, %broadcast_in_dim3A_2218 : vector<16xi1>, vector<16xf32>
    %add3A_2255 = arith.addf %add3A_2031, %select_n3A_2254 : vector<16xf32>
    %eq3A_2256 = arith.constant 3 : i32
    %eq3A_2257 = vector.broadcast %eq3A_2256 : i32 to vector<16xi32>
    %eq3A_2258 = arith.cmpi eq, %select_n3A_2216, %eq3A_2257 : vector<16xi32>
    %select_n3A_2259 = arith.select %eq3A_2258, %broadcast_in_dim3A_2220, %broadcast_in_dim3A_2218 : vector<16xi1>, vector<16xf32>
    %add3A_2260 = arith.addf %add3A_2255, %select_n3A_2259 : vector<16xf32>
    %eq3A_2261 = arith.constant 4 : i32
    %eq3A_2262 = vector.broadcast %eq3A_2261 : i32 to vector<16xi32>
    %eq3A_2263 = arith.cmpi eq, %select_n3A_2143, %eq3A_2262 : vector<16xi32>
    %select_n3A_2264 = arith.select %eq3A_2263, %broadcast_in_dim3A_2220, %broadcast_in_dim3A_2218 : vector<16xi1>, vector<16xf32>
    %add3A_2265 = arith.addf %add3A_2041, %select_n3A_2264 : vector<16xf32>
    %eq3A_2266 = arith.constant 4 : i32
    %eq3A_2267 = vector.broadcast %eq3A_2266 : i32 to vector<16xi32>
    %eq3A_2268 = arith.cmpi eq, %select_n3A_2216, %eq3A_2267 : vector<16xi32>
    %select_n3A_2269 = arith.select %eq3A_2268, %broadcast_in_dim3A_2220, %broadcast_in_dim3A_2218 : vector<16xi1>, vector<16xf32>
    %add3A_2270 = arith.addf %add3A_2265, %select_n3A_2269 : vector<16xf32>
    %eq3A_2271 = arith.constant 5 : i32
    %eq3A_2272 = vector.broadcast %eq3A_2271 : i32 to vector<16xi32>
    %eq3A_2273 = arith.cmpi eq, %select_n3A_2143, %eq3A_2272 : vector<16xi32>
    %select_n3A_2274 = arith.select %eq3A_2273, %broadcast_in_dim3A_2220, %broadcast_in_dim3A_2218 : vector<16xi1>, vector<16xf32>
    %add3A_2275 = arith.addf %add3A_2051, %select_n3A_2274 : vector<16xf32>
    %eq3A_2276 = arith.constant 5 : i32
    %eq3A_2277 = vector.broadcast %eq3A_2276 : i32 to vector<16xi32>
    %eq3A_2278 = arith.cmpi eq, %select_n3A_2216, %eq3A_2277 : vector<16xi32>
    %select_n3A_2279 = arith.select %eq3A_2278, %broadcast_in_dim3A_2220, %broadcast_in_dim3A_2218 : vector<16xi1>, vector<16xf32>
    %add3A_2280 = arith.addf %add3A_2275, %select_n3A_2279 : vector<16xf32>
    %eq3A_2281 = arith.constant 6 : i32
    %eq3A_2282 = vector.broadcast %eq3A_2281 : i32 to vector<16xi32>
    %eq3A_2283 = arith.cmpi eq, %select_n3A_2143, %eq3A_2282 : vector<16xi32>
    %select_n3A_2284 = arith.select %eq3A_2283, %broadcast_in_dim3A_2220, %broadcast_in_dim3A_2218 : vector<16xi1>, vector<16xf32>
    %add3A_2285 = arith.addf %add3A_2061, %select_n3A_2284 : vector<16xf32>
    %eq3A_2286 = arith.constant 6 : i32
    %eq3A_2287 = vector.broadcast %eq3A_2286 : i32 to vector<16xi32>
    %eq3A_2288 = arith.cmpi eq, %select_n3A_2216, %eq3A_2287 : vector<16xi32>
    %select_n3A_2289 = arith.select %eq3A_2288, %broadcast_in_dim3A_2220, %broadcast_in_dim3A_2218 : vector<16xi1>, vector<16xf32>
    %add3A_2290 = arith.addf %add3A_2285, %select_n3A_2289 : vector<16xf32>
    %eq3A_2291 = arith.constant 7 : i32
    %eq3A_2292 = vector.broadcast %eq3A_2291 : i32 to vector<16xi32>
    %eq3A_2293 = arith.cmpi eq, %select_n3A_2143, %eq3A_2292 : vector<16xi32>
    %select_n3A_2294 = arith.select %eq3A_2293, %broadcast_in_dim3A_2220, %broadcast_in_dim3A_2218 : vector<16xi1>, vector<16xf32>
    %add3A_2295 = arith.addf %add3A_2071, %select_n3A_2294 : vector<16xf32>
    %eq3A_2296 = arith.constant 7 : i32
    %eq3A_2297 = vector.broadcast %eq3A_2296 : i32 to vector<16xi32>
    %eq3A_2298 = arith.cmpi eq, %select_n3A_2216, %eq3A_2297 : vector<16xi32>
    %select_n3A_2299 = arith.select %eq3A_2298, %broadcast_in_dim3A_2220, %broadcast_in_dim3A_2218 : vector<16xi1>, vector<16xf32>
    %add3A_2300 = arith.addf %add3A_2295, %select_n3A_2299 : vector<16xf32>
    %swap3A_2301 = arith.constant 144 : index
    %swap3A_2302 = tpu.vector_load %arg6[%swap3A_2301] {strides = array<i32>} : memref<256xi32, #tpu.memory_space<vmem>>, vector<16xi32>,
    tpu.vector_store %arg6[%swap3A_2301], %select_n3A_2143 {strides = array<i32>} : memref<256xi32, #tpu.memory_space<vmem>>, vector<16xi32>,
    %swap3A_2303 = arith.constant 144 : index
    %swap3A_2304 = tpu.vector_load %arg7[%swap3A_2303] {strides = array<i32>} : memref<256xi32, #tpu.memory_space<vmem>>, vector<16xi32>,
    tpu.vector_store %arg7[%swap3A_2303], %select_n3A_2216 {strides = array<i32>} : memref<256xi32, #tpu.memory_space<vmem>>, vector<16xi32>,
    %broadcast_in_dim3A_2305 = arith.constant 160 : i32
    %broadcast_in_dim3A_2306 = vector.broadcast %broadcast_in_dim3A_2305 : i32 to vector<16xi32>
    %add3A_2307 = arith.addi %broadcast_in_dim3A_2306, %iota3A : vector<16xi32>
    %broadcast_in_dim3A_2308 = arith.constant 0 : i32
    %broadcast_in_dim3A_2309 = vector.broadcast %broadcast_in_dim3A_2308 : i32 to vector<16xi32>
    %gather3A_2310 = tpu.vector_load_idx %arg5[%add3A_2307, %broadcast_in_dim3A_2309] : memref<256x8xf32, #tpu.memory_space<vmem>>[vector<16xi32>, vector<16xi32>], vector<16xf32>,
    %broadcast_in_dim3A_2311 = arith.constant 1 : i32
    %broadcast_in_dim3A_2312 = vector.broadcast %broadcast_in_dim3A_2311 : i32 to vector<16xi32>
    %gather3A_2313 = tpu.vector_load_idx %arg5[%add3A_2307, %broadcast_in_dim3A_2312] : memref<256x8xf32, #tpu.memory_space<vmem>>[vector<16xi32>, vector<16xi32>], vector<16xf32>,
    %broadcast_in_dim3A_2314 = arith.constant 2 : i32
    %broadcast_in_dim3A_2315 = vector.broadcast %broadcast_in_dim3A_2314 : i32 to vector<16xi32>
    %gather3A_2316 = tpu.vector_load_idx %arg5[%add3A_2307, %broadcast_in_dim3A_2315] : memref<256x8xf32, #tpu.memory_space<vmem>>[vector<16xi32>, vector<16xi32>], vector<16xf32>,
    %broadcast_in_dim3A_2317 = arith.constant 3 : i32
    %broadcast_in_dim3A_2318 = vector.broadcast %broadcast_in_dim3A_2317 : i32 to vector<16xi32>
    %gather3A_2319 = tpu.vector_load_idx %arg5[%add3A_2307, %broadcast_in_dim3A_2318] : memref<256x8xf32, #tpu.memory_space<vmem>>[vector<16xi32>, vector<16xi32>], vector<16xf32>,
    %broadcast_in_dim3A_2320 = arith.constant 4 : i32
    %broadcast_in_dim3A_2321 = vector.broadcast %broadcast_in_dim3A_2320 : i32 to vector<16xi32>
    %gather3A_2322 = tpu.vector_load_idx %arg5[%add3A_2307, %broadcast_in_dim3A_2321] : memref<256x8xf32, #tpu.memory_space<vmem>>[vector<16xi32>, vector<16xi32>], vector<16xf32>,
    %broadcast_in_dim3A_2323 = arith.constant 5 : i32
    %broadcast_in_dim3A_2324 = vector.broadcast %broadcast_in_dim3A_2323 : i32 to vector<16xi32>
    %gather3A_2325 = tpu.vector_load_idx %arg5[%add3A_2307, %broadcast_in_dim3A_2324] : memref<256x8xf32, #tpu.memory_space<vmem>>[vector<16xi32>, vector<16xi32>], vector<16xf32>,
    %broadcast_in_dim3A_2326 = arith.constant 6 : i32
    %broadcast_in_dim3A_2327 = vector.broadcast %broadcast_in_dim3A_2326 : i32 to vector<16xi32>
    %gather3A_2328 = tpu.vector_load_idx %arg5[%add3A_2307, %broadcast_in_dim3A_2327] : memref<256x8xf32, #tpu.memory_space<vmem>>[vector<16xi32>, vector<16xi32>], vector<16xf32>,
    %broadcast_in_dim3A_2329 = arith.constant 7 : i32
    %broadcast_in_dim3A_2330 = vector.broadcast %broadcast_in_dim3A_2329 : i32 to vector<16xi32>
    %gather3A_2331 = tpu.vector_load_idx %arg5[%add3A_2307, %broadcast_in_dim3A_2330] : memref<256x8xf32, #tpu.memory_space<vmem>>[vector<16xi32>, vector<16xi32>], vector<16xf32>,
    %max3A_2332 = arith.maximumf %gather3A_2310, %gather3A_2313 : vector<16xf32>
    %max3A_2333 = arith.maximumf %max3A_2332, %gather3A_2316 : vector<16xf32>
    %max3A_2334 = arith.maximumf %max3A_2333, %gather3A_2319 : vector<16xf32>
    %max3A_2335 = arith.maximumf %max3A_2334, %gather3A_2322 : vector<16xf32>
    %max3A_2336 = arith.maximumf %max3A_2335, %gather3A_2325 : vector<16xf32>
    %max3A_2337 = arith.maximumf %max3A_2336, %gather3A_2328 : vector<16xf32>
    %max3A_2338 = arith.maximumf %max3A_2337, %gather3A_2331 : vector<16xf32>
    %broadcast_in_dim3A_2339 = arith.constant 8 : i32
    %broadcast_in_dim3A_2340 = vector.broadcast %broadcast_in_dim3A_2339 : i32 to vector<16xi32>
    %eq3A_2341 = arith.cmpf oeq, %gather3A_2331, %max3A_2338 : vector<16xf32>
    %broadcast_in_dim3A_2342 = arith.constant 7 : i32
    %broadcast_in_dim3A_2343 = vector.broadcast %broadcast_in_dim3A_2342 : i32 to vector<16xi32>
    %select_n3A_2344 = arith.select %eq3A_2341, %broadcast_in_dim3A_2343, %broadcast_in_dim3A_2340 : vector<16xi1>, vector<16xi32>
    %eq3A_2345 = arith.cmpf oeq, %gather3A_2328, %max3A_2338 : vector<16xf32>
    %broadcast_in_dim3A_2346 = arith.constant 6 : i32
    %broadcast_in_dim3A_2347 = vector.broadcast %broadcast_in_dim3A_2346 : i32 to vector<16xi32>
    %select_n3A_2348 = arith.select %eq3A_2345, %broadcast_in_dim3A_2347, %select_n3A_2344 : vector<16xi1>, vector<16xi32>
    %eq3A_2349 = arith.cmpf oeq, %gather3A_2325, %max3A_2338 : vector<16xf32>
    %broadcast_in_dim3A_2350 = arith.constant 5 : i32
    %broadcast_in_dim3A_2351 = vector.broadcast %broadcast_in_dim3A_2350 : i32 to vector<16xi32>
    %select_n3A_2352 = arith.select %eq3A_2349, %broadcast_in_dim3A_2351, %select_n3A_2348 : vector<16xi1>, vector<16xi32>
    %eq3A_2353 = arith.cmpf oeq, %gather3A_2322, %max3A_2338 : vector<16xf32>
    %broadcast_in_dim3A_2354 = arith.constant 4 : i32
    %broadcast_in_dim3A_2355 = vector.broadcast %broadcast_in_dim3A_2354 : i32 to vector<16xi32>
    %select_n3A_2356 = arith.select %eq3A_2353, %broadcast_in_dim3A_2355, %select_n3A_2352 : vector<16xi1>, vector<16xi32>
    %eq3A_2357 = arith.cmpf oeq, %gather3A_2319, %max3A_2338 : vector<16xf32>
    %broadcast_in_dim3A_2358 = arith.constant 3 : i32
    %broadcast_in_dim3A_2359 = vector.broadcast %broadcast_in_dim3A_2358 : i32 to vector<16xi32>
    %select_n3A_2360 = arith.select %eq3A_2357, %broadcast_in_dim3A_2359, %select_n3A_2356 : vector<16xi1>, vector<16xi32>
    %eq3A_2361 = arith.cmpf oeq, %gather3A_2316, %max3A_2338 : vector<16xf32>
    %broadcast_in_dim3A_2362 = arith.constant 2 : i32
    %broadcast_in_dim3A_2363 = vector.broadcast %broadcast_in_dim3A_2362 : i32 to vector<16xi32>
    %select_n3A_2364 = arith.select %eq3A_2361, %broadcast_in_dim3A_2363, %select_n3A_2360 : vector<16xi1>, vector<16xi32>
    %eq3A_2365 = arith.cmpf oeq, %gather3A_2313, %max3A_2338 : vector<16xf32>
    %broadcast_in_dim3A_2366 = arith.constant 1 : i32
    %broadcast_in_dim3A_2367 = vector.broadcast %broadcast_in_dim3A_2366 : i32 to vector<16xi32>
    %select_n3A_2368 = arith.select %eq3A_2365, %broadcast_in_dim3A_2367, %select_n3A_2364 : vector<16xi1>, vector<16xi32>
    %eq3A_2369 = arith.cmpf oeq, %gather3A_2310, %max3A_2338 : vector<16xf32>
    %broadcast_in_dim3A_2370 = arith.constant 0 : i32
    %broadcast_in_dim3A_2371 = vector.broadcast %broadcast_in_dim3A_2370 : i32 to vector<16xi32>
    %select_n3A_2372 = arith.select %eq3A_2369, %broadcast_in_dim3A_2371, %select_n3A_2368 : vector<16xi1>, vector<16xi32>
    %eq3A_2373 = arith.constant 0 : i32
    %eq3A_2374 = vector.broadcast %eq3A_2373 : i32 to vector<16xi32>
    %eq3A_2375 = arith.cmpi eq, %select_n3A_2372, %eq3A_2374 : vector<16xi32>
    %select_n3A_2376 = arith.select %eq3A_2375, %broadcast_in_dim3A_3, %gather3A_2310 : vector<16xi1>, vector<16xf32>
    %eq3A_2377 = arith.constant 1 : i32
    %eq3A_2378 = vector.broadcast %eq3A_2377 : i32 to vector<16xi32>
    %eq3A_2379 = arith.cmpi eq, %select_n3A_2372, %eq3A_2378 : vector<16xi32>
    %select_n3A_2380 = arith.select %eq3A_2379, %broadcast_in_dim3A_3, %gather3A_2313 : vector<16xi1>, vector<16xf32>
    %eq3A_2381 = arith.constant 2 : i32
    %eq3A_2382 = vector.broadcast %eq3A_2381 : i32 to vector<16xi32>
    %eq3A_2383 = arith.cmpi eq, %select_n3A_2372, %eq3A_2382 : vector<16xi32>
    %select_n3A_2384 = arith.select %eq3A_2383, %broadcast_in_dim3A_3, %gather3A_2316 : vector<16xi1>, vector<16xf32>
    %eq3A_2385 = arith.constant 3 : i32
    %eq3A_2386 = vector.broadcast %eq3A_2385 : i32 to vector<16xi32>
    %eq3A_2387 = arith.cmpi eq, %select_n3A_2372, %eq3A_2386 : vector<16xi32>
    %select_n3A_2388 = arith.select %eq3A_2387, %broadcast_in_dim3A_3, %gather3A_2319 : vector<16xi1>, vector<16xf32>
    %eq3A_2389 = arith.constant 4 : i32
    %eq3A_2390 = vector.broadcast %eq3A_2389 : i32 to vector<16xi32>
    %eq3A_2391 = arith.cmpi eq, %select_n3A_2372, %eq3A_2390 : vector<16xi32>
    %select_n3A_2392 = arith.select %eq3A_2391, %broadcast_in_dim3A_3, %gather3A_2322 : vector<16xi1>, vector<16xf32>
    %eq3A_2393 = arith.constant 5 : i32
    %eq3A_2394 = vector.broadcast %eq3A_2393 : i32 to vector<16xi32>
    %eq3A_2395 = arith.cmpi eq, %select_n3A_2372, %eq3A_2394 : vector<16xi32>
    %select_n3A_2396 = arith.select %eq3A_2395, %broadcast_in_dim3A_3, %gather3A_2325 : vector<16xi1>, vector<16xf32>
    %eq3A_2397 = arith.constant 6 : i32
    %eq3A_2398 = vector.broadcast %eq3A_2397 : i32 to vector<16xi32>
    %eq3A_2399 = arith.cmpi eq, %select_n3A_2372, %eq3A_2398 : vector<16xi32>
    %select_n3A_2400 = arith.select %eq3A_2399, %broadcast_in_dim3A_3, %gather3A_2328 : vector<16xi1>, vector<16xf32>
    %eq3A_2401 = arith.constant 7 : i32
    %eq3A_2402 = vector.broadcast %eq3A_2401 : i32 to vector<16xi32>
    %eq3A_2403 = arith.cmpi eq, %select_n3A_2372, %eq3A_2402 : vector<16xi32>
    %select_n3A_2404 = arith.select %eq3A_2403, %broadcast_in_dim3A_3, %gather3A_2331 : vector<16xi1>, vector<16xf32>
    %max3A_2405 = arith.maximumf %select_n3A_2376, %select_n3A_2380 : vector<16xf32>
    %max3A_2406 = arith.maximumf %max3A_2405, %select_n3A_2384 : vector<16xf32>
    %max3A_2407 = arith.maximumf %max3A_2406, %select_n3A_2388 : vector<16xf32>
    %max3A_2408 = arith.maximumf %max3A_2407, %select_n3A_2392 : vector<16xf32>
    %max3A_2409 = arith.maximumf %max3A_2408, %select_n3A_2396 : vector<16xf32>
    %max3A_2410 = arith.maximumf %max3A_2409, %select_n3A_2400 : vector<16xf32>
    %max3A_2411 = arith.maximumf %max3A_2410, %select_n3A_2404 : vector<16xf32>
    %broadcast_in_dim3A_2412 = arith.constant 8 : i32
    %broadcast_in_dim3A_2413 = vector.broadcast %broadcast_in_dim3A_2412 : i32 to vector<16xi32>
    %eq3A_2414 = arith.cmpf oeq, %select_n3A_2404, %max3A_2411 : vector<16xf32>
    %broadcast_in_dim3A_2415 = arith.constant 7 : i32
    %broadcast_in_dim3A_2416 = vector.broadcast %broadcast_in_dim3A_2415 : i32 to vector<16xi32>
    %select_n3A_2417 = arith.select %eq3A_2414, %broadcast_in_dim3A_2416, %broadcast_in_dim3A_2413 : vector<16xi1>, vector<16xi32>
    %eq3A_2418 = arith.cmpf oeq, %select_n3A_2400, %max3A_2411 : vector<16xf32>
    %broadcast_in_dim3A_2419 = arith.constant 6 : i32
    %broadcast_in_dim3A_2420 = vector.broadcast %broadcast_in_dim3A_2419 : i32 to vector<16xi32>
    %select_n3A_2421 = arith.select %eq3A_2418, %broadcast_in_dim3A_2420, %select_n3A_2417 : vector<16xi1>, vector<16xi32>
    %eq3A_2422 = arith.cmpf oeq, %select_n3A_2396, %max3A_2411 : vector<16xf32>
    %broadcast_in_dim3A_2423 = arith.constant 5 : i32
    %broadcast_in_dim3A_2424 = vector.broadcast %broadcast_in_dim3A_2423 : i32 to vector<16xi32>
    %select_n3A_2425 = arith.select %eq3A_2422, %broadcast_in_dim3A_2424, %select_n3A_2421 : vector<16xi1>, vector<16xi32>
    %eq3A_2426 = arith.cmpf oeq, %select_n3A_2392, %max3A_2411 : vector<16xf32>
    %broadcast_in_dim3A_2427 = arith.constant 4 : i32
    %broadcast_in_dim3A_2428 = vector.broadcast %broadcast_in_dim3A_2427 : i32 to vector<16xi32>
    %select_n3A_2429 = arith.select %eq3A_2426, %broadcast_in_dim3A_2428, %select_n3A_2425 : vector<16xi1>, vector<16xi32>
    %eq3A_2430 = arith.cmpf oeq, %select_n3A_2388, %max3A_2411 : vector<16xf32>
    %broadcast_in_dim3A_2431 = arith.constant 3 : i32
    %broadcast_in_dim3A_2432 = vector.broadcast %broadcast_in_dim3A_2431 : i32 to vector<16xi32>
    %select_n3A_2433 = arith.select %eq3A_2430, %broadcast_in_dim3A_2432, %select_n3A_2429 : vector<16xi1>, vector<16xi32>
    %eq3A_2434 = arith.cmpf oeq, %select_n3A_2384, %max3A_2411 : vector<16xf32>
    %broadcast_in_dim3A_2435 = arith.constant 2 : i32
    %broadcast_in_dim3A_2436 = vector.broadcast %broadcast_in_dim3A_2435 : i32 to vector<16xi32>
    %select_n3A_2437 = arith.select %eq3A_2434, %broadcast_in_dim3A_2436, %select_n3A_2433 : vector<16xi1>, vector<16xi32>
    %eq3A_2438 = arith.cmpf oeq, %select_n3A_2380, %max3A_2411 : vector<16xf32>
    %broadcast_in_dim3A_2439 = arith.constant 1 : i32
    %broadcast_in_dim3A_2440 = vector.broadcast %broadcast_in_dim3A_2439 : i32 to vector<16xi32>
    %select_n3A_2441 = arith.select %eq3A_2438, %broadcast_in_dim3A_2440, %select_n3A_2437 : vector<16xi1>, vector<16xi32>
    %eq3A_2442 = arith.cmpf oeq, %select_n3A_2376, %max3A_2411 : vector<16xf32>
    %broadcast_in_dim3A_2443 = arith.constant 0 : i32
    %broadcast_in_dim3A_2444 = vector.broadcast %broadcast_in_dim3A_2443 : i32 to vector<16xi32>
    %select_n3A_2445 = arith.select %eq3A_2442, %broadcast_in_dim3A_2444, %select_n3A_2441 : vector<16xi1>, vector<16xi32>
    %broadcast_in_dim3A_2446 = arith.constant 0.000000e+00 : f32
    %broadcast_in_dim3A_2447 = vector.broadcast %broadcast_in_dim3A_2446 : f32 to vector<16xf32>
    %broadcast_in_dim3A_2448 = arith.constant 1.000000e+00 : f32
    %broadcast_in_dim3A_2449 = vector.broadcast %broadcast_in_dim3A_2448 : f32 to vector<16xf32>
    %eq3A_2450 = arith.constant 0 : i32
    %eq3A_2451 = vector.broadcast %eq3A_2450 : i32 to vector<16xi32>
    %eq3A_2452 = arith.cmpi eq, %select_n3A_2372, %eq3A_2451 : vector<16xi32>
    %select_n3A_2453 = arith.select %eq3A_2452, %broadcast_in_dim3A_2449, %broadcast_in_dim3A_2447 : vector<16xi1>, vector<16xf32>
    %add3A_2454 = arith.addf %add3A_2230, %select_n3A_2453 : vector<16xf32>
    %eq3A_2455 = arith.constant 0 : i32
    %eq3A_2456 = vector.broadcast %eq3A_2455 : i32 to vector<16xi32>
    %eq3A_2457 = arith.cmpi eq, %select_n3A_2445, %eq3A_2456 : vector<16xi32>
    %select_n3A_2458 = arith.select %eq3A_2457, %broadcast_in_dim3A_2449, %broadcast_in_dim3A_2447 : vector<16xi1>, vector<16xf32>
    %add3A_2459 = arith.addf %add3A_2454, %select_n3A_2458 : vector<16xf32>
    %eq3A_2460 = arith.constant 1 : i32
    %eq3A_2461 = vector.broadcast %eq3A_2460 : i32 to vector<16xi32>
    %eq3A_2462 = arith.cmpi eq, %select_n3A_2372, %eq3A_2461 : vector<16xi32>
    %select_n3A_2463 = arith.select %eq3A_2462, %broadcast_in_dim3A_2449, %broadcast_in_dim3A_2447 : vector<16xi1>, vector<16xf32>
    %add3A_2464 = arith.addf %add3A_2240, %select_n3A_2463 : vector<16xf32>
    %eq3A_2465 = arith.constant 1 : i32
    %eq3A_2466 = vector.broadcast %eq3A_2465 : i32 to vector<16xi32>
    %eq3A_2467 = arith.cmpi eq, %select_n3A_2445, %eq3A_2466 : vector<16xi32>
    %select_n3A_2468 = arith.select %eq3A_2467, %broadcast_in_dim3A_2449, %broadcast_in_dim3A_2447 : vector<16xi1>, vector<16xf32>
    %add3A_2469 = arith.addf %add3A_2464, %select_n3A_2468 : vector<16xf32>
    %eq3A_2470 = arith.constant 2 : i32
    %eq3A_2471 = vector.broadcast %eq3A_2470 : i32 to vector<16xi32>
    %eq3A_2472 = arith.cmpi eq, %select_n3A_2372, %eq3A_2471 : vector<16xi32>
    %select_n3A_2473 = arith.select %eq3A_2472, %broadcast_in_dim3A_2449, %broadcast_in_dim3A_2447 : vector<16xi1>, vector<16xf32>
    %add3A_2474 = arith.addf %add3A_2250, %select_n3A_2473 : vector<16xf32>
    %eq3A_2475 = arith.constant 2 : i32
    %eq3A_2476 = vector.broadcast %eq3A_2475 : i32 to vector<16xi32>
    %eq3A_2477 = arith.cmpi eq, %select_n3A_2445, %eq3A_2476 : vector<16xi32>
    %select_n3A_2478 = arith.select %eq3A_2477, %broadcast_in_dim3A_2449, %broadcast_in_dim3A_2447 : vector<16xi1>, vector<16xf32>
    %add3A_2479 = arith.addf %add3A_2474, %select_n3A_2478 : vector<16xf32>
    %eq3A_2480 = arith.constant 3 : i32
    %eq3A_2481 = vector.broadcast %eq3A_2480 : i32 to vector<16xi32>
    %eq3A_2482 = arith.cmpi eq, %select_n3A_2372, %eq3A_2481 : vector<16xi32>
    %select_n3A_2483 = arith.select %eq3A_2482, %broadcast_in_dim3A_2449, %broadcast_in_dim3A_2447 : vector<16xi1>, vector<16xf32>
    %add3A_2484 = arith.addf %add3A_2260, %select_n3A_2483 : vector<16xf32>
    %eq3A_2485 = arith.constant 3 : i32
    %eq3A_2486 = vector.broadcast %eq3A_2485 : i32 to vector<16xi32>
    %eq3A_2487 = arith.cmpi eq, %select_n3A_2445, %eq3A_2486 : vector<16xi32>
    %select_n3A_2488 = arith.select %eq3A_2487, %broadcast_in_dim3A_2449, %broadcast_in_dim3A_2447 : vector<16xi1>, vector<16xf32>
    %add3A_2489 = arith.addf %add3A_2484, %select_n3A_2488 : vector<16xf32>
    %eq3A_2490 = arith.constant 4 : i32
    %eq3A_2491 = vector.broadcast %eq3A_2490 : i32 to vector<16xi32>
    %eq3A_2492 = arith.cmpi eq, %select_n3A_2372, %eq3A_2491 : vector<16xi32>
    %select_n3A_2493 = arith.select %eq3A_2492, %broadcast_in_dim3A_2449, %broadcast_in_dim3A_2447 : vector<16xi1>, vector<16xf32>
    %add3A_2494 = arith.addf %add3A_2270, %select_n3A_2493 : vector<16xf32>
    %eq3A_2495 = arith.constant 4 : i32
    %eq3A_2496 = vector.broadcast %eq3A_2495 : i32 to vector<16xi32>
    %eq3A_2497 = arith.cmpi eq, %select_n3A_2445, %eq3A_2496 : vector<16xi32>
    %select_n3A_2498 = arith.select %eq3A_2497, %broadcast_in_dim3A_2449, %broadcast_in_dim3A_2447 : vector<16xi1>, vector<16xf32>
    %add3A_2499 = arith.addf %add3A_2494, %select_n3A_2498 : vector<16xf32>
    %eq3A_2500 = arith.constant 5 : i32
    %eq3A_2501 = vector.broadcast %eq3A_2500 : i32 to vector<16xi32>
    %eq3A_2502 = arith.cmpi eq, %select_n3A_2372, %eq3A_2501 : vector<16xi32>
    %select_n3A_2503 = arith.select %eq3A_2502, %broadcast_in_dim3A_2449, %broadcast_in_dim3A_2447 : vector<16xi1>, vector<16xf32>
    %add3A_2504 = arith.addf %add3A_2280, %select_n3A_2503 : vector<16xf32>
    %eq3A_2505 = arith.constant 5 : i32
    %eq3A_2506 = vector.broadcast %eq3A_2505 : i32 to vector<16xi32>
    %eq3A_2507 = arith.cmpi eq, %select_n3A_2445, %eq3A_2506 : vector<16xi32>
    %select_n3A_2508 = arith.select %eq3A_2507, %broadcast_in_dim3A_2449, %broadcast_in_dim3A_2447 : vector<16xi1>, vector<16xf32>
    %add3A_2509 = arith.addf %add3A_2504, %select_n3A_2508 : vector<16xf32>
    %eq3A_2510 = arith.constant 6 : i32
    %eq3A_2511 = vector.broadcast %eq3A_2510 : i32 to vector<16xi32>
    %eq3A_2512 = arith.cmpi eq, %select_n3A_2372, %eq3A_2511 : vector<16xi32>
    %select_n3A_2513 = arith.select %eq3A_2512, %broadcast_in_dim3A_2449, %broadcast_in_dim3A_2447 : vector<16xi1>, vector<16xf32>
    %add3A_2514 = arith.addf %add3A_2290, %select_n3A_2513 : vector<16xf32>
    %eq3A_2515 = arith.constant 6 : i32
    %eq3A_2516 = vector.broadcast %eq3A_2515 : i32 to vector<16xi32>
    %eq3A_2517 = arith.cmpi eq, %select_n3A_2445, %eq3A_2516 : vector<16xi32>
    %select_n3A_2518 = arith.select %eq3A_2517, %broadcast_in_dim3A_2449, %broadcast_in_dim3A_2447 : vector<16xi1>, vector<16xf32>
    %add3A_2519 = arith.addf %add3A_2514, %select_n3A_2518 : vector<16xf32>
    %eq3A_2520 = arith.constant 7 : i32
    %eq3A_2521 = vector.broadcast %eq3A_2520 : i32 to vector<16xi32>
    %eq3A_2522 = arith.cmpi eq, %select_n3A_2372, %eq3A_2521 : vector<16xi32>
    %select_n3A_2523 = arith.select %eq3A_2522, %broadcast_in_dim3A_2449, %broadcast_in_dim3A_2447 : vector<16xi1>, vector<16xf32>
    %add3A_2524 = arith.addf %add3A_2300, %select_n3A_2523 : vector<16xf32>
    %eq3A_2525 = arith.constant 7 : i32
    %eq3A_2526 = vector.broadcast %eq3A_2525 : i32 to vector<16xi32>
    %eq3A_2527 = arith.cmpi eq, %select_n3A_2445, %eq3A_2526 : vector<16xi32>
    %select_n3A_2528 = arith.select %eq3A_2527, %broadcast_in_dim3A_2449, %broadcast_in_dim3A_2447 : vector<16xi1>, vector<16xf32>
    %add3A_2529 = arith.addf %add3A_2524, %select_n3A_2528 : vector<16xf32>
    %swap3A_2530 = arith.constant 160 : index
    %swap3A_2531 = tpu.vector_load %arg6[%swap3A_2530] {strides = array<i32>} : memref<256xi32, #tpu.memory_space<vmem>>, vector<16xi32>,
    tpu.vector_store %arg6[%swap3A_2530], %select_n3A_2372 {strides = array<i32>} : memref<256xi32, #tpu.memory_space<vmem>>, vector<16xi32>,
    %swap3A_2532 = arith.constant 160 : index
    %swap3A_2533 = tpu.vector_load %arg7[%swap3A_2532] {strides = array<i32>} : memref<256xi32, #tpu.memory_space<vmem>>, vector<16xi32>,
    tpu.vector_store %arg7[%swap3A_2532], %select_n3A_2445 {strides = array<i32>} : memref<256xi32, #tpu.memory_space<vmem>>, vector<16xi32>,
    %broadcast_in_dim3A_2534 = arith.constant 176 : i32
    %broadcast_in_dim3A_2535 = vector.broadcast %broadcast_in_dim3A_2534 : i32 to vector<16xi32>
    %add3A_2536 = arith.addi %broadcast_in_dim3A_2535, %iota3A : vector<16xi32>
    %broadcast_in_dim3A_2537 = arith.constant 0 : i32
    %broadcast_in_dim3A_2538 = vector.broadcast %broadcast_in_dim3A_2537 : i32 to vector<16xi32>
    %gather3A_2539 = tpu.vector_load_idx %arg5[%add3A_2536, %broadcast_in_dim3A_2538] : memref<256x8xf32, #tpu.memory_space<vmem>>[vector<16xi32>, vector<16xi32>], vector<16xf32>,
    %broadcast_in_dim3A_2540 = arith.constant 1 : i32
    %broadcast_in_dim3A_2541 = vector.broadcast %broadcast_in_dim3A_2540 : i32 to vector<16xi32>
    %gather3A_2542 = tpu.vector_load_idx %arg5[%add3A_2536, %broadcast_in_dim3A_2541] : memref<256x8xf32, #tpu.memory_space<vmem>>[vector<16xi32>, vector<16xi32>], vector<16xf32>,
    %broadcast_in_dim3A_2543 = arith.constant 2 : i32
    %broadcast_in_dim3A_2544 = vector.broadcast %broadcast_in_dim3A_2543 : i32 to vector<16xi32>
    %gather3A_2545 = tpu.vector_load_idx %arg5[%add3A_2536, %broadcast_in_dim3A_2544] : memref<256x8xf32, #tpu.memory_space<vmem>>[vector<16xi32>, vector<16xi32>], vector<16xf32>,
    %broadcast_in_dim3A_2546 = arith.constant 3 : i32
    %broadcast_in_dim3A_2547 = vector.broadcast %broadcast_in_dim3A_2546 : i32 to vector<16xi32>
    %gather3A_2548 = tpu.vector_load_idx %arg5[%add3A_2536, %broadcast_in_dim3A_2547] : memref<256x8xf32, #tpu.memory_space<vmem>>[vector<16xi32>, vector<16xi32>], vector<16xf32>,
    %broadcast_in_dim3A_2549 = arith.constant 4 : i32
    %broadcast_in_dim3A_2550 = vector.broadcast %broadcast_in_dim3A_2549 : i32 to vector<16xi32>
    %gather3A_2551 = tpu.vector_load_idx %arg5[%add3A_2536, %broadcast_in_dim3A_2550] : memref<256x8xf32, #tpu.memory_space<vmem>>[vector<16xi32>, vector<16xi32>], vector<16xf32>,
    %broadcast_in_dim3A_2552 = arith.constant 5 : i32
    %broadcast_in_dim3A_2553 = vector.broadcast %broadcast_in_dim3A_2552 : i32 to vector<16xi32>
    %gather3A_2554 = tpu.vector_load_idx %arg5[%add3A_2536, %broadcast_in_dim3A_2553] : memref<256x8xf32, #tpu.memory_space<vmem>>[vector<16xi32>, vector<16xi32>], vector<16xf32>,
    %broadcast_in_dim3A_2555 = arith.constant 6 : i32
    %broadcast_in_dim3A_2556 = vector.broadcast %broadcast_in_dim3A_2555 : i32 to vector<16xi32>
    %gather3A_2557 = tpu.vector_load_idx %arg5[%add3A_2536, %broadcast_in_dim3A_2556] : memref<256x8xf32, #tpu.memory_space<vmem>>[vector<16xi32>, vector<16xi32>], vector<16xf32>,
    %broadcast_in_dim3A_2558 = arith.constant 7 : i32
    %broadcast_in_dim3A_2559 = vector.broadcast %broadcast_in_dim3A_2558 : i32 to vector<16xi32>
    %gather3A_2560 = tpu.vector_load_idx %arg5[%add3A_2536, %broadcast_in_dim3A_2559] : memref<256x8xf32, #tpu.memory_space<vmem>>[vector<16xi32>, vector<16xi32>], vector<16xf32>,
    %max3A_2561 = arith.maximumf %gather3A_2539, %gather3A_2542 : vector<16xf32>
    %max3A_2562 = arith.maximumf %max3A_2561, %gather3A_2545 : vector<16xf32>
    %max3A_2563 = arith.maximumf %max3A_2562, %gather3A_2548 : vector<16xf32>
    %max3A_2564 = arith.maximumf %max3A_2563, %gather3A_2551 : vector<16xf32>
    %max3A_2565 = arith.maximumf %max3A_2564, %gather3A_2554 : vector<16xf32>
    %max3A_2566 = arith.maximumf %max3A_2565, %gather3A_2557 : vector<16xf32>
    %max3A_2567 = arith.maximumf %max3A_2566, %gather3A_2560 : vector<16xf32>
    %broadcast_in_dim3A_2568 = arith.constant 8 : i32
    %broadcast_in_dim3A_2569 = vector.broadcast %broadcast_in_dim3A_2568 : i32 to vector<16xi32>
    %eq3A_2570 = arith.cmpf oeq, %gather3A_2560, %max3A_2567 : vector<16xf32>
    %broadcast_in_dim3A_2571 = arith.constant 7 : i32
    %broadcast_in_dim3A_2572 = vector.broadcast %broadcast_in_dim3A_2571 : i32 to vector<16xi32>
    %select_n3A_2573 = arith.select %eq3A_2570, %broadcast_in_dim3A_2572, %broadcast_in_dim3A_2569 : vector<16xi1>, vector<16xi32>
    %eq3A_2574 = arith.cmpf oeq, %gather3A_2557, %max3A_2567 : vector<16xf32>
    %broadcast_in_dim3A_2575 = arith.constant 6 : i32
    %broadcast_in_dim3A_2576 = vector.broadcast %broadcast_in_dim3A_2575 : i32 to vector<16xi32>
    %select_n3A_2577 = arith.select %eq3A_2574, %broadcast_in_dim3A_2576, %select_n3A_2573 : vector<16xi1>, vector<16xi32>
    %eq3A_2578 = arith.cmpf oeq, %gather3A_2554, %max3A_2567 : vector<16xf32>
    %broadcast_in_dim3A_2579 = arith.constant 5 : i32
    %broadcast_in_dim3A_2580 = vector.broadcast %broadcast_in_dim3A_2579 : i32 to vector<16xi32>
    %select_n3A_2581 = arith.select %eq3A_2578, %broadcast_in_dim3A_2580, %select_n3A_2577 : vector<16xi1>, vector<16xi32>
    %eq3A_2582 = arith.cmpf oeq, %gather3A_2551, %max3A_2567 : vector<16xf32>
    %broadcast_in_dim3A_2583 = arith.constant 4 : i32
    %broadcast_in_dim3A_2584 = vector.broadcast %broadcast_in_dim3A_2583 : i32 to vector<16xi32>
    %select_n3A_2585 = arith.select %eq3A_2582, %broadcast_in_dim3A_2584, %select_n3A_2581 : vector<16xi1>, vector<16xi32>
    %eq3A_2586 = arith.cmpf oeq, %gather3A_2548, %max3A_2567 : vector<16xf32>
    %broadcast_in_dim3A_2587 = arith.constant 3 : i32
    %broadcast_in_dim3A_2588 = vector.broadcast %broadcast_in_dim3A_2587 : i32 to vector<16xi32>
    %select_n3A_2589 = arith.select %eq3A_2586, %broadcast_in_dim3A_2588, %select_n3A_2585 : vector<16xi1>, vector<16xi32>
    %eq3A_2590 = arith.cmpf oeq, %gather3A_2545, %max3A_2567 : vector<16xf32>
    %broadcast_in_dim3A_2591 = arith.constant 2 : i32
    %broadcast_in_dim3A_2592 = vector.broadcast %broadcast_in_dim3A_2591 : i32 to vector<16xi32>
    %select_n3A_2593 = arith.select %eq3A_2590, %broadcast_in_dim3A_2592, %select_n3A_2589 : vector<16xi1>, vector<16xi32>
    %eq3A_2594 = arith.cmpf oeq, %gather3A_2542, %max3A_2567 : vector<16xf32>
    %broadcast_in_dim3A_2595 = arith.constant 1 : i32
    %broadcast_in_dim3A_2596 = vector.broadcast %broadcast_in_dim3A_2595 : i32 to vector<16xi32>
    %select_n3A_2597 = arith.select %eq3A_2594, %broadcast_in_dim3A_2596, %select_n3A_2593 : vector<16xi1>, vector<16xi32>
    %eq3A_2598 = arith.cmpf oeq, %gather3A_2539, %max3A_2567 : vector<16xf32>
    %broadcast_in_dim3A_2599 = arith.constant 0 : i32
    %broadcast_in_dim3A_2600 = vector.broadcast %broadcast_in_dim3A_2599 : i32 to vector<16xi32>
    %select_n3A_2601 = arith.select %eq3A_2598, %broadcast_in_dim3A_2600, %select_n3A_2597 : vector<16xi1>, vector<16xi32>
    %eq3A_2602 = arith.constant 0 : i32
    %eq3A_2603 = vector.broadcast %eq3A_2602 : i32 to vector<16xi32>
    %eq3A_2604 = arith.cmpi eq, %select_n3A_2601, %eq3A_2603 : vector<16xi32>
    %select_n3A_2605 = arith.select %eq3A_2604, %broadcast_in_dim3A_3, %gather3A_2539 : vector<16xi1>, vector<16xf32>
    %eq3A_2606 = arith.constant 1 : i32
    %eq3A_2607 = vector.broadcast %eq3A_2606 : i32 to vector<16xi32>
    %eq3A_2608 = arith.cmpi eq, %select_n3A_2601, %eq3A_2607 : vector<16xi32>
    %select_n3A_2609 = arith.select %eq3A_2608, %broadcast_in_dim3A_3, %gather3A_2542 : vector<16xi1>, vector<16xf32>
    %eq3A_2610 = arith.constant 2 : i32
    %eq3A_2611 = vector.broadcast %eq3A_2610 : i32 to vector<16xi32>
    %eq3A_2612 = arith.cmpi eq, %select_n3A_2601, %eq3A_2611 : vector<16xi32>
    %select_n3A_2613 = arith.select %eq3A_2612, %broadcast_in_dim3A_3, %gather3A_2545 : vector<16xi1>, vector<16xf32>
    %eq3A_2614 = arith.constant 3 : i32
    %eq3A_2615 = vector.broadcast %eq3A_2614 : i32 to vector<16xi32>
    %eq3A_2616 = arith.cmpi eq, %select_n3A_2601, %eq3A_2615 : vector<16xi32>
    %select_n3A_2617 = arith.select %eq3A_2616, %broadcast_in_dim3A_3, %gather3A_2548 : vector<16xi1>, vector<16xf32>
    %eq3A_2618 = arith.constant 4 : i32
    %eq3A_2619 = vector.broadcast %eq3A_2618 : i32 to vector<16xi32>
    %eq3A_2620 = arith.cmpi eq, %select_n3A_2601, %eq3A_2619 : vector<16xi32>
    %select_n3A_2621 = arith.select %eq3A_2620, %broadcast_in_dim3A_3, %gather3A_2551 : vector<16xi1>, vector<16xf32>
    %eq3A_2622 = arith.constant 5 : i32
    %eq3A_2623 = vector.broadcast %eq3A_2622 : i32 to vector<16xi32>
    %eq3A_2624 = arith.cmpi eq, %select_n3A_2601, %eq3A_2623 : vector<16xi32>
    %select_n3A_2625 = arith.select %eq3A_2624, %broadcast_in_dim3A_3, %gather3A_2554 : vector<16xi1>, vector<16xf32>
    %eq3A_2626 = arith.constant 6 : i32
    %eq3A_2627 = vector.broadcast %eq3A_2626 : i32 to vector<16xi32>
    %eq3A_2628 = arith.cmpi eq, %select_n3A_2601, %eq3A_2627 : vector<16xi32>
    %select_n3A_2629 = arith.select %eq3A_2628, %broadcast_in_dim3A_3, %gather3A_2557 : vector<16xi1>, vector<16xf32>
    %eq3A_2630 = arith.constant 7 : i32
    %eq3A_2631 = vector.broadcast %eq3A_2630 : i32 to vector<16xi32>
    %eq3A_2632 = arith.cmpi eq, %select_n3A_2601, %eq3A_2631 : vector<16xi32>
    %select_n3A_2633 = arith.select %eq3A_2632, %broadcast_in_dim3A_3, %gather3A_2560 : vector<16xi1>, vector<16xf32>
    %max3A_2634 = arith.maximumf %select_n3A_2605, %select_n3A_2609 : vector<16xf32>
    %max3A_2635 = arith.maximumf %max3A_2634, %select_n3A_2613 : vector<16xf32>
    %max3A_2636 = arith.maximumf %max3A_2635, %select_n3A_2617 : vector<16xf32>
    %max3A_2637 = arith.maximumf %max3A_2636, %select_n3A_2621 : vector<16xf32>
    %max3A_2638 = arith.maximumf %max3A_2637, %select_n3A_2625 : vector<16xf32>
    %max3A_2639 = arith.maximumf %max3A_2638, %select_n3A_2629 : vector<16xf32>
    %max3A_2640 = arith.maximumf %max3A_2639, %select_n3A_2633 : vector<16xf32>
    %broadcast_in_dim3A_2641 = arith.constant 8 : i32
    %broadcast_in_dim3A_2642 = vector.broadcast %broadcast_in_dim3A_2641 : i32 to vector<16xi32>
    %eq3A_2643 = arith.cmpf oeq, %select_n3A_2633, %max3A_2640 : vector<16xf32>
    %broadcast_in_dim3A_2644 = arith.constant 7 : i32
    %broadcast_in_dim3A_2645 = vector.broadcast %broadcast_in_dim3A_2644 : i32 to vector<16xi32>
    %select_n3A_2646 = arith.select %eq3A_2643, %broadcast_in_dim3A_2645, %broadcast_in_dim3A_2642 : vector<16xi1>, vector<16xi32>
    %eq3A_2647 = arith.cmpf oeq, %select_n3A_2629, %max3A_2640 : vector<16xf32>
    %broadcast_in_dim3A_2648 = arith.constant 6 : i32
    %broadcast_in_dim3A_2649 = vector.broadcast %broadcast_in_dim3A_2648 : i32 to vector<16xi32>
    %select_n3A_2650 = arith.select %eq3A_2647, %broadcast_in_dim3A_2649, %select_n3A_2646 : vector<16xi1>, vector<16xi32>
    %eq3A_2651 = arith.cmpf oeq, %select_n3A_2625, %max3A_2640 : vector<16xf32>
    %broadcast_in_dim3A_2652 = arith.constant 5 : i32
    %broadcast_in_dim3A_2653 = vector.broadcast %broadcast_in_dim3A_2652 : i32 to vector<16xi32>
    %select_n3A_2654 = arith.select %eq3A_2651, %broadcast_in_dim3A_2653, %select_n3A_2650 : vector<16xi1>, vector<16xi32>
    %eq3A_2655 = arith.cmpf oeq, %select_n3A_2621, %max3A_2640 : vector<16xf32>
    %broadcast_in_dim3A_2656 = arith.constant 4 : i32
    %broadcast_in_dim3A_2657 = vector.broadcast %broadcast_in_dim3A_2656 : i32 to vector<16xi32>
    %select_n3A_2658 = arith.select %eq3A_2655, %broadcast_in_dim3A_2657, %select_n3A_2654 : vector<16xi1>, vector<16xi32>
    %eq3A_2659 = arith.cmpf oeq, %select_n3A_2617, %max3A_2640 : vector<16xf32>
    %broadcast_in_dim3A_2660 = arith.constant 3 : i32
    %broadcast_in_dim3A_2661 = vector.broadcast %broadcast_in_dim3A_2660 : i32 to vector<16xi32>
    %select_n3A_2662 = arith.select %eq3A_2659, %broadcast_in_dim3A_2661, %select_n3A_2658 : vector<16xi1>, vector<16xi32>
    %eq3A_2663 = arith.cmpf oeq, %select_n3A_2613, %max3A_2640 : vector<16xf32>
    %broadcast_in_dim3A_2664 = arith.constant 2 : i32
    %broadcast_in_dim3A_2665 = vector.broadcast %broadcast_in_dim3A_2664 : i32 to vector<16xi32>
    %select_n3A_2666 = arith.select %eq3A_2663, %broadcast_in_dim3A_2665, %select_n3A_2662 : vector<16xi1>, vector<16xi32>
    %eq3A_2667 = arith.cmpf oeq, %select_n3A_2609, %max3A_2640 : vector<16xf32>
    %broadcast_in_dim3A_2668 = arith.constant 1 : i32
    %broadcast_in_dim3A_2669 = vector.broadcast %broadcast_in_dim3A_2668 : i32 to vector<16xi32>
    %select_n3A_2670 = arith.select %eq3A_2667, %broadcast_in_dim3A_2669, %select_n3A_2666 : vector<16xi1>, vector<16xi32>
    %eq3A_2671 = arith.cmpf oeq, %select_n3A_2605, %max3A_2640 : vector<16xf32>
    %broadcast_in_dim3A_2672 = arith.constant 0 : i32
    %broadcast_in_dim3A_2673 = vector.broadcast %broadcast_in_dim3A_2672 : i32 to vector<16xi32>
    %select_n3A_2674 = arith.select %eq3A_2671, %broadcast_in_dim3A_2673, %select_n3A_2670 : vector<16xi1>, vector<16xi32>
    %broadcast_in_dim3A_2675 = arith.constant 0.000000e+00 : f32
    %broadcast_in_dim3A_2676 = vector.broadcast %broadcast_in_dim3A_2675 : f32 to vector<16xf32>
    %broadcast_in_dim3A_2677 = arith.constant 1.000000e+00 : f32
    %broadcast_in_dim3A_2678 = vector.broadcast %broadcast_in_dim3A_2677 : f32 to vector<16xf32>
    %eq3A_2679 = arith.constant 0 : i32
    %eq3A_2680 = vector.broadcast %eq3A_2679 : i32 to vector<16xi32>
    %eq3A_2681 = arith.cmpi eq, %select_n3A_2601, %eq3A_2680 : vector<16xi32>
    %select_n3A_2682 = arith.select %eq3A_2681, %broadcast_in_dim3A_2678, %broadcast_in_dim3A_2676 : vector<16xi1>, vector<16xf32>
    %add3A_2683 = arith.addf %add3A_2459, %select_n3A_2682 : vector<16xf32>
    %eq3A_2684 = arith.constant 0 : i32
    %eq3A_2685 = vector.broadcast %eq3A_2684 : i32 to vector<16xi32>
    %eq3A_2686 = arith.cmpi eq, %select_n3A_2674, %eq3A_2685 : vector<16xi32>
    %select_n3A_2687 = arith.select %eq3A_2686, %broadcast_in_dim3A_2678, %broadcast_in_dim3A_2676 : vector<16xi1>, vector<16xf32>
    %add3A_2688 = arith.addf %add3A_2683, %select_n3A_2687 : vector<16xf32>
    %eq3A_2689 = arith.constant 1 : i32
    %eq3A_2690 = vector.broadcast %eq3A_2689 : i32 to vector<16xi32>
    %eq3A_2691 = arith.cmpi eq, %select_n3A_2601, %eq3A_2690 : vector<16xi32>
    %select_n3A_2692 = arith.select %eq3A_2691, %broadcast_in_dim3A_2678, %broadcast_in_dim3A_2676 : vector<16xi1>, vector<16xf32>
    %add3A_2693 = arith.addf %add3A_2469, %select_n3A_2692 : vector<16xf32>
    %eq3A_2694 = arith.constant 1 : i32
    %eq3A_2695 = vector.broadcast %eq3A_2694 : i32 to vector<16xi32>
    %eq3A_2696 = arith.cmpi eq, %select_n3A_2674, %eq3A_2695 : vector<16xi32>
    %select_n3A_2697 = arith.select %eq3A_2696, %broadcast_in_dim3A_2678, %broadcast_in_dim3A_2676 : vector<16xi1>, vector<16xf32>
    %add3A_2698 = arith.addf %add3A_2693, %select_n3A_2697 : vector<16xf32>
    %eq3A_2699 = arith.constant 2 : i32
    %eq3A_2700 = vector.broadcast %eq3A_2699 : i32 to vector<16xi32>
    %eq3A_2701 = arith.cmpi eq, %select_n3A_2601, %eq3A_2700 : vector<16xi32>
    %select_n3A_2702 = arith.select %eq3A_2701, %broadcast_in_dim3A_2678, %broadcast_in_dim3A_2676 : vector<16xi1>, vector<16xf32>
    %add3A_2703 = arith.addf %add3A_2479, %select_n3A_2702 : vector<16xf32>
    %eq3A_2704 = arith.constant 2 : i32
    %eq3A_2705 = vector.broadcast %eq3A_2704 : i32 to vector<16xi32>
    %eq3A_2706 = arith.cmpi eq, %select_n3A_2674, %eq3A_2705 : vector<16xi32>
    %select_n3A_2707 = arith.select %eq3A_2706, %broadcast_in_dim3A_2678, %broadcast_in_dim3A_2676 : vector<16xi1>, vector<16xf32>
    %add3A_2708 = arith.addf %add3A_2703, %select_n3A_2707 : vector<16xf32>
    %eq3A_2709 = arith.constant 3 : i32
    %eq3A_2710 = vector.broadcast %eq3A_2709 : i32 to vector<16xi32>
    %eq3A_2711 = arith.cmpi eq, %select_n3A_2601, %eq3A_2710 : vector<16xi32>
    %select_n3A_2712 = arith.select %eq3A_2711, %broadcast_in_dim3A_2678, %broadcast_in_dim3A_2676 : vector<16xi1>, vector<16xf32>
    %add3A_2713 = arith.addf %add3A_2489, %select_n3A_2712 : vector<16xf32>
    %eq3A_2714 = arith.constant 3 : i32
    %eq3A_2715 = vector.broadcast %eq3A_2714 : i32 to vector<16xi32>
    %eq3A_2716 = arith.cmpi eq, %select_n3A_2674, %eq3A_2715 : vector<16xi32>
    %select_n3A_2717 = arith.select %eq3A_2716, %broadcast_in_dim3A_2678, %broadcast_in_dim3A_2676 : vector<16xi1>, vector<16xf32>
    %add3A_2718 = arith.addf %add3A_2713, %select_n3A_2717 : vector<16xf32>
    %eq3A_2719 = arith.constant 4 : i32
    %eq3A_2720 = vector.broadcast %eq3A_2719 : i32 to vector<16xi32>
    %eq3A_2721 = arith.cmpi eq, %select_n3A_2601, %eq3A_2720 : vector<16xi32>
    %select_n3A_2722 = arith.select %eq3A_2721, %broadcast_in_dim3A_2678, %broadcast_in_dim3A_2676 : vector<16xi1>, vector<16xf32>
    %add3A_2723 = arith.addf %add3A_2499, %select_n3A_2722 : vector<16xf32>
    %eq3A_2724 = arith.constant 4 : i32
    %eq3A_2725 = vector.broadcast %eq3A_2724 : i32 to vector<16xi32>
    %eq3A_2726 = arith.cmpi eq, %select_n3A_2674, %eq3A_2725 : vector<16xi32>
    %select_n3A_2727 = arith.select %eq3A_2726, %broadcast_in_dim3A_2678, %broadcast_in_dim3A_2676 : vector<16xi1>, vector<16xf32>
    %add3A_2728 = arith.addf %add3A_2723, %select_n3A_2727 : vector<16xf32>
    %eq3A_2729 = arith.constant 5 : i32
    %eq3A_2730 = vector.broadcast %eq3A_2729 : i32 to vector<16xi32>
    %eq3A_2731 = arith.cmpi eq, %select_n3A_2601, %eq3A_2730 : vector<16xi32>
    %select_n3A_2732 = arith.select %eq3A_2731, %broadcast_in_dim3A_2678, %broadcast_in_dim3A_2676 : vector<16xi1>, vector<16xf32>
    %add3A_2733 = arith.addf %add3A_2509, %select_n3A_2732 : vector<16xf32>
    %eq3A_2734 = arith.constant 5 : i32
    %eq3A_2735 = vector.broadcast %eq3A_2734 : i32 to vector<16xi32>
    %eq3A_2736 = arith.cmpi eq, %select_n3A_2674, %eq3A_2735 : vector<16xi32>
    %select_n3A_2737 = arith.select %eq3A_2736, %broadcast_in_dim3A_2678, %broadcast_in_dim3A_2676 : vector<16xi1>, vector<16xf32>
    %add3A_2738 = arith.addf %add3A_2733, %select_n3A_2737 : vector<16xf32>
    %eq3A_2739 = arith.constant 6 : i32
    %eq3A_2740 = vector.broadcast %eq3A_2739 : i32 to vector<16xi32>
    %eq3A_2741 = arith.cmpi eq, %select_n3A_2601, %eq3A_2740 : vector<16xi32>
    %select_n3A_2742 = arith.select %eq3A_2741, %broadcast_in_dim3A_2678, %broadcast_in_dim3A_2676 : vector<16xi1>, vector<16xf32>
    %add3A_2743 = arith.addf %add3A_2519, %select_n3A_2742 : vector<16xf32>
    %eq3A_2744 = arith.constant 6 : i32
    %eq3A_2745 = vector.broadcast %eq3A_2744 : i32 to vector<16xi32>
    %eq3A_2746 = arith.cmpi eq, %select_n3A_2674, %eq3A_2745 : vector<16xi32>
    %select_n3A_2747 = arith.select %eq3A_2746, %broadcast_in_dim3A_2678, %broadcast_in_dim3A_2676 : vector<16xi1>, vector<16xf32>
    %add3A_2748 = arith.addf %add3A_2743, %select_n3A_2747 : vector<16xf32>
    %eq3A_2749 = arith.constant 7 : i32
    %eq3A_2750 = vector.broadcast %eq3A_2749 : i32 to vector<16xi32>
    %eq3A_2751 = arith.cmpi eq, %select_n3A_2601, %eq3A_2750 : vector<16xi32>
    %select_n3A_2752 = arith.select %eq3A_2751, %broadcast_in_dim3A_2678, %broadcast_in_dim3A_2676 : vector<16xi1>, vector<16xf32>
    %add3A_2753 = arith.addf %add3A_2529, %select_n3A_2752 : vector<16xf32>
    %eq3A_2754 = arith.constant 7 : i32
    %eq3A_2755 = vector.broadcast %eq3A_2754 : i32 to vector<16xi32>
    %eq3A_2756 = arith.cmpi eq, %select_n3A_2674, %eq3A_2755 : vector<16xi32>
    %select_n3A_2757 = arith.select %eq3A_2756, %broadcast_in_dim3A_2678, %broadcast_in_dim3A_2676 : vector<16xi1>, vector<16xf32>
    %add3A_2758 = arith.addf %add3A_2753, %select_n3A_2757 : vector<16xf32>
    %swap3A_2759 = arith.constant 176 : index
    %swap3A_2760 = tpu.vector_load %arg6[%swap3A_2759] {strides = array<i32>} : memref<256xi32, #tpu.memory_space<vmem>>, vector<16xi32>,
    tpu.vector_store %arg6[%swap3A_2759], %select_n3A_2601 {strides = array<i32>} : memref<256xi32, #tpu.memory_space<vmem>>, vector<16xi32>,
    %swap3A_2761 = arith.constant 176 : index
    %swap3A_2762 = tpu.vector_load %arg7[%swap3A_2761] {strides = array<i32>} : memref<256xi32, #tpu.memory_space<vmem>>, vector<16xi32>,
    tpu.vector_store %arg7[%swap3A_2761], %select_n3A_2674 {strides = array<i32>} : memref<256xi32, #tpu.memory_space<vmem>>, vector<16xi32>,
    %broadcast_in_dim3A_2763 = arith.constant 192 : i32
    %broadcast_in_dim3A_2764 = vector.broadcast %broadcast_in_dim3A_2763 : i32 to vector<16xi32>
    %add3A_2765 = arith.addi %broadcast_in_dim3A_2764, %iota3A : vector<16xi32>
    %broadcast_in_dim3A_2766 = arith.constant 0 : i32
    %broadcast_in_dim3A_2767 = vector.broadcast %broadcast_in_dim3A_2766 : i32 to vector<16xi32>
    %gather3A_2768 = tpu.vector_load_idx %arg5[%add3A_2765, %broadcast_in_dim3A_2767] : memref<256x8xf32, #tpu.memory_space<vmem>>[vector<16xi32>, vector<16xi32>], vector<16xf32>,
    %broadcast_in_dim3A_2769 = arith.constant 1 : i32
    %broadcast_in_dim3A_2770 = vector.broadcast %broadcast_in_dim3A_2769 : i32 to vector<16xi32>
    %gather3A_2771 = tpu.vector_load_idx %arg5[%add3A_2765, %broadcast_in_dim3A_2770] : memref<256x8xf32, #tpu.memory_space<vmem>>[vector<16xi32>, vector<16xi32>], vector<16xf32>,
    %broadcast_in_dim3A_2772 = arith.constant 2 : i32
    %broadcast_in_dim3A_2773 = vector.broadcast %broadcast_in_dim3A_2772 : i32 to vector<16xi32>
    %gather3A_2774 = tpu.vector_load_idx %arg5[%add3A_2765, %broadcast_in_dim3A_2773] : memref<256x8xf32, #tpu.memory_space<vmem>>[vector<16xi32>, vector<16xi32>], vector<16xf32>,
    %broadcast_in_dim3A_2775 = arith.constant 3 : i32
    %broadcast_in_dim3A_2776 = vector.broadcast %broadcast_in_dim3A_2775 : i32 to vector<16xi32>
    %gather3A_2777 = tpu.vector_load_idx %arg5[%add3A_2765, %broadcast_in_dim3A_2776] : memref<256x8xf32, #tpu.memory_space<vmem>>[vector<16xi32>, vector<16xi32>], vector<16xf32>,
    %broadcast_in_dim3A_2778 = arith.constant 4 : i32
    %broadcast_in_dim3A_2779 = vector.broadcast %broadcast_in_dim3A_2778 : i32 to vector<16xi32>
    %gather3A_2780 = tpu.vector_load_idx %arg5[%add3A_2765, %broadcast_in_dim3A_2779] : memref<256x8xf32, #tpu.memory_space<vmem>>[vector<16xi32>, vector<16xi32>], vector<16xf32>,
    %broadcast_in_dim3A_2781 = arith.constant 5 : i32
    %broadcast_in_dim3A_2782 = vector.broadcast %broadcast_in_dim3A_2781 : i32 to vector<16xi32>
    %gather3A_2783 = tpu.vector_load_idx %arg5[%add3A_2765, %broadcast_in_dim3A_2782] : memref<256x8xf32, #tpu.memory_space<vmem>>[vector<16xi32>, vector<16xi32>], vector<16xf32>,
    %broadcast_in_dim3A_2784 = arith.constant 6 : i32
    %broadcast_in_dim3A_2785 = vector.broadcast %broadcast_in_dim3A_2784 : i32 to vector<16xi32>
    %gather3A_2786 = tpu.vector_load_idx %arg5[%add3A_2765, %broadcast_in_dim3A_2785] : memref<256x8xf32, #tpu.memory_space<vmem>>[vector<16xi32>, vector<16xi32>], vector<16xf32>,
    %broadcast_in_dim3A_2787 = arith.constant 7 : i32
    %broadcast_in_dim3A_2788 = vector.broadcast %broadcast_in_dim3A_2787 : i32 to vector<16xi32>
    %gather3A_2789 = tpu.vector_load_idx %arg5[%add3A_2765, %broadcast_in_dim3A_2788] : memref<256x8xf32, #tpu.memory_space<vmem>>[vector<16xi32>, vector<16xi32>], vector<16xf32>,
    %max3A_2790 = arith.maximumf %gather3A_2768, %gather3A_2771 : vector<16xf32>
    %max3A_2791 = arith.maximumf %max3A_2790, %gather3A_2774 : vector<16xf32>
    %max3A_2792 = arith.maximumf %max3A_2791, %gather3A_2777 : vector<16xf32>
    %max3A_2793 = arith.maximumf %max3A_2792, %gather3A_2780 : vector<16xf32>
    %max3A_2794 = arith.maximumf %max3A_2793, %gather3A_2783 : vector<16xf32>
    %max3A_2795 = arith.maximumf %max3A_2794, %gather3A_2786 : vector<16xf32>
    %max3A_2796 = arith.maximumf %max3A_2795, %gather3A_2789 : vector<16xf32>
    %broadcast_in_dim3A_2797 = arith.constant 8 : i32
    %broadcast_in_dim3A_2798 = vector.broadcast %broadcast_in_dim3A_2797 : i32 to vector<16xi32>
    %eq3A_2799 = arith.cmpf oeq, %gather3A_2789, %max3A_2796 : vector<16xf32>
    %broadcast_in_dim3A_2800 = arith.constant 7 : i32
    %broadcast_in_dim3A_2801 = vector.broadcast %broadcast_in_dim3A_2800 : i32 to vector<16xi32>
    %select_n3A_2802 = arith.select %eq3A_2799, %broadcast_in_dim3A_2801, %broadcast_in_dim3A_2798 : vector<16xi1>, vector<16xi32>
    %eq3A_2803 = arith.cmpf oeq, %gather3A_2786, %max3A_2796 : vector<16xf32>
    %broadcast_in_dim3A_2804 = arith.constant 6 : i32
    %broadcast_in_dim3A_2805 = vector.broadcast %broadcast_in_dim3A_2804 : i32 to vector<16xi32>
    %select_n3A_2806 = arith.select %eq3A_2803, %broadcast_in_dim3A_2805, %select_n3A_2802 : vector<16xi1>, vector<16xi32>
    %eq3A_2807 = arith.cmpf oeq, %gather3A_2783, %max3A_2796 : vector<16xf32>
    %broadcast_in_dim3A_2808 = arith.constant 5 : i32
    %broadcast_in_dim3A_2809 = vector.broadcast %broadcast_in_dim3A_2808 : i32 to vector<16xi32>
    %select_n3A_2810 = arith.select %eq3A_2807, %broadcast_in_dim3A_2809, %select_n3A_2806 : vector<16xi1>, vector<16xi32>
    %eq3A_2811 = arith.cmpf oeq, %gather3A_2780, %max3A_2796 : vector<16xf32>
    %broadcast_in_dim3A_2812 = arith.constant 4 : i32
    %broadcast_in_dim3A_2813 = vector.broadcast %broadcast_in_dim3A_2812 : i32 to vector<16xi32>
    %select_n3A_2814 = arith.select %eq3A_2811, %broadcast_in_dim3A_2813, %select_n3A_2810 : vector<16xi1>, vector<16xi32>
    %eq3A_2815 = arith.cmpf oeq, %gather3A_2777, %max3A_2796 : vector<16xf32>
    %broadcast_in_dim3A_2816 = arith.constant 3 : i32
    %broadcast_in_dim3A_2817 = vector.broadcast %broadcast_in_dim3A_2816 : i32 to vector<16xi32>
    %select_n3A_2818 = arith.select %eq3A_2815, %broadcast_in_dim3A_2817, %select_n3A_2814 : vector<16xi1>, vector<16xi32>
    %eq3A_2819 = arith.cmpf oeq, %gather3A_2774, %max3A_2796 : vector<16xf32>
    %broadcast_in_dim3A_2820 = arith.constant 2 : i32
    %broadcast_in_dim3A_2821 = vector.broadcast %broadcast_in_dim3A_2820 : i32 to vector<16xi32>
    %select_n3A_2822 = arith.select %eq3A_2819, %broadcast_in_dim3A_2821, %select_n3A_2818 : vector<16xi1>, vector<16xi32>
    %eq3A_2823 = arith.cmpf oeq, %gather3A_2771, %max3A_2796 : vector<16xf32>
    %broadcast_in_dim3A_2824 = arith.constant 1 : i32
    %broadcast_in_dim3A_2825 = vector.broadcast %broadcast_in_dim3A_2824 : i32 to vector<16xi32>
    %select_n3A_2826 = arith.select %eq3A_2823, %broadcast_in_dim3A_2825, %select_n3A_2822 : vector<16xi1>, vector<16xi32>
    %eq3A_2827 = arith.cmpf oeq, %gather3A_2768, %max3A_2796 : vector<16xf32>
    %broadcast_in_dim3A_2828 = arith.constant 0 : i32
    %broadcast_in_dim3A_2829 = vector.broadcast %broadcast_in_dim3A_2828 : i32 to vector<16xi32>
    %select_n3A_2830 = arith.select %eq3A_2827, %broadcast_in_dim3A_2829, %select_n3A_2826 : vector<16xi1>, vector<16xi32>
    %eq3A_2831 = arith.constant 0 : i32
    %eq3A_2832 = vector.broadcast %eq3A_2831 : i32 to vector<16xi32>
    %eq3A_2833 = arith.cmpi eq, %select_n3A_2830, %eq3A_2832 : vector<16xi32>
    %select_n3A_2834 = arith.select %eq3A_2833, %broadcast_in_dim3A_3, %gather3A_2768 : vector<16xi1>, vector<16xf32>
    %eq3A_2835 = arith.constant 1 : i32
    %eq3A_2836 = vector.broadcast %eq3A_2835 : i32 to vector<16xi32>
    %eq3A_2837 = arith.cmpi eq, %select_n3A_2830, %eq3A_2836 : vector<16xi32>
    %select_n3A_2838 = arith.select %eq3A_2837, %broadcast_in_dim3A_3, %gather3A_2771 : vector<16xi1>, vector<16xf32>
    %eq3A_2839 = arith.constant 2 : i32
    %eq3A_2840 = vector.broadcast %eq3A_2839 : i32 to vector<16xi32>
    %eq3A_2841 = arith.cmpi eq, %select_n3A_2830, %eq3A_2840 : vector<16xi32>
    %select_n3A_2842 = arith.select %eq3A_2841, %broadcast_in_dim3A_3, %gather3A_2774 : vector<16xi1>, vector<16xf32>
    %eq3A_2843 = arith.constant 3 : i32
    %eq3A_2844 = vector.broadcast %eq3A_2843 : i32 to vector<16xi32>
    %eq3A_2845 = arith.cmpi eq, %select_n3A_2830, %eq3A_2844 : vector<16xi32>
    %select_n3A_2846 = arith.select %eq3A_2845, %broadcast_in_dim3A_3, %gather3A_2777 : vector<16xi1>, vector<16xf32>
    %eq3A_2847 = arith.constant 4 : i32
    %eq3A_2848 = vector.broadcast %eq3A_2847 : i32 to vector<16xi32>
    %eq3A_2849 = arith.cmpi eq, %select_n3A_2830, %eq3A_2848 : vector<16xi32>
    %select_n3A_2850 = arith.select %eq3A_2849, %broadcast_in_dim3A_3, %gather3A_2780 : vector<16xi1>, vector<16xf32>
    %eq3A_2851 = arith.constant 5 : i32
    %eq3A_2852 = vector.broadcast %eq3A_2851 : i32 to vector<16xi32>
    %eq3A_2853 = arith.cmpi eq, %select_n3A_2830, %eq3A_2852 : vector<16xi32>
    %select_n3A_2854 = arith.select %eq3A_2853, %broadcast_in_dim3A_3, %gather3A_2783 : vector<16xi1>, vector<16xf32>
    %eq3A_2855 = arith.constant 6 : i32
    %eq3A_2856 = vector.broadcast %eq3A_2855 : i32 to vector<16xi32>
    %eq3A_2857 = arith.cmpi eq, %select_n3A_2830, %eq3A_2856 : vector<16xi32>
    %select_n3A_2858 = arith.select %eq3A_2857, %broadcast_in_dim3A_3, %gather3A_2786 : vector<16xi1>, vector<16xf32>
    %eq3A_2859 = arith.constant 7 : i32
    %eq3A_2860 = vector.broadcast %eq3A_2859 : i32 to vector<16xi32>
    %eq3A_2861 = arith.cmpi eq, %select_n3A_2830, %eq3A_2860 : vector<16xi32>
    %select_n3A_2862 = arith.select %eq3A_2861, %broadcast_in_dim3A_3, %gather3A_2789 : vector<16xi1>, vector<16xf32>
    %max3A_2863 = arith.maximumf %select_n3A_2834, %select_n3A_2838 : vector<16xf32>
    %max3A_2864 = arith.maximumf %max3A_2863, %select_n3A_2842 : vector<16xf32>
    %max3A_2865 = arith.maximumf %max3A_2864, %select_n3A_2846 : vector<16xf32>
    %max3A_2866 = arith.maximumf %max3A_2865, %select_n3A_2850 : vector<16xf32>
    %max3A_2867 = arith.maximumf %max3A_2866, %select_n3A_2854 : vector<16xf32>
    %max3A_2868 = arith.maximumf %max3A_2867, %select_n3A_2858 : vector<16xf32>
    %max3A_2869 = arith.maximumf %max3A_2868, %select_n3A_2862 : vector<16xf32>
    %broadcast_in_dim3A_2870 = arith.constant 8 : i32
    %broadcast_in_dim3A_2871 = vector.broadcast %broadcast_in_dim3A_2870 : i32 to vector<16xi32>
    %eq3A_2872 = arith.cmpf oeq, %select_n3A_2862, %max3A_2869 : vector<16xf32>
    %broadcast_in_dim3A_2873 = arith.constant 7 : i32
    %broadcast_in_dim3A_2874 = vector.broadcast %broadcast_in_dim3A_2873 : i32 to vector<16xi32>
    %select_n3A_2875 = arith.select %eq3A_2872, %broadcast_in_dim3A_2874, %broadcast_in_dim3A_2871 : vector<16xi1>, vector<16xi32>
    %eq3A_2876 = arith.cmpf oeq, %select_n3A_2858, %max3A_2869 : vector<16xf32>
    %broadcast_in_dim3A_2877 = arith.constant 6 : i32
    %broadcast_in_dim3A_2878 = vector.broadcast %broadcast_in_dim3A_2877 : i32 to vector<16xi32>
    %select_n3A_2879 = arith.select %eq3A_2876, %broadcast_in_dim3A_2878, %select_n3A_2875 : vector<16xi1>, vector<16xi32>
    %eq3A_2880 = arith.cmpf oeq, %select_n3A_2854, %max3A_2869 : vector<16xf32>
    %broadcast_in_dim3A_2881 = arith.constant 5 : i32
    %broadcast_in_dim3A_2882 = vector.broadcast %broadcast_in_dim3A_2881 : i32 to vector<16xi32>
    %select_n3A_2883 = arith.select %eq3A_2880, %broadcast_in_dim3A_2882, %select_n3A_2879 : vector<16xi1>, vector<16xi32>
    %eq3A_2884 = arith.cmpf oeq, %select_n3A_2850, %max3A_2869 : vector<16xf32>
    %broadcast_in_dim3A_2885 = arith.constant 4 : i32
    %broadcast_in_dim3A_2886 = vector.broadcast %broadcast_in_dim3A_2885 : i32 to vector<16xi32>
    %select_n3A_2887 = arith.select %eq3A_2884, %broadcast_in_dim3A_2886, %select_n3A_2883 : vector<16xi1>, vector<16xi32>
    %eq3A_2888 = arith.cmpf oeq, %select_n3A_2846, %max3A_2869 : vector<16xf32>
    %broadcast_in_dim3A_2889 = arith.constant 3 : i32
    %broadcast_in_dim3A_2890 = vector.broadcast %broadcast_in_dim3A_2889 : i32 to vector<16xi32>
    %select_n3A_2891 = arith.select %eq3A_2888, %broadcast_in_dim3A_2890, %select_n3A_2887 : vector<16xi1>, vector<16xi32>
    %eq3A_2892 = arith.cmpf oeq, %select_n3A_2842, %max3A_2869 : vector<16xf32>
    %broadcast_in_dim3A_2893 = arith.constant 2 : i32
    %broadcast_in_dim3A_2894 = vector.broadcast %broadcast_in_dim3A_2893 : i32 to vector<16xi32>
    %select_n3A_2895 = arith.select %eq3A_2892, %broadcast_in_dim3A_2894, %select_n3A_2891 : vector<16xi1>, vector<16xi32>
    %eq3A_2896 = arith.cmpf oeq, %select_n3A_2838, %max3A_2869 : vector<16xf32>
    %broadcast_in_dim3A_2897 = arith.constant 1 : i32
    %broadcast_in_dim3A_2898 = vector.broadcast %broadcast_in_dim3A_2897 : i32 to vector<16xi32>
    %select_n3A_2899 = arith.select %eq3A_2896, %broadcast_in_dim3A_2898, %select_n3A_2895 : vector<16xi1>, vector<16xi32>
    %eq3A_2900 = arith.cmpf oeq, %select_n3A_2834, %max3A_2869 : vector<16xf32>
    %broadcast_in_dim3A_2901 = arith.constant 0 : i32
    %broadcast_in_dim3A_2902 = vector.broadcast %broadcast_in_dim3A_2901 : i32 to vector<16xi32>
    %select_n3A_2903 = arith.select %eq3A_2900, %broadcast_in_dim3A_2902, %select_n3A_2899 : vector<16xi1>, vector<16xi32>
    %broadcast_in_dim3A_2904 = arith.constant 0.000000e+00 : f32
    %broadcast_in_dim3A_2905 = vector.broadcast %broadcast_in_dim3A_2904 : f32 to vector<16xf32>
    %broadcast_in_dim3A_2906 = arith.constant 1.000000e+00 : f32
    %broadcast_in_dim3A_2907 = vector.broadcast %broadcast_in_dim3A_2906 : f32 to vector<16xf32>
    %eq3A_2908 = arith.constant 0 : i32
    %eq3A_2909 = vector.broadcast %eq3A_2908 : i32 to vector<16xi32>
    %eq3A_2910 = arith.cmpi eq, %select_n3A_2830, %eq3A_2909 : vector<16xi32>
    %select_n3A_2911 = arith.select %eq3A_2910, %broadcast_in_dim3A_2907, %broadcast_in_dim3A_2905 : vector<16xi1>, vector<16xf32>
    %add3A_2912 = arith.addf %add3A_2688, %select_n3A_2911 : vector<16xf32>
    %eq3A_2913 = arith.constant 0 : i32
    %eq3A_2914 = vector.broadcast %eq3A_2913 : i32 to vector<16xi32>
    %eq3A_2915 = arith.cmpi eq, %select_n3A_2903, %eq3A_2914 : vector<16xi32>
    %select_n3A_2916 = arith.select %eq3A_2915, %broadcast_in_dim3A_2907, %broadcast_in_dim3A_2905 : vector<16xi1>, vector<16xf32>
    %add3A_2917 = arith.addf %add3A_2912, %select_n3A_2916 : vector<16xf32>
    %eq3A_2918 = arith.constant 1 : i32
    %eq3A_2919 = vector.broadcast %eq3A_2918 : i32 to vector<16xi32>
    %eq3A_2920 = arith.cmpi eq, %select_n3A_2830, %eq3A_2919 : vector<16xi32>
    %select_n3A_2921 = arith.select %eq3A_2920, %broadcast_in_dim3A_2907, %broadcast_in_dim3A_2905 : vector<16xi1>, vector<16xf32>
    %add3A_2922 = arith.addf %add3A_2698, %select_n3A_2921 : vector<16xf32>
    %eq3A_2923 = arith.constant 1 : i32
    %eq3A_2924 = vector.broadcast %eq3A_2923 : i32 to vector<16xi32>
    %eq3A_2925 = arith.cmpi eq, %select_n3A_2903, %eq3A_2924 : vector<16xi32>
    %select_n3A_2926 = arith.select %eq3A_2925, %broadcast_in_dim3A_2907, %broadcast_in_dim3A_2905 : vector<16xi1>, vector<16xf32>
    %add3A_2927 = arith.addf %add3A_2922, %select_n3A_2926 : vector<16xf32>
    %eq3A_2928 = arith.constant 2 : i32
    %eq3A_2929 = vector.broadcast %eq3A_2928 : i32 to vector<16xi32>
    %eq3A_2930 = arith.cmpi eq, %select_n3A_2830, %eq3A_2929 : vector<16xi32>
    %select_n3A_2931 = arith.select %eq3A_2930, %broadcast_in_dim3A_2907, %broadcast_in_dim3A_2905 : vector<16xi1>, vector<16xf32>
    %add3A_2932 = arith.addf %add3A_2708, %select_n3A_2931 : vector<16xf32>
    %eq3A_2933 = arith.constant 2 : i32
    %eq3A_2934 = vector.broadcast %eq3A_2933 : i32 to vector<16xi32>
    %eq3A_2935 = arith.cmpi eq, %select_n3A_2903, %eq3A_2934 : vector<16xi32>
    %select_n3A_2936 = arith.select %eq3A_2935, %broadcast_in_dim3A_2907, %broadcast_in_dim3A_2905 : vector<16xi1>, vector<16xf32>
    %add3A_2937 = arith.addf %add3A_2932, %select_n3A_2936 : vector<16xf32>
    %eq3A_2938 = arith.constant 3 : i32
    %eq3A_2939 = vector.broadcast %eq3A_2938 : i32 to vector<16xi32>
    %eq3A_2940 = arith.cmpi eq, %select_n3A_2830, %eq3A_2939 : vector<16xi32>
    %select_n3A_2941 = arith.select %eq3A_2940, %broadcast_in_dim3A_2907, %broadcast_in_dim3A_2905 : vector<16xi1>, vector<16xf32>
    %add3A_2942 = arith.addf %add3A_2718, %select_n3A_2941 : vector<16xf32>
    %eq3A_2943 = arith.constant 3 : i32
    %eq3A_2944 = vector.broadcast %eq3A_2943 : i32 to vector<16xi32>
    %eq3A_2945 = arith.cmpi eq, %select_n3A_2903, %eq3A_2944 : vector<16xi32>
    %select_n3A_2946 = arith.select %eq3A_2945, %broadcast_in_dim3A_2907, %broadcast_in_dim3A_2905 : vector<16xi1>, vector<16xf32>
    %add3A_2947 = arith.addf %add3A_2942, %select_n3A_2946 : vector<16xf32>
    %eq3A_2948 = arith.constant 4 : i32
    %eq3A_2949 = vector.broadcast %eq3A_2948 : i32 to vector<16xi32>
    %eq3A_2950 = arith.cmpi eq, %select_n3A_2830, %eq3A_2949 : vector<16xi32>
    %select_n3A_2951 = arith.select %eq3A_2950, %broadcast_in_dim3A_2907, %broadcast_in_dim3A_2905 : vector<16xi1>, vector<16xf32>
    %add3A_2952 = arith.addf %add3A_2728, %select_n3A_2951 : vector<16xf32>
    %eq3A_2953 = arith.constant 4 : i32
    %eq3A_2954 = vector.broadcast %eq3A_2953 : i32 to vector<16xi32>
    %eq3A_2955 = arith.cmpi eq, %select_n3A_2903, %eq3A_2954 : vector<16xi32>
    %select_n3A_2956 = arith.select %eq3A_2955, %broadcast_in_dim3A_2907, %broadcast_in_dim3A_2905 : vector<16xi1>, vector<16xf32>
    %add3A_2957 = arith.addf %add3A_2952, %select_n3A_2956 : vector<16xf32>
    %eq3A_2958 = arith.constant 5 : i32
    %eq3A_2959 = vector.broadcast %eq3A_2958 : i32 to vector<16xi32>
    %eq3A_2960 = arith.cmpi eq, %select_n3A_2830, %eq3A_2959 : vector<16xi32>
    %select_n3A_2961 = arith.select %eq3A_2960, %broadcast_in_dim3A_2907, %broadcast_in_dim3A_2905 : vector<16xi1>, vector<16xf32>
    %add3A_2962 = arith.addf %add3A_2738, %select_n3A_2961 : vector<16xf32>
    %eq3A_2963 = arith.constant 5 : i32
    %eq3A_2964 = vector.broadcast %eq3A_2963 : i32 to vector<16xi32>
    %eq3A_2965 = arith.cmpi eq, %select_n3A_2903, %eq3A_2964 : vector<16xi32>
    %select_n3A_2966 = arith.select %eq3A_2965, %broadcast_in_dim3A_2907, %broadcast_in_dim3A_2905 : vector<16xi1>, vector<16xf32>
    %add3A_2967 = arith.addf %add3A_2962, %select_n3A_2966 : vector<16xf32>
    %eq3A_2968 = arith.constant 6 : i32
    %eq3A_2969 = vector.broadcast %eq3A_2968 : i32 to vector<16xi32>
    %eq3A_2970 = arith.cmpi eq, %select_n3A_2830, %eq3A_2969 : vector<16xi32>
    %select_n3A_2971 = arith.select %eq3A_2970, %broadcast_in_dim3A_2907, %broadcast_in_dim3A_2905 : vector<16xi1>, vector<16xf32>
    %add3A_2972 = arith.addf %add3A_2748, %select_n3A_2971 : vector<16xf32>
    %eq3A_2973 = arith.constant 6 : i32
    %eq3A_2974 = vector.broadcast %eq3A_2973 : i32 to vector<16xi32>
    %eq3A_2975 = arith.cmpi eq, %select_n3A_2903, %eq3A_2974 : vector<16xi32>
    %select_n3A_2976 = arith.select %eq3A_2975, %broadcast_in_dim3A_2907, %broadcast_in_dim3A_2905 : vector<16xi1>, vector<16xf32>
    %add3A_2977 = arith.addf %add3A_2972, %select_n3A_2976 : vector<16xf32>
    %eq3A_2978 = arith.constant 7 : i32
    %eq3A_2979 = vector.broadcast %eq3A_2978 : i32 to vector<16xi32>
    %eq3A_2980 = arith.cmpi eq, %select_n3A_2830, %eq3A_2979 : vector<16xi32>
    %select_n3A_2981 = arith.select %eq3A_2980, %broadcast_in_dim3A_2907, %broadcast_in_dim3A_2905 : vector<16xi1>, vector<16xf32>
    %add3A_2982 = arith.addf %add3A_2758, %select_n3A_2981 : vector<16xf32>
    %eq3A_2983 = arith.constant 7 : i32
    %eq3A_2984 = vector.broadcast %eq3A_2983 : i32 to vector<16xi32>
    %eq3A_2985 = arith.cmpi eq, %select_n3A_2903, %eq3A_2984 : vector<16xi32>
    %select_n3A_2986 = arith.select %eq3A_2985, %broadcast_in_dim3A_2907, %broadcast_in_dim3A_2905 : vector<16xi1>, vector<16xf32>
    %add3A_2987 = arith.addf %add3A_2982, %select_n3A_2986 : vector<16xf32>
    %swap3A_2988 = arith.constant 192 : index
    %swap3A_2989 = tpu.vector_load %arg6[%swap3A_2988] {strides = array<i32>} : memref<256xi32, #tpu.memory_space<vmem>>, vector<16xi32>,
    tpu.vector_store %arg6[%swap3A_2988], %select_n3A_2830 {strides = array<i32>} : memref<256xi32, #tpu.memory_space<vmem>>, vector<16xi32>,
    %swap3A_2990 = arith.constant 192 : index
    %swap3A_2991 = tpu.vector_load %arg7[%swap3A_2990] {strides = array<i32>} : memref<256xi32, #tpu.memory_space<vmem>>, vector<16xi32>,
    tpu.vector_store %arg7[%swap3A_2990], %select_n3A_2903 {strides = array<i32>} : memref<256xi32, #tpu.memory_space<vmem>>, vector<16xi32>,
    %broadcast_in_dim3A_2992 = arith.constant 208 : i32
    %broadcast_in_dim3A_2993 = vector.broadcast %broadcast_in_dim3A_2992 : i32 to vector<16xi32>
    %add3A_2994 = arith.addi %broadcast_in_dim3A_2993, %iota3A : vector<16xi32>
    %broadcast_in_dim3A_2995 = arith.constant 0 : i32
    %broadcast_in_dim3A_2996 = vector.broadcast %broadcast_in_dim3A_2995 : i32 to vector<16xi32>
    %gather3A_2997 = tpu.vector_load_idx %arg5[%add3A_2994, %broadcast_in_dim3A_2996] : memref<256x8xf32, #tpu.memory_space<vmem>>[vector<16xi32>, vector<16xi32>], vector<16xf32>,
    %broadcast_in_dim3A_2998 = arith.constant 1 : i32
    %broadcast_in_dim3A_2999 = vector.broadcast %broadcast_in_dim3A_2998 : i32 to vector<16xi32>
    %gather3A_3000 = tpu.vector_load_idx %arg5[%add3A_2994, %broadcast_in_dim3A_2999] : memref<256x8xf32, #tpu.memory_space<vmem>>[vector<16xi32>, vector<16xi32>], vector<16xf32>,
    %broadcast_in_dim3A_3001 = arith.constant 2 : i32
    %broadcast_in_dim3A_3002 = vector.broadcast %broadcast_in_dim3A_3001 : i32 to vector<16xi32>
    %gather3A_3003 = tpu.vector_load_idx %arg5[%add3A_2994, %broadcast_in_dim3A_3002] : memref<256x8xf32, #tpu.memory_space<vmem>>[vector<16xi32>, vector<16xi32>], vector<16xf32>,
    %broadcast_in_dim3A_3004 = arith.constant 3 : i32
    %broadcast_in_dim3A_3005 = vector.broadcast %broadcast_in_dim3A_3004 : i32 to vector<16xi32>
    %gather3A_3006 = tpu.vector_load_idx %arg5[%add3A_2994, %broadcast_in_dim3A_3005] : memref<256x8xf32, #tpu.memory_space<vmem>>[vector<16xi32>, vector<16xi32>], vector<16xf32>,
    %broadcast_in_dim3A_3007 = arith.constant 4 : i32
    %broadcast_in_dim3A_3008 = vector.broadcast %broadcast_in_dim3A_3007 : i32 to vector<16xi32>
    %gather3A_3009 = tpu.vector_load_idx %arg5[%add3A_2994, %broadcast_in_dim3A_3008] : memref<256x8xf32, #tpu.memory_space<vmem>>[vector<16xi32>, vector<16xi32>], vector<16xf32>,
    %broadcast_in_dim3A_3010 = arith.constant 5 : i32
    %broadcast_in_dim3A_3011 = vector.broadcast %broadcast_in_dim3A_3010 : i32 to vector<16xi32>
    %gather3A_3012 = tpu.vector_load_idx %arg5[%add3A_2994, %broadcast_in_dim3A_3011] : memref<256x8xf32, #tpu.memory_space<vmem>>[vector<16xi32>, vector<16xi32>], vector<16xf32>,
    %broadcast_in_dim3A_3013 = arith.constant 6 : i32
    %broadcast_in_dim3A_3014 = vector.broadcast %broadcast_in_dim3A_3013 : i32 to vector<16xi32>
    %gather3A_3015 = tpu.vector_load_idx %arg5[%add3A_2994, %broadcast_in_dim3A_3014] : memref<256x8xf32, #tpu.memory_space<vmem>>[vector<16xi32>, vector<16xi32>], vector<16xf32>,
    %broadcast_in_dim3A_3016 = arith.constant 7 : i32
    %broadcast_in_dim3A_3017 = vector.broadcast %broadcast_in_dim3A_3016 : i32 to vector<16xi32>
    %gather3A_3018 = tpu.vector_load_idx %arg5[%add3A_2994, %broadcast_in_dim3A_3017] : memref<256x8xf32, #tpu.memory_space<vmem>>[vector<16xi32>, vector<16xi32>], vector<16xf32>,
    %max3A_3019 = arith.maximumf %gather3A_2997, %gather3A_3000 : vector<16xf32>
    %max3A_3020 = arith.maximumf %max3A_3019, %gather3A_3003 : vector<16xf32>
    %max3A_3021 = arith.maximumf %max3A_3020, %gather3A_3006 : vector<16xf32>
    %max3A_3022 = arith.maximumf %max3A_3021, %gather3A_3009 : vector<16xf32>
    %max3A_3023 = arith.maximumf %max3A_3022, %gather3A_3012 : vector<16xf32>
    %max3A_3024 = arith.maximumf %max3A_3023, %gather3A_3015 : vector<16xf32>
    %max3A_3025 = arith.maximumf %max3A_3024, %gather3A_3018 : vector<16xf32>
    %broadcast_in_dim3A_3026 = arith.constant 8 : i32
    %broadcast_in_dim3A_3027 = vector.broadcast %broadcast_in_dim3A_3026 : i32 to vector<16xi32>
    %eq3A_3028 = arith.cmpf oeq, %gather3A_3018, %max3A_3025 : vector<16xf32>
    %broadcast_in_dim3A_3029 = arith.constant 7 : i32
    %broadcast_in_dim3A_3030 = vector.broadcast %broadcast_in_dim3A_3029 : i32 to vector<16xi32>
    %select_n3A_3031 = arith.select %eq3A_3028, %broadcast_in_dim3A_3030, %broadcast_in_dim3A_3027 : vector<16xi1>, vector<16xi32>
    %eq3A_3032 = arith.cmpf oeq, %gather3A_3015, %max3A_3025 : vector<16xf32>
    %broadcast_in_dim3A_3033 = arith.constant 6 : i32
    %broadcast_in_dim3A_3034 = vector.broadcast %broadcast_in_dim3A_3033 : i32 to vector<16xi32>
    %select_n3A_3035 = arith.select %eq3A_3032, %broadcast_in_dim3A_3034, %select_n3A_3031 : vector<16xi1>, vector<16xi32>
    %eq3A_3036 = arith.cmpf oeq, %gather3A_3012, %max3A_3025 : vector<16xf32>
    %broadcast_in_dim3A_3037 = arith.constant 5 : i32
    %broadcast_in_dim3A_3038 = vector.broadcast %broadcast_in_dim3A_3037 : i32 to vector<16xi32>
    %select_n3A_3039 = arith.select %eq3A_3036, %broadcast_in_dim3A_3038, %select_n3A_3035 : vector<16xi1>, vector<16xi32>
    %eq3A_3040 = arith.cmpf oeq, %gather3A_3009, %max3A_3025 : vector<16xf32>
    %broadcast_in_dim3A_3041 = arith.constant 4 : i32
    %broadcast_in_dim3A_3042 = vector.broadcast %broadcast_in_dim3A_3041 : i32 to vector<16xi32>
    %select_n3A_3043 = arith.select %eq3A_3040, %broadcast_in_dim3A_3042, %select_n3A_3039 : vector<16xi1>, vector<16xi32>
    %eq3A_3044 = arith.cmpf oeq, %gather3A_3006, %max3A_3025 : vector<16xf32>
    %broadcast_in_dim3A_3045 = arith.constant 3 : i32
    %broadcast_in_dim3A_3046 = vector.broadcast %broadcast_in_dim3A_3045 : i32 to vector<16xi32>
    %select_n3A_3047 = arith.select %eq3A_3044, %broadcast_in_dim3A_3046, %select_n3A_3043 : vector<16xi1>, vector<16xi32>
    %eq3A_3048 = arith.cmpf oeq, %gather3A_3003, %max3A_3025 : vector<16xf32>
    %broadcast_in_dim3A_3049 = arith.constant 2 : i32
    %broadcast_in_dim3A_3050 = vector.broadcast %broadcast_in_dim3A_3049 : i32 to vector<16xi32>
    %select_n3A_3051 = arith.select %eq3A_3048, %broadcast_in_dim3A_3050, %select_n3A_3047 : vector<16xi1>, vector<16xi32>
    %eq3A_3052 = arith.cmpf oeq, %gather3A_3000, %max3A_3025 : vector<16xf32>
    %broadcast_in_dim3A_3053 = arith.constant 1 : i32
    %broadcast_in_dim3A_3054 = vector.broadcast %broadcast_in_dim3A_3053 : i32 to vector<16xi32>
    %select_n3A_3055 = arith.select %eq3A_3052, %broadcast_in_dim3A_3054, %select_n3A_3051 : vector<16xi1>, vector<16xi32>
    %eq3A_3056 = arith.cmpf oeq, %gather3A_2997, %max3A_3025 : vector<16xf32>
    %broadcast_in_dim3A_3057 = arith.constant 0 : i32
    %broadcast_in_dim3A_3058 = vector.broadcast %broadcast_in_dim3A_3057 : i32 to vector<16xi32>
    %select_n3A_3059 = arith.select %eq3A_3056, %broadcast_in_dim3A_3058, %select_n3A_3055 : vector<16xi1>, vector<16xi32>
    %eq3A_3060 = arith.constant 0 : i32
    %eq3A_3061 = vector.broadcast %eq3A_3060 : i32 to vector<16xi32>
    %eq3A_3062 = arith.cmpi eq, %select_n3A_3059, %eq3A_3061 : vector<16xi32>
    %select_n3A_3063 = arith.select %eq3A_3062, %broadcast_in_dim3A_3, %gather3A_2997 : vector<16xi1>, vector<16xf32>
    %eq3A_3064 = arith.constant 1 : i32
    %eq3A_3065 = vector.broadcast %eq3A_3064 : i32 to vector<16xi32>
    %eq3A_3066 = arith.cmpi eq, %select_n3A_3059, %eq3A_3065 : vector<16xi32>
    %select_n3A_3067 = arith.select %eq3A_3066, %broadcast_in_dim3A_3, %gather3A_3000 : vector<16xi1>, vector<16xf32>
    %eq3A_3068 = arith.constant 2 : i32
    %eq3A_3069 = vector.broadcast %eq3A_3068 : i32 to vector<16xi32>
    %eq3A_3070 = arith.cmpi eq, %select_n3A_3059, %eq3A_3069 : vector<16xi32>
    %select_n3A_3071 = arith.select %eq3A_3070, %broadcast_in_dim3A_3, %gather3A_3003 : vector<16xi1>, vector<16xf32>
    %eq3A_3072 = arith.constant 3 : i32
    %eq3A_3073 = vector.broadcast %eq3A_3072 : i32 to vector<16xi32>
    %eq3A_3074 = arith.cmpi eq, %select_n3A_3059, %eq3A_3073 : vector<16xi32>
    %select_n3A_3075 = arith.select %eq3A_3074, %broadcast_in_dim3A_3, %gather3A_3006 : vector<16xi1>, vector<16xf32>
    %eq3A_3076 = arith.constant 4 : i32
    %eq3A_3077 = vector.broadcast %eq3A_3076 : i32 to vector<16xi32>
    %eq3A_3078 = arith.cmpi eq, %select_n3A_3059, %eq3A_3077 : vector<16xi32>
    %select_n3A_3079 = arith.select %eq3A_3078, %broadcast_in_dim3A_3, %gather3A_3009 : vector<16xi1>, vector<16xf32>
    %eq3A_3080 = arith.constant 5 : i32
    %eq3A_3081 = vector.broadcast %eq3A_3080 : i32 to vector<16xi32>
    %eq3A_3082 = arith.cmpi eq, %select_n3A_3059, %eq3A_3081 : vector<16xi32>
    %select_n3A_3083 = arith.select %eq3A_3082, %broadcast_in_dim3A_3, %gather3A_3012 : vector<16xi1>, vector<16xf32>
    %eq3A_3084 = arith.constant 6 : i32
    %eq3A_3085 = vector.broadcast %eq3A_3084 : i32 to vector<16xi32>
    %eq3A_3086 = arith.cmpi eq, %select_n3A_3059, %eq3A_3085 : vector<16xi32>
    %select_n3A_3087 = arith.select %eq3A_3086, %broadcast_in_dim3A_3, %gather3A_3015 : vector<16xi1>, vector<16xf32>
    %eq3A_3088 = arith.constant 7 : i32
    %eq3A_3089 = vector.broadcast %eq3A_3088 : i32 to vector<16xi32>
    %eq3A_3090 = arith.cmpi eq, %select_n3A_3059, %eq3A_3089 : vector<16xi32>
    %select_n3A_3091 = arith.select %eq3A_3090, %broadcast_in_dim3A_3, %gather3A_3018 : vector<16xi1>, vector<16xf32>
    %max3A_3092 = arith.maximumf %select_n3A_3063, %select_n3A_3067 : vector<16xf32>
    %max3A_3093 = arith.maximumf %max3A_3092, %select_n3A_3071 : vector<16xf32>
    %max3A_3094 = arith.maximumf %max3A_3093, %select_n3A_3075 : vector<16xf32>
    %max3A_3095 = arith.maximumf %max3A_3094, %select_n3A_3079 : vector<16xf32>
    %max3A_3096 = arith.maximumf %max3A_3095, %select_n3A_3083 : vector<16xf32>
    %max3A_3097 = arith.maximumf %max3A_3096, %select_n3A_3087 : vector<16xf32>
    %max3A_3098 = arith.maximumf %max3A_3097, %select_n3A_3091 : vector<16xf32>
    %broadcast_in_dim3A_3099 = arith.constant 8 : i32
    %broadcast_in_dim3A_3100 = vector.broadcast %broadcast_in_dim3A_3099 : i32 to vector<16xi32>
    %eq3A_3101 = arith.cmpf oeq, %select_n3A_3091, %max3A_3098 : vector<16xf32>
    %broadcast_in_dim3A_3102 = arith.constant 7 : i32
    %broadcast_in_dim3A_3103 = vector.broadcast %broadcast_in_dim3A_3102 : i32 to vector<16xi32>
    %select_n3A_3104 = arith.select %eq3A_3101, %broadcast_in_dim3A_3103, %broadcast_in_dim3A_3100 : vector<16xi1>, vector<16xi32>
    %eq3A_3105 = arith.cmpf oeq, %select_n3A_3087, %max3A_3098 : vector<16xf32>
    %broadcast_in_dim3A_3106 = arith.constant 6 : i32
    %broadcast_in_dim3A_3107 = vector.broadcast %broadcast_in_dim3A_3106 : i32 to vector<16xi32>
    %select_n3A_3108 = arith.select %eq3A_3105, %broadcast_in_dim3A_3107, %select_n3A_3104 : vector<16xi1>, vector<16xi32>
    %eq3A_3109 = arith.cmpf oeq, %select_n3A_3083, %max3A_3098 : vector<16xf32>
    %broadcast_in_dim3A_3110 = arith.constant 5 : i32
    %broadcast_in_dim3A_3111 = vector.broadcast %broadcast_in_dim3A_3110 : i32 to vector<16xi32>
    %select_n3A_3112 = arith.select %eq3A_3109, %broadcast_in_dim3A_3111, %select_n3A_3108 : vector<16xi1>, vector<16xi32>
    %eq3A_3113 = arith.cmpf oeq, %select_n3A_3079, %max3A_3098 : vector<16xf32>
    %broadcast_in_dim3A_3114 = arith.constant 4 : i32
    %broadcast_in_dim3A_3115 = vector.broadcast %broadcast_in_dim3A_3114 : i32 to vector<16xi32>
    %select_n3A_3116 = arith.select %eq3A_3113, %broadcast_in_dim3A_3115, %select_n3A_3112 : vector<16xi1>, vector<16xi32>
    %eq3A_3117 = arith.cmpf oeq, %select_n3A_3075, %max3A_3098 : vector<16xf32>
    %broadcast_in_dim3A_3118 = arith.constant 3 : i32
    %broadcast_in_dim3A_3119 = vector.broadcast %broadcast_in_dim3A_3118 : i32 to vector<16xi32>
    %select_n3A_3120 = arith.select %eq3A_3117, %broadcast_in_dim3A_3119, %select_n3A_3116 : vector<16xi1>, vector<16xi32>
    %eq3A_3121 = arith.cmpf oeq, %select_n3A_3071, %max3A_3098 : vector<16xf32>
    %broadcast_in_dim3A_3122 = arith.constant 2 : i32
    %broadcast_in_dim3A_3123 = vector.broadcast %broadcast_in_dim3A_3122 : i32 to vector<16xi32>
    %select_n3A_3124 = arith.select %eq3A_3121, %broadcast_in_dim3A_3123, %select_n3A_3120 : vector<16xi1>, vector<16xi32>
    %eq3A_3125 = arith.cmpf oeq, %select_n3A_3067, %max3A_3098 : vector<16xf32>
    %broadcast_in_dim3A_3126 = arith.constant 1 : i32
    %broadcast_in_dim3A_3127 = vector.broadcast %broadcast_in_dim3A_3126 : i32 to vector<16xi32>
    %select_n3A_3128 = arith.select %eq3A_3125, %broadcast_in_dim3A_3127, %select_n3A_3124 : vector<16xi1>, vector<16xi32>
    %eq3A_3129 = arith.cmpf oeq, %select_n3A_3063, %max3A_3098 : vector<16xf32>
    %broadcast_in_dim3A_3130 = arith.constant 0 : i32
    %broadcast_in_dim3A_3131 = vector.broadcast %broadcast_in_dim3A_3130 : i32 to vector<16xi32>
    %select_n3A_3132 = arith.select %eq3A_3129, %broadcast_in_dim3A_3131, %select_n3A_3128 : vector<16xi1>, vector<16xi32>
    %broadcast_in_dim3A_3133 = arith.constant 0.000000e+00 : f32
    %broadcast_in_dim3A_3134 = vector.broadcast %broadcast_in_dim3A_3133 : f32 to vector<16xf32>
    %broadcast_in_dim3A_3135 = arith.constant 1.000000e+00 : f32
    %broadcast_in_dim3A_3136 = vector.broadcast %broadcast_in_dim3A_3135 : f32 to vector<16xf32>
    %eq3A_3137 = arith.constant 0 : i32
    %eq3A_3138 = vector.broadcast %eq3A_3137 : i32 to vector<16xi32>
    %eq3A_3139 = arith.cmpi eq, %select_n3A_3059, %eq3A_3138 : vector<16xi32>
    %select_n3A_3140 = arith.select %eq3A_3139, %broadcast_in_dim3A_3136, %broadcast_in_dim3A_3134 : vector<16xi1>, vector<16xf32>
    %add3A_3141 = arith.addf %add3A_2917, %select_n3A_3140 : vector<16xf32>
    %eq3A_3142 = arith.constant 0 : i32
    %eq3A_3143 = vector.broadcast %eq3A_3142 : i32 to vector<16xi32>
    %eq3A_3144 = arith.cmpi eq, %select_n3A_3132, %eq3A_3143 : vector<16xi32>
    %select_n3A_3145 = arith.select %eq3A_3144, %broadcast_in_dim3A_3136, %broadcast_in_dim3A_3134 : vector<16xi1>, vector<16xf32>
    %add3A_3146 = arith.addf %add3A_3141, %select_n3A_3145 : vector<16xf32>
    %eq3A_3147 = arith.constant 1 : i32
    %eq3A_3148 = vector.broadcast %eq3A_3147 : i32 to vector<16xi32>
    %eq3A_3149 = arith.cmpi eq, %select_n3A_3059, %eq3A_3148 : vector<16xi32>
    %select_n3A_3150 = arith.select %eq3A_3149, %broadcast_in_dim3A_3136, %broadcast_in_dim3A_3134 : vector<16xi1>, vector<16xf32>
    %add3A_3151 = arith.addf %add3A_2927, %select_n3A_3150 : vector<16xf32>
    %eq3A_3152 = arith.constant 1 : i32
    %eq3A_3153 = vector.broadcast %eq3A_3152 : i32 to vector<16xi32>
    %eq3A_3154 = arith.cmpi eq, %select_n3A_3132, %eq3A_3153 : vector<16xi32>
    %select_n3A_3155 = arith.select %eq3A_3154, %broadcast_in_dim3A_3136, %broadcast_in_dim3A_3134 : vector<16xi1>, vector<16xf32>
    %add3A_3156 = arith.addf %add3A_3151, %select_n3A_3155 : vector<16xf32>
    %eq3A_3157 = arith.constant 2 : i32
    %eq3A_3158 = vector.broadcast %eq3A_3157 : i32 to vector<16xi32>
    %eq3A_3159 = arith.cmpi eq, %select_n3A_3059, %eq3A_3158 : vector<16xi32>
    %select_n3A_3160 = arith.select %eq3A_3159, %broadcast_in_dim3A_3136, %broadcast_in_dim3A_3134 : vector<16xi1>, vector<16xf32>
    %add3A_3161 = arith.addf %add3A_2937, %select_n3A_3160 : vector<16xf32>
    %eq3A_3162 = arith.constant 2 : i32
    %eq3A_3163 = vector.broadcast %eq3A_3162 : i32 to vector<16xi32>
    %eq3A_3164 = arith.cmpi eq, %select_n3A_3132, %eq3A_3163 : vector<16xi32>
    %select_n3A_3165 = arith.select %eq3A_3164, %broadcast_in_dim3A_3136, %broadcast_in_dim3A_3134 : vector<16xi1>, vector<16xf32>
    %add3A_3166 = arith.addf %add3A_3161, %select_n3A_3165 : vector<16xf32>
    %eq3A_3167 = arith.constant 3 : i32
    %eq3A_3168 = vector.broadcast %eq3A_3167 : i32 to vector<16xi32>
    %eq3A_3169 = arith.cmpi eq, %select_n3A_3059, %eq3A_3168 : vector<16xi32>
    %select_n3A_3170 = arith.select %eq3A_3169, %broadcast_in_dim3A_3136, %broadcast_in_dim3A_3134 : vector<16xi1>, vector<16xf32>
    %add3A_3171 = arith.addf %add3A_2947, %select_n3A_3170 : vector<16xf32>
    %eq3A_3172 = arith.constant 3 : i32
    %eq3A_3173 = vector.broadcast %eq3A_3172 : i32 to vector<16xi32>
    %eq3A_3174 = arith.cmpi eq, %select_n3A_3132, %eq3A_3173 : vector<16xi32>
    %select_n3A_3175 = arith.select %eq3A_3174, %broadcast_in_dim3A_3136, %broadcast_in_dim3A_3134 : vector<16xi1>, vector<16xf32>
    %add3A_3176 = arith.addf %add3A_3171, %select_n3A_3175 : vector<16xf32>
    %eq3A_3177 = arith.constant 4 : i32
    %eq3A_3178 = vector.broadcast %eq3A_3177 : i32 to vector<16xi32>
    %eq3A_3179 = arith.cmpi eq, %select_n3A_3059, %eq3A_3178 : vector<16xi32>
    %select_n3A_3180 = arith.select %eq3A_3179, %broadcast_in_dim3A_3136, %broadcast_in_dim3A_3134 : vector<16xi1>, vector<16xf32>
    %add3A_3181 = arith.addf %add3A_2957, %select_n3A_3180 : vector<16xf32>
    %eq3A_3182 = arith.constant 4 : i32
    %eq3A_3183 = vector.broadcast %eq3A_3182 : i32 to vector<16xi32>
    %eq3A_3184 = arith.cmpi eq, %select_n3A_3132, %eq3A_3183 : vector<16xi32>
    %select_n3A_3185 = arith.select %eq3A_3184, %broadcast_in_dim3A_3136, %broadcast_in_dim3A_3134 : vector<16xi1>, vector<16xf32>
    %add3A_3186 = arith.addf %add3A_3181, %select_n3A_3185 : vector<16xf32>
    %eq3A_3187 = arith.constant 5 : i32
    %eq3A_3188 = vector.broadcast %eq3A_3187 : i32 to vector<16xi32>
    %eq3A_3189 = arith.cmpi eq, %select_n3A_3059, %eq3A_3188 : vector<16xi32>
    %select_n3A_3190 = arith.select %eq3A_3189, %broadcast_in_dim3A_3136, %broadcast_in_dim3A_3134 : vector<16xi1>, vector<16xf32>
    %add3A_3191 = arith.addf %add3A_2967, %select_n3A_3190 : vector<16xf32>
    %eq3A_3192 = arith.constant 5 : i32
    %eq3A_3193 = vector.broadcast %eq3A_3192 : i32 to vector<16xi32>
    %eq3A_3194 = arith.cmpi eq, %select_n3A_3132, %eq3A_3193 : vector<16xi32>
    %select_n3A_3195 = arith.select %eq3A_3194, %broadcast_in_dim3A_3136, %broadcast_in_dim3A_3134 : vector<16xi1>, vector<16xf32>
    %add3A_3196 = arith.addf %add3A_3191, %select_n3A_3195 : vector<16xf32>
    %eq3A_3197 = arith.constant 6 : i32
    %eq3A_3198 = vector.broadcast %eq3A_3197 : i32 to vector<16xi32>
    %eq3A_3199 = arith.cmpi eq, %select_n3A_3059, %eq3A_3198 : vector<16xi32>
    %select_n3A_3200 = arith.select %eq3A_3199, %broadcast_in_dim3A_3136, %broadcast_in_dim3A_3134 : vector<16xi1>, vector<16xf32>
    %add3A_3201 = arith.addf %add3A_2977, %select_n3A_3200 : vector<16xf32>
    %eq3A_3202 = arith.constant 6 : i32
    %eq3A_3203 = vector.broadcast %eq3A_3202 : i32 to vector<16xi32>
    %eq3A_3204 = arith.cmpi eq, %select_n3A_3132, %eq3A_3203 : vector<16xi32>
    %select_n3A_3205 = arith.select %eq3A_3204, %broadcast_in_dim3A_3136, %broadcast_in_dim3A_3134 : vector<16xi1>, vector<16xf32>
    %add3A_3206 = arith.addf %add3A_3201, %select_n3A_3205 : vector<16xf32>
    %eq3A_3207 = arith.constant 7 : i32
    %eq3A_3208 = vector.broadcast %eq3A_3207 : i32 to vector<16xi32>
    %eq3A_3209 = arith.cmpi eq, %select_n3A_3059, %eq3A_3208 : vector<16xi32>
    %select_n3A_3210 = arith.select %eq3A_3209, %broadcast_in_dim3A_3136, %broadcast_in_dim3A_3134 : vector<16xi1>, vector<16xf32>
    %add3A_3211 = arith.addf %add3A_2987, %select_n3A_3210 : vector<16xf32>
    %eq3A_3212 = arith.constant 7 : i32
    %eq3A_3213 = vector.broadcast %eq3A_3212 : i32 to vector<16xi32>
    %eq3A_3214 = arith.cmpi eq, %select_n3A_3132, %eq3A_3213 : vector<16xi32>
    %select_n3A_3215 = arith.select %eq3A_3214, %broadcast_in_dim3A_3136, %broadcast_in_dim3A_3134 : vector<16xi1>, vector<16xf32>
    %add3A_3216 = arith.addf %add3A_3211, %select_n3A_3215 : vector<16xf32>
    %swap3A_3217 = arith.constant 208 : index
    %swap3A_3218 = tpu.vector_load %arg6[%swap3A_3217] {strides = array<i32>} : memref<256xi32, #tpu.memory_space<vmem>>, vector<16xi32>,
    tpu.vector_store %arg6[%swap3A_3217], %select_n3A_3059 {strides = array<i32>} : memref<256xi32, #tpu.memory_space<vmem>>, vector<16xi32>,
    %swap3A_3219 = arith.constant 208 : index
    %swap3A_3220 = tpu.vector_load %arg7[%swap3A_3219] {strides = array<i32>} : memref<256xi32, #tpu.memory_space<vmem>>, vector<16xi32>,
    tpu.vector_store %arg7[%swap3A_3219], %select_n3A_3132 {strides = array<i32>} : memref<256xi32, #tpu.memory_space<vmem>>, vector<16xi32>,
    %broadcast_in_dim3A_3221 = arith.constant 224 : i32
    %broadcast_in_dim3A_3222 = vector.broadcast %broadcast_in_dim3A_3221 : i32 to vector<16xi32>
    %add3A_3223 = arith.addi %broadcast_in_dim3A_3222, %iota3A : vector<16xi32>
    %broadcast_in_dim3A_3224 = arith.constant 0 : i32
    %broadcast_in_dim3A_3225 = vector.broadcast %broadcast_in_dim3A_3224 : i32 to vector<16xi32>
    %gather3A_3226 = tpu.vector_load_idx %arg5[%add3A_3223, %broadcast_in_dim3A_3225] : memref<256x8xf32, #tpu.memory_space<vmem>>[vector<16xi32>, vector<16xi32>], vector<16xf32>,
    %broadcast_in_dim3A_3227 = arith.constant 1 : i32
    %broadcast_in_dim3A_3228 = vector.broadcast %broadcast_in_dim3A_3227 : i32 to vector<16xi32>
    %gather3A_3229 = tpu.vector_load_idx %arg5[%add3A_3223, %broadcast_in_dim3A_3228] : memref<256x8xf32, #tpu.memory_space<vmem>>[vector<16xi32>, vector<16xi32>], vector<16xf32>,
    %broadcast_in_dim3A_3230 = arith.constant 2 : i32
    %broadcast_in_dim3A_3231 = vector.broadcast %broadcast_in_dim3A_3230 : i32 to vector<16xi32>
    %gather3A_3232 = tpu.vector_load_idx %arg5[%add3A_3223, %broadcast_in_dim3A_3231] : memref<256x8xf32, #tpu.memory_space<vmem>>[vector<16xi32>, vector<16xi32>], vector<16xf32>,
    %broadcast_in_dim3A_3233 = arith.constant 3 : i32
    %broadcast_in_dim3A_3234 = vector.broadcast %broadcast_in_dim3A_3233 : i32 to vector<16xi32>
    %gather3A_3235 = tpu.vector_load_idx %arg5[%add3A_3223, %broadcast_in_dim3A_3234] : memref<256x8xf32, #tpu.memory_space<vmem>>[vector<16xi32>, vector<16xi32>], vector<16xf32>,
    %broadcast_in_dim3A_3236 = arith.constant 4 : i32
    %broadcast_in_dim3A_3237 = vector.broadcast %broadcast_in_dim3A_3236 : i32 to vector<16xi32>
    %gather3A_3238 = tpu.vector_load_idx %arg5[%add3A_3223, %broadcast_in_dim3A_3237] : memref<256x8xf32, #tpu.memory_space<vmem>>[vector<16xi32>, vector<16xi32>], vector<16xf32>,
    %broadcast_in_dim3A_3239 = arith.constant 5 : i32
    %broadcast_in_dim3A_3240 = vector.broadcast %broadcast_in_dim3A_3239 : i32 to vector<16xi32>
    %gather3A_3241 = tpu.vector_load_idx %arg5[%add3A_3223, %broadcast_in_dim3A_3240] : memref<256x8xf32, #tpu.memory_space<vmem>>[vector<16xi32>, vector<16xi32>], vector<16xf32>,
    %broadcast_in_dim3A_3242 = arith.constant 6 : i32
    %broadcast_in_dim3A_3243 = vector.broadcast %broadcast_in_dim3A_3242 : i32 to vector<16xi32>
    %gather3A_3244 = tpu.vector_load_idx %arg5[%add3A_3223, %broadcast_in_dim3A_3243] : memref<256x8xf32, #tpu.memory_space<vmem>>[vector<16xi32>, vector<16xi32>], vector<16xf32>,
    %broadcast_in_dim3A_3245 = arith.constant 7 : i32
    %broadcast_in_dim3A_3246 = vector.broadcast %broadcast_in_dim3A_3245 : i32 to vector<16xi32>
    %gather3A_3247 = tpu.vector_load_idx %arg5[%add3A_3223, %broadcast_in_dim3A_3246] : memref<256x8xf32, #tpu.memory_space<vmem>>[vector<16xi32>, vector<16xi32>], vector<16xf32>,
    %max3A_3248 = arith.maximumf %gather3A_3226, %gather3A_3229 : vector<16xf32>
    %max3A_3249 = arith.maximumf %max3A_3248, %gather3A_3232 : vector<16xf32>
    %max3A_3250 = arith.maximumf %max3A_3249, %gather3A_3235 : vector<16xf32>
    %max3A_3251 = arith.maximumf %max3A_3250, %gather3A_3238 : vector<16xf32>
    %max3A_3252 = arith.maximumf %max3A_3251, %gather3A_3241 : vector<16xf32>
    %max3A_3253 = arith.maximumf %max3A_3252, %gather3A_3244 : vector<16xf32>
    %max3A_3254 = arith.maximumf %max3A_3253, %gather3A_3247 : vector<16xf32>
    %broadcast_in_dim3A_3255 = arith.constant 8 : i32
    %broadcast_in_dim3A_3256 = vector.broadcast %broadcast_in_dim3A_3255 : i32 to vector<16xi32>
    %eq3A_3257 = arith.cmpf oeq, %gather3A_3247, %max3A_3254 : vector<16xf32>
    %broadcast_in_dim3A_3258 = arith.constant 7 : i32
    %broadcast_in_dim3A_3259 = vector.broadcast %broadcast_in_dim3A_3258 : i32 to vector<16xi32>
    %select_n3A_3260 = arith.select %eq3A_3257, %broadcast_in_dim3A_3259, %broadcast_in_dim3A_3256 : vector<16xi1>, vector<16xi32>
    %eq3A_3261 = arith.cmpf oeq, %gather3A_3244, %max3A_3254 : vector<16xf32>
    %broadcast_in_dim3A_3262 = arith.constant 6 : i32
    %broadcast_in_dim3A_3263 = vector.broadcast %broadcast_in_dim3A_3262 : i32 to vector<16xi32>
    %select_n3A_3264 = arith.select %eq3A_3261, %broadcast_in_dim3A_3263, %select_n3A_3260 : vector<16xi1>, vector<16xi32>
    %eq3A_3265 = arith.cmpf oeq, %gather3A_3241, %max3A_3254 : vector<16xf32>
    %broadcast_in_dim3A_3266 = arith.constant 5 : i32
    %broadcast_in_dim3A_3267 = vector.broadcast %broadcast_in_dim3A_3266 : i32 to vector<16xi32>
    %select_n3A_3268 = arith.select %eq3A_3265, %broadcast_in_dim3A_3267, %select_n3A_3264 : vector<16xi1>, vector<16xi32>
    %eq3A_3269 = arith.cmpf oeq, %gather3A_3238, %max3A_3254 : vector<16xf32>
    %broadcast_in_dim3A_3270 = arith.constant 4 : i32
    %broadcast_in_dim3A_3271 = vector.broadcast %broadcast_in_dim3A_3270 : i32 to vector<16xi32>
    %select_n3A_3272 = arith.select %eq3A_3269, %broadcast_in_dim3A_3271, %select_n3A_3268 : vector<16xi1>, vector<16xi32>
    %eq3A_3273 = arith.cmpf oeq, %gather3A_3235, %max3A_3254 : vector<16xf32>
    %broadcast_in_dim3A_3274 = arith.constant 3 : i32
    %broadcast_in_dim3A_3275 = vector.broadcast %broadcast_in_dim3A_3274 : i32 to vector<16xi32>
    %select_n3A_3276 = arith.select %eq3A_3273, %broadcast_in_dim3A_3275, %select_n3A_3272 : vector<16xi1>, vector<16xi32>
    %eq3A_3277 = arith.cmpf oeq, %gather3A_3232, %max3A_3254 : vector<16xf32>
    %broadcast_in_dim3A_3278 = arith.constant 2 : i32
    %broadcast_in_dim3A_3279 = vector.broadcast %broadcast_in_dim3A_3278 : i32 to vector<16xi32>
    %select_n3A_3280 = arith.select %eq3A_3277, %broadcast_in_dim3A_3279, %select_n3A_3276 : vector<16xi1>, vector<16xi32>
    %eq3A_3281 = arith.cmpf oeq, %gather3A_3229, %max3A_3254 : vector<16xf32>
    %broadcast_in_dim3A_3282 = arith.constant 1 : i32
    %broadcast_in_dim3A_3283 = vector.broadcast %broadcast_in_dim3A_3282 : i32 to vector<16xi32>
    %select_n3A_3284 = arith.select %eq3A_3281, %broadcast_in_dim3A_3283, %select_n3A_3280 : vector<16xi1>, vector<16xi32>
    %eq3A_3285 = arith.cmpf oeq, %gather3A_3226, %max3A_3254 : vector<16xf32>
    %broadcast_in_dim3A_3286 = arith.constant 0 : i32
    %broadcast_in_dim3A_3287 = vector.broadcast %broadcast_in_dim3A_3286 : i32 to vector<16xi32>
    %select_n3A_3288 = arith.select %eq3A_3285, %broadcast_in_dim3A_3287, %select_n3A_3284 : vector<16xi1>, vector<16xi32>
    %eq3A_3289 = arith.constant 0 : i32
    %eq3A_3290 = vector.broadcast %eq3A_3289 : i32 to vector<16xi32>
    %eq3A_3291 = arith.cmpi eq, %select_n3A_3288, %eq3A_3290 : vector<16xi32>
    %select_n3A_3292 = arith.select %eq3A_3291, %broadcast_in_dim3A_3, %gather3A_3226 : vector<16xi1>, vector<16xf32>
    %eq3A_3293 = arith.constant 1 : i32
    %eq3A_3294 = vector.broadcast %eq3A_3293 : i32 to vector<16xi32>
    %eq3A_3295 = arith.cmpi eq, %select_n3A_3288, %eq3A_3294 : vector<16xi32>
    %select_n3A_3296 = arith.select %eq3A_3295, %broadcast_in_dim3A_3, %gather3A_3229 : vector<16xi1>, vector<16xf32>
    %eq3A_3297 = arith.constant 2 : i32
    %eq3A_3298 = vector.broadcast %eq3A_3297 : i32 to vector<16xi32>
    %eq3A_3299 = arith.cmpi eq, %select_n3A_3288, %eq3A_3298 : vector<16xi32>
    %select_n3A_3300 = arith.select %eq3A_3299, %broadcast_in_dim3A_3, %gather3A_3232 : vector<16xi1>, vector<16xf32>
    %eq3A_3301 = arith.constant 3 : i32
    %eq3A_3302 = vector.broadcast %eq3A_3301 : i32 to vector<16xi32>
    %eq3A_3303 = arith.cmpi eq, %select_n3A_3288, %eq3A_3302 : vector<16xi32>
    %select_n3A_3304 = arith.select %eq3A_3303, %broadcast_in_dim3A_3, %gather3A_3235 : vector<16xi1>, vector<16xf32>
    %eq3A_3305 = arith.constant 4 : i32
    %eq3A_3306 = vector.broadcast %eq3A_3305 : i32 to vector<16xi32>
    %eq3A_3307 = arith.cmpi eq, %select_n3A_3288, %eq3A_3306 : vector<16xi32>
    %select_n3A_3308 = arith.select %eq3A_3307, %broadcast_in_dim3A_3, %gather3A_3238 : vector<16xi1>, vector<16xf32>
    %eq3A_3309 = arith.constant 5 : i32
    %eq3A_3310 = vector.broadcast %eq3A_3309 : i32 to vector<16xi32>
    %eq3A_3311 = arith.cmpi eq, %select_n3A_3288, %eq3A_3310 : vector<16xi32>
    %select_n3A_3312 = arith.select %eq3A_3311, %broadcast_in_dim3A_3, %gather3A_3241 : vector<16xi1>, vector<16xf32>
    %eq3A_3313 = arith.constant 6 : i32
    %eq3A_3314 = vector.broadcast %eq3A_3313 : i32 to vector<16xi32>
    %eq3A_3315 = arith.cmpi eq, %select_n3A_3288, %eq3A_3314 : vector<16xi32>
    %select_n3A_3316 = arith.select %eq3A_3315, %broadcast_in_dim3A_3, %gather3A_3244 : vector<16xi1>, vector<16xf32>
    %eq3A_3317 = arith.constant 7 : i32
    %eq3A_3318 = vector.broadcast %eq3A_3317 : i32 to vector<16xi32>
    %eq3A_3319 = arith.cmpi eq, %select_n3A_3288, %eq3A_3318 : vector<16xi32>
    %select_n3A_3320 = arith.select %eq3A_3319, %broadcast_in_dim3A_3, %gather3A_3247 : vector<16xi1>, vector<16xf32>
    %max3A_3321 = arith.maximumf %select_n3A_3292, %select_n3A_3296 : vector<16xf32>
    %max3A_3322 = arith.maximumf %max3A_3321, %select_n3A_3300 : vector<16xf32>
    %max3A_3323 = arith.maximumf %max3A_3322, %select_n3A_3304 : vector<16xf32>
    %max3A_3324 = arith.maximumf %max3A_3323, %select_n3A_3308 : vector<16xf32>
    %max3A_3325 = arith.maximumf %max3A_3324, %select_n3A_3312 : vector<16xf32>
    %max3A_3326 = arith.maximumf %max3A_3325, %select_n3A_3316 : vector<16xf32>
    %max3A_3327 = arith.maximumf %max3A_3326, %select_n3A_3320 : vector<16xf32>
    %broadcast_in_dim3A_3328 = arith.constant 8 : i32
    %broadcast_in_dim3A_3329 = vector.broadcast %broadcast_in_dim3A_3328 : i32 to vector<16xi32>
    %eq3A_3330 = arith.cmpf oeq, %select_n3A_3320, %max3A_3327 : vector<16xf32>
    %broadcast_in_dim3A_3331 = arith.constant 7 : i32
    %broadcast_in_dim3A_3332 = vector.broadcast %broadcast_in_dim3A_3331 : i32 to vector<16xi32>
    %select_n3A_3333 = arith.select %eq3A_3330, %broadcast_in_dim3A_3332, %broadcast_in_dim3A_3329 : vector<16xi1>, vector<16xi32>
    %eq3A_3334 = arith.cmpf oeq, %select_n3A_3316, %max3A_3327 : vector<16xf32>
    %broadcast_in_dim3A_3335 = arith.constant 6 : i32
    %broadcast_in_dim3A_3336 = vector.broadcast %broadcast_in_dim3A_3335 : i32 to vector<16xi32>
    %select_n3A_3337 = arith.select %eq3A_3334, %broadcast_in_dim3A_3336, %select_n3A_3333 : vector<16xi1>, vector<16xi32>
    %eq3A_3338 = arith.cmpf oeq, %select_n3A_3312, %max3A_3327 : vector<16xf32>
    %broadcast_in_dim3A_3339 = arith.constant 5 : i32
    %broadcast_in_dim3A_3340 = vector.broadcast %broadcast_in_dim3A_3339 : i32 to vector<16xi32>
    %select_n3A_3341 = arith.select %eq3A_3338, %broadcast_in_dim3A_3340, %select_n3A_3337 : vector<16xi1>, vector<16xi32>
    %eq3A_3342 = arith.cmpf oeq, %select_n3A_3308, %max3A_3327 : vector<16xf32>
    %broadcast_in_dim3A_3343 = arith.constant 4 : i32
    %broadcast_in_dim3A_3344 = vector.broadcast %broadcast_in_dim3A_3343 : i32 to vector<16xi32>
    %select_n3A_3345 = arith.select %eq3A_3342, %broadcast_in_dim3A_3344, %select_n3A_3341 : vector<16xi1>, vector<16xi32>
    %eq3A_3346 = arith.cmpf oeq, %select_n3A_3304, %max3A_3327 : vector<16xf32>
    %broadcast_in_dim3A_3347 = arith.constant 3 : i32
    %broadcast_in_dim3A_3348 = vector.broadcast %broadcast_in_dim3A_3347 : i32 to vector<16xi32>
    %select_n3A_3349 = arith.select %eq3A_3346, %broadcast_in_dim3A_3348, %select_n3A_3345 : vector<16xi1>, vector<16xi32>
    %eq3A_3350 = arith.cmpf oeq, %select_n3A_3300, %max3A_3327 : vector<16xf32>
    %broadcast_in_dim3A_3351 = arith.constant 2 : i32
    %broadcast_in_dim3A_3352 = vector.broadcast %broadcast_in_dim3A_3351 : i32 to vector<16xi32>
    %select_n3A_3353 = arith.select %eq3A_3350, %broadcast_in_dim3A_3352, %select_n3A_3349 : vector<16xi1>, vector<16xi32>
    %eq3A_3354 = arith.cmpf oeq, %select_n3A_3296, %max3A_3327 : vector<16xf32>
    %broadcast_in_dim3A_3355 = arith.constant 1 : i32
    %broadcast_in_dim3A_3356 = vector.broadcast %broadcast_in_dim3A_3355 : i32 to vector<16xi32>
    %select_n3A_3357 = arith.select %eq3A_3354, %broadcast_in_dim3A_3356, %select_n3A_3353 : vector<16xi1>, vector<16xi32>
    %eq3A_3358 = arith.cmpf oeq, %select_n3A_3292, %max3A_3327 : vector<16xf32>
    %broadcast_in_dim3A_3359 = arith.constant 0 : i32
    %broadcast_in_dim3A_3360 = vector.broadcast %broadcast_in_dim3A_3359 : i32 to vector<16xi32>
    %select_n3A_3361 = arith.select %eq3A_3358, %broadcast_in_dim3A_3360, %select_n3A_3357 : vector<16xi1>, vector<16xi32>
    %broadcast_in_dim3A_3362 = arith.constant 0.000000e+00 : f32
    %broadcast_in_dim3A_3363 = vector.broadcast %broadcast_in_dim3A_3362 : f32 to vector<16xf32>
    %broadcast_in_dim3A_3364 = arith.constant 1.000000e+00 : f32
    %broadcast_in_dim3A_3365 = vector.broadcast %broadcast_in_dim3A_3364 : f32 to vector<16xf32>
    %eq3A_3366 = arith.constant 0 : i32
    %eq3A_3367 = vector.broadcast %eq3A_3366 : i32 to vector<16xi32>
    %eq3A_3368 = arith.cmpi eq, %select_n3A_3288, %eq3A_3367 : vector<16xi32>
    %select_n3A_3369 = arith.select %eq3A_3368, %broadcast_in_dim3A_3365, %broadcast_in_dim3A_3363 : vector<16xi1>, vector<16xf32>
    %add3A_3370 = arith.addf %add3A_3146, %select_n3A_3369 : vector<16xf32>
    %eq3A_3371 = arith.constant 0 : i32
    %eq3A_3372 = vector.broadcast %eq3A_3371 : i32 to vector<16xi32>
    %eq3A_3373 = arith.cmpi eq, %select_n3A_3361, %eq3A_3372 : vector<16xi32>
    %select_n3A_3374 = arith.select %eq3A_3373, %broadcast_in_dim3A_3365, %broadcast_in_dim3A_3363 : vector<16xi1>, vector<16xf32>
    %add3A_3375 = arith.addf %add3A_3370, %select_n3A_3374 : vector<16xf32>
    %eq3A_3376 = arith.constant 1 : i32
    %eq3A_3377 = vector.broadcast %eq3A_3376 : i32 to vector<16xi32>
    %eq3A_3378 = arith.cmpi eq, %select_n3A_3288, %eq3A_3377 : vector<16xi32>
    %select_n3A_3379 = arith.select %eq3A_3378, %broadcast_in_dim3A_3365, %broadcast_in_dim3A_3363 : vector<16xi1>, vector<16xf32>
    %add3A_3380 = arith.addf %add3A_3156, %select_n3A_3379 : vector<16xf32>
    %eq3A_3381 = arith.constant 1 : i32
    %eq3A_3382 = vector.broadcast %eq3A_3381 : i32 to vector<16xi32>
    %eq3A_3383 = arith.cmpi eq, %select_n3A_3361, %eq3A_3382 : vector<16xi32>
    %select_n3A_3384 = arith.select %eq3A_3383, %broadcast_in_dim3A_3365, %broadcast_in_dim3A_3363 : vector<16xi1>, vector<16xf32>
    %add3A_3385 = arith.addf %add3A_3380, %select_n3A_3384 : vector<16xf32>
    %eq3A_3386 = arith.constant 2 : i32
    %eq3A_3387 = vector.broadcast %eq3A_3386 : i32 to vector<16xi32>
    %eq3A_3388 = arith.cmpi eq, %select_n3A_3288, %eq3A_3387 : vector<16xi32>
    %select_n3A_3389 = arith.select %eq3A_3388, %broadcast_in_dim3A_3365, %broadcast_in_dim3A_3363 : vector<16xi1>, vector<16xf32>
    %add3A_3390 = arith.addf %add3A_3166, %select_n3A_3389 : vector<16xf32>
    %eq3A_3391 = arith.constant 2 : i32
    %eq3A_3392 = vector.broadcast %eq3A_3391 : i32 to vector<16xi32>
    %eq3A_3393 = arith.cmpi eq, %select_n3A_3361, %eq3A_3392 : vector<16xi32>
    %select_n3A_3394 = arith.select %eq3A_3393, %broadcast_in_dim3A_3365, %broadcast_in_dim3A_3363 : vector<16xi1>, vector<16xf32>
    %add3A_3395 = arith.addf %add3A_3390, %select_n3A_3394 : vector<16xf32>
    %eq3A_3396 = arith.constant 3 : i32
    %eq3A_3397 = vector.broadcast %eq3A_3396 : i32 to vector<16xi32>
    %eq3A_3398 = arith.cmpi eq, %select_n3A_3288, %eq3A_3397 : vector<16xi32>
    %select_n3A_3399 = arith.select %eq3A_3398, %broadcast_in_dim3A_3365, %broadcast_in_dim3A_3363 : vector<16xi1>, vector<16xf32>
    %add3A_3400 = arith.addf %add3A_3176, %select_n3A_3399 : vector<16xf32>
    %eq3A_3401 = arith.constant 3 : i32
    %eq3A_3402 = vector.broadcast %eq3A_3401 : i32 to vector<16xi32>
    %eq3A_3403 = arith.cmpi eq, %select_n3A_3361, %eq3A_3402 : vector<16xi32>
    %select_n3A_3404 = arith.select %eq3A_3403, %broadcast_in_dim3A_3365, %broadcast_in_dim3A_3363 : vector<16xi1>, vector<16xf32>
    %add3A_3405 = arith.addf %add3A_3400, %select_n3A_3404 : vector<16xf32>
    %eq3A_3406 = arith.constant 4 : i32
    %eq3A_3407 = vector.broadcast %eq3A_3406 : i32 to vector<16xi32>
    %eq3A_3408 = arith.cmpi eq, %select_n3A_3288, %eq3A_3407 : vector<16xi32>
    %select_n3A_3409 = arith.select %eq3A_3408, %broadcast_in_dim3A_3365, %broadcast_in_dim3A_3363 : vector<16xi1>, vector<16xf32>
    %add3A_3410 = arith.addf %add3A_3186, %select_n3A_3409 : vector<16xf32>
    %eq3A_3411 = arith.constant 4 : i32
    %eq3A_3412 = vector.broadcast %eq3A_3411 : i32 to vector<16xi32>
    %eq3A_3413 = arith.cmpi eq, %select_n3A_3361, %eq3A_3412 : vector<16xi32>
    %select_n3A_3414 = arith.select %eq3A_3413, %broadcast_in_dim3A_3365, %broadcast_in_dim3A_3363 : vector<16xi1>, vector<16xf32>
    %add3A_3415 = arith.addf %add3A_3410, %select_n3A_3414 : vector<16xf32>
    %eq3A_3416 = arith.constant 5 : i32
    %eq3A_3417 = vector.broadcast %eq3A_3416 : i32 to vector<16xi32>
    %eq3A_3418 = arith.cmpi eq, %select_n3A_3288, %eq3A_3417 : vector<16xi32>
    %select_n3A_3419 = arith.select %eq3A_3418, %broadcast_in_dim3A_3365, %broadcast_in_dim3A_3363 : vector<16xi1>, vector<16xf32>
    %add3A_3420 = arith.addf %add3A_3196, %select_n3A_3419 : vector<16xf32>
    %eq3A_3421 = arith.constant 5 : i32
    %eq3A_3422 = vector.broadcast %eq3A_3421 : i32 to vector<16xi32>
    %eq3A_3423 = arith.cmpi eq, %select_n3A_3361, %eq3A_3422 : vector<16xi32>
    %select_n3A_3424 = arith.select %eq3A_3423, %broadcast_in_dim3A_3365, %broadcast_in_dim3A_3363 : vector<16xi1>, vector<16xf32>
    %add3A_3425 = arith.addf %add3A_3420, %select_n3A_3424 : vector<16xf32>
    %eq3A_3426 = arith.constant 6 : i32
    %eq3A_3427 = vector.broadcast %eq3A_3426 : i32 to vector<16xi32>
    %eq3A_3428 = arith.cmpi eq, %select_n3A_3288, %eq3A_3427 : vector<16xi32>
    %select_n3A_3429 = arith.select %eq3A_3428, %broadcast_in_dim3A_3365, %broadcast_in_dim3A_3363 : vector<16xi1>, vector<16xf32>
    %add3A_3430 = arith.addf %add3A_3206, %select_n3A_3429 : vector<16xf32>
    %eq3A_3431 = arith.constant 6 : i32
    %eq3A_3432 = vector.broadcast %eq3A_3431 : i32 to vector<16xi32>
    %eq3A_3433 = arith.cmpi eq, %select_n3A_3361, %eq3A_3432 : vector<16xi32>
    %select_n3A_3434 = arith.select %eq3A_3433, %broadcast_in_dim3A_3365, %broadcast_in_dim3A_3363 : vector<16xi1>, vector<16xf32>
    %add3A_3435 = arith.addf %add3A_3430, %select_n3A_3434 : vector<16xf32>
    %eq3A_3436 = arith.constant 7 : i32
    %eq3A_3437 = vector.broadcast %eq3A_3436 : i32 to vector<16xi32>
    %eq3A_3438 = arith.cmpi eq, %select_n3A_3288, %eq3A_3437 : vector<16xi32>
    %select_n3A_3439 = arith.select %eq3A_3438, %broadcast_in_dim3A_3365, %broadcast_in_dim3A_3363 : vector<16xi1>, vector<16xf32>
    %add3A_3440 = arith.addf %add3A_3216, %select_n3A_3439 : vector<16xf32>
    %eq3A_3441 = arith.constant 7 : i32
    %eq3A_3442 = vector.broadcast %eq3A_3441 : i32 to vector<16xi32>
    %eq3A_3443 = arith.cmpi eq, %select_n3A_3361, %eq3A_3442 : vector<16xi32>
    %select_n3A_3444 = arith.select %eq3A_3443, %broadcast_in_dim3A_3365, %broadcast_in_dim3A_3363 : vector<16xi1>, vector<16xf32>
    %add3A_3445 = arith.addf %add3A_3440, %select_n3A_3444 : vector<16xf32>
    %swap3A_3446 = arith.constant 224 : index
    %swap3A_3447 = tpu.vector_load %arg6[%swap3A_3446] {strides = array<i32>} : memref<256xi32, #tpu.memory_space<vmem>>, vector<16xi32>,
    tpu.vector_store %arg6[%swap3A_3446], %select_n3A_3288 {strides = array<i32>} : memref<256xi32, #tpu.memory_space<vmem>>, vector<16xi32>,
    %swap3A_3448 = arith.constant 224 : index
    %swap3A_3449 = tpu.vector_load %arg7[%swap3A_3448] {strides = array<i32>} : memref<256xi32, #tpu.memory_space<vmem>>, vector<16xi32>,
    tpu.vector_store %arg7[%swap3A_3448], %select_n3A_3361 {strides = array<i32>} : memref<256xi32, #tpu.memory_space<vmem>>, vector<16xi32>,
    %broadcast_in_dim3A_3450 = arith.constant 240 : i32
    %broadcast_in_dim3A_3451 = vector.broadcast %broadcast_in_dim3A_3450 : i32 to vector<16xi32>
    %add3A_3452 = arith.addi %broadcast_in_dim3A_3451, %iota3A : vector<16xi32>
    %broadcast_in_dim3A_3453 = arith.constant 0 : i32
    %broadcast_in_dim3A_3454 = vector.broadcast %broadcast_in_dim3A_3453 : i32 to vector<16xi32>
    %gather3A_3455 = tpu.vector_load_idx %arg5[%add3A_3452, %broadcast_in_dim3A_3454] : memref<256x8xf32, #tpu.memory_space<vmem>>[vector<16xi32>, vector<16xi32>], vector<16xf32>,
    %broadcast_in_dim3A_3456 = arith.constant 1 : i32
    %broadcast_in_dim3A_3457 = vector.broadcast %broadcast_in_dim3A_3456 : i32 to vector<16xi32>
    %gather3A_3458 = tpu.vector_load_idx %arg5[%add3A_3452, %broadcast_in_dim3A_3457] : memref<256x8xf32, #tpu.memory_space<vmem>>[vector<16xi32>, vector<16xi32>], vector<16xf32>,
    %broadcast_in_dim3A_3459 = arith.constant 2 : i32
    %broadcast_in_dim3A_3460 = vector.broadcast %broadcast_in_dim3A_3459 : i32 to vector<16xi32>
    %gather3A_3461 = tpu.vector_load_idx %arg5[%add3A_3452, %broadcast_in_dim3A_3460] : memref<256x8xf32, #tpu.memory_space<vmem>>[vector<16xi32>, vector<16xi32>], vector<16xf32>,
    %broadcast_in_dim3A_3462 = arith.constant 3 : i32
    %broadcast_in_dim3A_3463 = vector.broadcast %broadcast_in_dim3A_3462 : i32 to vector<16xi32>
    %gather3A_3464 = tpu.vector_load_idx %arg5[%add3A_3452, %broadcast_in_dim3A_3463] : memref<256x8xf32, #tpu.memory_space<vmem>>[vector<16xi32>, vector<16xi32>], vector<16xf32>,
    %broadcast_in_dim3A_3465 = arith.constant 4 : i32
    %broadcast_in_dim3A_3466 = vector.broadcast %broadcast_in_dim3A_3465 : i32 to vector<16xi32>
    %gather3A_3467 = tpu.vector_load_idx %arg5[%add3A_3452, %broadcast_in_dim3A_3466] : memref<256x8xf32, #tpu.memory_space<vmem>>[vector<16xi32>, vector<16xi32>], vector<16xf32>,
    %broadcast_in_dim3A_3468 = arith.constant 5 : i32
    %broadcast_in_dim3A_3469 = vector.broadcast %broadcast_in_dim3A_3468 : i32 to vector<16xi32>
    %gather3A_3470 = tpu.vector_load_idx %arg5[%add3A_3452, %broadcast_in_dim3A_3469] : memref<256x8xf32, #tpu.memory_space<vmem>>[vector<16xi32>, vector<16xi32>], vector<16xf32>,
    %broadcast_in_dim3A_3471 = arith.constant 6 : i32
    %broadcast_in_dim3A_3472 = vector.broadcast %broadcast_in_dim3A_3471 : i32 to vector<16xi32>
    %gather3A_3473 = tpu.vector_load_idx %arg5[%add3A_3452, %broadcast_in_dim3A_3472] : memref<256x8xf32, #tpu.memory_space<vmem>>[vector<16xi32>, vector<16xi32>], vector<16xf32>,
    %broadcast_in_dim3A_3474 = arith.constant 7 : i32
    %broadcast_in_dim3A_3475 = vector.broadcast %broadcast_in_dim3A_3474 : i32 to vector<16xi32>
    %gather3A_3476 = tpu.vector_load_idx %arg5[%add3A_3452, %broadcast_in_dim3A_3475] : memref<256x8xf32, #tpu.memory_space<vmem>>[vector<16xi32>, vector<16xi32>], vector<16xf32>,
    %max3A_3477 = arith.maximumf %gather3A_3455, %gather3A_3458 : vector<16xf32>
    %max3A_3478 = arith.maximumf %max3A_3477, %gather3A_3461 : vector<16xf32>
    %max3A_3479 = arith.maximumf %max3A_3478, %gather3A_3464 : vector<16xf32>
    %max3A_3480 = arith.maximumf %max3A_3479, %gather3A_3467 : vector<16xf32>
    %max3A_3481 = arith.maximumf %max3A_3480, %gather3A_3470 : vector<16xf32>
    %max3A_3482 = arith.maximumf %max3A_3481, %gather3A_3473 : vector<16xf32>
    %max3A_3483 = arith.maximumf %max3A_3482, %gather3A_3476 : vector<16xf32>
    %broadcast_in_dim3A_3484 = arith.constant 8 : i32
    %broadcast_in_dim3A_3485 = vector.broadcast %broadcast_in_dim3A_3484 : i32 to vector<16xi32>
    %eq3A_3486 = arith.cmpf oeq, %gather3A_3476, %max3A_3483 : vector<16xf32>
    %broadcast_in_dim3A_3487 = arith.constant 7 : i32
    %broadcast_in_dim3A_3488 = vector.broadcast %broadcast_in_dim3A_3487 : i32 to vector<16xi32>
    %select_n3A_3489 = arith.select %eq3A_3486, %broadcast_in_dim3A_3488, %broadcast_in_dim3A_3485 : vector<16xi1>, vector<16xi32>
    %eq3A_3490 = arith.cmpf oeq, %gather3A_3473, %max3A_3483 : vector<16xf32>
    %broadcast_in_dim3A_3491 = arith.constant 6 : i32
    %broadcast_in_dim3A_3492 = vector.broadcast %broadcast_in_dim3A_3491 : i32 to vector<16xi32>
    %select_n3A_3493 = arith.select %eq3A_3490, %broadcast_in_dim3A_3492, %select_n3A_3489 : vector<16xi1>, vector<16xi32>
    %eq3A_3494 = arith.cmpf oeq, %gather3A_3470, %max3A_3483 : vector<16xf32>
    %broadcast_in_dim3A_3495 = arith.constant 5 : i32
    %broadcast_in_dim3A_3496 = vector.broadcast %broadcast_in_dim3A_3495 : i32 to vector<16xi32>
    %select_n3A_3497 = arith.select %eq3A_3494, %broadcast_in_dim3A_3496, %select_n3A_3493 : vector<16xi1>, vector<16xi32>
    %eq3A_3498 = arith.cmpf oeq, %gather3A_3467, %max3A_3483 : vector<16xf32>
    %broadcast_in_dim3A_3499 = arith.constant 4 : i32
    %broadcast_in_dim3A_3500 = vector.broadcast %broadcast_in_dim3A_3499 : i32 to vector<16xi32>
    %select_n3A_3501 = arith.select %eq3A_3498, %broadcast_in_dim3A_3500, %select_n3A_3497 : vector<16xi1>, vector<16xi32>
    %eq3A_3502 = arith.cmpf oeq, %gather3A_3464, %max3A_3483 : vector<16xf32>
    %broadcast_in_dim3A_3503 = arith.constant 3 : i32
    %broadcast_in_dim3A_3504 = vector.broadcast %broadcast_in_dim3A_3503 : i32 to vector<16xi32>
    %select_n3A_3505 = arith.select %eq3A_3502, %broadcast_in_dim3A_3504, %select_n3A_3501 : vector<16xi1>, vector<16xi32>
    %eq3A_3506 = arith.cmpf oeq, %gather3A_3461, %max3A_3483 : vector<16xf32>
    %broadcast_in_dim3A_3507 = arith.constant 2 : i32
    %broadcast_in_dim3A_3508 = vector.broadcast %broadcast_in_dim3A_3507 : i32 to vector<16xi32>
    %select_n3A_3509 = arith.select %eq3A_3506, %broadcast_in_dim3A_3508, %select_n3A_3505 : vector<16xi1>, vector<16xi32>
    %eq3A_3510 = arith.cmpf oeq, %gather3A_3458, %max3A_3483 : vector<16xf32>
    %broadcast_in_dim3A_3511 = arith.constant 1 : i32
    %broadcast_in_dim3A_3512 = vector.broadcast %broadcast_in_dim3A_3511 : i32 to vector<16xi32>
    %select_n3A_3513 = arith.select %eq3A_3510, %broadcast_in_dim3A_3512, %select_n3A_3509 : vector<16xi1>, vector<16xi32>
    %eq3A_3514 = arith.cmpf oeq, %gather3A_3455, %max3A_3483 : vector<16xf32>
    %broadcast_in_dim3A_3515 = arith.constant 0 : i32
    %broadcast_in_dim3A_3516 = vector.broadcast %broadcast_in_dim3A_3515 : i32 to vector<16xi32>
    %select_n3A_3517 = arith.select %eq3A_3514, %broadcast_in_dim3A_3516, %select_n3A_3513 : vector<16xi1>, vector<16xi32>
    %eq3A_3518 = arith.constant 0 : i32
    %eq3A_3519 = vector.broadcast %eq3A_3518 : i32 to vector<16xi32>
    %eq3A_3520 = arith.cmpi eq, %select_n3A_3517, %eq3A_3519 : vector<16xi32>
    %select_n3A_3521 = arith.select %eq3A_3520, %broadcast_in_dim3A_3, %gather3A_3455 : vector<16xi1>, vector<16xf32>
    %eq3A_3522 = arith.constant 1 : i32
    %eq3A_3523 = vector.broadcast %eq3A_3522 : i32 to vector<16xi32>
    %eq3A_3524 = arith.cmpi eq, %select_n3A_3517, %eq3A_3523 : vector<16xi32>
    %select_n3A_3525 = arith.select %eq3A_3524, %broadcast_in_dim3A_3, %gather3A_3458 : vector<16xi1>, vector<16xf32>
    %eq3A_3526 = arith.constant 2 : i32
    %eq3A_3527 = vector.broadcast %eq3A_3526 : i32 to vector<16xi32>
    %eq3A_3528 = arith.cmpi eq, %select_n3A_3517, %eq3A_3527 : vector<16xi32>
    %select_n3A_3529 = arith.select %eq3A_3528, %broadcast_in_dim3A_3, %gather3A_3461 : vector<16xi1>, vector<16xf32>
    %eq3A_3530 = arith.constant 3 : i32
    %eq3A_3531 = vector.broadcast %eq3A_3530 : i32 to vector<16xi32>
    %eq3A_3532 = arith.cmpi eq, %select_n3A_3517, %eq3A_3531 : vector<16xi32>
    %select_n3A_3533 = arith.select %eq3A_3532, %broadcast_in_dim3A_3, %gather3A_3464 : vector<16xi1>, vector<16xf32>
    %eq3A_3534 = arith.constant 4 : i32
    %eq3A_3535 = vector.broadcast %eq3A_3534 : i32 to vector<16xi32>
    %eq3A_3536 = arith.cmpi eq, %select_n3A_3517, %eq3A_3535 : vector<16xi32>
    %select_n3A_3537 = arith.select %eq3A_3536, %broadcast_in_dim3A_3, %gather3A_3467 : vector<16xi1>, vector<16xf32>
    %eq3A_3538 = arith.constant 5 : i32
    %eq3A_3539 = vector.broadcast %eq3A_3538 : i32 to vector<16xi32>
    %eq3A_3540 = arith.cmpi eq, %select_n3A_3517, %eq3A_3539 : vector<16xi32>
    %select_n3A_3541 = arith.select %eq3A_3540, %broadcast_in_dim3A_3, %gather3A_3470 : vector<16xi1>, vector<16xf32>
    %eq3A_3542 = arith.constant 6 : i32
    %eq3A_3543 = vector.broadcast %eq3A_3542 : i32 to vector<16xi32>
    %eq3A_3544 = arith.cmpi eq, %select_n3A_3517, %eq3A_3543 : vector<16xi32>
    %select_n3A_3545 = arith.select %eq3A_3544, %broadcast_in_dim3A_3, %gather3A_3473 : vector<16xi1>, vector<16xf32>
    %eq3A_3546 = arith.constant 7 : i32
    %eq3A_3547 = vector.broadcast %eq3A_3546 : i32 to vector<16xi32>
    %eq3A_3548 = arith.cmpi eq, %select_n3A_3517, %eq3A_3547 : vector<16xi32>
    %select_n3A_3549 = arith.select %eq3A_3548, %broadcast_in_dim3A_3, %gather3A_3476 : vector<16xi1>, vector<16xf32>
    %max3A_3550 = arith.maximumf %select_n3A_3521, %select_n3A_3525 : vector<16xf32>
    %max3A_3551 = arith.maximumf %max3A_3550, %select_n3A_3529 : vector<16xf32>
    %max3A_3552 = arith.maximumf %max3A_3551, %select_n3A_3533 : vector<16xf32>
    %max3A_3553 = arith.maximumf %max3A_3552, %select_n3A_3537 : vector<16xf32>
    %max3A_3554 = arith.maximumf %max3A_3553, %select_n3A_3541 : vector<16xf32>
    %max3A_3555 = arith.maximumf %max3A_3554, %select_n3A_3545 : vector<16xf32>
    %max3A_3556 = arith.maximumf %max3A_3555, %select_n3A_3549 : vector<16xf32>
    %broadcast_in_dim3A_3557 = arith.constant 8 : i32
    %broadcast_in_dim3A_3558 = vector.broadcast %broadcast_in_dim3A_3557 : i32 to vector<16xi32>
    %eq3A_3559 = arith.cmpf oeq, %select_n3A_3549, %max3A_3556 : vector<16xf32>
    %broadcast_in_dim3A_3560 = arith.constant 7 : i32
    %broadcast_in_dim3A_3561 = vector.broadcast %broadcast_in_dim3A_3560 : i32 to vector<16xi32>
    %select_n3A_3562 = arith.select %eq3A_3559, %broadcast_in_dim3A_3561, %broadcast_in_dim3A_3558 : vector<16xi1>, vector<16xi32>
    %eq3A_3563 = arith.cmpf oeq, %select_n3A_3545, %max3A_3556 : vector<16xf32>
    %broadcast_in_dim3A_3564 = arith.constant 6 : i32
    %broadcast_in_dim3A_3565 = vector.broadcast %broadcast_in_dim3A_3564 : i32 to vector<16xi32>
    %select_n3A_3566 = arith.select %eq3A_3563, %broadcast_in_dim3A_3565, %select_n3A_3562 : vector<16xi1>, vector<16xi32>
    %eq3A_3567 = arith.cmpf oeq, %select_n3A_3541, %max3A_3556 : vector<16xf32>
    %broadcast_in_dim3A_3568 = arith.constant 5 : i32
    %broadcast_in_dim3A_3569 = vector.broadcast %broadcast_in_dim3A_3568 : i32 to vector<16xi32>
    %select_n3A_3570 = arith.select %eq3A_3567, %broadcast_in_dim3A_3569, %select_n3A_3566 : vector<16xi1>, vector<16xi32>
    %eq3A_3571 = arith.cmpf oeq, %select_n3A_3537, %max3A_3556 : vector<16xf32>
    %broadcast_in_dim3A_3572 = arith.constant 4 : i32
    %broadcast_in_dim3A_3573 = vector.broadcast %broadcast_in_dim3A_3572 : i32 to vector<16xi32>
    %select_n3A_3574 = arith.select %eq3A_3571, %broadcast_in_dim3A_3573, %select_n3A_3570 : vector<16xi1>, vector<16xi32>
    %eq3A_3575 = arith.cmpf oeq, %select_n3A_3533, %max3A_3556 : vector<16xf32>
    %broadcast_in_dim3A_3576 = arith.constant 3 : i32
    %broadcast_in_dim3A_3577 = vector.broadcast %broadcast_in_dim3A_3576 : i32 to vector<16xi32>
    %select_n3A_3578 = arith.select %eq3A_3575, %broadcast_in_dim3A_3577, %select_n3A_3574 : vector<16xi1>, vector<16xi32>
    %eq3A_3579 = arith.cmpf oeq, %select_n3A_3529, %max3A_3556 : vector<16xf32>
    %broadcast_in_dim3A_3580 = arith.constant 2 : i32
    %broadcast_in_dim3A_3581 = vector.broadcast %broadcast_in_dim3A_3580 : i32 to vector<16xi32>
    %select_n3A_3582 = arith.select %eq3A_3579, %broadcast_in_dim3A_3581, %select_n3A_3578 : vector<16xi1>, vector<16xi32>
    %eq3A_3583 = arith.cmpf oeq, %select_n3A_3525, %max3A_3556 : vector<16xf32>
    %broadcast_in_dim3A_3584 = arith.constant 1 : i32
    %broadcast_in_dim3A_3585 = vector.broadcast %broadcast_in_dim3A_3584 : i32 to vector<16xi32>
    %select_n3A_3586 = arith.select %eq3A_3583, %broadcast_in_dim3A_3585, %select_n3A_3582 : vector<16xi1>, vector<16xi32>
    %eq3A_3587 = arith.cmpf oeq, %select_n3A_3521, %max3A_3556 : vector<16xf32>
    %broadcast_in_dim3A_3588 = arith.constant 0 : i32
    %broadcast_in_dim3A_3589 = vector.broadcast %broadcast_in_dim3A_3588 : i32 to vector<16xi32>
    %select_n3A_3590 = arith.select %eq3A_3587, %broadcast_in_dim3A_3589, %select_n3A_3586 : vector<16xi1>, vector<16xi32>
    %broadcast_in_dim3A_3591 = arith.constant 0.000000e+00 : f32
    %broadcast_in_dim3A_3592 = vector.broadcast %broadcast_in_dim3A_3591 : f32 to vector<16xf32>
    %broadcast_in_dim3A_3593 = arith.constant 1.000000e+00 : f32
    %broadcast_in_dim3A_3594 = vector.broadcast %broadcast_in_dim3A_3593 : f32 to vector<16xf32>
    %eq3A_3595 = arith.constant 0 : i32
    %eq3A_3596 = vector.broadcast %eq3A_3595 : i32 to vector<16xi32>
    %eq3A_3597 = arith.cmpi eq, %select_n3A_3517, %eq3A_3596 : vector<16xi32>
    %select_n3A_3598 = arith.select %eq3A_3597, %broadcast_in_dim3A_3594, %broadcast_in_dim3A_3592 : vector<16xi1>, vector<16xf32>
    %add3A_3599 = arith.addf %add3A_3375, %select_n3A_3598 : vector<16xf32>
    %eq3A_3600 = arith.constant 0 : i32
    %eq3A_3601 = vector.broadcast %eq3A_3600 : i32 to vector<16xi32>
    %eq3A_3602 = arith.cmpi eq, %select_n3A_3590, %eq3A_3601 : vector<16xi32>
    %select_n3A_3603 = arith.select %eq3A_3602, %broadcast_in_dim3A_3594, %broadcast_in_dim3A_3592 : vector<16xi1>, vector<16xf32>
    %add3A_3604 = arith.addf %add3A_3599, %select_n3A_3603 : vector<16xf32>
    %eq3A_3605 = arith.constant 1 : i32
    %eq3A_3606 = vector.broadcast %eq3A_3605 : i32 to vector<16xi32>
    %eq3A_3607 = arith.cmpi eq, %select_n3A_3517, %eq3A_3606 : vector<16xi32>
    %select_n3A_3608 = arith.select %eq3A_3607, %broadcast_in_dim3A_3594, %broadcast_in_dim3A_3592 : vector<16xi1>, vector<16xf32>
    %add3A_3609 = arith.addf %add3A_3385, %select_n3A_3608 : vector<16xf32>
    %eq3A_3610 = arith.constant 1 : i32
    %eq3A_3611 = vector.broadcast %eq3A_3610 : i32 to vector<16xi32>
    %eq3A_3612 = arith.cmpi eq, %select_n3A_3590, %eq3A_3611 : vector<16xi32>
    %select_n3A_3613 = arith.select %eq3A_3612, %broadcast_in_dim3A_3594, %broadcast_in_dim3A_3592 : vector<16xi1>, vector<16xf32>
    %add3A_3614 = arith.addf %add3A_3609, %select_n3A_3613 : vector<16xf32>
    %eq3A_3615 = arith.constant 2 : i32
    %eq3A_3616 = vector.broadcast %eq3A_3615 : i32 to vector<16xi32>
    %eq3A_3617 = arith.cmpi eq, %select_n3A_3517, %eq3A_3616 : vector<16xi32>
    %select_n3A_3618 = arith.select %eq3A_3617, %broadcast_in_dim3A_3594, %broadcast_in_dim3A_3592 : vector<16xi1>, vector<16xf32>
    %add3A_3619 = arith.addf %add3A_3395, %select_n3A_3618 : vector<16xf32>
    %eq3A_3620 = arith.constant 2 : i32
    %eq3A_3621 = vector.broadcast %eq3A_3620 : i32 to vector<16xi32>
    %eq3A_3622 = arith.cmpi eq, %select_n3A_3590, %eq3A_3621 : vector<16xi32>
    %select_n3A_3623 = arith.select %eq3A_3622, %broadcast_in_dim3A_3594, %broadcast_in_dim3A_3592 : vector<16xi1>, vector<16xf32>
    %add3A_3624 = arith.addf %add3A_3619, %select_n3A_3623 : vector<16xf32>
    %eq3A_3625 = arith.constant 3 : i32
    %eq3A_3626 = vector.broadcast %eq3A_3625 : i32 to vector<16xi32>
    %eq3A_3627 = arith.cmpi eq, %select_n3A_3517, %eq3A_3626 : vector<16xi32>
    %select_n3A_3628 = arith.select %eq3A_3627, %broadcast_in_dim3A_3594, %broadcast_in_dim3A_3592 : vector<16xi1>, vector<16xf32>
    %add3A_3629 = arith.addf %add3A_3405, %select_n3A_3628 : vector<16xf32>
    %eq3A_3630 = arith.constant 3 : i32
    %eq3A_3631 = vector.broadcast %eq3A_3630 : i32 to vector<16xi32>
    %eq3A_3632 = arith.cmpi eq, %select_n3A_3590, %eq3A_3631 : vector<16xi32>
    %select_n3A_3633 = arith.select %eq3A_3632, %broadcast_in_dim3A_3594, %broadcast_in_dim3A_3592 : vector<16xi1>, vector<16xf32>
    %add3A_3634 = arith.addf %add3A_3629, %select_n3A_3633 : vector<16xf32>
    %eq3A_3635 = arith.constant 4 : i32
    %eq3A_3636 = vector.broadcast %eq3A_3635 : i32 to vector<16xi32>
    %eq3A_3637 = arith.cmpi eq, %select_n3A_3517, %eq3A_3636 : vector<16xi32>
    %select_n3A_3638 = arith.select %eq3A_3637, %broadcast_in_dim3A_3594, %broadcast_in_dim3A_3592 : vector<16xi1>, vector<16xf32>
    %add3A_3639 = arith.addf %add3A_3415, %select_n3A_3638 : vector<16xf32>
    %eq3A_3640 = arith.constant 4 : i32
    %eq3A_3641 = vector.broadcast %eq3A_3640 : i32 to vector<16xi32>
    %eq3A_3642 = arith.cmpi eq, %select_n3A_3590, %eq3A_3641 : vector<16xi32>
    %select_n3A_3643 = arith.select %eq3A_3642, %broadcast_in_dim3A_3594, %broadcast_in_dim3A_3592 : vector<16xi1>, vector<16xf32>
    %add3A_3644 = arith.addf %add3A_3639, %select_n3A_3643 : vector<16xf32>
    %eq3A_3645 = arith.constant 5 : i32
    %eq3A_3646 = vector.broadcast %eq3A_3645 : i32 to vector<16xi32>
    %eq3A_3647 = arith.cmpi eq, %select_n3A_3517, %eq3A_3646 : vector<16xi32>
    %select_n3A_3648 = arith.select %eq3A_3647, %broadcast_in_dim3A_3594, %broadcast_in_dim3A_3592 : vector<16xi1>, vector<16xf32>
    %add3A_3649 = arith.addf %add3A_3425, %select_n3A_3648 : vector<16xf32>
    %eq3A_3650 = arith.constant 5 : i32
    %eq3A_3651 = vector.broadcast %eq3A_3650 : i32 to vector<16xi32>
    %eq3A_3652 = arith.cmpi eq, %select_n3A_3590, %eq3A_3651 : vector<16xi32>
    %select_n3A_3653 = arith.select %eq3A_3652, %broadcast_in_dim3A_3594, %broadcast_in_dim3A_3592 : vector<16xi1>, vector<16xf32>
    %add3A_3654 = arith.addf %add3A_3649, %select_n3A_3653 : vector<16xf32>
    %eq3A_3655 = arith.constant 6 : i32
    %eq3A_3656 = vector.broadcast %eq3A_3655 : i32 to vector<16xi32>
    %eq3A_3657 = arith.cmpi eq, %select_n3A_3517, %eq3A_3656 : vector<16xi32>
    %select_n3A_3658 = arith.select %eq3A_3657, %broadcast_in_dim3A_3594, %broadcast_in_dim3A_3592 : vector<16xi1>, vector<16xf32>
    %add3A_3659 = arith.addf %add3A_3435, %select_n3A_3658 : vector<16xf32>
    %eq3A_3660 = arith.constant 6 : i32
    %eq3A_3661 = vector.broadcast %eq3A_3660 : i32 to vector<16xi32>
    %eq3A_3662 = arith.cmpi eq, %select_n3A_3590, %eq3A_3661 : vector<16xi32>
    %select_n3A_3663 = arith.select %eq3A_3662, %broadcast_in_dim3A_3594, %broadcast_in_dim3A_3592 : vector<16xi1>, vector<16xf32>
    %add3A_3664 = arith.addf %add3A_3659, %select_n3A_3663 : vector<16xf32>
    %eq3A_3665 = arith.constant 7 : i32
    %eq3A_3666 = vector.broadcast %eq3A_3665 : i32 to vector<16xi32>
    %eq3A_3667 = arith.cmpi eq, %select_n3A_3517, %eq3A_3666 : vector<16xi32>
    %select_n3A_3668 = arith.select %eq3A_3667, %broadcast_in_dim3A_3594, %broadcast_in_dim3A_3592 : vector<16xi1>, vector<16xf32>
    %add3A_3669 = arith.addf %add3A_3445, %select_n3A_3668 : vector<16xf32>
    %eq3A_3670 = arith.constant 7 : i32
    %eq3A_3671 = vector.broadcast %eq3A_3670 : i32 to vector<16xi32>
    %eq3A_3672 = arith.cmpi eq, %select_n3A_3590, %eq3A_3671 : vector<16xi32>
    %select_n3A_3673 = arith.select %eq3A_3672, %broadcast_in_dim3A_3594, %broadcast_in_dim3A_3592 : vector<16xi1>, vector<16xf32>
    %add3A_3674 = arith.addf %add3A_3669, %select_n3A_3673 : vector<16xf32>
    %swap3A_3675 = arith.constant 240 : index
    %swap3A_3676 = tpu.vector_load %arg6[%swap3A_3675] {strides = array<i32>} : memref<256xi32, #tpu.memory_space<vmem>>, vector<16xi32>,
    tpu.vector_store %arg6[%swap3A_3675], %select_n3A_3517 {strides = array<i32>} : memref<256xi32, #tpu.memory_space<vmem>>, vector<16xi32>,
    %swap3A_3677 = arith.constant 240 : index
    %swap3A_3678 = tpu.vector_load %arg7[%swap3A_3677] {strides = array<i32>} : memref<256xi32, #tpu.memory_space<vmem>>, vector<16xi32>,
    tpu.vector_store %arg7[%swap3A_3677], %select_n3A_3590 {strides = array<i32>} : memref<256xi32, #tpu.memory_space<vmem>>, vector<16xi32>,
    %swap3A_3679 = arith.constant 0 : i32
    %swap3A_3680 = arith.index_cast %swap3A_3679 : i32 to index
    %swap3A_3681 = arith.constant 0 : index
    %swap3A_3682 = tpu.vector_load %arg8[%swap3A_3680, %swap3A_3681] {strides = array<i32>} : memref<8x16xf32, #tpu.memory_space<vmem>>, vector<16xf32>,
    tpu.vector_store %arg8[%swap3A_3680, %swap3A_3681], %add3A_3604 {strides = array<i32>} : memref<8x16xf32, #tpu.memory_space<vmem>>, vector<16xf32>,
    %swap3A_3683 = arith.constant 1 : i32
    %swap3A_3684 = arith.index_cast %swap3A_3683 : i32 to index
    %swap3A_3685 = arith.constant 0 : index
    %swap3A_3686 = tpu.vector_load %arg8[%swap3A_3684, %swap3A_3685] {strides = array<i32>} : memref<8x16xf32, #tpu.memory_space<vmem>>, vector<16xf32>,
    tpu.vector_store %arg8[%swap3A_3684, %swap3A_3685], %add3A_3614 {strides = array<i32>} : memref<8x16xf32, #tpu.memory_space<vmem>>, vector<16xf32>,
    %swap3A_3687 = arith.constant 2 : i32
    %swap3A_3688 = arith.index_cast %swap3A_3687 : i32 to index
    %swap3A_3689 = arith.constant 0 : index
    %swap3A_3690 = tpu.vector_load %arg8[%swap3A_3688, %swap3A_3689] {strides = array<i32>} : memref<8x16xf32, #tpu.memory_space<vmem>>, vector<16xf32>,
    tpu.vector_store %arg8[%swap3A_3688, %swap3A_3689], %add3A_3624 {strides = array<i32>} : memref<8x16xf32, #tpu.memory_space<vmem>>, vector<16xf32>,
    %swap3A_3691 = arith.constant 3 : i32
    %swap3A_3692 = arith.index_cast %swap3A_3691 : i32 to index
    %swap3A_3693 = arith.constant 0 : index
    %swap3A_3694 = tpu.vector_load %arg8[%swap3A_3692, %swap3A_3693] {strides = array<i32>} : memref<8x16xf32, #tpu.memory_space<vmem>>, vector<16xf32>,
    tpu.vector_store %arg8[%swap3A_3692, %swap3A_3693], %add3A_3634 {strides = array<i32>} : memref<8x16xf32, #tpu.memory_space<vmem>>, vector<16xf32>,
    %swap3A_3695 = arith.constant 4 : i32
    %swap3A_3696 = arith.index_cast %swap3A_3695 : i32 to index
    %swap3A_3697 = arith.constant 0 : index
    %swap3A_3698 = tpu.vector_load %arg8[%swap3A_3696, %swap3A_3697] {strides = array<i32>} : memref<8x16xf32, #tpu.memory_space<vmem>>, vector<16xf32>,
    tpu.vector_store %arg8[%swap3A_3696, %swap3A_3697], %add3A_3644 {strides = array<i32>} : memref<8x16xf32, #tpu.memory_space<vmem>>, vector<16xf32>,
    %swap3A_3699 = arith.constant 5 : i32
    %swap3A_3700 = arith.index_cast %swap3A_3699 : i32 to index
    %swap3A_3701 = arith.constant 0 : index
    %swap3A_3702 = tpu.vector_load %arg8[%swap3A_3700, %swap3A_3701] {strides = array<i32>} : memref<8x16xf32, #tpu.memory_space<vmem>>, vector<16xf32>,
    tpu.vector_store %arg8[%swap3A_3700, %swap3A_3701], %add3A_3654 {strides = array<i32>} : memref<8x16xf32, #tpu.memory_space<vmem>>, vector<16xf32>,
    %swap3A_3703 = arith.constant 6 : i32
    %swap3A_3704 = arith.index_cast %swap3A_3703 : i32 to index
    %swap3A_3705 = arith.constant 0 : index
    %swap3A_3706 = tpu.vector_load %arg8[%swap3A_3704, %swap3A_3705] {strides = array<i32>} : memref<8x16xf32, #tpu.memory_space<vmem>>, vector<16xf32>,
    tpu.vector_store %arg8[%swap3A_3704, %swap3A_3705], %add3A_3664 {strides = array<i32>} : memref<8x16xf32, #tpu.memory_space<vmem>>, vector<16xf32>,
    %swap3A_3707 = arith.constant 7 : i32
    %swap3A_3708 = arith.index_cast %swap3A_3707 : i32 to index
    %swap3A_3709 = arith.constant 0 : index
    %swap3A_3710 = tpu.vector_load %arg8[%swap3A_3708, %swap3A_3709] {strides = array<i32>} : memref<8x16xf32, #tpu.memory_space<vmem>>, vector<16xf32>,
    tpu.vector_store %arg8[%swap3A_3708, %swap3A_3709], %add3A_3674 {strides = array<i32>} : memref<8x16xf32, #tpu.memory_space<vmem>>, vector<16xf32>,
    %run_scoped3A = arith.constant 0 : i32
    "tpu.region"() ({
      %run_scoped3A_3712 = tpu.sem_alloc : memref<!tpu.dma_semaphore, #tpu.memory_space<semaphore_mem>>
      %dma_start3A = tpu.memref_slice %arg3[%run_scoped3A, %mul3A_2] : memref<2x8192xi32, #tpu.memory_space<hbm>> -> memref<1x256xi32, #tpu.memory_space<hbm>>
      %dma_start3A_3713 = tpu.memref_squeeze %dma_start3A : memref<1x256xi32, #tpu.memory_space<hbm>> -> memref<256xi32, #tpu.memory_space<hbm>>
      %dma_start3A_3714 = tpu.memref_slice %arg3[%run_scoped3A, %mul3A_2] : memref<2x8192xi32, #tpu.memory_space<hbm>> -> memref<1x256xi32, #tpu.memory_space<hbm>>
      %dma_start3A_3715 = tpu.memref_squeeze %dma_start3A_3714 : memref<1x256xi32, #tpu.memory_space<hbm>> -> memref<256xi32, #tpu.memory_space<hbm>>
      tpu.enqueue_dma source(%arg6 : memref<256xi32, #tpu.memory_space<vmem>>) target(%dma_start3A_3715 : memref<256xi32, #tpu.memory_space<hbm>>) target_semaphore(%run_scoped3A_3712 : memref<!tpu.dma_semaphore, #tpu.memory_space<semaphore_mem>>)
      %dma_wait3A = tpu.memref_slice %arg3[%run_scoped3A, %mul3A_2] : memref<2x8192xi32, #tpu.memory_space<hbm>> -> memref<1x256xi32, #tpu.memory_space<hbm>>
      %dma_wait3A_3716 = tpu.memref_squeeze %dma_wait3A : memref<1x256xi32, #tpu.memory_space<hbm>> -> memref<256xi32, #tpu.memory_space<hbm>>
      %dma_wait3A_3717 = tpu.memref_slice %arg3[%run_scoped3A, %mul3A_2] : memref<2x8192xi32, #tpu.memory_space<hbm>> -> memref<1x256xi32, #tpu.memory_space<hbm>>
      %dma_wait3A_3718 = tpu.memref_squeeze %dma_wait3A_3717 : memref<1x256xi32, #tpu.memory_space<hbm>> -> memref<256xi32, #tpu.memory_space<hbm>>
      tpu.wait_dma2 semaphore(%run_scoped3A_3712 : memref<!tpu.dma_semaphore, #tpu.memory_space<semaphore_mem>>) src(%arg6 : memref<256xi32, #tpu.memory_space<vmem>>) dst(%dma_wait3A_3718 : memref<256xi32, #tpu.memory_space<hbm>>)
      tpu.yield
    }) : () -> ()
    %run_scoped3A_3711 = arith.constant 1 : i32
    "tpu.region"() ({
      %run_scoped3A_3712 = tpu.sem_alloc : memref<!tpu.dma_semaphore, #tpu.memory_space<semaphore_mem>>
      %dma_start3A = tpu.memref_slice %arg3[%run_scoped3A_3711, %mul3A_2] : memref<2x8192xi32, #tpu.memory_space<hbm>> -> memref<1x256xi32, #tpu.memory_space<hbm>>
      %dma_start3A_3713 = tpu.memref_squeeze %dma_start3A : memref<1x256xi32, #tpu.memory_space<hbm>> -> memref<256xi32, #tpu.memory_space<hbm>>
      %dma_start3A_3714 = tpu.memref_slice %arg3[%run_scoped3A_3711, %mul3A_2] : memref<2x8192xi32, #tpu.memory_space<hbm>> -> memref<1x256xi32, #tpu.memory_space<hbm>>
      %dma_start3A_3715 = tpu.memref_squeeze %dma_start3A_3714 : memref<1x256xi32, #tpu.memory_space<hbm>> -> memref<256xi32, #tpu.memory_space<hbm>>
      tpu.enqueue_dma source(%arg7 : memref<256xi32, #tpu.memory_space<vmem>>) target(%dma_start3A_3715 : memref<256xi32, #tpu.memory_space<hbm>>) target_semaphore(%run_scoped3A_3712 : memref<!tpu.dma_semaphore, #tpu.memory_space<semaphore_mem>>)
      %dma_wait3A = tpu.memref_slice %arg3[%run_scoped3A_3711, %mul3A_2] : memref<2x8192xi32, #tpu.memory_space<hbm>> -> memref<1x256xi32, #tpu.memory_space<hbm>>
      %dma_wait3A_3716 = tpu.memref_squeeze %dma_wait3A : memref<1x256xi32, #tpu.memory_space<hbm>> -> memref<256xi32, #tpu.memory_space<hbm>>
      %dma_wait3A_3717 = tpu.memref_slice %arg3[%run_scoped3A_3711, %mul3A_2] : memref<2x8192xi32, #tpu.memory_space<hbm>> -> memref<1x256xi32, #tpu.memory_space<hbm>>
      %dma_wait3A_3718 = tpu.memref_squeeze %dma_wait3A_3717 : memref<1x256xi32, #tpu.memory_space<hbm>> -> memref<256xi32, #tpu.memory_space<hbm>>
      tpu.wait_dma2 semaphore(%run_scoped3A_3712 : memref<!tpu.dma_semaphore, #tpu.memory_space<semaphore_mem>>) src(%arg7 : memref<256xi32, #tpu.memory_space<vmem>>) dst(%dma_wait3A_3718 : memref<256xi32, #tpu.memory_space<hbm>>)
      tpu.yield
    }) : () -> ()
    "tpu.region"() ({
      %run_scoped3A_3712 = tpu.sem_alloc : memref<!tpu.dma_semaphore, #tpu.memory_space<semaphore_mem>>
      %dma_start3A = arith.constant 0 : i32
      %dma_start3A_3713 = arith.constant 0 : i32
      %dma_start3A_3714 = tpu.memref_slice %arg4[%add3A, %dma_start3A, %dma_start3A_3713] : memref<32x8x16xf32, #tpu.memory_space<hbm>> -> memref<1x8x16xf32, #tpu.memory_space<hbm>>
      %dma_start3A_3715 = tpu.memref_squeeze %dma_start3A_3714 : memref<1x8x16xf32, #tpu.memory_space<hbm>> -> memref<8x16xf32, #tpu.memory_space<hbm>>
      %dma_start3A_3716 = arith.constant 0 : i32
      %dma_start3A_3717 = arith.constant 0 : i32
      %dma_start3A_3718 = tpu.memref_slice %arg4[%add3A, %dma_start3A_3716, %dma_start3A_3717] : memref<32x8x16xf32, #tpu.memory_space<hbm>> -> memref<1x8x16xf32, #tpu.memory_space<hbm>>
      %dma_start3A_3719 = tpu.memref_squeeze %dma_start3A_3718 : memref<1x8x16xf32, #tpu.memory_space<hbm>> -> memref<8x16xf32, #tpu.memory_space<hbm>>
      tpu.enqueue_dma source(%arg8 : memref<8x16xf32, #tpu.memory_space<vmem>>) target(%dma_start3A_3719 : memref<8x16xf32, #tpu.memory_space<hbm>>) target_semaphore(%run_scoped3A_3712 : memref<!tpu.dma_semaphore, #tpu.memory_space<semaphore_mem>>)
      %dma_wait3A = arith.constant 0 : i32
      %dma_wait3A_3720 = arith.constant 0 : i32
      %dma_wait3A_3721 = tpu.memref_slice %arg4[%add3A, %dma_wait3A, %dma_wait3A_3720] : memref<32x8x16xf32, #tpu.memory_space<hbm>> -> memref<1x8x16xf32, #tpu.memory_space<hbm>>
      %dma_wait3A_3722 = tpu.memref_squeeze %dma_wait3A_3721 : memref<1x8x16xf32, #tpu.memory_space<hbm>> -> memref<8x16xf32, #tpu.memory_space<hbm>>
      %dma_wait3A_3723 = arith.constant 0 : i32
      %dma_wait3A_3724 = arith.constant 0 : i32
      %dma_wait3A_3725 = tpu.memref_slice %arg4[%add3A, %dma_wait3A_3723, %dma_wait3A_3724] : memref<32x8x16xf32, #tpu.memory_space<hbm>> -> memref<1x8x16xf32, #tpu.memory_space<hbm>>
      %dma_wait3A_3726 = tpu.memref_squeeze %dma_wait3A_3725 : memref<1x8x16xf32, #tpu.memory_space<hbm>> -> memref<8x16xf32, #tpu.memory_space<hbm>>
      tpu.wait_dma2 semaphore(%run_scoped3A_3712 : memref<!tpu.dma_semaphore, #tpu.memory_space<semaphore_mem>>) src(%arg8 : memref<8x16xf32, #tpu.memory_space<vmem>>) dst(%dma_wait3A_3726 : memref<8x16xf32, #tpu.memory_space<hbm>>)
      tpu.yield
    }) : () -> ()
    return
  }
}

module attributes {stable_mosaic.version = 14 : i64} {
  func.func @_stage12_body(%arg0: i32, %arg1: memref<4xi32, #tpu.memory_space<smem>>, %arg2: memref<512x2048xf32, #tpu.memory_space<vmem>>, %arg3: memref<2048x256xbf16, #tpu.memory_space<vmem>>, %arg4: memref<1x256xf32, #tpu.memory_space<vmem>>, %arg5: memref<2112x8xf32, #tpu.memory_space<vmem>>, %arg6: memref<1x8xf32, #tpu.memory_space<vmem>>, %arg7: memref<64x64xf32, #tpu.memory_space<vmem>>, %arg8: memref<512x256xbf16, #tpu.memory_space<vmem>>, %arg9: memref<512x8xf32, #tpu.memory_space<vmem>>, %arg10: memref<512x8xf32, #tpu.memory_space<vmem>>, %arg11: memref<2x4xf32, #tpu.memory_space<smem>>) attributes {dimension_semantics = [#tpu.dimension_semantics<arbitrary>], iteration_bounds = array<i64: 32>, scalar_prefetch = 0 : i64, scratch_operands = 1 : i64, tpu.core_type = #tpu.core_type<tc>, window_params = [{transform_indices = @transform_0, window_bounds = array<i64: 4>}, {transform_indices = @transform_1, window_bounds = array<i64: 512, 2048>}, {pipeline_mode = #tpu.pipeline_mode<synchronous>, transform_indices = @transform_2, window_bounds = array<i64: 2048, 256>}, {pipeline_mode = #tpu.pipeline_mode<synchronous>, transform_indices = @transform_3, window_bounds = array<i64: 1, 256>}, {pipeline_mode = #tpu.pipeline_mode<synchronous>, transform_indices = @transform_4, window_bounds = array<i64: 2112, 8>}, {pipeline_mode = #tpu.pipeline_mode<synchronous>, transform_indices = @transform_5, window_bounds = array<i64: 1, 8>}, {pipeline_mode = #tpu.pipeline_mode<synchronous>, transform_indices = @transform_6, window_bounds = array<i64: 64, 64>}, {transform_indices = @transform_7, window_bounds = array<i64: 512, 256>}, {transform_indices = @transform_8, window_bounds = array<i64: 512, 8>}, {transform_indices = @transform_9, window_bounds = array<i64: 512, 8>}]} {
    %get3A = arith.constant 0 : index
    %get3A_0 = arith.constant 0 : index
    %get3A_1 = vector.load %arg2[%get3A, %get3A_0] : memref<512x2048xf32, #tpu.memory_space<vmem>>, vector<512x2048xf32>
    %eq3A = arith.constant 0 : i32
    %eq3A_2 = arith.cmpi eq, %arg0, %eq3A : i32
    %convert_element_type3A = arith.extui %eq3A_2 : i1 to i32
    %cond3A = arith.constant 0 : i32
    %cond3A_3 = arith.cmpi ne, %convert_element_type3A, %cond3A : i32
    scf.if %cond3A_3 {
      %swap3A = arith.constant 0.000000e+00 : f32
      %swap3A_13 = arith.constant 0 : index
      %swap3A_14 = arith.constant 0 : index
      %swap3A_15 = memref.load %arg11[%swap3A_13, %swap3A_14] : memref<2x4xf32, #tpu.memory_space<smem>>
      memref.store %swap3A, %arg11[%swap3A_13, %swap3A_14] : memref<2x4xf32, #tpu.memory_space<smem>>
      %swap3A_16 = arith.constant 0.000000e+00 : f32
      %swap3A_17 = arith.constant 1 : index
      %swap3A_18 = arith.constant 0 : index
      %swap3A_19 = memref.load %arg11[%swap3A_17, %swap3A_18] : memref<2x4xf32, #tpu.memory_space<smem>>
      memref.store %swap3A_16, %arg11[%swap3A_17, %swap3A_18] : memref<2x4xf32, #tpu.memory_space<smem>>
      %swap3A_20 = arith.constant 0.000000e+00 : f32
      %swap3A_21 = arith.constant 0 : index
      %swap3A_22 = arith.constant 1 : index
      %swap3A_23 = memref.load %arg11[%swap3A_21, %swap3A_22] : memref<2x4xf32, #tpu.memory_space<smem>>
      memref.store %swap3A_20, %arg11[%swap3A_21, %swap3A_22] : memref<2x4xf32, #tpu.memory_space<smem>>
      %swap3A_24 = arith.constant 0.000000e+00 : f32
      %swap3A_25 = arith.constant 1 : index
      %swap3A_26 = arith.constant 1 : index
      %swap3A_27 = memref.load %arg11[%swap3A_25, %swap3A_26] : memref<2x4xf32, #tpu.memory_space<smem>>
      memref.store %swap3A_24, %arg11[%swap3A_25, %swap3A_26] : memref<2x4xf32, #tpu.memory_space<smem>>
      %swap3A_28 = arith.constant 0.000000e+00 : f32
      %swap3A_29 = arith.constant 0 : index
      %swap3A_30 = arith.constant 2 : index
      %swap3A_31 = memref.load %arg11[%swap3A_29, %swap3A_30] : memref<2x4xf32, #tpu.memory_space<smem>>
      memref.store %swap3A_28, %arg11[%swap3A_29, %swap3A_30] : memref<2x4xf32, #tpu.memory_space<smem>>
      %swap3A_32 = arith.constant 0.000000e+00 : f32
      %swap3A_33 = arith.constant 1 : index
      %swap3A_34 = arith.constant 2 : index
      %swap3A_35 = memref.load %arg11[%swap3A_33, %swap3A_34] : memref<2x4xf32, #tpu.memory_space<smem>>
      memref.store %swap3A_32, %arg11[%swap3A_33, %swap3A_34] : memref<2x4xf32, #tpu.memory_space<smem>>
      %swap3A_36 = arith.constant 0.000000e+00 : f32
      %swap3A_37 = arith.constant 0 : index
      %swap3A_38 = arith.constant 3 : index
      %swap3A_39 = memref.load %arg11[%swap3A_37, %swap3A_38] : memref<2x4xf32, #tpu.memory_space<smem>>
      memref.store %swap3A_36, %arg11[%swap3A_37, %swap3A_38] : memref<2x4xf32, #tpu.memory_space<smem>>
      %swap3A_40 = arith.constant 0.000000e+00 : f32
      %swap3A_41 = arith.constant 1 : index
      %swap3A_42 = arith.constant 3 : index
      %swap3A_43 = memref.load %arg11[%swap3A_41, %swap3A_42] : memref<2x4xf32, #tpu.memory_space<smem>>
      memref.store %swap3A_40, %arg11[%swap3A_41, %swap3A_42] : memref<2x4xf32, #tpu.memory_space<smem>>
    } else {
    }
    %lt3A = arith.constant 16 : i32
    %lt3A_4 = arith.cmpi slt, %arg0, %lt3A : i32
    %convert_element_type3A_5 = arith.extui %lt3A_4 : i1 to i32
    %cond3A_6 = arith.constant 0 : i32
    %cond3A_7 = arith.cmpi ne, %convert_element_type3A_5, %cond3A_6 : i32
    scf.if %cond3A_7 {
      %jit3A = arith.constant 4 : i32
      %div3A = arith.divsi %arg0, %jit3A : i32
      %sign3A = arith.constant 0 : i32
      %sign3A_13 = arith.cmpi sgt, %arg0, %sign3A : i32
      %sign3A_14 = arith.extui %sign3A_13 : i1 to i32
      %sign3A_15 = arith.constant 0 : i32
      %sign3A_16 = arith.cmpi slt, %arg0, %sign3A_15 : i32
      %sign3A_17 = arith.extui %sign3A_16 : i1 to i32
      %sign3A_18 = arith.subi %sign3A_14, %sign3A_17 : i32
      %sign3A_19 = arith.constant 0 : i32
      %sign3A_20 = arith.cmpi sgt, %jit3A, %sign3A_19 : i32
      %sign3A_21 = arith.extui %sign3A_20 : i1 to i32
      %sign3A_22 = arith.constant 0 : i32
      %sign3A_23 = arith.cmpi slt, %jit3A, %sign3A_22 : i32
      %sign3A_24 = arith.extui %sign3A_23 : i1 to i32
      %sign3A_25 = arith.subi %sign3A_21, %sign3A_24 : i32
      %ne3A = arith.cmpi ne, %sign3A_18, %sign3A_25 : i32
      %rem3A = arith.remsi %arg0, %jit3A : i32
      %ne3A_26 = arith.constant 0 : i32
      %ne3A_27 = arith.cmpi ne, %rem3A, %ne3A_26 : i32
      %and3A = arith.andi %ne3A, %ne3A_27 : i1
      %sub3A = arith.constant 1 : i32
      %sub3A_28 = arith.subi %div3A, %sub3A : i32
      %select_n3A = arith.select %and3A, %sub3A_28, %div3A : i32
      %get3A_29 = arith.constant 0 : index
      %get3A_30 = arith.index_cast %select_n3A : i32 to index
      %get3A_31 = memref.load %arg11[%get3A_29, %get3A_30] : memref<2x4xf32, #tpu.memory_space<smem>>
      %reduce_sum3A = vector.shape_cast %get3A_1 : vector<512x2048xf32> to vector<1x512x2048xf32>
      %reduce_sum3A_32 = arith.constant dense<0.000000e+00> : vector<1xf32>
      %reduce_sum3A_33 = vector.multi_reduction <add>, %reduce_sum3A, %reduce_sum3A_32 [1, 2] : vector<1x512x2048xf32> to vector<1xf32>
      %reduce_sum3A_34 = vector.shape_cast %reduce_sum3A_33 : vector<1xf32> to vector<1x1x1xf32>
      %reduce_sum3A_35 = vector.extract %reduce_sum3A_34[0, 0, 0] : f32 from vector<1x1x1xf32>
      %add3A = arith.addf %get3A_31, %reduce_sum3A_35 : f32
      %swap3A = arith.constant 0 : index
      %swap3A_36 = arith.index_cast %select_n3A : i32 to index
      %swap3A_37 = memref.load %arg11[%swap3A, %swap3A_36] : memref<2x4xf32, #tpu.memory_space<smem>>
      memref.store %add3A, %arg11[%swap3A, %swap3A_36] : memref<2x4xf32, #tpu.memory_space<smem>>
      %get3A_38 = arith.constant 1 : index
      %get3A_39 = arith.index_cast %select_n3A : i32 to index
      %get3A_40 = memref.load %arg11[%get3A_38, %get3A_39] : memref<2x4xf32, #tpu.memory_space<smem>>
      %mul3A = arith.mulf %get3A_1, %get3A_1 : vector<512x2048xf32>
      %reduce_sum3A_41 = vector.shape_cast %mul3A : vector<512x2048xf32> to vector<1x512x2048xf32>
      %reduce_sum3A_42 = arith.constant dense<0.000000e+00> : vector<1xf32>
      %reduce_sum3A_43 = vector.multi_reduction <add>, %reduce_sum3A_41, %reduce_sum3A_42 [1, 2] : vector<1x512x2048xf32> to vector<1xf32>
      %reduce_sum3A_44 = vector.shape_cast %reduce_sum3A_43 : vector<1xf32> to vector<1x1x1xf32>
      %reduce_sum3A_45 = vector.extract %reduce_sum3A_44[0, 0, 0] : f32 from vector<1x1x1xf32>
      %add3A_46 = arith.addf %get3A_40, %reduce_sum3A_45 : f32
      %swap3A_47 = arith.constant 1 : index
      %swap3A_48 = arith.index_cast %select_n3A : i32 to index
      %swap3A_49 = memref.load %arg11[%swap3A_47, %swap3A_48] : memref<2x4xf32, #tpu.memory_space<smem>>
      memref.store %add3A_46, %arg11[%swap3A_47, %swap3A_48] : memref<2x4xf32, #tpu.memory_space<smem>>
      %convert_element_type3A_50 = arith.truncf %get3A_1 : vector<512x2048xf32> to vector<512x2048xbf16>
      %get3A_51 = arith.constant 0 : index
      %get3A_52 = arith.constant 0 : index
      %get3A_53 = vector.load %arg3[%get3A_51, %get3A_52] : memref<2048x256xbf16, #tpu.memory_space<vmem>>, vector<2048x256xbf16>
      %dot_general3A = arith.constant dense<0.000000e+00> : vector<512x256xf32>
      %dot_general3A_54 = tpu.matmul %convert_element_type3A_50, %get3A_53, %dot_general3A {dimension_numbers = #tpu.dot_dimension_numbers<[1], [0], [0], [1], [0, 0, 1, 1], [], []>, transpose_lhs_hint = false} : vector<512x2048xbf16>, vector<2048x256xbf16>, vector<512x256xf32> -> vector<512x256xf32>
      %get3A_55 = arith.constant 0 : index
      %get3A_56 = arith.constant 0 : index
      %get3A_57 = vector.load %arg4[%get3A_55, %get3A_56] : memref<1x256xf32, #tpu.memory_space<vmem>>, vector<1x256xf32>
      %add3A_58 = vector.broadcast %get3A_57 : vector<1x256xf32> to vector<512x256xf32>
      %add3A_59 = arith.addf %dot_general3A_54, %add3A_58 : vector<512x256xf32>
      %logistic3A = arith.negf %add3A_59 : vector<512x256xf32>
      %logistic3A_60 = math.exp %logistic3A : vector<512x256xf32>
      %logistic3A_61 = arith.constant 1.000000e+00 : f32
      %logistic3A_62 = vector.broadcast %logistic3A_61 : f32 to vector<512x256xf32>
      %logistic3A_63 = arith.addf %logistic3A_62, %logistic3A_60 : vector<512x256xf32>
      %logistic3A_64 = arith.divf %logistic3A_62, %logistic3A_63 : vector<512x256xf32>
      %mul3A_65 = arith.mulf %add3A_59, %logistic3A_64 : vector<512x256xf32>
      %convert_element_type3A_66 = arith.truncf %mul3A_65 : vector<512x256xf32> to vector<512x256xbf16>
      %swap3A_67 = arith.constant 0 : index
      %swap3A_68 = arith.constant 0 : index
      %swap3A_69 = vector.load %arg8[%swap3A_67, %swap3A_68] : memref<512x256xbf16, #tpu.memory_space<vmem>>, vector<512x256xbf16>
      tpu.vector_store %arg8[%swap3A_67, %swap3A_68], %convert_element_type3A_66 {strides = array<i32>} : memref<512x256xbf16, #tpu.memory_space<vmem>>, vector<512x256xbf16>,
    } else {
    }
    %ge3A = arith.constant 16 : i32
    %ge3A_8 = arith.cmpi sge, %arg0, %ge3A : i32
    %convert_element_type3A_9 = arith.extui %ge3A_8 : i1 to i32
    %cond3A_10 = arith.constant 0x4A800000 : f32
    %cond3A_11 = arith.constant 0 : i32
    %cond3A_12 = arith.cmpi ne, %convert_element_type3A_9, %cond3A_11 : i32
    scf.if %cond3A_12 {
      %sub3A = arith.constant 16 : i32
      %sub3A_13 = arith.subi %arg0, %sub3A : i32
      %jit3A = arith.constant 4 : i32
      %div3A = arith.divsi %sub3A_13, %jit3A : i32
      %sign3A = arith.constant 0 : i32
      %sign3A_14 = arith.cmpi sgt, %sub3A_13, %sign3A : i32
      %sign3A_15 = arith.extui %sign3A_14 : i1 to i32
      %sign3A_16 = arith.constant 0 : i32
      %sign3A_17 = arith.cmpi slt, %sub3A_13, %sign3A_16 : i32
      %sign3A_18 = arith.extui %sign3A_17 : i1 to i32
      %sign3A_19 = arith.subi %sign3A_15, %sign3A_18 : i32
      %sign3A_20 = arith.constant 0 : i32
      %sign3A_21 = arith.cmpi sgt, %jit3A, %sign3A_20 : i32
      %sign3A_22 = arith.extui %sign3A_21 : i1 to i32
      %sign3A_23 = arith.constant 0 : i32
      %sign3A_24 = arith.cmpi slt, %jit3A, %sign3A_23 : i32
      %sign3A_25 = arith.extui %sign3A_24 : i1 to i32
      %sign3A_26 = arith.subi %sign3A_22, %sign3A_25 : i32
      %ne3A = arith.cmpi ne, %sign3A_19, %sign3A_26 : i32
      %rem3A = arith.remsi %sub3A_13, %jit3A : i32
      %ne3A_27 = arith.constant 0 : i32
      %ne3A_28 = arith.cmpi ne, %rem3A, %ne3A_27 : i32
      %and3A = arith.andi %ne3A, %ne3A_28 : i1
      %sub3A_29 = arith.constant 1 : i32
      %sub3A_30 = arith.subi %div3A, %sub3A_29 : i32
      %select_n3A = arith.select %and3A, %sub3A_30, %div3A : i32
      %get3A_31 = arith.constant 0 : index
      %get3A_32 = arith.index_cast %select_n3A : i32 to index
      %get3A_33 = memref.load %arg11[%get3A_31, %get3A_32] : memref<2x4xf32, #tpu.memory_space<smem>>
      %div3A_34 = arith.divf %get3A_33, %cond3A_10 : f32
      %get3A_35 = arith.constant 1 : index
      %get3A_36 = arith.index_cast %select_n3A : i32 to index
      %get3A_37 = memref.load %arg11[%get3A_35, %get3A_36] : memref<2x4xf32, #tpu.memory_space<smem>>
      %div3A_38 = arith.divf %get3A_37, %cond3A_10 : f32
      %mul3A = arith.mulf %div3A_34, %div3A_34 : f32
      %sub3A_39 = arith.subf %div3A_38, %mul3A : f32
      %add3A = arith.constant 9.99999974E-6 : f32
      %add3A_40 = arith.addf %sub3A_39, %add3A : f32
      %sqrt3A = math.sqrt %add3A_40 : f32
      %sub3A_41 = vector.broadcast %div3A_34 : f32 to vector<512x2048xf32>
      %sub3A_42 = arith.subf %get3A_1, %sub3A_41 : vector<512x2048xf32>
      %div3A_43 = vector.broadcast %sqrt3A : f32 to vector<512x2048xf32>
      %div3A_44 = arith.divf %sub3A_42, %div3A_43 : vector<512x2048xf32>
      %get3A_45 = arith.index_cast %select_n3A : i32 to index
      %get3A_46 = memref.load %arg1[%get3A_45] : memref<4xi32, #tpu.memory_space<smem>>
      %get3A_47 = arith.index_cast %get3A_46 : i32 to index
      %get3A_48 = arith.constant 0 : index
      %get3A_49 = vector.load %arg7[%get3A_47, %get3A_48] : memref<64x64xf32, #tpu.memory_space<vmem>>, vector<1x64xf32>
      %convert_element_type3A_50 = arith.truncf %get3A_49 : vector<1x64xf32> to vector<1x64xbf16>
      %get3A_51 = arith.constant 2048 : index
      %get3A_52 = arith.constant 0 : index
      %get3A_53 = vector.load %arg5[%get3A_51, %get3A_52] : memref<2112x8xf32, #tpu.memory_space<vmem>>, vector<64x8xf32>
      %convert_element_type3A_54 = arith.truncf %get3A_53 : vector<64x8xf32> to vector<64x8xbf16>
      %dot_general3A = arith.constant dense<0.000000e+00> : vector<1x8xf32>
      %dot_general3A_55 = tpu.matmul %convert_element_type3A_50, %convert_element_type3A_54, %dot_general3A {dimension_numbers = #tpu.dot_dimension_numbers<[1], [0], [0], [1], [0, 0, 1, 1], [], []>, transpose_lhs_hint = false} : vector<1x64xbf16>, vector<64x8xbf16>, vector<1x8xf32> -> vector<1x8xf32>
      %get3A_56 = arith.constant 0 : index
      %get3A_57 = arith.constant 0 : index
      %get3A_58 = vector.load %arg6[%get3A_56, %get3A_57] : memref<1x8xf32, #tpu.memory_space<vmem>>, vector<1x8xf32>
      %add3A_59 = arith.addf %dot_general3A_55, %get3A_58 : vector<1x8xf32>
      %convert_element_type3A_60 = arith.truncf %div3A_44 : vector<512x2048xf32> to vector<512x2048xbf16>
      %get3A_61 = arith.constant 0 : index
      %get3A_62 = arith.constant 0 : index
      %get3A_63 = vector.load %arg5[%get3A_61, %get3A_62] : memref<2112x8xf32, #tpu.memory_space<vmem>>, vector<2048x8xf32>
      %convert_element_type3A_64 = arith.truncf %get3A_63 : vector<2048x8xf32> to vector<2048x8xbf16>
      %dot_general3A_65 = arith.constant dense<0.000000e+00> : vector<512x8xf32>
      %dot_general3A_66 = tpu.matmul %convert_element_type3A_60, %convert_element_type3A_64, %dot_general3A_65 {dimension_numbers = #tpu.dot_dimension_numbers<[1], [0], [0], [1], [0, 0, 1, 1], [], []>, transpose_lhs_hint = false} : vector<512x2048xbf16>, vector<2048x8xbf16>, vector<512x8xf32> -> vector<512x8xf32>
      %add3A_67 = vector.broadcast %add3A_59 : vector<1x8xf32> to vector<512x8xf32>
      %add3A_68 = arith.addf %dot_general3A_66, %add3A_67 : vector<512x8xf32>
      %swap3A = arith.constant 0 : index
      %swap3A_69 = arith.constant 0 : index
      %swap3A_70 = vector.load %arg9[%swap3A, %swap3A_69] : memref<512x8xf32, #tpu.memory_space<vmem>>, vector<512x8xf32>
      tpu.vector_store %arg9[%swap3A, %swap3A_69], %add3A_68 {strides = array<i32>} : memref<512x8xf32, #tpu.memory_space<vmem>>, vector<512x8xf32>,
      %iota3A = tpu.iota {dimensions = array<i32: 1>} : vector<512x8xi32>
      %reduce_max3A = arith.constant dense<0xFF800000> : vector<512xf32>
      %reduce_max3A_71 = vector.multi_reduction <maximumf>, %add3A_68, %reduce_max3A [1] : vector<512x8xf32> to vector<512xf32>
      %broadcast_in_dim3A = vector.shape_cast %reduce_max3A_71 : vector<512xf32> to vector<512x1xf32>
      %eq3A_72 = vector.broadcast %broadcast_in_dim3A : vector<512x1xf32> to vector<512x8xf32>
      %eq3A_73 = arith.cmpf oeq, %add3A_68, %eq3A_72 : vector<512x8xf32>
      %jit3A_74 = arith.constant 8 : i32
      %broadcast_in_dim3A_75 = vector.broadcast %jit3A_74 : i32 to vector<512x8xi32>
      %select_n3A_76 = arith.select %eq3A_73, %iota3A, %broadcast_in_dim3A_75 : vector<512x8xi1>, vector<512x8xi32>
      %reduce_min3A = arith.constant dense<2147483647> : vector<512xi32>
      %reduce_min3A_77 = vector.multi_reduction <minsi>, %select_n3A_76, %reduce_min3A [1] : vector<512x8xi32> to vector<512xi32>
      %broadcast_in_dim3A_78 = vector.shape_cast %reduce_min3A_77 : vector<512xi32> to vector<512x1xi32>
      %eq3A_79 = vector.broadcast %broadcast_in_dim3A_78 : vector<512x1xi32> to vector<512x8xi32>
      %eq3A_80 = arith.cmpi eq, %iota3A, %eq3A_79 : vector<512x8xi32>
      %jit3A_81 = arith.constant 0xFF800000 : f32
      %broadcast_in_dim3A_82 = vector.broadcast %jit3A_81 : f32 to vector<512x8xf32>
      %select_n3A_83 = arith.select %eq3A_80, %broadcast_in_dim3A_82, %add3A_68 : vector<512x8xi1>, vector<512x8xf32>
      %reduce_max3A_84 = arith.constant dense<0xFF800000> : vector<512xf32>
      %reduce_max3A_85 = vector.multi_reduction <maximumf>, %select_n3A_83, %reduce_max3A_84 [1] : vector<512x8xf32> to vector<512xf32>
      %broadcast_in_dim3A_86 = vector.shape_cast %reduce_max3A_85 : vector<512xf32> to vector<512x1xf32>
      %eq3A_87 = vector.broadcast %broadcast_in_dim3A_86 : vector<512x1xf32> to vector<512x8xf32>
      %eq3A_88 = arith.cmpf oeq, %select_n3A_83, %eq3A_87 : vector<512x8xf32>
      %jit3A_89 = arith.constant 8 : i32
      %broadcast_in_dim3A_90 = vector.broadcast %jit3A_89 : i32 to vector<512x8xi32>
      %select_n3A_91 = arith.select %eq3A_88, %iota3A, %broadcast_in_dim3A_90 : vector<512x8xi1>, vector<512x8xi32>
      %reduce_min3A_92 = arith.constant dense<2147483647> : vector<512xi32>
      %reduce_min3A_93 = vector.multi_reduction <minsi>, %select_n3A_91, %reduce_min3A_92 [1] : vector<512x8xi32> to vector<512xi32>
      %broadcast_in_dim3A_94 = vector.shape_cast %reduce_min3A_93 : vector<512xi32> to vector<512x1xi32>
      %sub3A_95 = arith.subf %broadcast_in_dim3A_86, %broadcast_in_dim3A : vector<512x1xf32>
      %exp3A = math.exp %sub3A_95 : vector<512x1xf32>
      %add3A_96 = arith.constant 1.000000e+00 : f32
      %add3A_97 = vector.broadcast %add3A_96 : f32 to vector<512x1xf32>
      %add3A_98 = arith.addf %add3A_97, %exp3A : vector<512x1xf32>
      %div3A_99 = arith.constant 1.000000e+00 : f32
      %div3A_100 = vector.broadcast %div3A_99 : f32 to vector<512x1xf32>
      %div3A_101 = arith.divf %div3A_100, %add3A_98 : vector<512x1xf32>
      %add3A_102 = arith.constant 1.000000e+00 : f32
      %add3A_103 = vector.broadcast %add3A_102 : f32 to vector<512x1xf32>
      %add3A_104 = arith.addf %add3A_103, %exp3A : vector<512x1xf32>
      %div3A_105 = arith.divf %exp3A, %add3A_104 : vector<512x1xf32>
      %eq3A_106 = vector.broadcast %broadcast_in_dim3A_78 : vector<512x1xi32> to vector<512x8xi32>
      %eq3A_107 = arith.cmpi eq, %iota3A, %eq3A_106 : vector<512x8xi32>
      %jit3A_108 = arith.constant 0.000000e+00 : f32
      %broadcast_in_dim3A_109 = vector.shape_cast %div3A_101 : vector<512x1xf32> to vector<512x1xf32>
      %broadcast_in_dim3A_110 = vector.broadcast %broadcast_in_dim3A_109 : vector<512x1xf32> to vector<512x8xf32>
      %broadcast_in_dim3A_111 = vector.broadcast %jit3A_108 : f32 to vector<512x8xf32>
      %select_n3A_112 = arith.select %eq3A_107, %broadcast_in_dim3A_110, %broadcast_in_dim3A_111 : vector<512x8xi1>, vector<512x8xf32>
      %eq3A_113 = vector.broadcast %broadcast_in_dim3A_94 : vector<512x1xi32> to vector<512x8xi32>
      %eq3A_114 = arith.cmpi eq, %iota3A, %eq3A_113 : vector<512x8xi32>
      %jit3A_115 = arith.constant 0.000000e+00 : f32
      %broadcast_in_dim3A_116 = vector.shape_cast %div3A_105 : vector<512x1xf32> to vector<512x1xf32>
      %broadcast_in_dim3A_117 = vector.broadcast %broadcast_in_dim3A_116 : vector<512x1xf32> to vector<512x8xf32>
      %broadcast_in_dim3A_118 = vector.broadcast %jit3A_115 : f32 to vector<512x8xf32>
      %select_n3A_119 = arith.select %eq3A_114, %broadcast_in_dim3A_117, %broadcast_in_dim3A_118 : vector<512x8xi1>, vector<512x8xf32>
      %add3A_120 = arith.addf %select_n3A_112, %select_n3A_119 : vector<512x8xf32>
      %swap3A_121 = arith.constant 0 : index
      %swap3A_122 = arith.constant 0 : index
      %swap3A_123 = vector.load %arg10[%swap3A_121, %swap3A_122] : memref<512x8xf32, #tpu.memory_space<vmem>>, vector<512x8xf32>
      tpu.vector_store %arg10[%swap3A_121, %swap3A_122], %add3A_120 {strides = array<i32>} : memref<512x8xf32, #tpu.memory_space<vmem>>, vector<512x8xf32>,
    } else {
    }
    return
  }
  func.func @transform_0(%arg0: i32) -> i32 {
    %c0_i32 = arith.constant 0 : i32
    %c0_i32_0 = arith.constant 0 : i32
    return %c0_i32 : i32
  }
  func.func @transform_1(%arg0: i32) -> (i32, i32) {
    %lt3A = arith.constant 16 : i32
    %lt3A_0 = arith.cmpi slt, %arg0, %lt3A : i32
    %sub3A = arith.constant 16 : i32
    %sub3A_1 = arith.subi %arg0, %sub3A : i32
    %select_n3A = arith.select %lt3A_0, %arg0, %sub3A_1 : i32
    %c0_i32 = arith.constant 0 : i32
    %c0_i32_2 = arith.constant 0 : i32
    return %select_n3A, %c0_i32 : i32, i32
  }
  func.func @transform_2(%arg0: i32) -> (i32, i32) {
    %c0_i32 = arith.constant 0 : i32
    %c0_i32_0 = arith.constant 0 : i32
    %c0_i32_1 = arith.constant 0 : i32
    return %c0_i32, %c0_i32_0 : i32, i32
  }
  func.func @transform_3(%arg0: i32) -> (i32, i32) {
    %c0_i32 = arith.constant 0 : i32
    %c0_i32_0 = arith.constant 0 : i32
    %c0_i32_1 = arith.constant 0 : i32
    return %c0_i32, %c0_i32_0 : i32, i32
  }
  func.func @transform_4(%arg0: i32) -> (i32, i32) {
    %c0_i32 = arith.constant 0 : i32
    %c0_i32_0 = arith.constant 0 : i32
    %c0_i32_1 = arith.constant 0 : i32
    return %c0_i32, %c0_i32_0 : i32, i32
  }
  func.func @transform_5(%arg0: i32) -> (i32, i32) {
    %c0_i32 = arith.constant 0 : i32
    %c0_i32_0 = arith.constant 0 : i32
    %c0_i32_1 = arith.constant 0 : i32
    return %c0_i32, %c0_i32_0 : i32, i32
  }
  func.func @transform_6(%arg0: i32) -> (i32, i32) {
    %c0_i32 = arith.constant 0 : i32
    %c0_i32_0 = arith.constant 0 : i32
    %c0_i32_1 = arith.constant 0 : i32
    return %c0_i32, %c0_i32_0 : i32, i32
  }
  func.func @transform_7(%arg0: i32) -> (i32, i32) {
    %min3A = arith.constant 15 : i32
    %min3A_0 = arith.minsi %arg0, %min3A : i32
    %c0_i32 = arith.constant 0 : i32
    %c0_i32_1 = arith.constant 0 : i32
    return %min3A_0, %c0_i32 : i32, i32
  }
  func.func @transform_8(%arg0: i32) -> (i32, i32) {
    %sub3A = arith.constant 16 : i32
    %sub3A_0 = arith.subi %arg0, %sub3A : i32
    %max3A = arith.constant 0 : i32
    %max3A_1 = arith.maxsi %sub3A_0, %max3A : i32
    %c0_i32 = arith.constant 0 : i32
    %c0_i32_2 = arith.constant 0 : i32
    return %max3A_1, %c0_i32 : i32, i32
  }
  func.func @transform_9(%arg0: i32) -> (i32, i32) {
    %sub3A = arith.constant 16 : i32
    %sub3A_0 = arith.subi %arg0, %sub3A : i32
    %max3A = arith.constant 0 : i32
    %max3A_1 = arith.maxsi %sub3A_0, %max3A : i32
    %c0_i32 = arith.constant 0 : i32
    %c0_i32_2 = arith.constant 0 : i32
    return %max3A_1, %c0_i32 : i32, i32
  }
}

module attributes {stable_mosaic.version = 14 : i64} {
  func.func @_stage3_body(%arg0: i32, %arg1: memref<512x256xbf16, #tpu.memory_space<vmem>>, %arg2: memref<512x8xf32, #tpu.memory_space<vmem>>, %arg3: memref<256x2048xbf16, #tpu.memory_space<vmem>>, %arg4: memref<8x2048xf32, #tpu.memory_space<vmem>>, %arg5: memref<512x2048xf32, #tpu.memory_space<vmem>>) attributes {dimension_semantics = [#tpu.dimension_semantics<arbitrary>], iteration_bounds = array<i64: 16>, scalar_prefetch = 0 : i64, scratch_operands = 0 : i64, tpu.core_type = #tpu.core_type<tc>, window_params = [{transform_indices = @transform_0, window_bounds = array<i64: 512, 256>}, {transform_indices = @transform_1, window_bounds = array<i64: 512, 8>}, {pipeline_mode = #tpu.pipeline_mode<synchronous>, transform_indices = @transform_2, window_bounds = array<i64: 256, 2048>}, {pipeline_mode = #tpu.pipeline_mode<synchronous>, transform_indices = @transform_3, window_bounds = array<i64: 8, 2048>}, {transform_indices = @transform_4, window_bounds = array<i64: 512, 2048>}]} {
    %get3A = arith.constant 0 : index
    %get3A_0 = arith.constant 0 : index
    %get3A_1 = vector.load %arg2[%get3A, %get3A_0] : memref<512x8xf32, #tpu.memory_space<vmem>>, vector<512x8xf32>
    %iota3A = tpu.iota {dimensions = array<i32: 1>} : vector<8x256xi32>
    %jit3A = arith.constant 32 : i32
    %div3A = vector.broadcast %jit3A : i32 to vector<8x256xi32>
    %div3A_2 = arith.divsi %iota3A, %div3A : vector<8x256xi32>
    %sign3A = arith.constant 0 : i32
    %sign3A_3 = vector.broadcast %sign3A : i32 to vector<8x256xi32>
    %sign3A_4 = arith.cmpi sgt, %iota3A, %sign3A_3 : vector<8x256xi32>
    %sign3A_5 = arith.extui %sign3A_4 : vector<8x256xi1> to vector<8x256xi32>
    %sign3A_6 = arith.constant 0 : i32
    %sign3A_7 = vector.broadcast %sign3A_6 : i32 to vector<8x256xi32>
    %sign3A_8 = arith.cmpi slt, %iota3A, %sign3A_7 : vector<8x256xi32>
    %sign3A_9 = arith.extui %sign3A_8 : vector<8x256xi1> to vector<8x256xi32>
    %sign3A_10 = arith.subi %sign3A_5, %sign3A_9 : vector<8x256xi32>
    %sign3A_11 = arith.constant 0 : i32
    %sign3A_12 = arith.cmpi sgt, %jit3A, %sign3A_11 : i32
    %sign3A_13 = arith.extui %sign3A_12 : i1 to i32
    %sign3A_14 = arith.constant 0 : i32
    %sign3A_15 = arith.cmpi slt, %jit3A, %sign3A_14 : i32
    %sign3A_16 = arith.extui %sign3A_15 : i1 to i32
    %sign3A_17 = arith.subi %sign3A_13, %sign3A_16 : i32
    %ne3A = vector.broadcast %sign3A_17 : i32 to vector<8x256xi32>
    %ne3A_18 = arith.cmpi ne, %sign3A_10, %ne3A : vector<8x256xi32>
    %rem3A = vector.broadcast %jit3A : i32 to vector<8x256xi32>
    %rem3A_19 = arith.remsi %iota3A, %rem3A : vector<8x256xi32>
    %ne3A_20 = arith.constant 0 : i32
    %ne3A_21 = vector.broadcast %ne3A_20 : i32 to vector<8x256xi32>
    %ne3A_22 = arith.cmpi ne, %rem3A_19, %ne3A_21 : vector<8x256xi32>
    %and3A = arith.andi %ne3A_18, %ne3A_22 : vector<8x256xi1>
    %sub3A = arith.constant 1 : i32
    %sub3A_23 = vector.broadcast %sub3A : i32 to vector<8x256xi32>
    %sub3A_24 = arith.subi %div3A_2, %sub3A_23 : vector<8x256xi32>
    %select_n3A = arith.select %and3A, %sub3A_24, %div3A_2 : vector<8x256xi1>, vector<8x256xi32>
    %iota3A_25 = tpu.iota {dimensions = array<i32: 0>} : vector<8x256xi32>
    %eq3A = arith.cmpi eq, %select_n3A, %iota3A_25 : vector<8x256xi32>
    %jit3A_26 = arith.constant 1.000000e+00 : f32
    %jit3A_27 = arith.constant 0.000000e+00 : f32
    %broadcast_in_dim3A = vector.broadcast %jit3A_26 : f32 to vector<8x256xf32>
    %broadcast_in_dim3A_28 = vector.broadcast %jit3A_27 : f32 to vector<8x256xf32>
    %select_n3A_29 = arith.select %eq3A, %broadcast_in_dim3A, %broadcast_in_dim3A_28 : vector<8x256xi1>, vector<8x256xf32>
    %dot_general3A = arith.constant dense<0.000000e+00> : vector<512x256xf32>
    %dot_general3A_30 = tpu.matmul %get3A_1, %select_n3A_29, %dot_general3A {dimension_numbers = #tpu.dot_dimension_numbers<[1], [0], [0], [1], [0, 0, 1, 1], [], []>, transpose_lhs_hint = false} : vector<512x8xf32>, vector<8x256xf32>, vector<512x256xf32> -> vector<512x256xf32>
    %get3A_31 = arith.constant 0 : index
    %get3A_32 = arith.constant 0 : index
    %get3A_33 = vector.load %arg1[%get3A_31, %get3A_32] : memref<512x256xbf16, #tpu.memory_space<vmem>>, vector<512x256xbf16>
    %convert_element_type3A = arith.extf %get3A_33 : vector<512x256xbf16> to vector<512x256xf32>
    %mul3A = arith.mulf %convert_element_type3A, %dot_general3A_30 : vector<512x256xf32>
    %convert_element_type3A_34 = arith.truncf %mul3A : vector<512x256xf32> to vector<512x256xbf16>
    %get3A_35 = arith.constant 0 : index
    %get3A_36 = arith.constant 0 : index
    %get3A_37 = vector.load %arg3[%get3A_35, %get3A_36] : memref<256x2048xbf16, #tpu.memory_space<vmem>>, vector<256x2048xbf16>
    %dot_general3A_38 = arith.constant dense<0.000000e+00> : vector<512x2048xf32>
    %dot_general3A_39 = tpu.matmul %convert_element_type3A_34, %get3A_37, %dot_general3A_38 {dimension_numbers = #tpu.dot_dimension_numbers<[1], [0], [0], [1], [0, 0, 1, 1], [], []>, transpose_lhs_hint = false} : vector<512x256xbf16>, vector<256x2048xbf16>, vector<512x2048xf32> -> vector<512x2048xf32>
    %get3A_40 = arith.constant 0 : index
    %get3A_41 = arith.constant 0 : index
    %get3A_42 = vector.load %arg4[%get3A_40, %get3A_41] : memref<8x2048xf32, #tpu.memory_space<vmem>>, vector<8x2048xf32>
    %dot_general3A_43 = arith.constant dense<0.000000e+00> : vector<512x2048xf32>
    %dot_general3A_44 = tpu.matmul %get3A_1, %get3A_42, %dot_general3A_43 {dimension_numbers = #tpu.dot_dimension_numbers<[1], [0], [0], [1], [0, 0, 1, 1], [], []>, transpose_lhs_hint = false} : vector<512x8xf32>, vector<8x2048xf32>, vector<512x2048xf32> -> vector<512x2048xf32>
    %add3A = arith.addf %dot_general3A_39, %dot_general3A_44 : vector<512x2048xf32>
    %swap3A = arith.constant 0 : index
    %swap3A_45 = arith.constant 0 : index
    %swap3A_46 = vector.load %arg5[%swap3A, %swap3A_45] : memref<512x2048xf32, #tpu.memory_space<vmem>>, vector<512x2048xf32>
    tpu.vector_store %arg5[%swap3A, %swap3A_45], %add3A {strides = array<i32>} : memref<512x2048xf32, #tpu.memory_space<vmem>>, vector<512x2048xf32>,
    return
  }
  func.func @transform_0(%arg0: i32) -> (i32, i32) {
    %c0_i32 = arith.constant 0 : i32
    %c0_i32_0 = arith.constant 0 : i32
    return %arg0, %c0_i32 : i32, i32
  }
  func.func @transform_1(%arg0: i32) -> (i32, i32) {
    %c0_i32 = arith.constant 0 : i32
    %c0_i32_0 = arith.constant 0 : i32
    return %arg0, %c0_i32 : i32, i32
  }
  func.func @transform_2(%arg0: i32) -> (i32, i32) {
    %c0_i32 = arith.constant 0 : i32
    %c0_i32_0 = arith.constant 0 : i32
    %c0_i32_1 = arith.constant 0 : i32
    return %c0_i32, %c0_i32_0 : i32, i32
  }
  func.func @transform_3(%arg0: i32) -> (i32, i32) {
    %c0_i32 = arith.constant 0 : i32
    %c0_i32_0 = arith.constant 0 : i32
    %c0_i32_1 = arith.constant 0 : i32
    return %c0_i32, %c0_i32_0 : i32, i32
  }
  func.func @transform_4(%arg0: i32) -> (i32, i32) {
    %c0_i32 = arith.constant 0 : i32
    %c0_i32_0 = arith.constant 0 : i32
    return %arg0, %c0_i32 : i32, i32
  }
}

</mosaic_0001>

<sc_bundles>
// kernel: kernel.5.cloned.1.call-start
scs
__scs_entry_jumppad:
0x0: {  	(pc) =	sbr.rel $0x88, $3  }
0x1: {  	(tag) =	ssettag $0x0;
	lr =	simm.s32 $0x1  }
0x2: {  	[smem:$0x3F98] =	sst lr;
	_ =	strace $0xD0000000  }
0x3: {  	_ = 	snop  }
0x4: {  	_ = 	snop  }
0x5: {  	_ = 	snop  }
0x6: {  	_ = 	snop  }
0x7: {  	_ = 	snop  }
__scs_overlays_trampoline_lowered:
0x8: {  	[smem:$0x3FA7] =	sst s0  }
0x9: {  	[smem:$0x3FA8] =	sst s1  }
0xa: {  	[smem:$0x3FA9] =	sst s2  }
0xb: {  	[smem:$0x3FAA] =	sst s3  }
0xc: {  	[smem:$0x3FAB] =	sst s4  }
0xd: {  	[smem:$0x3FAC] =	sst s5  }
0xe: {  	[smem:$0x3FAD] =	sst s6  }
0xf: {  	[smem:$0x3FAE] =	sst s7  }
0x10: {  	[smem:$0x3FAF] =	sst s8  }
0x11: {  	[smem:$0x3FB0] =	sst s9;
	s0 =	simm.s32 @!p0 $0x0  }
0x12: {  	s1 =	sld [smem:$0x3F96];
	s0 =	simm.s32 @p0 $0x1  }
0x13: {  	[smem:$0x3FB1] =	sst s0;
	s0 =	simm.s32 @!p1 $0x0  }
0x14: {  	s2 =	sld [smem:$0x3F95];
	s0 =	simm.s32 @p1 $0x1  }
0x15: {  	[smem:$0x3FB2] =	sst s0;
	s0 =	simm.s32 @!p2 $0x0  }
0x16: {  	s3 =	sld [smem:$0x3FDB];
	s0 =	simm.s32 @p2 $0x1  }
0x17: {  	s4 =	simm.s32 $0x1BF5;
	[smem:$0x3FB4] =	sst s0  }
0x18: {  	s0 =	sld [smem:$0x3F97];
	_ =	swait.ge [sflag:s4], $0x0  }
0x19: {  	s7 =	sld [smem:$0x3F98]  }
0x1a: {  	s8 =	sadd.s32 $0xFFFFE003, lr  }
0x1b: {  	s9 =	sadd.s32 $0xFFFFFEF7, lr;
	s5 =	simm.s32 $0xFFFFFFFF;
	p2 =	slt.u32 s8, $0xFFFFF086  }
0x1c: {  	p1 =	slt.u32 s9, $0xF7A;
	s5 =	simm.s32 @!p2 $0x0  }
0x1d: {  	s5 =	simm.s32 @p1 $0x1;
	p0 =	seq.s32 s7, s2  }
0x1e: {  	s7 =	smul.u32 @!p0 $0xF7A, s2;
	p2 =	seq.s32 @!p0 s5, $0x0  }
0x1f: {  	s9 =	smul.u32 $0xF7A, s1;
	s8 =	simm.s32 @!p0 $0x1BF5;
	p2 =	por !p2, p0  }
0x20: {  	[sflag:s8] =	ssyncset.s32 @!p0 $0xFFFFF086;
	s6 =	sadd.s32 @!p0 s3, s7;
	s7 =	simm.s32 @!p0 $0x108  }
0x21: {  	s3 =	sadd.s32 s3, s9;
	s6 =	sadd.s32 @!p0 $0x88, s6;
	s7 =	simm.s32 @p2 $0x1082  }
0x22: {  	[simem:s7], [sflag:s8] =	dma.local @!p0 [hbm:s6], $0xF7A  }
0x23: {  	s9 =	sor.u32 $0xD0000000, s2;
	s6 =	simm.s32 $0x108;
	_ =	swait.ge @!p0 [sflag:s8], $0x0  }
0x24: {  	s3 =	sadd.s32 $0x88, s3;
	s6 =	simm.s32 @!p1 $0x1082;
	[sflag:s4] =	ssyncset.s32 $0xFFFFF086  }
0x25: {  	[simem:s6], [sflag:s4] =	dma.local [hbm:s3], $0xF7A  }
0x26: {  	[smem:$0x3F98] =	sst s1;
	(tag) =	ssettag s2;
	_ =	strace s9  }
0x27: {  	s1 =	sld [smem:$0x3FA8]  }
0x28: {  	s2 =	sld [smem:$0x3FA9]  }
0x29: {  	s4 =	sld [smem:$0x3FAB]  }
0x2a: {  	p0 =	seq.s32 s5, $0x0;
	s5 =	sld [smem:$0x3FAC]  }
0x2b: {  	s6 =	sld [smem:$0x3FAD]  }
0x2c: {  	s7 =	sld [smem:$0x3FAE]  }
0x2d: {  	s3 =	simm.s32 $0x108;
	s8 =	sld [smem:$0x3FAF]  }
0x2e: {  	s3 =	simm.s32 @!p0 $0x1082;
	s9 =	sld [smem:$0x3FB0]  }
0x2f: {  	lr =	sadd.s32 s0, s3;
	s0 =	sld [smem:$0x3FA7]  }
0x30: {  	s3 =	sld [smem:$0x3FAA]  }
0x31: {  	[smem:$0x3FB3] =	sst s10  }
0x32: {  	s10 =	sld [smem:$0x3FB1];
	_ =	sdelay $0x3  }
0x33: {  	p0 =	seq.s32 s10, $0x1;
	s10 =	sld [smem:$0x3FB3];
	_ =	sdelay $0x3  }
0x34: {  	[smem:$0x3FB3] =	sst s10  }
0x35: {  	s10 =	sld [smem:$0x3FB2];
	_ =	sdelay $0x3  }
0x36: {  	p1 =	seq.s32 s10, $0x1;
	s10 =	sld [smem:$0x3FB3];
	_ =	sdelay $0x3  }
0x37: {  	[smem:$0x3FB3] =	sst s10  }
0x38: {  	s10 =	sld [smem:$0x3FB4]  }
0x39: {  	_ = 	snop;
	(pc) =	sbr.ind lr, $3  }
0x3a: {  	_ = 	snop  }
0x3b: {  	_ = 	snop  }
0x3c: {  	p2 =	seq.s32 s10, $0x1;
	s10 =	sld [smem:$0x3FB3]  }
0x3d: {  	_ =	shalt  }
0x3e: {  	_ =	shalt  }
0x3f: {  	_ =	shalt  }
0x40: {  	_ =	shalt  }
0x41: {  	_ =	shalt  }
0x42: {  	_ =	shalt  }
0x43: {  	_ =	shalt  }
0x44: {  	_ =	shalt  }
0x45: {  	_ =	shalt  }
0x46: {  	_ =	shalt  }
0x47: {  	_ =	shalt  }
0x48: {  	_ =	shalt  }
0x49: {  	_ =	shalt  }
0x4a: {  	_ =	shalt  }
0x4b: {  	_ =	shalt  }
0x4c: {  	_ =	shalt  }
0x4d: {  	_ =	shalt  }
0x4e: {  	_ =	shalt  }
0x4f: {  	_ =	shalt  }
0x50: {  	_ =	shalt  }
0x51: {  	_ =	shalt  }
0x52: {  	_ =	shalt  }
0x53: {  	_ =	shalt  }
0x54: {  	_ =	shalt  }
0x55: {  	_ =	shalt  }
0x56: {  	_ =	shalt  }
0x57: {  	_ =	shalt  }
0x58: {  	_ =	shalt  }
0x59: {  	_ =	shalt  }
0x5a: {  	_ =	shalt  }
0x5b: {  	_ =	shalt  }
0x5c: {  	_ =	shalt  }
0x5d: {  	_ =	shalt  }
0x5e: {  	_ =	shalt  }
0x5f: {  	_ =	shalt  }
0x60: {  	_ =	shalt  }
0x61: {  	_ =	shalt  }
0x62: {  	_ =	shalt  }
0x63: {  	_ =	shalt  }
0x64: {  	_ =	shalt  }
0x65: {  	_ =	shalt  }
0x66: {  	_ =	shalt  }
0x67: {  	_ =	shalt  }
0x68: {  	_ =	shalt  }
0x69: {  	_ =	shalt  }
0x6a: {  	_ =	shalt  }
0x6b: {  	_ =	shalt  }
0x6c: {  	_ =	shalt  }
0x6d: {  	_ =	shalt  }
0x6e: {  	_ =	shalt  }
0x6f: {  	_ =	shalt  }
0x70: {  	_ =	shalt  }
0x71: {  	_ =	shalt  }
0x72: {  	_ =	shalt  }
0x73: {  	_ =	shalt  }
0x74: {  	_ =	shalt  }
0x75: {  	_ =	shalt  }
0x76: {  	_ =	shalt  }
0x77: {  	_ =	shalt  }
0x78: {  	_ =	shalt  }
0x79: {  	_ =	shalt  }
0x7a: {  	_ =	shalt  }
0x7b: {  	_ =	shalt  }
0x7c: {  	_ =	shalt  }
0x7d: {  	_ =	shalt  }
0x7e: {  	_ =	shalt  }
0x7f: {  	_ =	shalt  }
0x80: {  	_ =	shalt  }
0x81: {  	_ =	shalt  }
0x82: {  	_ =	shalt  }
0x83: {  	_ =	shalt  }
0x84: {  	_ =	shalt  }
0x85: {  	_ =	shalt  }
0x86: {  	_ =	shalt  }
0x87: {  	_ =	shalt  }
.Lfunc_end0:
.L_simem_size_0:
called_computation_lowered:
.L_overlay_start_0:
0x88: {  	s2 =	sld [smem:$0x3FD9]  }
0x89: {  	s3 =	sld [smem:$0x3FFE];
	_ =	sdelay $0x1  }
0x8a: {  	s1 =	srdreg.scid  }
0x8b: {  	s0 =	sand.u32 $0x1, s1  }
0x8c: {  	s14 =	sshll.u32 s0, $0xA;
	s2 =	sadd.s32 s3, s2  }
0x8d: {  	s2 =	sadd.s32 s2, s14  }
0x8e: {  	[smem:$0x3FBF] =	sst s2  }
0x8f: {  	_ = 	snop  }
0x90: {  	s2 =	sld [smem:$0x3FD0];
	_ =	sdelay $0x2  }
0x91: {  	s15 =	simm.s32 $0xA;
	s4 =	simm.s32 $0x10  }
0x92: {  	[smem:s4], [sflag:s15] =	dma.local [hbm:s2], $0x1  }
0x93: {  	_ =	swait.eq [sflag:s15], $0x1  }
0x94: {  	[sflag:s15] =	ssyncset.done $0x0  }
0x95: {  	[sflag:s15] =	ssyncadd.s32 $0xFFFFFFFF  }
0x96: {  	s16 =	sld [smem:$0x12];
	(tm) =	ssettm $0x1  }
0x97: {  	s17 =	sld [smem:$0x3FFB];
	_ =	sdelay $0x3  }
0x98: {  	_ =	strace s17  }
0x99: {  	s3 =	sld [smem:$0x3FFC];
	_ =	sdelay $0x3  }
0x9a: {  	_ =	strace s3  }
0x9b: {  	s3 =	sld [smem:$0x3FFD];
	_ =	sdelay $0x3  }
0x9c: {  	_ =	strace s3  }
0x9d: {  	_ =	strace $0x8FFFFFFF  }
0x9e: {  	s18 =	sld [smem:$0x3FDB];
	_ =	sdelay $0x1  }
0x9f: {  	s19 =	simm.s32 $_scs_section_size  }
0xa0: {  	s5 =	simm.s32 $_size__tile_overlayer_lowered;
	s6 =	simm.s32 $_tile_overlayer_lowered  }
0xa1: {  	s22 =	simm.s32 $0x1BFF;
	s21 =	sshll.u32 s6, $0x1;
	s3 =	sadd.s32 s19, s18  }
0xa2: {  	s7 =	simm.s32 $0x0;
	s20 =	sshll.u32 s5, $0x1;
	s5 =	sadd.s32 s21, s3  }
0xa3: {  	[timem:s7], [sflag:s22] =	dma.local [hbm:s5], s20  }
0xa4: {  	_ =	swait.ge [sflag:s22], s20  }
0xa5: {  	s4 =	ssub.s32 $0x0, s20;
	[sflag:s22] =	ssyncset.done $0x0  }
0xa6: {  	[sflag:s22] =	ssyncadd.s32 s4;
	_ =	sdelay $0x1  }
0xa7: {  	s23 =	simm.s32 $0x1B8B  }
0xa8: {  	_ =	swait.ge [sflag:s23], $0x1  }
0xa9: {  	[sflag:s23] =	ssyncset.done $0x0  }
0xaa: {  	s25 =	simm.s32 $0x1B8E;
	s24 =	sld [smem:$0x3FFE];
	[sflag:s23] =	ssyncadd.s32 $0xFFFFFFFF  }
0xab: {  	s26 =	simm.s32 $execute0_lowered;
	[smem:$0x3FD2] =	sst s25  }
0xac: {  	s5 =	sshll.u32 s26, $0x1;
	_ =	strace $0x80000046;
	[dreg:$0x1] =	wrdreg $0xFFFFFFFF  }
0xad: {  	s28 =	simm.s32 $_size_execute0_lowered;
	s3 =	sadd.s32 s3, s5;
	[dreg:$0x0] =	wrdreg $0x0  }
0xae: {  	s5 =	sshll.u32 s28, $0x1;
	[dreg:$0x2] =	wrdreg s3  }
0xaf: {  	[dreg:$0x3] =	wrdreg s5  }
0xb0: {  	[dreg:$0x4] =	wrdreg $0xC0  }
0xb1: {  	_ =	task [dreg:s7], $0x5FFFF  }
0xb2: {  	[dreg:$0x1] =	wrdreg $0xFFFFFFFF  }
0xb3: {  	[dreg:$0x0] =	wrdreg $0x60  }
0xb4: {  	[dreg:$0x2] =	wrdreg s24  }
0xb5: {  	[dreg:$0x3] =	wrdreg s16  }
0xb6: {  	[dreg:$0x4] =	wrdreg $0x9  }
0xb7: {  	_ =	task.clear_ibuf [dreg:s7], $0x5FFFF;
	_ =	strace $0x90000046  }
0xb8: {  	s29 =	simm.s32 $0x9;
	_ =	strace $0x80000048  }
0xb9: {  	_ =	swait.ge [sflag:s29], $0x1  }
0xba: {  	[sflag:s29] =	ssyncadd.s32 $0xFFFFFFFF  }
0xbb: {  	_ =	strace $0x90000048  }
0xbc: {  	_ =	sfence  }
0xbd: {  	s30 =	sld [smem:$0x0];
	_ =	sdelay $0x2  }
0xbe: {  	s31 =	sshll.u32 s1, $0xD;
	s1 =	sshrl.u32 s1, $0x2  }
0xbf: {  	s3 =	sand.u32 $0x4000, s31;
	s1 =	sadd.s32 s1, s30  }
0xc0: {  	s0 =	sor.u32 s3, s0;
	s1 =	sshll.u32 s1, $0x11  }
0xc1: {  	s0 =	sor.u32 s1, s0  }
0xc2: {  	s0 =	sadd.s32 $0x8F2B, s0  }
0xc3: {  	[sflag:s0] =	ssyncadd.remote.s32 $0x1  }
0xc4: {  	_ =	sfence.sel $0xFFFF  }
0xc5: {  	[dreg:$0x0] =	wrdreg $0xFFFFFFFF;
	(pc) =	sbr.abs _section_cstart, $3  }
0xc6: {  	[dreg:$0x1] =	wrdreg $0xFFFFFFFF  }
0xc7: {  	_ =	task.clear_ibuf [dreg:s7], $0x2FFFF;
	_ =	strace $0x9FFFFFFF  }
0xc8: {  	(tm) =	ssettm $0x7FFFFFFF  }
0xc9: {  	_ =	shalt  }
tec
execute0_lowered:
.L_overlay_start_1:
0x0: {  	(tag) =	ssettag $0x1  }
0x1: {  	v0 =	vlaneseq.u32  }
0x2: {  	v0 =	vmul.u32 $0x80, v0;
	_ =	sdelay $0x1  }
0x3: {  	v1 =	vor.u32 $0x1, v0  }
0x4: {  	[tilespmem:$0x1FC40] =	vst v1;
	v1 =	vor.u32 $0x2, v0  }
0x5: {  	[tilespmem:$0x1FC50] =	vst v1;
	v1 =	vor.u32 $0x3, v0  }
0x6: {  	[tilespmem:$0x1FC60] =	vst v1;
	v1 =	vor.u32 $0x4, v0  }
0x7: {  	[tilespmem:$0x1FC70] =	vst v1;
	v1 =	vor.u32 $0x5, v0  }
0x8: {  	[tilespmem:$0x1FC80] =	vst v1;
	v1 =	vor.u32 $0x6, v0  }
0x9: {  	[tilespmem:$0x1FC90] =	vst v1;
	v1 =	vor.u32 $0x7, v0  }
0xa: {  	[tilespmem:$0x1FCA0] =	vst v1;
	v1 =	vor.u32 $0x800, v0  }
0xb: {  	[tilespmem:$0x1FCB0] =	vst v1;
	v1 =	vor.u32 $0x801, v0  }
0xc: {  	[tilespmem:$0x1FCC0] =	vst v1;
	v1 =	vor.u32 $0x802, v0  }
0xd: {  	[tilespmem:$0x1FCD0] =	vst v1;
	v1 =	vor.u32 $0x803, v0  }
0xe: {  	[tilespmem:$0x1FCE0] =	vst v1;
	v1 =	vor.u32 $0x804, v0  }
0xf: {  	[tilespmem:$0x1FCF0] =	vst v1;
	v1 =	vor.u32 $0x805, v0  }
0x10: {  	[tilespmem:$0x1FD00] =	vst v1;
	v1 =	vor.u32 $0x806, v0  }
0x11: {  	[tilespmem:$0x1FD10] =	vst v1;
	v1 =	vor.u32 $0x807, v0  }
0x12: {  	[tilespmem:$0x1FD20] =	vst v1;
	v1 =	vor.u32 $0x1000, v0  }
0x13: {  	[tilespmem:$0x1FD30] =	vst v1;
	v1 =	vor.u32 $0x1001, v0  }
0x14: {  	[tilespmem:$0x1FD40] =	vst v1;
	v1 =	vor.u32 $0x1002, v0  }
0x15: {  	[tilespmem:$0x1FD50] =	vst v1;
	v1 =	vor.u32 $0x1003, v0  }
0x16: {  	[tilespmem:$0x1FD60] =	vst v1;
	v1 =	vor.u32 $0x1004, v0  }
0x17: {  	[tilespmem:$0x1FD70] =	vst v1;
	v1 =	vor.u32 $0x1005, v0  }
0x18: {  	[tilespmem:$0x1FD80] =	vst v1;
	v1 =	vor.u32 $0x1006, v0  }
0x19: {  	[tilespmem:$0x1FD90] =	vst v1;
	v1 =	vor.u32 $0x1007, v0  }
0x1a: {  	[tilespmem:$0x1FDA0] =	vst v1;
	v1 =	vor.u32 $0x1800, v0  }
0x1b: {  	[tilespmem:$0x1FDB0] =	vst v1;
	v1 =	vor.u32 $0x1801, v0  }
0x1c: {  	[tilespmem:$0x1FDC0] =	vst v1;
	v1 =	vor.u32 $0x1802, v0  }
0x1d: {  	[tilespmem:$0x1FDD0] =	vst v1;
	v1 =	vor.u32 $0x1803, v0  }
0x1e: {  	[tilespmem:$0x1FDE0] =	vst v1;
	v1 =	vor.u32 $0x1804, v0  }
0x1f: {  	[tilespmem:$0x1FDF0] =	vst v1;
	v1 =	vor.u32 $0x1805, v0  }
0x20: {  	[tilespmem:$0x1FE00] =	vst v1;
	v1 =	vor.u32 $0x1806, v0  }
0x21: {  	[tilespmem:$0x1FE10] =	vst v1;
	v1 =	vor.u32 $0x1807, v0  }
0x22: {  	[tilespmem:$0x1FE20] =	vst v1;
	v1 =	vor.u32 $0x2000, v0  }
0x23: {  	[tilespmem:$0x1FE30] =	vst v1;
	v1 =	vor.u32 $0x2001, v0  }
0x24: {  	[tilespmem:$0x1FE40] =	vst v1;
	v1 =	vor.u32 $0x2002, v0  }
0x25: {  	[tilespmem:$0x1FE50] =	vst v1;
	v1 =	vor.u32 $0x2003, v0  }
0x26: {  	[tilespmem:$0x1FE60] =	vst v1;
	v1 =	vor.u32 $0x2004, v0  }
0x27: {  	[tilespmem:$0x1FE70] =	vst v1;
	v1 =	vor.u32 $0x2005, v0  }
0x28: {  	s3 =	rddreg [dreg:$0x0];
	[tilespmem:$0x1FE80] =	vst v1;
	v1 =	vor.u32 $0x2006, v0  }
0x29: {  	s4 =	rddreg [dreg:$0x1];
	s2 =	simm.s32 $0x0;
	[tilespmem:$0x1FE90] =	vst v1;
	v1 =	vor.u32 $0x2007, v0  }
0x2a: {  	[smem:$0x7FF] =	sst s2;
	[tilespmem:$0x1FEA0] =	vst v1;
	v1 =	vor.u32 $0x2800, v0  }
0x2b: {  	s0 =	rddreg [dreg:$0x2];
	_ =	strace $0x80000047;
	[tilespmem:$0x1FEB0] =	vst v1;
	v1 =	vor.u32 $0x2801, v0  }
0x2c: {  	[tilespmem:$0x1FEC0] =	vst v1;
	v1 =	vor.u32 $0x2802, v0  }
0x2d: {  	[tilespmem:$0x1FED0] =	vst v1;
	v1 =	vor.u32 $0x2803, v0  }
0x2e: {  	[tilespmem:$0x1FEE0] =	vst v1;
	v1 =	vor.u32 $0x2804, v0  }
0x2f: {  	[tilespmem:$0x1FEF0] =	vst v1;
	v1 =	vor.u32 $0x2805, v0  }
0x30: {  	[tilespmem:$0x1FF00] =	vst v1;
	v1 =	vor.u32 $0x2806, v0  }
0x31: {  	[tilespmem:$0x1FF10] =	vst v1;
	v1 =	vor.u32 $0x2807, v0  }
0x32: {  	[tilespmem:$0x1FF20] =	vst v1;
	v1 =	vor.u32 $0x3000, v0  }
0x33: {  	[tilespmem:$0x1FF30] =	vst v1;
	v1 =	vor.u32 $0x3001, v0  }
0x34: {  	[tilespmem:$0x1FF40] =	vst v1;
	v1 =	vor.u32 $0x3002, v0  }
0x35: {  	[tilespmem:$0x1FF50] =	vst v1;
	v1 =	vor.u32 $0x3003, v0  }
0x36: {  	[tilespmem:$0x1FF60] =	vst v1;
	v1 =	vor.u32 $0x3004, v0  }
0x37: {  	[tilespmem:$0x1FF70] =	vst v1;
	v1 =	vor.u32 $0x3005, v0  }
0x38: {  	s5 =	srdreg.scid;
	s1 =	stileid.u32;
	s10 =	simm.s32 $0x100;
	[tilespmem:$0x1FF80] =	vst v1;
	v1 =	vor.u32 $0x3006, v0  }
0x39: {  	s11 =	simm.s32 $0x8000;
	s5 =	sand.u32 $0x1, s5;
	s6 =	sshll.u32 s1, $0x1;
	[tilespmem:$0x1FF90] =	vst v1;
	v1 =	vor.u32 $0x3007, v0  }
0x3a: {  	s12 =	simm.s32 $0x8100;
	s13 =	simm.s32 $0x8200;
	s6 =	sor.u32 s5, s6;
	[tilespmem:$0x1FFA0] =	vst v1;
	v1 =	vor.u32 $0x3800, v0  }
0x3b: {  	s5 =	ssub.s32 $0x2, s5;
	s7 =	sshll.u32 s6, $0xC;
	s8 =	sshll.u32 s6, $0x7;
	[tilespmem:$0x1FFB0] =	vst v1;
	v1 =	vor.u32 $0x3801, v0  }
0x3c: {  	s31 =	sshrl.u32 s5, $0x1;
	s6 =	sshll.u32 s6, $0x6;
	s7 =	sadd.s32 s7, s3;
	[tilespmem:$0x1FFC0] =	vst v1;
	v1 =	vor.u32 $0x3802, v0  }
0x3d: {  	s8 =	sadd.s32 s8, s3;
	s9 =	ssub.s32 s5, s31;
	s4 =	sadd.s32 s4, s6;
	[tilespmem:$0x1FFD0] =	vst v1;
	v1 =	vor.u32 $0x3803, v0  }
0x3e: {  	s3 =	sadd.s32 $0xA00, s7;
	s5 =	sadd.s32 $0x10, s4;
	s6 =	sadd.s32 $0x20A00, s8;
	[tilespmem:$0x1FFE0] =	vst v1;
	v1 =	vor.u32 $0x3804, v0  }
0x3f: {  	v25 =	vimm.s32 $0x8;
	v9 =	vimm.f32 $1.000000000e+00;
	v10 =	vimm.f32 $0.0e+00;
	s7 =	smax.u32 s9, $0x1;
	s8 =	simm.s32 $0x1;
	s9 =	simm.s32 $0x80;
	[tilespmem:$0x1FFF0] =	vst v1  }
.LBB2_1:
0x40: {  	[tilespmem:s2], [sflag:$0x1] =	stream.linear.gather [hbm4b:s3+s2], $0x8000, $0x38;
	[tilespmem:$0x8600] =	vst v63  }
0x41: {  	_ =	swait.ge [sflag:s8], $0x8000  }
0x42: {  	v2 =	vld [tilespmem:$0x1FC40]  }
0x43: {  	v3 =	vld [tilespmem:$0x1FC50]  }
0x44: {  	v4 =	vld [tilespmem:$0x1FC60]  }
0x45: {  	v5 =	vld [tilespmem:$0x1FC70]  }
0x46: {  	v6 =	vld [tilespmem:$0x1FC80]  }
0x47: {  	[sflag:s8] =	ssyncset.done $0x0;
	v7 =	vld [tilespmem:$0x1FC90]  }
0x48: {  	v11 =	vld [tilespmem:$0x1FCA0];
	[sflag:s8] =	ssyncadd.s32 $0xFFFF8000  }
0x49: {  	v1 =	vld.idx.msk [tilespmem:v0+s2+$0x0], $0xffff  }
0x4a: {  	v2 =	vld.idx.msk [tilespmem:v2+s2+$0x0], $0xffff  }
0x4b: {  	v3 =	vld.idx.msk [tilespmem:v3+s2+$0x0], $0xffff  }
0x4c: {  	v4 =	vld.idx.msk [tilespmem:v4+s2+$0x0], $0xffff  }
0x4d: {  	v5 =	vld.idx.msk [tilespmem:v5+s2+$0x0], $0xffff  }
0x4e: {  	v6 =	vld.idx.msk [tilespmem:v6+s2+$0x0], $0xffff  }
0x4f: {  	v7 =	vld.idx.msk [tilespmem:v7+s2+$0x0], $0xffff;
	v8 =	vmax.f32 v1, v2  }
0x50: {  	v11 =	vld.idx.msk [tilespmem:v11+s2+$0x0], $0xffff;
	v8 =	vmax.f32 v8, v3  }
0x51: {  	v8 =	vmax.f32 v8, v4  }
0x52: {  	v8 =	vmax.f32 v8, v5  }
0x53: {  	v8 =	vmax.f32 v8, v6  }
0x54: {  	v8 =	vmax.f32 v8, v7  }
0x55: {  	v8 =	vmax.f32 v8, v11  }
0x56: {  	vm0 =	veq.f32 v11, v8  }
0x57: {  	vm12 =	veq.f32 v7, v8;
	v12 =	vsel vm0, $0x7, v25  }
0x58: {  	vm13 =	veq.f32 v6, v8;
	v12 =	vsel vm12, $0x6, v12  }
0x59: {  	vm14 =	veq.f32 v5, v8;
	v12 =	vsel vm13, $0x5, v12  }
0x5a: {  	vm15 =	veq.f32 v4, v8;
	v12 =	vsel vm14, $0x4, v12  }
0x5b: {  	vm4 =	veq.f32 v3, v8;
	v12 =	vsel vm15, $0x3, v12  }
0x5c: {  	v17 =	vimm.s32 $0x0;
	vm5 =	veq.f32 v2, v8;
	v12 =	vsel vm4, $0x2, v12  }
0x5d: {  	v18 =	vimm.s32 $0x0;
	vm13 =	vne.f32 v1, v8;
	v12 =	vsel vm5, $0x1, v12  }
0x5e: {  	v19 =	vimm.s32 $0x0;
	vm0 =	vmand vm13, vm5;
	v8 =	vnsel vm13, $0x0, v12  }
0x5f: {  	v1 =	vnsel vm13, $0xFF800000, v1;
	v12 =	vsel vm0, $0xFFFFFFFF, v17;
	vm6 =	veq.s32 v8, $0x2  }
0x60: {  	v2 =	vsel vm0, $0xFF800000, v2;
	[tilespmem:$0x1F000] =	vst v12;
	vm7 =	veq.s32 v8, $0x3;
	v12 =	vsel vm6, $0xFFFFFFFF, v18  }
0x61: {  	v20 =	vmax.f32 v1, v2;
	v3 =	vsel vm6, $0xFF800000, v3;
	[tilespmem:$0x1F010] =	vst v12;
	v12 =	vsel vm7, $0xFFFFFFFF, v19  }
0x62: {  	vm8 =	veq.s32 v8, $0x4;
	v4 =	vsel vm7, $0xFF800000, v4;
	[tilespmem:$0x1F020] =	vst v12;
	v12 =	vmax.f32 v20, v3  }
0x63: {  	vm9 =	veq.s32 v8, $0x5;
	v5 =	vsel vm8, $0xFF800000, v5;
	v12 =	vmax.f32 v12, v4  }
0x64: {  	vm10 =	veq.s32 v8, $0x6;
	v6 =	vsel vm9, $0xFF800000, v6;
	v12 =	vmax.f32 v12, v5  }
0x65: {  	vm11 =	veq.s32 v8, $0x7;
	v7 =	vsel vm10, $0xFF800000, v7;
	v12 =	vmax.f32 v12, v6  }
0x66: {  	v11 =	vsel vm11, $0xFF800000, v11;
	v12 =	vmax.f32 v12, v7  }
0x67: {  	v12 =	vmax.f32 v12, v11  }
0x68: {  	vm0 =	veq.f32 v11, v12  }
0x69: {  	vm12 =	veq.f32 v7, v12;
	v11 =	vsel vm0, $0x7, v25  }
0x6a: {  	vm14 =	veq.f32 v6, v12;
	v7 =	vsel vm12, $0x6, v11  }
0x6b: {  	vm15 =	veq.f32 v5, v12;
	v6 =	vsel vm14, $0x5, v7  }
0x6c: {  	vm4 =	veq.f32 v4, v12;
	vm5 =	veq.f32 v3, v12;
	v5 =	vsel vm15, $0x4, v6  }
0x6d: {  	vm6 =	veq.f32 v2, v12;
	v2 =	vimm.s32 $0x0;
	v4 =	vsel vm4, $0x3, v5  }
0x6e: {  	v2 =	vsel vm6, $0xFFFFFFFF, v2;
	v3 =	vsel vm5, $0x2, v4;
	vm5 =	vne.f32 v1, v12;
	v1 =	vld [tilespmem:$0x1FCB0]  }
0x6f: {  	[tilespmem:$0x1EFF0] =	vst v2;
	v2 =	vsel vm6, $0x1, v3;
	v3 =	vld [tilespmem:$0x1FCC0]  }
0x70: {  	v28 =	vld [tilespmem:$0x1FCD0]  }
0x71: {  	v29 =	vld [tilespmem:$0x1FCE0]  }
0x72: {  	v30 =	vld [tilespmem:$0x1FCF0]  }
0x73: {  	v31 =	vld [tilespmem:$0x1FD00]  }
0x74: {  	[tilespmem:$0x8000] =	vst v8;
	v8 =	vld [tilespmem:$0x1FD10];
	v2 =	vnsel vm5, $0x0, v2  }
0x75: {  	v32 =	vld [tilespmem:$0x1FD20];
	[tilespmem:$0x8100] =	vst v2  }
0x76: {  	v1 =	vld.idx.msk [tilespmem:v1+s2+$0x0], $0xffff  }
0x77: {  	v3 =	vld.idx.msk [tilespmem:v3+s2+$0x0], $0xffff  }
0x78: {  	v4 =	vld.idx.msk [tilespmem:v28+s2+$0x0], $0xffff  }
0x79: {  	v5 =	vld.idx.msk [tilespmem:v29+s2+$0x0], $0xffff  }
0x7a: {  	v6 =	vld.idx.msk [tilespmem:v30+s2+$0x0], $0xffff  }
0x7b: {  	v7 =	vld.idx.msk [tilespmem:v31+s2+$0x0], $0xffff  }
0x7c: {  	v8 =	vld.idx.msk [tilespmem:v8+s2+$0x0], $0xffff;
	v11 =	vmax.f32 v1, v3  }
0x7d: {  	v12 =	vld.idx.msk [tilespmem:v32+s2+$0x0], $0xffff;
	v11 =	vmax.f32 v11, v4  }
0x7e: {  	v11 =	vmax.f32 v11, v5  }
0x7f: {  	v11 =	vmax.f32 v11, v6  }
0x80: {  	v13 =	vimm.s32 $0x0;
	v11 =	vmax.f32 v11, v7  }
0x81: {  	v21 =	vimm.s32 $0x0;
	v13 =	vsel vm8, $0xFFFFFFFF, v13;
	v11 =	vmax.f32 v11, v8  }
0x82: {  	v22 =	vimm.s32 $0x0;
	[tilespmem:$0x1F030] =	vst v13;
	v13 =	vsel vm9, $0xFFFFFFFF, v21;
	v11 =	vmax.f32 v11, v12  }
0x83: {  	v23 =	vimm.s32 $0x0;
	[tilespmem:$0x1F040] =	vst v13;
	v13 =	vsel vm10, $0xFFFFFFFF, v22;
	vm7 =	veq.f32 v12, v11  }
0x84: {  	[tilespmem:$0x1F050] =	vst v13;
	v13 =	vsel vm11, $0xFFFFFFFF, v23;
	vm8 =	veq.f32 v8, v11;
	v33 =	vsel vm7, $0x7, v25  }
0x85: {  	[tilespmem:$0x1F060] =	vst v13;
	vm9 =	veq.f32 v7, v11;
	v13 =	vsel vm8, $0x6, v33  }
0x86: {  	vm10 =	veq.f32 v6, v11;
	v13 =	vsel vm9, $0x5, v13  }
0x87: {  	vm11 =	veq.f32 v5, v11;
	v13 =	vsel vm10, $0x4, v13  }
0x88: {  	vm12 =	veq.f32 v4, v11;
	v13 =	vsel vm11, $0x3, v13  }
0x89: {  	v34 =	vimm.s32 $0x0;
	vm14 =	veq.f32 v3, v11;
	v13 =	vsel vm12, $0x2, v13  }
0x8a: {  	v35 =	vimm.s32 $0x0;
	vm6 =	vne.f32 v1, v11;
	v13 =	vsel vm14, $0x1, v13  }
0x8b: {  	v36 =	vimm.s32 $0x0;
	vm0 =	vmand vm6, vm14;
	v11 =	vnsel vm6, $0x0, v13  }
0x8c: {  	v1 =	vnsel vm6, $0xFF800000, v1;
	v13 =	vsel vm0, $0xFFFFFFFF, v34;
	vm15 =	veq.s32 v11, $0x2  }
0x8d: {  	v3 =	vsel vm0, $0xFF800000, v3;
	[tilespmem:$0x1F070] =	vst v13;
	vm4 =	veq.s32 v11, $0x3;
	v13 =	vsel vm15, $0xFFFFFFFF, v35  }
0x8e: {  	v37 =	vmax.f32 v1, v3;
	v4 =	vsel vm15, $0xFF800000, v4;
	[tilespmem:$0x1F090] =	vst v13;
	v13 =	vsel vm4, $0xFFFFFFFF, v36  }
0x8f: {  	vm7 =	veq.s32 v11, $0x4;
	v5 =	vsel vm4, $0xFF800000, v5;
	[tilespmem:$0x1F0A0] =	vst v13;
	v13 =	vmax.f32 v37, v4  }
0x90: {  	vm8 =	veq.s32 v11, $0x5;
	v6 =	vsel vm7, $0xFF800000, v6;
	v13 =	vmax.f32 v13, v5  }
0x91: {  	vm9 =	veq.s32 v11, $0x6;
	v7 =	vsel vm8, $0xFF800000, v7;
	v13 =	vmax.f32 v13, v6  }
0x92: {  	vm10 =	veq.s32 v11, $0x7;
	v8 =	vsel vm9, $0xFF800000, v8;
	v13 =	vmax.f32 v13, v7  }
0x93: {  	v12 =	vsel vm10, $0xFF800000, v12;
	v13 =	vmax.f32 v13, v8  }
0x94: {  	v13 =	vmax.f32 v13, v12  }
0x95: {  	vm0 =	veq.f32 v12, v13  }
0x96: {  	vm11 =	veq.f32 v8, v13;
	v12 =	vsel vm0, $0x7, v25  }
0x97: {  	v14 =	vimm.s32 $0x0;
	vm12 =	veq.f32 v7, v13;
	v8 =	vsel vm11, $0x6, v12  }
0x98: {  	v14 =	vsel vm7, $0xFFFFFFFF, v14;
	vm14 =	veq.f32 v6, v13;
	v7 =	vsel vm12, $0x5, v8  }
0x99: {  	vm15 =	veq.f32 v5, v13;
	vm4 =	veq.f32 v4, v13;
	v6 =	vsel vm14, $0x4, v7  }
0x9a: {  	vm7 =	veq.f32 v3, v13;
	v3 =	vimm.s32 $0x0;
	v5 =	vsel vm15, $0x3, v6  }
0x9b: {  	v3 =	vsel vm7, $0xFFFFFFFF, v3;
	v4 =	vsel vm4, $0x2, v5  }
0x9c: {  	v41 =	vld [tilespmem:$0x1FD40];
	[tilespmem:$0x1F080] =	vst v3;
	vm4 =	vne.f32 v1, v13;
	v3 =	vsel vm7, $0x1, v4  }
0x9d: {  	v1 =	vnsel vm4, $0x0, v3;
	v3 =	vld [tilespmem:$0x1FD30]  }
0x9e: {  	v42 =	vld [tilespmem:$0x1FD50]  }
0x9f: {  	v43 =	vld [tilespmem:$0x1FD60]  }
0xa0: {  	v44 =	vld [tilespmem:$0x1FD70]  }
0xa1: {  	v8 =	vld [tilespmem:$0x1FD80]  }
0xa2: {  	[tilespmem:$0x8010] =	vst v11;
	v11 =	vld [tilespmem:$0x1FD90]  }
0xa3: {  	v46 =	vld [tilespmem:$0x1FDA0];
	[tilespmem:$0x8110] =	vst v1  }
0xa4: {  	v4 =	vld.idx.msk [tilespmem:v41+s2+$0x0], $0xffff  }
0xa5: {  	v3 =	vld.idx.msk [tilespmem:v3+s2+$0x0], $0xffff  }
0xa6: {  	v5 =	vld.idx.msk [tilespmem:v42+s2+$0x0], $0xffff  }
0xa7: {  	v6 =	vld.idx.msk [tilespmem:v43+s2+$0x0], $0xffff  }
0xa8: {  	v7 =	vld.idx.msk [tilespmem:v44+s2+$0x0], $0xffff  }
0xa9: {  	v8 =	vld.idx.msk [tilespmem:v8+s2+$0x0], $0xffff  }
0xaa: {  	v11 =	vld.idx.msk [tilespmem:v11+s2+$0x0], $0xffff;
	v45 =	vmax.f32 v3, v4  }
0xab: {  	v13 =	vld.idx.msk [tilespmem:v46+s2+$0x0], $0xffff;
	v12 =	vmax.f32 v45, v5  }
0xac: {  	v12 =	vmax.f32 v12, v6  }
0xad: {  	v12 =	vmax.f32 v12, v7  }
0xae: {  	v38 =	vimm.s32 $0x0;
	v39 =	vimm.s32 $0x0;
	v12 =	vmax.f32 v12, v8  }
0xaf: {  	v40 =	vimm.s32 $0x0;
	v48 =	vimm.s32 $0x0;
	v12 =	vmax.f32 v12, v11  }
0xb0: {  	v49 =	vimm.s32 $0x0;
	[tilespmem:$0x1F0B0] =	vst v14;
	v14 =	vsel vm8, $0xFFFFFFFF, v38;
	v12 =	vmax.f32 v12, v13  }
0xb1: {  	v15 =	vimm.s32 $0x0;
	[tilespmem:$0x1F0C0] =	vst v14;
	v14 =	vsel vm9, $0xFFFFFFFF, v39;
	vm8 =	veq.f32 v13, v12  }
0xb2: {  	[tilespmem:$0x1F0D0] =	vst v14;
	v14 =	vsel vm10, $0xFFFFFFFF, v40;
	vm9 =	veq.f32 v11, v12;
	v47 =	vsel vm8, $0x7, v25  }
0xb3: {  	v51 =	vimm.s32 $0x0;
	[tilespmem:$0x1F0E0] =	vst v14;
	vm10 =	veq.f32 v8, v12;
	v14 =	vsel vm9, $0x6, v47  }
0xb4: {  	v52 =	vimm.s32 $0x0;
	vm11 =	veq.f32 v7, v12;
	v14 =	vsel vm10, $0x5, v14  }
0xb5: {  	vm12 =	veq.f32 v6, v12;
	vm14 =	veq.f32 v5, v12;
	v14 =	vsel vm11, $0x4, v14  }
0xb6: {  	vm15 =	veq.f32 v4, v12;
	vm2 =	vne.f32 v3, v12;
	v14 =	vsel vm12, $0x3, v14  }
0xb7: {  	v53 =	vimm.s32 $0x0;
	vm0 =	vmand vm2, vm15;
	v14 =	vsel vm14, $0x2, v14  }
0xb8: {  	v3 =	vnsel vm2, $0xFF800000, v3;
	v4 =	vsel vm0, $0xFF800000, v4;
	v14 =	vsel vm15, $0x1, v14  }
0xb9: {  	v50 =	vmax.f32 v3, v4;
	v12 =	vnsel vm2, $0x0, v14;
	v14 =	vsel vm0, $0xFFFFFFFF, v48  }
0xba: {  	vm7 =	veq.s32 v12, $0x2;
	vm8 =	veq.s32 v12, $0x3;
	vm9 =	veq.s32 v12, $0x4  }
0xbb: {  	[tilespmem:$0x1F0F0] =	vst v14;
	vm10 =	veq.s32 v12, $0x5;
	v14 =	vsel vm7, $0xFFFFFFFF, v49;
	v5 =	vsel vm7, $0xFF800000, v5  }
0xbc: {  	vm11 =	veq.s32 v12, $0x6;
	v6 =	vsel vm8, $0xFF800000, v6;
	[tilespmem:$0x1F120] =	vst v14;
	v14 =	vmax.f32 v50, v5  }
0xbd: {  	vm12 =	veq.s32 v12, $0x7;
	v7 =	vsel vm9, $0xFF800000, v7;
	v14 =	vmax.f32 v14, v6  }
0xbe: {  	v15 =	vsel vm8, $0xFFFFFFFF, v15;
	v8 =	vsel vm10, $0xFF800000, v8;
	v14 =	vmax.f32 v14, v7  }
0xbf: {  	v11 =	vsel vm11, $0xFF800000, v11;
	[tilespmem:$0x1F130] =	vst v15;
	v15 =	vsel vm9, $0xFFFFFFFF, v51;
	v14 =	vmax.f32 v14, v8  }
0xc0: {  	v13 =	vsel vm12, $0xFF800000, v13;
	[tilespmem:$0x1F140] =	vst v15;
	v15 =	vsel vm10, $0xFFFFFFFF, v52;
	v14 =	vmax.f32 v14, v11  }
0xc1: {  	[tilespmem:$0x1F150] =	vst v15;
	v15 =	vsel vm11, $0xFFFFFFFF, v53;
	v14 =	vmax.f32 v14, v13  }
0xc2: {  	vm0 =	veq.f32 v13, v14;
	vm11 =	vne.f32 v3, v14;
	v3 =	vimm.s32 $0x0  }
0xc3: {  	vm14 =	veq.f32 v11, v14;
	v13 =	vsel vm0, $0x7, v25;
	v3 =	vsel vm11, $0xFFFFFFFF, v3  }
0xc4: {  	vm15 =	veq.f32 v8, v14;
	v11 =	vsel vm14, $0x6, v13;
	[tilespmem:$0x1F100] =	vst v3;
	v3 =	vld [tilespmem:$0x1FDB0]  }
0xc5: {  	v57 =	vld [tilespmem:$0x1FDC0];
	vm7 =	veq.f32 v7, v14;
	v8 =	vsel vm15, $0x5, v11  }
0xc6: {  	v58 =	vld [tilespmem:$0x1FDD0];
	vm8 =	veq.f32 v6, v14;
	v7 =	vsel vm7, $0x4, v8  }
0xc7: {  	v59 =	vld [tilespmem:$0x1FDE0];
	vm9 =	veq.f32 v5, v14;
	v6 =	vsel vm8, $0x3, v7  }
0xc8: {  	v55 =	vimm.s32 $0x0;
	vm10 =	veq.f32 v4, v14;
	v8 =	vld [tilespmem:$0x1FDF0];
	v5 =	vsel vm9, $0x2, v6  }
0xc9: {  	[tilespmem:$0x8020] =	vst v12;
	v4 =	vsel vm10, $0xFFFFFFFF, v55;
	v11 =	vld [tilespmem:$0x1FE00];
	v56 =	vsel vm10, $0x1, v5  }
0xca: {  	v60 =	vld [tilespmem:$0x1FE10];
	[tilespmem:$0x1F110] =	vst v4;
	v4 =	vnsel vm11, $0x0, v56  }
0xcb: {  	v62 =	vld [tilespmem:$0x1FE20];
	[tilespmem:$0x8120] =	vst v4  }
0xcc: {  	v3 =	vld.idx.msk [tilespmem:v3+s2+$0x0], $0xffff  }
0xcd: {  	v5 =	vld.idx.msk [tilespmem:v57+s2+$0x0], $0xffff  }
0xce: {  	v6 =	vld.idx.msk [tilespmem:v58+s2+$0x0], $0xffff  }
0xcf: {  	v7 =	vld.idx.msk [tilespmem:v59+s2+$0x0], $0xffff  }
0xd0: {  	v8 =	vld.idx.msk [tilespmem:v8+s2+$0x0], $0xffff  }
0xd1: {  	v11 =	vld.idx.msk [tilespmem:v11+s2+$0x0], $0xffff  }
0xd2: {  	v12 =	vld.idx.msk [tilespmem:v60+s2+$0x0], $0xffff;
	v61 =	vmax.f32 v3, v5  }
0xd3: {  	v14 =	vld.idx.msk [tilespmem:v62+s2+$0x0], $0xffff;
	v13 =	vmax.f32 v61, v6  }
0xd4: {  	v13 =	vmax.f32 v13, v7  }
0xd5: {  	v13 =	vmax.f32 v13, v8  }
0xd6: {  	v13 =	vmax.f32 v13, v11  }
0xd7: {  	v13 =	vmax.f32 v13, v12  }
0xd8: {  	v54 =	vimm.s32 $0x0;
	v13 =	vmax.f32 v13, v14  }
0xd9: {  	[tilespmem:$0x1F160] =	vst v15;
	v15 =	vsel vm12, $0xFFFFFFFF, v54;
	vm12 =	veq.f32 v14, v13  }
0xda: {  	vm14 =	veq.f32 v12, v13;
	v63 =	vsel vm12, $0x7, v25  }
0xdb: {  	[tilespmem:$0x1F170] =	vst v15;
	vm15 =	veq.f32 v11, v13;
	v15 =	vsel vm14, $0x6, v63  }
0xdc: {  	vm7 =	veq.f32 v8, v13;
	v15 =	vsel vm15, $0x5, v15  }
0xdd: {  	vm8 =	veq.f32 v7, v13;
	v15 =	vsel vm7, $0x4, v15  }
0xde: {  	v18 =	vimm.s32 $0x0;
	vm9 =	veq.f32 v6, v13;
	v15 =	vsel vm8, $0x3, v15  }
0xdf: {  	vm10 =	veq.f32 v5, v13;
	vm1 =	vne.f32 v3, v13;
	v15 =	vsel vm9, $0x2, v15  }
0xe0: {  	v19 =	vimm.s32 $0x0;
	vm0 =	vmand vm1, vm10;
	v15 =	vsel vm10, $0x1, v15  }
0xe1: {  	v3 =	vnsel vm1, $0xFF800000, v3;
	v5 =	vsel vm0, $0xFF800000, v5;
	v13 =	vnsel vm1, $0x0, v15  }
0xe2: {  	v20 =	vmax.f32 v3, v5;
	v15 =	vsel vm0, $0xFFFFFFFF, v18;
	vm11 =	veq.s32 v13, $0x2  }
0xe3: {  	[tilespmem:$0x1F180] =	vst v15;
	vm12 =	veq.s32 v13, $0x3;
	v15 =	vsel vm11, $0xFFFFFFFF, v19;
	v6 =	vsel vm11, $0xFF800000, v6  }
0xe4: {  	vm14 =	veq.s32 v13, $0x4;
	v7 =	vsel vm12, $0xFF800000, v7;
	[tilespmem:$0x1F1A0] =	vst v15;
	v15 =	vmax.f32 v20, v6  }
0xe5: {  	vm15 =	veq.s32 v13, $0x5;
	v8 =	vsel vm14, $0xFF800000, v8;
	v15 =	vmax.f32 v15, v7  }
0xe6: {  	vm7 =	veq.s32 v13, $0x6;
	v11 =	vsel vm15, $0xFF800000, v11;
	v15 =	vmax.f32 v15, v8  }
0xe7: {  	vm8 =	veq.s32 v13, $0x7;
	v12 =	vsel vm7, $0xFF800000, v12;
	v15 =	vmax.f32 v15, v11  }
0xe8: {  	v14 =	vsel vm8, $0xFF800000, v14;
	v15 =	vmax.f32 v15, v12  }
0xe9: {  	v15 =	vmax.f32 v15, v14  }
0xea: {  	vm0 =	veq.f32 v14, v15  }
0xeb: {  	v16 =	vimm.s32 $0x0;
	vm9 =	veq.f32 v12, v15;
	v14 =	vsel vm0, $0x7, v25  }
0xec: {  	v21 =	vimm.s32 $0x0;
	v31 =	vld [tilespmem:$0x1FE30];
	vm10 =	veq.f32 v11, v15;
	v12 =	vsel vm9, $0x6, v14  }
0xed: {  	v22 =	vimm.s32 $0x0;
	v32 =	vld [tilespmem:$0x1FE40];
	vm11 =	veq.f32 v8, v15;
	v11 =	vsel vm10, $0x5, v12  }
0xee: {  	v33 =	vld [tilespmem:$0x1FE50];
	v16 =	vsel vm12, $0xFFFFFFFF, v16;
	vm12 =	veq.f32 v7, v15;
	v8 =	vsel vm11, $0x4, v11  }
0xef: {  	[tilespmem:$0x1F1B0] =	vst v16;
	v16 =	vsel vm14, $0xFFFFFFFF, v21;
	vm14 =	veq.f32 v6, v15;
	v7 =	vsel vm12, $0x3, v8;
	v8 =	vld [tilespmem:$0x1FE60]  }
0xf0: {  	[tilespmem:$0x1F1C0] =	vst v16;
	v16 =	vsel vm15, $0xFFFFFFFF, v22;
	vm15 =	veq.f32 v5, v15;
	v11 =	vld [tilespmem:$0x1FE70];
	v6 =	vsel vm14, $0x2, v7  }
0xf1: {  	v34 =	vld [tilespmem:$0x1FE80];
	vm12 =	vne.f32 v3, v15;
	v30 =	vsel vm15, $0x1, v6  }
0xf2: {  	v29 =	vimm.s32 $0x0;
	v35 =	vld [tilespmem:$0x1FE90];
	[tilespmem:$0x8030] =	vst v13;
	v3 =	vnsel vm12, $0x0, v30  }
0xf3: {  	v37 =	vld [tilespmem:$0x1FEA0];
	v5 =	vsel vm15, $0xFFFFFFFF, v29;
	[tilespmem:$0x8130] =	vst v3  }
0xf4: {  	[tilespmem:$0x1F190] =	vst v5;
	v5 =	vld.idx.msk [tilespmem:v31+s2+$0x0], $0xffff  }
0xf5: {  	v6 =	vld.idx.msk [tilespmem:v32+s2+$0x0], $0xffff  }
0xf6: {  	v7 =	vld.idx.msk [tilespmem:v33+s2+$0x0], $0xffff  }
0xf7: {  	v8 =	vld.idx.msk [tilespmem:v8+s2+$0x0], $0xffff  }
0xf8: {  	v11 =	vld.idx.msk [tilespmem:v11+s2+$0x0], $0xffff  }
0xf9: {  	v12 =	vld.idx.msk [tilespmem:v34+s2+$0x0], $0xffff  }
0xfa: {  	v13 =	vld.idx.msk [tilespmem:v35+s2+$0x0], $0xffff;
	v36 =	vmax.f32 v5, v6  }
0xfb: {  	v15 =	vld.idx.msk [tilespmem:v37+s2+$0x0], $0xffff;
	v14 =	vmax.f32 v36, v7  }
0xfc: {  	v14 =	vmax.f32 v14, v8  }
0xfd: {  	v14 =	vmax.f32 v14, v11  }
0xfe: {  	v14 =	vmax.f32 v14, v12  }
0xff: {  	v14 =	vmax.f32 v14, v13  }
0x100: {  	v23 =	vimm.s32 $0x0;
	v14 =	vmax.f32 v14, v15  }
0x101: {  	v28 =	vimm.s32 $0x0;
	[tilespmem:$0x1F1D0] =	vst v16;
	v16 =	vsel vm7, $0xFFFFFFFF, v23;
	vm7 =	veq.f32 v15, v14  }
0x102: {  	[tilespmem:$0x1F1E0] =	vst v16;
	v16 =	vsel vm8, $0xFFFFFFFF, v28;
	vm8 =	veq.f32 v13, v14;
	v38 =	vsel vm7, $0x7, v25  }
0x103: {  	v17 =	vimm.s32 $0x0;
	[tilespmem:$0x1F1F0] =	vst v16;
	vm9 =	veq.f32 v12, v14;
	v16 =	vsel vm8, $0x6, v38  }
0x104: {  	v39 =	vimm.s32 $0x0;
	vm10 =	veq.f32 v11, v14;
	v16 =	vsel vm9, $0x5, v16  }
0x105: {  	v40 =	vimm.s32 $0x0;
	vm11 =	veq.f32 v8, v14;
	v16 =	vsel vm10, $0x4, v16  }
0x106: {  	v42 =	vimm.s32 $0x0;
	vm14 =	veq.f32 v7, v14;
	v16 =	vsel vm11, $0x3, v16  }
0x107: {  	vm15 =	veq.f32 v6, v14;
	vm11 =	vne.f32 v5, v14;
	v16 =	vsel vm14, $0x2, v16  }
0x108: {  	v43 =	vimm.s32 $0x0;
	vm0 =	vmand vm11, vm15;
	v16 =	vsel vm15, $0x1, v16  }
0x109: {  	v5 =	vnsel vm11, $0xFF800000, v5;
	v6 =	vsel vm0, $0xFF800000, v6;
	v14 =	vnsel vm11, $0x0, v16  }
0x10a: {  	v16 =	vsel vm0, $0xFFFFFFFF, v39;
	v41 =	vmax.f32 v5, v6;
	vm7 =	veq.s32 v14, $0x2  }
0x10b: {  	[tilespmem:$0x1F200] =	vst v16;
	vm8 =	veq.s32 v14, $0x3;
	v16 =	vsel vm7, $0xFFFFFFFF, v40;
	v7 =	vsel vm7, $0xFF800000, v7  }
0x10c: {  	vm9 =	veq.s32 v14, $0x4;
	v8 =	vsel vm8, $0xFF800000, v8;
	[tilespmem:$0x1F230] =	vst v16;
	v16 =	vmax.f32 v41, v7  }
0x10d: {  	vm10 =	veq.s32 v14, $0x5;
	v11 =	vsel vm9, $0xFF800000, v11;
	v16 =	vmax.f32 v16, v8  }
0x10e: {  	vm14 =	veq.s32 v14, $0x6;
	v12 =	vsel vm10, $0xFF800000, v12;
	v16 =	vmax.f32 v16, v11  }
0x10f: {  	vm15 =	veq.s32 v14, $0x7;
	v13 =	vsel vm14, $0xFF800000, v13;
	v16 =	vmax.f32 v16, v12  }
0x110: {  	v44 =	vimm.s32 $0x0;
	v15 =	vsel vm15, $0xFF800000, v15;
	v16 =	vmax.f32 v16, v13  }
0x111: {  	v46 =	vimm.s32 $0x0;
	v45 =	vimm.s32 $0x0;
	v16 =	vmax.f32 v16, v15  }
0x112: {  	v48 =	vimm.s32 $0x0;
	v17 =	vsel vm8, $0xFFFFFFFF, v17;
	vm0 =	veq.f32 v15, v16  }
0x113: {  	[tilespmem:$0x1F240] =	vst v17;
	v17 =	vsel vm9, $0xFFFFFFFF, v42;
	vm7 =	veq.f32 v13, v16;
	v15 =	vsel vm0, $0x7, v25  }
0x114: {  	[tilespmem:$0x1F250] =	vst v17;
	v17 =	vsel vm10, $0xFFFFFFFF, v43;
	vm8 =	veq.f32 v12, v16;
	v13 =	vsel vm7, $0x6, v15  }
0x115: {  	[tilespmem:$0x1F260] =	vst v17;
	v17 =	vsel vm14, $0xFFFFFFFF, v44;
	vm9 =	veq.f32 v11, v16;
	v12 =	vsel vm8, $0x5, v13  }
0x116: {  	[tilespmem:$0x1F270] =	vst v17;
	v17 =	vsel vm15, $0xFFFFFFFF, v45;
	vm10 =	veq.f32 v8, v16;
	v11 =	vsel vm9, $0x4, v12  }
0x117: {  	[tilespmem:$0x8040] =	vst v14;
	vm14 =	veq.f32 v7, v16;
	vm15 =	veq.f32 v6, v16;
	v8 =	vsel vm10, $0x3, v11  }
0x118: {  	[tilespmem:$0x1F280] =	vst v17;
	v6 =	vsel vm15, $0xFFFFFFFF, v46;
	vm7 =	vne.f32 v5, v16;
	v7 =	vsel vm14, $0x2, v8  }
0x119: {  	[tilespmem:$0x1F220] =	vst v6;
	v5 =	vsel vm7, $0xFFFFFFFF, v48;
	v47 =	vsel vm15, $0x1, v7  }
0x11a: {  	[tilespmem:$0x1F210] =	vst v5;
	v23 =	vnsel vm7, $0x0, v47  }
0x11b: {  	[tilespmem:$0x8140] =	vst v23  }
0x11c: {  	v5 =	vld [tilespmem:$0x1FEB0]  }
0x11d: {  	v49 =	vld [tilespmem:$0x1FEC0]  }
0x11e: {  	v50 =	vld [tilespmem:$0x1FED0]  }
0x11f: {  	v8 =	vld [tilespmem:$0x1FEE0]  }
0x120: {  	v11 =	vld [tilespmem:$0x1FEF0]  }
0x121: {  	v51 =	vld [tilespmem:$0x1FF00]  }
0x122: {  	v52 =	vld [tilespmem:$0x1FF10]  }
0x123: {  	v54 =	vld [tilespmem:$0x1FF20]  }
0x124: {  	v5 =	vld.idx.msk [tilespmem:v5+s2+$0x0], $0xffff  }
0x125: {  	v6 =	vld.idx.msk [tilespmem:v49+s2+$0x0], $0xffff  }
0x126: {  	v7 =	vld.idx.msk [tilespmem:v50+s2+$0x0], $0xffff  }
0x127: {  	v8 =	vld.idx.msk [tilespmem:v8+s2+$0x0], $0xffff  }
0x128: {  	v11 =	vld.idx.msk [tilespmem:v11+s2+$0x0], $0xffff  }
0x129: {  	v12 =	vld.idx.msk [tilespmem:v51+s2+$0x0], $0xffff  }
0x12a: {  	v13 =	vld.idx.msk [tilespmem:v52+s2+$0x0], $0xffff;
	v53 =	vmax.f32 v5, v6  }
0x12b: {  	v15 =	vld.idx.msk [tilespmem:v54+s2+$0x0], $0xffff;
	v14 =	vmax.f32 v53, v7  }
0x12c: {  	v14 =	vmax.f32 v14, v8  }
0x12d: {  	v14 =	vmax.f32 v14, v11  }
0x12e: {  	v14 =	vmax.f32 v14, v12  }
0x12f: {  	v14 =	vmax.f32 v14, v13  }
0x130: {  	v14 =	vmax.f32 v14, v15  }
0x131: {  	vm8 =	veq.f32 v15, v14  }
0x132: {  	vm9 =	veq.f32 v13, v14;
	v55 =	vsel vm8, $0x7, v25  }
0x133: {  	vm10 =	veq.f32 v12, v14;
	v16 =	vsel vm9, $0x6, v55  }
0x134: {  	vm14 =	veq.f32 v11, v14;
	v16 =	vsel vm10, $0x5, v16  }
0x135: {  	vm15 =	veq.f32 v8, v14;
	v16 =	vsel vm14, $0x4, v16  }
0x136: {  	v56 =	vimm.s32 $0x0;
	vm7 =	veq.f32 v7, v14;
	v16 =	vsel vm15, $0x3, v16  }
0x137: {  	vm8 =	veq.f32 v6, v14;
	vm15 =	vne.f32 v5, v14;
	v16 =	vsel vm7, $0x2, v16  }
0x138: {  	v57 =	vimm.s32 $0x0;
	vm0 =	vmand vm15, vm8;
	v16 =	vsel vm8, $0x1, v16  }
0x139: {  	v5 =	vnsel vm15, $0xFF800000, v5;
	v6 =	vsel vm0, $0xFF800000, v6;
	v14 =	vnsel vm15, $0x0, v16  }
0x13a: {  	v16 =	vsel vm0, $0xFFFFFFFF, v56;
	v58 =	vmax.f32 v5, v6;
	vm9 =	veq.s32 v14, $0x2  }
0x13b: {  	[tilespmem:$0x1F290] =	vst v16;
	vm10 =	veq.s32 v14, $0x3;
	v16 =	vsel vm9, $0xFFFFFFFF, v57;
	v7 =	vsel vm9, $0xFF800000, v7  }
0x13c: {  	vm14 =	veq.s32 v14, $0x4;
	v8 =	vsel vm10, $0xFF800000, v8;
	[tilespmem:$0x1F2B0] =	vst v16;
	v16 =	vmax.f32 v58, v7  }
0x13d: {  	vm7 =	veq.s32 v14, $0x5;
	v11 =	vsel vm14, $0xFF800000, v11;
	v16 =	vmax.f32 v16, v8  }
0x13e: {  	vm8 =	veq.s32 v14, $0x6;
	v12 =	vsel vm7, $0xFF800000, v12;
	v16 =	vmax.f32 v16, v11  }
0x13f: {  	v13 =	vsel vm8, $0xFF800000, v13;
	vm9 =	veq.s32 v14, $0x7;
	v16 =	vmax.f32 v16, v12  }
0x140: {  	v59 =	vimm.s32 $0x0;
	v15 =	vsel vm9, $0xFF800000, v15;
	v16 =	vmax.f32 v16, v13  }
0x141: {  	v60 =	vimm.s32 $0x0;
	v62 =	vimm.s32 $0x0;
	v16 =	vmax.f32 v16, v15  }
0x142: {  	v61 =	vimm.s32 $0x0;
	v63 =	vimm.s32 $0x0;
	vm0 =	veq.f32 v15, v16  }
0x143: {  	v17 =	vsel vm10, $0xFFFFFFFF, v59;
	vm10 =	veq.f32 v13, v16;
	v15 =	vsel vm0, $0x7, v25  }
0x144: {  	[tilespmem:$0x1F2C0] =	vst v17;
	v17 =	vsel vm14, $0xFFFFFFFF, v60;
	vm14 =	veq.f32 v12, v16;
	v13 =	vsel vm10, $0x6, v15  }
0x145: {  	[tilespmem:$0x1F2D0] =	vst v17;
	v17 =	vsel vm7, $0xFFFFFFFF, v61;
	vm7 =	veq.f32 v11, v16;
	v12 =	vsel vm14, $0x5, v13  }
0x146: {  	[tilespmem:$0x1F2E0] =	vst v17;
	v17 =	vsel vm8, $0xFFFFFFFF, v62;
	vm8 =	veq.f32 v8, v16;
	v11 =	vsel vm7, $0x4, v12  }
0x147: {  	[tilespmem:$0x1F2F0] =	vst v17;
	v17 =	vsel vm9, $0xFFFFFFFF, v63;
	vm9 =	veq.f32 v7, v16;
	v8 =	vsel vm8, $0x3, v11  }
0x148: {  	[tilespmem:$0x1F300] =	vst v17;
	v17 =	vld [tilespmem:$0x1FF40];
	vm10 =	veq.f32 v6, v16;
	v13 =	vimm.s32 $0x0;
	v7 =	vsel vm9, $0x2, v8  }
0x149: {  	v6 =	vsel vm10, $0xFFFFFFFF, v13;
	v15 =	vsel vm10, $0x1, v7;
	vm10 =	vne.f32 v5, v16;
	v16 =	vld [tilespmem:$0x1FF30]  }
0x14a: {  	v18 =	vld [tilespmem:$0x1FF50]  }
0x14b: {  	v8 =	vld [tilespmem:$0x1FF60]  }
0x14c: {  	v11 =	vld [tilespmem:$0x1FF70]  }
0x14d: {  	v19 =	vld [tilespmem:$0x1FF80]  }
0x14e: {  	v20 =	vld [tilespmem:$0x1FF90];
	[tilespmem:$0x8050] =	vst v14;
	v24 =	vnsel vm10, $0x0, v15  }
0x14f: {  	v22 =	vld [tilespmem:$0x1FFA0];
	[tilespmem:$0x8150] =	vst v24  }
0x150: {  	[tilespmem:$0x1F2A0] =	vst v6;
	v6 =	vld.idx.msk [tilespmem:v17+s2+$0x0], $0xffff  }
0x151: {  	v5 =	vld.idx.msk [tilespmem:v16+s2+$0x0], $0xffff  }
0x152: {  	v7 =	vld.idx.msk [tilespmem:v18+s2+$0x0], $0xffff  }
0x153: {  	v8 =	vld.idx.msk [tilespmem:v8+s2+$0x0], $0xffff  }
0x154: {  	v11 =	vld.idx.msk [tilespmem:v11+s2+$0x0], $0xffff  }
0x155: {  	v12 =	vld.idx.msk [tilespmem:v19+s2+$0x0], $0xffff  }
0x156: {  	v13 =	vld.idx.msk [tilespmem:v20+s2+$0x0], $0xffff;
	v21 =	vmax.f32 v5, v6  }
0x157: {  	v15 =	vld.idx.msk [tilespmem:v22+s2+$0x0], $0xffff;
	v14 =	vmax.f32 v21, v7  }
0x158: {  	v14 =	vmax.f32 v14, v8  }
0x159: {  	v14 =	vmax.f32 v14, v11  }
0x15a: {  	v14 =	vmax.f32 v14, v12  }
0x15b: {  	v14 =	vmax.f32 v14, v13  }
0x15c: {  	v14 =	vmax.f32 v14, v15  }
0x15d: {  	vm14 =	veq.f32 v15, v14  }
0x15e: {  	vm7 =	veq.f32 v13, v14;
	v28 =	vsel vm14, $0x7, v25  }
0x15f: {  	vm8 =	veq.f32 v12, v14;
	v16 =	vsel vm7, $0x6, v28  }
0x160: {  	v29 =	vimm.s32 $0x0;
	vm9 =	veq.f32 v11, v14;
	v16 =	vsel vm8, $0x5, v16  }
0x161: {  	vm3 =	vne.f32 v5, v14;
	vm14 =	veq.f32 v8, v14;
	v16 =	vsel vm9, $0x4, v16  }
0x162: {  	vm7 =	veq.f32 v7, v14;
	vm8 =	veq.f32 v6, v14;
	v16 =	vsel vm14, $0x3, v16  }
0x163: {  	v30 =	vimm.s32 $0x0;
	vm0 =	vmand vm3, vm8;
	v16 =	vsel vm7, $0x2, v16  }
0x164: {  	v5 =	vnsel vm3, $0xFF800000, v5;
	v6 =	vsel vm0, $0xFF800000, v6;
	v16 =	vsel vm8, $0x1, v16  }
0x165: {  	v32 =	vimm.s32 $0x0;
	v31 =	vmax.f32 v5, v6;
	v14 =	vnsel vm3, $0x0, v16  }
0x166: {  	v16 =	vsel vm0, $0xFFFFFFFF, v29;
	vm9 =	veq.s32 v14, $0x2;
	vm14 =	veq.s32 v14, $0x3  }
0x167: {  	[tilespmem:$0x1F310] =	vst v16;
	vm7 =	veq.s32 v14, $0x4;
	v16 =	vsel vm9, $0xFFFFFFFF, v30;
	v7 =	vsel vm9, $0xFF800000, v7  }
0x168: {  	vm8 =	veq.s32 v14, $0x5;
	v8 =	vsel vm14, $0xFF800000, v8;
	[tilespmem:$0x1F330] =	vst v16;
	v16 =	vmax.f32 v31, v7  }
0x169: {  	v17 =	vsel vm14, $0xFFFFFFFF, v32;
	v11 =	vsel vm7, $0xFF800000, v11;
	v16 =	vmax.f32 v16, v8  }
0x16a: {  	v12 =	vsel vm8, $0xFF800000, v12;
	vm9 =	veq.s32 v14, $0x6;
	v16 =	vmax.f32 v16, v11  }
0x16b: {  	vm14 =	veq.s32 v14, $0x7;
	v13 =	vsel vm9, $0xFF800000, v13;
	v16 =	vmax.f32 v16, v12  }
0x16c: {  	v15 =	vsel vm14, $0xFF800000, v15;
	v16 =	vmax.f32 v16, v13  }
0x16d: {  	v33 =	vimm.s32 $0x0;
	v34 =	vimm.s32 $0x0;
	v16 =	vmax.f32 v16, v15  }
0x16e: {  	v35 =	vimm.s32 $0x0;
	v36 =	vimm.s32 $0x0;
	vm0 =	veq.f32 v15, v16  }
0x16f: {  	[tilespmem:$0x1F340] =	vst v17;
	v17 =	vsel vm7, $0xFFFFFFFF, v33;
	vm7 =	veq.f32 v13, v16;
	v15 =	vsel vm0, $0x7, v25  }
0x170: {  	[tilespmem:$0x1F350] =	vst v17;
	v17 =	vsel vm8, $0xFFFFFFFF, v34;
	vm8 =	veq.f32 v12, v16;
	v13 =	vsel vm7, $0x6, v15  }
0x171: {  	v39 =	vld [tilespmem:$0x1FFB0];
	[tilespmem:$0x1F360] =	vst v17;
	v17 =	vsel vm9, $0xFFFFFFFF, v35;
	vm9 =	veq.f32 v11, v16;
	v12 =	vsel vm8, $0x5, v13  }
0x172: {  	v41 =	vld [tilespmem:$0x1FFC0];
	[tilespmem:$0x1F370] =	vst v17;
	v17 =	vsel vm14, $0xFFFFFFFF, v36;
	vm14 =	veq.f32 v8, v16;
	v11 =	vsel vm9, $0x4, v12  }
0x173: {  	v8 =	vsel vm14, $0x3, v11;
	v11 =	vld [tilespmem:$0x1FFD0]  }
0x174: {  	v43 =	vld [tilespmem:$0x1FFE0];
	vm7 =	veq.f32 v7, v16  }
0x175: {  	v44 =	vld [tilespmem:$0x1FFF0];
	vm8 =	veq.f32 v6, v16;
	v7 =	vsel vm7, $0x2, v8  }
0x176: {  	vm7 =	vne.f32 v5, v16;
	v38 =	vsel vm8, $0x1, v7  }
0x177: {  	[tilespmem:$0x8060] =	vst v14;
	v30 =	vnsel vm7, $0x0, v38  }
0x178: {  	[tilespmem:$0x8160] =	vst v30  }
0x179: {  	v40 =	vor.u32 $0x3805, v0;
	v5 =	vld.idx.msk [tilespmem:v39+s2+$0x0], $0xffff  }
0x17a: {  	v8 =	vor.u32 $0x3806, v0;
	v7 =	vld.idx.msk [tilespmem:v41+s2+$0x0], $0xffff  }
0x17b: {  	v42 =	vor.u32 $0x3807, v0;
	v11 =	vld.idx.msk [tilespmem:v11+s2+$0x0], $0xffff  }
0x17c: {  	v37 =	vimm.s32 $0x0;
	v13 =	vld.idx.msk [tilespmem:v43+s2+$0x0], $0xffff  }
0x17d: {  	v6 =	vsel vm8, $0xFFFFFFFF, v37;
	v14 =	vld.idx.msk [tilespmem:v44+s2+$0x0], $0xffff  }
0x17e: {  	[tilespmem:$0x1F320] =	vst v6;
	v6 =	vld.idx.msk [tilespmem:v40+s2+$0x0], $0xffff  }
0x17f: {  	v8 =	vld.idx.msk [tilespmem:v8+s2+$0x0], $0xffff;
	v45 =	vmax.f32 v5, v7  }
0x180: {  	v12 =	vld.idx.msk [tilespmem:v42+s2+$0x0], $0xffff;
	v15 =	vmax.f32 v45, v11  }
0x181: {  	v15 =	vmax.f32 v15, v13  }
0x182: {  	v15 =	vmax.f32 v15, v14  }
0x183: {  	v26 =	vsel vm13, $0x0, v9;
	v15 =	vmax.f32 v15, v6  }
0x184: {  	v48 =	vimm.s32 $0x0;
	v47 =	vimm.s32 $0x0;
	v15 =	vmax.f32 v15, v8  }
0x185: {  	v50 =	vimm.s32 $0x0;
	v51 =	vimm.s32 $0x0;
	v15 =	vmax.f32 v15, v12  }
0x186: {  	v52 =	vimm.s32 $0x0;
	v54 =	vimm.s32 $0x0;
	vm9 =	veq.f32 v12, v15  }
0x187: {  	v53 =	vimm.s32 $0x0;
	vm14 =	veq.f32 v8, v15;
	v46 =	vsel vm9, $0x7, v25  }
0x188: {  	v55 =	vimm.s32 $0x0;
	vm8 =	veq.f32 v6, v15;
	v16 =	vsel vm14, $0x6, v46  }
0x189: {  	v56 =	vor.u32 $0x4002, v0;
	vm9 =	veq.f32 v14, v15;
	v16 =	vsel vm8, $0x5, v16  }
0x18a: {  	v57 =	vor.u32 $0x4003, v0;
	vm14 =	veq.f32 v13, v15;
	v16 =	vsel vm9, $0x4, v16  }
0x18b: {  	v59 =	vor.u32 $0x4005, v0;
	vm8 =	veq.f32 v11, v15;
	v16 =	vsel vm14, $0x3, v16  }
0x18c: {  	vm9 =	veq.f32 v7, v15;
	v16 =	vsel vm8, $0x2, v16;
	vm8 =	vne.f32 v5, v15  }
0x18d: {  	v58 =	vor.u32 $0x4004, v0;
	v16 =	vsel vm9, $0x1, v16;
	vm9 =	vmand vm8, vm9  }
0x18e: {  	v5 =	vnsel vm8, $0xFF800000, v5;
	v15 =	vnsel vm8, $0x0, v16;
	v7 =	vsel vm9, $0xFF800000, v7  }
0x18f: {  	[tilespmem:$0x1F380] =	vst v17;
	v16 =	vsel vm9, $0xFFFFFFFF, v47;
	vm14 =	veq.s32 v15, $0x2;
	v49 =	vmax.f32 v5, v7  }
0x190: {  	[tilespmem:$0x1F390] =	vst v16;
	vm9 =	veq.s32 v15, $0x3;
	v16 =	vsel vm14, $0xFFFFFFFF, v48;
	v11 =	vsel vm14, $0xFF800000, v11  }
0x191: {  	v17 =	vsel vm9, $0xFFFFFFFF, v50;
	v13 =	vsel vm9, $0xFF800000, v13;
	vm14 =	veq.s32 v15, $0x4;
	[tilespmem:$0x1F3B0] =	vst v16  }
0x192: {  	v62 =	vld [tilespmem:$0x1EFF0];
	vm9 =	veq.s32 v15, $0x5;
	[tilespmem:$0x1F3C0] =	vst v17;
	v16 =	vmax.f32 v49, v11;
	v17 =	vsel vm14, $0xFFFFFFFF, v51  }
0x193: {  	v14 =	vsel vm14, $0xFF800000, v14;
	v6 =	vsel vm9, $0xFF800000, v6;
	v16 =	vmax.f32 v16, v13  }
0x194: {  	vm14 =	veq.s32 v15, $0x6;
	[tilespmem:$0x1F3D0] =	vst v17;
	v17 =	vsel vm9, $0xFFFFFFFF, v52;
	v16 =	vmax.f32 v16, v14  }
0x195: {  	v8 =	vsel vm14, $0xFF800000, v8;
	vm9 =	veq.s32 v15, $0x7;
	v16 =	vmax.f32 v16, v6  }
0x196: {  	v60 =	vor.u32 $0x4006, v0;
	v12 =	vsel vm9, $0xFF800000, v12;
	v16 =	vmax.f32 v16, v8  }
0x197: {  	v61 =	vor.u32 $0x4007, v0;
	vm13 =	vnez.u8 v62;
	v16 =	vmax.f32 v16, v12  }
0x198: {  	vm13 =	vmand vm5, vm13;
	[tilespmem:$0x1F3E0] =	vst v17;
	v17 =	vsel vm14, $0xFFFFFFFF, v53;
	vm14 =	veq.f32 v12, v16  }
0x199: {  	v28 =	vsel vm13, $0x3F800000, v10;
	vm0 =	veq.f32 v8, v16;
	v12 =	vsel vm14, $0x7, v25  }
0x19a: {  	v18 =	vld [tilespmem:$0x1F010];
	vm13 =	veq.s32 v2, $0x3;
	vm14 =	veq.f32 v6, v16;
	v8 =	vsel vm0, $0x6, v12  }
0x19b: {  	v21 =	vld [tilespmem:$0x1F030];
	v29 =	vsel vm5, $0x0, v9;
	vm0 =	veq.f32 v14, v16;
	v6 =	vsel vm14, $0x5, v8  }
0x19c: {  	v22 =	vld [tilespmem:$0x1F040];
	[tilespmem:$0x1F3F0] =	vst v17;
	v17 =	vsel vm9, $0xFFFFFFFF, v54;
	vm14 =	veq.f32 v13, v16;
	v6 =	vsel vm0, $0x4, v6  }
0x19d: {  	v36 =	vld [tilespmem:$0x1F050];
	v8 =	vor.u32 $0x4000, v0;
	vm0 =	veq.f32 v11, v16;
	v6 =	vsel vm14, $0x3, v6  }
0x19e: {  	v39 =	vld [tilespmem:$0x1F060];
	vm9 =	veq.f32 v7, v16;
	v11 =	vor.u32 $0x4001, v0;
	v6 =	vsel vm0, $0x2, v6  }
0x19f: {  	v63 =	vld [tilespmem:$0x1F000];
	vm5 =	vnez.u8 v18;
	vm14 =	vne.f32 v5, v16;
	v6 =	vsel vm9, $0x1, v6  }
0x1a0: {  	v34 =	vsel vm13, $0x3F800000, v10;
	vm13 =	vnez.u8 v21;
	v41 =	vld [tilespmem:$0x1F070];
	[tilespmem:$0x8070] =	vst v15;
	v37 =	vnsel vm14, $0x0, v6  }
0x1a1: {  	v20 =	vld [tilespmem:$0x1F020];
	v31 =	vsel vm5, $0x3F800000, v10;
	v21 =	vor.u32 $0x4800, v0;
	v35 =	vsel vm13, $0x3F800000, v10;
	[tilespmem:$0x8170] =	vst v37  }
0x1a2: {  	vm13 =	vnez.u8 v22;
	v22 =	vor.u32 $0x4801, v0;
	vm5 =	vnez.u8 v36;
	v8 =	vld.idx.msk [tilespmem:v8+s2+$0x0], $0xffff  }
0x1a3: {  	v43 =	vsel vm13, $0x3F800000, v10;
	vm13 =	vnez.u8 v39;
	v7 =	vsel vm9, $0xFFFFFFFF, v55;
	v11 =	vld.idx.msk [tilespmem:v11+s2+$0x0], $0xffff  }
0x1a4: {  	v36 =	vsel vm5, $0x3F800000, v10;
	v44 =	vsel vm13, $0x3F800000, v10;
	v46 =	vsel vm6, $0x0, v9;
	[tilespmem:$0x1F3A0] =	vst v7;
	v7 =	vld.idx.msk [tilespmem:v56+s2+$0x0], $0xffff  }
0x1a5: {  	vm6 =	vnez.u8 v41;
	v49 =	vimm.s32 $0x0;
	v51 =	vimm.s32 $0x0;
	v5 =	vld.idx.msk [tilespmem:v57+s2+$0x0], $0xffff  }
0x1a6: {  	v53 =	vsel vm6, $0x3F800000, v10;
	v54 =	vsel vm4, $0x0, v9;
	vm9 =	vnez.u8 v63;
	v6 =	vld.idx.msk [tilespmem:v58+s2+$0x0], $0xffff  }
0x1a7: {  	vm0 =	veq.s32 v2, $0x4;
	v27 =	vsel vm9, $0x3F800000, v10;
	vm9 =	veq.s32 v2, $0x2;
	v12 =	vld.idx.msk [tilespmem:v59+s2+$0x0], $0xffff  }
0x1a8: {  	v32 =	vsel vm9, $0x3F800000, v10;
	vm9 =	vnez.u8 v20;
	v13 =	vld.idx.msk [tilespmem:v60+s2+$0x0], $0xffff;
	v19 =	vmax.f32 v8, v11  }
0x1a9: {  	v38 =	vsel vm0, $0x3F800000, v10;
	v14 =	vld.idx.msk [tilespmem:v61+s2+$0x0], $0xffff;
	v33 =	vsel vm9, $0x3F800000, v10;
	v15 =	vmax.f32 v19, v7  }
0x1aa: {  	vm9 =	veq.s32 v2, $0x5;
	v56 =	vimm.s32 $0x0;
	v15 =	vmax.f32 v15, v5  }
0x1ab: {  	v58 =	vimm.s32 $0x0;
	v59 =	vimm.s32 $0x0;
	v15 =	vmax.f32 v15, v6  }
0x1ac: {  	v60 =	vimm.s32 $0x0;
	v61 =	vimm.s32 $0x0;
	v15 =	vmax.f32 v15, v12  }
0x1ad: {  	v45 =	vsel vm9, $0x3F800000, v10;
	vm9 =	veq.s32 v2, $0x6;
	v15 =	vmax.f32 v15, v13  }
0x1ae: {  	v47 =	vsel vm9, $0x3F800000, v10;
	vm9 =	veq.s32 v2, $0x7;
	v15 =	vmax.f32 v15, v14  }
0x1af: {  	v50 =	vsel vm9, $0x3F800000, v10;
	vm0 =	veq.f32 v14, v15;
	vm9 =	veq.f32 v12, v15  }
0x1b0: {  	v42 =	vld [tilespmem:$0x1F080];
	vm5 =	vne.f32 v8, v15;
	v40 =	vsel vm0, $0x7, v25;
	vm0 =	veq.f32 v13, v15  }
0x1b1: {  	vm13 =	veq.f32 v6, v15;
	v8 =	vnsel vm5, $0xFF800000, v8;
	v2 =	vsel vm0, $0x6, v40  }
0x1b2: {  	v48 =	vld [tilespmem:$0x1F090];
	vm0 =	veq.s32 v1, $0x4;
	v40 =	vor.u32 $0x4804, v0;
	v2 =	vsel vm9, $0x5, v2  }
0x1b3: {  	[tilespmem:$0x1F400] =	vst v17;
	vm9 =	veq.f32 v5, v15;
	v17 =	vsel vm0, $0x3F800000, v10;
	vm0 =	veq.s32 v1, $0x5  }
0x1b4: {  	v2 =	vsel vm13, $0x4, v2;
	vm13 =	veq.f32 v7, v15;
	v39 =	vsel vm0, $0x3F800000, v10  }
0x1b5: {  	vm0 =	veq.s32 v1, $0x7;
	v2 =	vsel vm9, $0x3, v2;
	vm9 =	vnez.u8 v42  }
0x1b6: {  	vm4 =	vmand vm4, vm9;
	v2 =	vsel vm13, $0x2, v2;
	vm13 =	veq.f32 v11, v15  }
0x1b7: {  	vm9 =	vnez.u8 v48;
	v48 =	vor.u32 $0x4805, v0;
	v55 =	vsel vm4, $0x3F800000, v10  }
0x1b8: {  	v2 =	vsel vm13, $0x1, v2;
	v57 =	vsel vm9, $0x3F800000, v10;
	vm13 =	vmand vm5, vm13  }
0x1b9: {  	v2 =	vnsel vm5, $0x0, v2;
	v15 =	vsel vm13, $0xFFFFFFFF, v49;
	v11 =	vsel vm13, $0xFF800000, v11  }
0x1ba: {  	vm4 =	veq.s32 v2, $0x2;
	v52 =	vmax.f32 v8, v11;
	vm6 =	veq.s32 v2, $0x3  }
0x1bb: {  	[tilespmem:$0x1F410] =	vst v15;
	vm9 =	veq.s32 v2, $0x4;
	vm13 =	veq.s32 v2, $0x5;
	v15 =	vsel vm4, $0xFFFFFFFF, v51  }
0x1bc: {  	v7 =	vsel vm4, $0xFF800000, v7;
	v16 =	vsel vm6, $0xFFFFFFFF, v56;
	v5 =	vsel vm6, $0xFF800000, v5  }
0x1bd: {  	v62 =	vld [tilespmem:$0x1F0A0];
	[tilespmem:$0x8080] =	vst v2;
	v6 =	vsel vm9, $0xFF800000, v6;
	v12 =	vsel vm13, $0xFF800000, v12;
	vm4 =	veq.s32 v2, $0x6  }
0x1be: {  	v63 =	vld [tilespmem:$0x1F0B0];
	vm6 =	veq.s32 v2, $0x7;
	v2 =	vor.u32 $0x4803, v0;
	v51 =	vor.u32 $0x4806, v0;
	[tilespmem:$0x1F420] =	vst v15  }
0x1bf: {  	[tilespmem:$0x1F430] =	vst v16;
	v15 =	vmax.f32 v52, v7;
	v16 =	vsel vm9, $0xFFFFFFFF, v58;
	v13 =	vsel vm4, $0xFF800000, v13  }
0x1c0: {  	v14 =	vsel vm6, $0xFF800000, v14;
	vm9 =	veq.s32 v1, $0x2;
	v15 =	vmax.f32 v15, v5  }
0x1c1: {  	v19 =	vld [tilespmem:$0x1F0C0];
	[tilespmem:$0x1F440] =	vst v16;
	v16 =	vsel vm13, $0xFFFFFFFF, v59;
	v59 =	vsel vm9, $0x3F800000, v10;
	vm13 =	veq.s32 v1, $0x3  }
0x1c2: {  	vm9 =	vnez.u8 v62;
	[tilespmem:$0x1F450] =	vst v16;
	v15 =	vmax.f32 v15, v6;
	v16 =	vsel vm4, $0xFFFFFFFF, v60  }
0x1c3: {  	v62 =	vsel vm9, $0x3F800000, v10;
	vm9 =	vnez.u8 v63;
	v15 =	vmax.f32 v15, v12  }
0x1c4: {  	vm4 =	veq.s32 v1, $0x6;
	v1 =	vsel vm0, $0x3F800000, v10;
	v15 =	vmax.f32 v15, v13  }
0x1c5: {  	v41 =	vld [tilespmem:$0x1F0D0];
	[tilespmem:$0x1F460] =	vst v16;
	v16 =	vsel vm6, $0xFFFFFFFF, v61;
	v61 =	vsel vm13, $0x3F800000, v10;
	v15 =	vmax.f32 v15, v14  }
0x1c6: {  	[tilespmem:$0x1F4A0] =	vst v39;
	v39 =	vld [tilespmem:$0x1F150];
	v63 =	vsel vm9, $0x3F800000, v10;
	vm6 =	vnez.u8 v19;
	vm13 =	veq.f32 v14, v15  }
0x1c7: {  	v49 =	vld [tilespmem:$0x1F0E0];
	v42 =	vsel vm4, $0x3F800000, v10;
	[tilespmem:$0x1F470] =	vst v16;
	v16 =	vsel vm13, $0x7, v25;
	vm13 =	veq.f32 v13, v15  }
0x1c8: {  	v56 =	vld [tilespmem:$0x1F100];
	[tilespmem:$0x1F510] =	vst v1;
	v1 =	vsel vm2, $0x0, v9;
	vm9 =	veq.f32 v12, v15;
	v13 =	vsel vm13, $0x6, v16  }
0x1c9: {  	v52 =	vld [tilespmem:$0x1F0F0];
	vm13 =	veq.f32 v6, v15;
	v6 =	vsel vm6, $0x3F800000, v10;
	v18 =	vsel vm9, $0x5, v13  }
0x1ca: {  	v58 =	vld [tilespmem:$0x1F110];
	vm6 =	vne.f32 v8, v15;
	vm9 =	veq.f32 v5, v15;
	v20 =	vsel vm13, $0x4, v18  }
0x1cb: {  	[tilespmem:$0x1F490] =	vst v17;
	v16 =	vld [tilespmem:$0x1F120];
	vm13 =	veq.f32 v7, v15;
	v5 =	vsel vm9, $0x3, v20;
	vm9 =	vnez.u8 v41  }
0x1cc: {  	[tilespmem:$0x1F4E0] =	vst v42;
	v18 =	vld [tilespmem:$0x1F130];
	v5 =	vsel vm13, $0x2, v5;
	vm13 =	veq.f32 v11, v15;
	v11 =	vor.u32 $0x4802, v0  }
0x1cd: {  	[tilespmem:$0x1F4D0] =	vst v1;
	v41 =	vld [tilespmem:$0x1F160];
	v12 =	vsel vm9, $0x3F800000, v10;
	vm9 =	vnez.u8 v49;
	v5 =	vsel vm13, $0x1, v5  }
0x1ce: {  	[tilespmem:$0x1F480] =	vst v6;
	v13 =	vsel vm9, $0x3F800000, v10;
	vm9 =	vnez.u8 v52;
	v52 =	vld [tilespmem:$0x1F180];
	v8 =	vnsel vm6, $0x0, v5  }
0x1cf: {  	v49 =	vsel vm1, $0x0, v9;
	v14 =	vsel vm9, $0x3F800000, v10;
	vm9 =	vnez.u8 v58;
	v58 =	vld [tilespmem:$0x1F190];
	[tilespmem:$0x8180] =	vst v8  }
0x1d0: {  	vm4 =	vnez.u8 v56;
	v56 =	vsel vm12, $0x0, v9;
	[tilespmem:$0x1F5F0] =	vst v49;
	v49 =	vimm.s32 $0x0;
	v6 =	vld.idx.msk [tilespmem:v21+s2+$0x0], $0xffff  }
0x1d1: {  	[tilespmem:$0x1F4F0] =	vst v14;
	v14 =	vsel vm4, $0x0, v9;
	vm2 =	vmand vm4, vm9;
	vm9 =	vnez.u8 v16;
	v7 =	vld.idx.msk [tilespmem:v22+s2+$0x0], $0xffff  }
0x1d2: {  	vm4 =	veq.s32 v4, $0x4;
	[tilespmem:$0x1F520] =	vst v14;
	v2 =	vld.idx.msk [tilespmem:v2+s2+$0x0], $0xffff;
	v60 =	vsel vm2, $0x3F800000, v10;
	v14 =	vsel vm9, $0x3F800000, v10  }
0x1d3: {  	[tilespmem:$0x1F4B0] =	vst v12;
	vm2 =	veq.s32 v4, $0x2;
	vm9 =	vnez.u8 v18;
	v21 =	vld [tilespmem:$0x1F140];
	v22 =	vsel vm4, $0x3F800000, v10  }
0x1d4: {  	[tilespmem:$0x1F4C0] =	vst v13;
	vm4 =	veq.s32 v4, $0x6;
	v1 =	vld.idx.msk [tilespmem:v11+s2+$0x0], $0xffff;
	v11 =	vor.u32 $0x4807, v0;
	v17 =	vsel vm2, $0x3F800000, v10  }
0x1d5: {  	v5 =	vld.idx.msk [tilespmem:v40+s2+$0x0], $0xffff;
	[tilespmem:$0x1F540] =	vst v14;
	v14 =	vsel vm9, $0x3F800000, v10;
	vm2 =	veq.s32 v4, $0x3;
	v42 =	vsel vm4, $0x3F800000, v10  }
0x1d6: {  	v12 =	vld.idx.msk [tilespmem:v48+s2+$0x0], $0xffff;
	v19 =	vsel vm2, $0x3F800000, v10;
	vm2 =	veq.s32 v4, $0x5;
	[tilespmem:$0x1F600] =	vst v42;
	v42 =	vimm.s32 $0x0  }
0x1d7: {  	v48 =	vld [tilespmem:$0x1F170];
	[tilespmem:$0x1F550] =	vst v14;
	v40 =	vsel vm2, $0x3F800000, v10;
	vm2 =	veq.s32 v4, $0x7;
	vm4 =	vnez.u8 v58  }
0x1d8: {  	v13 =	vld.idx.msk [tilespmem:v51+s2+$0x0], $0xffff;
	[tilespmem:$0x1F590] =	vst v19;
	v4 =	vsel vm2, $0x3F800000, v10;
	v20 =	vmax.f32 v6, v7;
	vm9 =	vnez.u8 v21  }
0x1d9: {  	[tilespmem:$0x1F5C0] =	vst v40;
	v15 =	vsel vm9, $0x3F800000, v10;
	v11 =	vld.idx.msk [tilespmem:v11+s2+$0x0], $0xffff;
	v14 =	vmax.f32 v20, v1;
	vm9 =	vnez.u8 v39  }
0x1da: {  	[tilespmem:$0x1F560] =	vst v15;
	v15 =	vsel vm9, $0x3F800000, v10;
	v14 =	vmax.f32 v14, v2;
	vm9 =	vnez.u8 v41  }
0x1db: {  	v19 =	vld [tilespmem:$0x1F1A0];
	v40 =	vimm.s32 $0x0;
	[tilespmem:$0x1F580] =	vst v15;
	v14 =	vmax.f32 v14, v5;
	v15 =	vsel vm9, $0x3F800000, v10  }
0x1dc: {  	vm9 =	vnez.u8 v48;
	v48 =	vimm.s32 $0x0;
	v14 =	vmax.f32 v14, v12  }
0x1dd: {  	[tilespmem:$0x1F5D0] =	vst v15;
	v15 =	vsel vm9, $0x3F800000, v10;
	vm9 =	vnez.u8 v52;
	v14 =	vmax.f32 v14, v13  }
0x1de: {  	v52 =	vimm.s32 $0x0;
	v51 =	vmax.f32 v14, v11;
	v14 =	vsel vm9, $0x3F800000, v10  }
0x1df: {  	vm9 =	vmand vm12, vm4;
	vm1 =	veq.f32 v11, v51;
	vm12 =	veq.f32 v13, v51  }
0x1e0: {  	[tilespmem:$0x1F530] =	vst v60;
	v21 =	vld [tilespmem:$0x1F1B0];
	v18 =	vsel vm9, $0x3F800000, v10;
	vm4 =	veq.f32 v12, v51;
	vm9 =	vnez.u8 v19  }
0x1e1: {  	[tilespmem:$0x1F5E0] =	vst v15;
	vm2 =	vne.f32 v6, v51;
	v60 =	vsel vm1, $0x7, v25;
	v15 =	vsel vm9, $0x3F800000, v10  }
0x1e2: {  	[tilespmem:$0x1F610] =	vst v14;
	vm9 =	veq.f32 v2, v51;
	v6 =	vnsel vm2, $0xFF800000, v6;
	v14 =	vsel vm12, $0x6, v60  }
0x1e3: {  	vm12 =	veq.f32 v5, v51;
	v14 =	vsel vm4, $0x5, v14;
	vm4 =	veq.s32 v3, $0x2  }
0x1e4: {  	vm1 =	veq.s32 v3, $0x7;
	v14 =	vsel vm12, $0x4, v14;
	v20 =	vsel vm4, $0x3F800000, v10  }
0x1e5: {  	vm12 =	veq.f32 v1, v51;
	vm4 =	vnez.u8 v21;
	v14 =	vsel vm9, $0x3, v14  }
0x1e6: {  	vm9 =	veq.f32 v7, v51;
	v14 =	vsel vm12, $0x2, v14;
	vm12 =	veq.s32 v3, $0x3  }
0x1e7: {  	[tilespmem:$0x1F5A0] =	vst v22;
	v14 =	vsel vm9, $0x1, v14;
	v22 =	vsel vm12, $0x3F800000, v10;
	vm12 =	vmand vm2, vm9  }
0x1e8: {  	[tilespmem:$0x1F650] =	vst v15;
	v15 =	vsel vm4, $0x3F800000, v10;
	v39 =	vnsel vm2, $0x0, v14;
	v7 =	vsel vm12, $0xFF800000, v7  }
0x1e9: {  	[tilespmem:$0x1F630] =	vst v56;
	v51 =	vimm.s32 $0x0;
	vm4 =	veq.s32 v39, $0x2;
	v41 =	vmax.f32 v6, v7  }
0x1ea: {  	[tilespmem:$0x1F670] =	vst v15;
	vm9 =	veq.s32 v39, $0x3;
	v14 =	vsel vm4, $0xFFFFFFFF, v40;
	v1 =	vsel vm4, $0xFF800000, v1  }
0x1eb: {  	v15 =	vsel vm9, $0xFFFFFFFF, v42;
	v2 =	vsel vm9, $0xFF800000, v2;
	vm4 =	veq.s32 v39, $0x4;
	[tilespmem:$0x1F500] =	vst v14  }
0x1ec: {  	v56 =	vld [tilespmem:$0x1F1C0];
	vm9 =	veq.s32 v39, $0x5;
	[tilespmem:$0x1F5B0] =	vst v15;
	v14 =	vmax.f32 v41, v1;
	v15 =	vsel vm4, $0xFFFFFFFF, v48  }
0x1ed: {  	v60 =	vld [tilespmem:$0x1F1D0];
	v5 =	vsel vm4, $0xFF800000, v5;
	v12 =	vsel vm9, $0xFF800000, v12;
	vm4 =	veq.s32 v39, $0x6  }
0x1ee: {  	[tilespmem:$0x1F660] =	vst v15;
	v14 =	vmax.f32 v14, v2;
	v15 =	vsel vm9, $0xFFFFFFFF, v49;
	v13 =	vsel vm4, $0xFF800000, v13  }
0x1ef: {  	v16 =	vld [tilespmem:$0x1F1E0];
	vm9 =	veq.s32 v39, $0x7;
	[tilespmem:$0x1F710] =	vst v15;
	v14 =	vmax.f32 v14, v5;
	v15 =	vsel vm4, $0xFFFFFFFF, v51  }
0x1f0: {  	v11 =	vsel vm9, $0xFF800000, v11;
	vm4 =	veq.s32 v3, $0x4;
	v14 =	vmax.f32 v14, v12  }
0x1f1: {  	[tilespmem:$0x1F780] =	vst v15;
	v15 =	vsel vm9, $0xFFFFFFFF, v52;
	vm9 =	vnez.u8 v56;
	v58 =	vsel vm4, $0x3F800000, v10  }
0x1f2: {  	vm4 =	vnez.u8 v60;
	[tilespmem:$0x1F7F0] =	vst v15;
	v14 =	vmax.f32 v14, v13;
	v15 =	vsel vm9, $0x3F800000, v10  }
0x1f3: {  	vm9 =	veq.s32 v3, $0x5;
	[tilespmem:$0x1F680] =	vst v15;
	v14 =	vmax.f32 v14, v11;
	v15 =	vsel vm4, $0x3F800000, v10  }
0x1f4: {  	vm0 =	veq.f32 v11, v14;
	v11 =	vsel vm9, $0x3F800000, v10;
	vm9 =	vnez.u8 v16  }
0x1f5: {  	vm4 =	veq.f32 v13, v14;
	[tilespmem:$0x1F6D0] =	vst v11;
	v11 =	vsel vm0, $0x7, v25;
	v13 =	vsel vm9, $0x3F800000, v10  }
0x1f6: {  	vm9 =	veq.s32 v3, $0x6;
	v3 =	vld [tilespmem:$0x1F1F0];
	v11 =	vsel vm4, $0x6, v11;
	vm4 =	veq.f32 v12, v14  }
0x1f7: {  	vm0 =	veq.f32 v5, v14;
	v11 =	vsel vm4, $0x5, v11  }
0x1f8: {  	[tilespmem:$0x1F640] =	vst v18;
	v18 =	vsel vm0, $0x4, v11;
	v11 =	vld [tilespmem:$0x1F210];
	_ =	sdelay $0x2  }
0x1f9: {  	[tilespmem:$0x1F570] =	vst v17;
	vm0 =	vnez.u8 v3  }
0x1fa: {  	v19 =	vor.u32 $0x5000, v0;
	[tilespmem:$0x8090] =	vst v39;
	v48 =	vld [tilespmem:$0x1F230];
	v17 =	vsel vm9, $0x3F800000, v10;
	v3 =	vsel vm0, $0x3F800000, v10  }
0x1fb: {  	v39 =	vld [tilespmem:$0x1F200];
	vm4 =	veq.f32 v2, v14;
	[tilespmem:$0x1F6F0] =	vst v3;
	v3 =	vsel vm1, $0x3F800000, v10;
	vm1 =	vnez.u8 v11  }
0x1fc: {  	[tilespmem:$0x1F690] =	vst v20;
	v51 =	vld [tilespmem:$0x1F240];
	vm9 =	veq.f32 v1, v14;
	v2 =	vsel vm4, $0x3, v18;
	v11 =	vsel vm1, $0x0, v9  }
0x1fd: {  	v20 =	vor.u32 $0x5002, v0;
	v1 =	vsel vm9, $0x2, v2;
	vm9 =	veq.f32 v7, v14;
	[tilespmem:$0x1F750] =	vst v11;
	v11 =	vld [tilespmem:$0x1F220]  }
0x1fe: {  	[tilespmem:$0x1F620] =	vst v4;
	v21 =	vor.u32 $0x5003, v0;
	v56 =	vld [tilespmem:$0x1F250];
	vm4 =	vne.f32 v6, v14;
	v1 =	vsel vm9, $0x1, v1  }
0x1ff: {  	[tilespmem:$0x1F6B0] =	vst v22;
	v40 =	vor.u32 $0x5005, v0;
	v60 =	vld [tilespmem:$0x1F260];
	v1 =	vnsel vm4, $0x0, v1  }
0x200: {  	v22 =	vsel vm11, $0x0, v9;
	v18 =	vld [tilespmem:$0x1F270];
	v2 =	vor.u32 $0x5001, v0;
	[tilespmem:$0x8190] =	vst v1  }
0x201: {  	[tilespmem:$0x1F700] =	vst v22;
	v22 =	vsel vm15, $0x0, v9;
	v42 =	vor.u32 $0x5007, v0;
	vm11 =	vnez.u8 v39;
	v5 =	vld.idx.msk [tilespmem:v19+s2+$0x0], $0xffff  }
0x202: {  	[tilespmem:$0x1F830] =	vst v22;
	v22 =	vimm.s32 $0x0;
	v6 =	vsel vm11, $0x3F800000, v10;
	v7 =	vld.idx.msk [tilespmem:v20+s2+$0x0], $0xffff;
	vm11 =	vnez.u8 v11  }
0x203: {  	v39 =	vsel vm10, $0x0, v9;
	[tilespmem:$0x1F740] =	vst v3;
	v3 =	vor.u32 $0x5004, v0;
	v4 =	vld.idx.msk [tilespmem:v21+s2+$0x0], $0xffff;
	vm1 =	vmand vm1, vm11  }
0x204: {  	[tilespmem:$0x1F730] =	vst v6;
	v6 =	vld.idx.msk [tilespmem:v40+s2+$0x0], $0xffff;
	v11 =	vor.u32 $0x5006, v0;
	vm11 =	vnez.u8 v48;
	v41 =	vsel vm1, $0x3F800000, v10  }
0x205: {  	[tilespmem:$0x1F6E0] =	vst v13;
	v2 =	vld.idx.msk [tilespmem:v2+s2+$0x0], $0xffff;
	vm1 =	veq.s32 v23, $0x2;
	v13 =	vsel vm11, $0x3F800000, v10;
	vm11 =	vnez.u8 v51  }
0x206: {  	v12 =	vld.idx.msk [tilespmem:v42+s2+$0x0], $0xffff;
	[tilespmem:$0x1F770] =	vst v13;
	v49 =	vsel vm1, $0x3F800000, v10;
	vm1 =	veq.s32 v23, $0x3;
	v13 =	vsel vm11, $0x3F800000, v10  }
0x207: {  	[tilespmem:$0x1F6C0] =	vst v58;
	v20 =	vld [tilespmem:$0x1F280];
	vm11 =	vnez.u8 v56;
	v52 =	vsel vm1, $0x3F800000, v10;
	vm1 =	veq.s32 v23, $0x4  }
0x208: {  	v3 =	vld.idx.msk [tilespmem:v3+s2+$0x0], $0xffff;
	[tilespmem:$0x1F790] =	vst v13;
	v13 =	vsel vm11, $0x3F800000, v10;
	vm11 =	vnez.u8 v60;
	v58 =	vsel vm1, $0x3F800000, v10  }
0x209: {  	v40 =	vld [tilespmem:$0x1F2A0];
	[tilespmem:$0x1F7A0] =	vst v13;
	vm1 =	veq.s32 v23, $0x5;
	v13 =	vsel vm11, $0x3F800000, v10;
	vm11 =	vnez.u8 v18  }
0x20a: {  	[tilespmem:$0x1F720] =	vst v17;
	v17 =	vmax.f32 v5, v2;
	v11 =	vld.idx.msk [tilespmem:v11+s2+$0x0], $0xffff;
	v16 =	vsel vm1, $0x3F800000, v10;
	v14 =	vsel vm11, $0x3F800000, v10  }
0x20b: {  	[tilespmem:$0x1F7C0] =	vst v13;
	v13 =	vmax.f32 v17, v7;
	vm11 =	veq.s32 v23, $0x6;
	vm1 =	veq.s32 v23, $0x7;
	v23 =	vld [tilespmem:$0x1F290]  }
0x20c: {  	[tilespmem:$0x1F7B0] =	vst v49;
	v19 =	vsel vm11, $0x3F800000, v10;
	v13 =	vmax.f32 v13, v4;
	vm11 =	vnez.u8 v20  }
0x20d: {  	v42 =	vld [tilespmem:$0x1F2B0];
	[tilespmem:$0x1F810] =	vst v14;
	v21 =	vsel vm1, $0x3F800000, v10;
	v20 =	vimm.s32 $0x0;
	v13 =	vmax.f32 v13, v3  }
0x20e: {  	[tilespmem:$0x1F840] =	vst v19;
	v14 =	vsel vm11, $0x3F800000, v10;
	vm11 =	vnez.u8 v40;
	v13 =	vmax.f32 v13, v6  }
0x20f: {  	v49 =	vld [tilespmem:$0x1F2C0];
	[tilespmem:$0x1F860] =	vst v21;
	v19 =	vimm.s32 $0x0;
	v21 =	vimm.s32 $0x0;
	v13 =	vmax.f32 v13, v11  }
0x210: {  	vm15 =	vnez.u8 v23;
	v13 =	vmax.f32 v13, v12;
	v23 =	vimm.s32 $0x0  }
0x211: {  	v56 =	vld [tilespmem:$0x1F2D0];
	[tilespmem:$0x1F820] =	vst v14;
	v14 =	vsel vm15, $0x3F800000, v10;
	vm15 =	vmand vm10, vm11;
	vm10 =	veq.s32 v24, $0x2  }
0x212: {  	[tilespmem:$0x1F760] =	vst v41;
	vm11 =	vnez.u8 v42;
	vm0 =	veq.f32 v6, v13;
	vm1 =	vne.f32 v5, v13  }
0x213: {  	v42 =	vsel vm3, $0x0, v9;
	[tilespmem:$0x1F850] =	vst v14;
	v41 =	vsel vm15, $0x3F800000, v10;
	v14 =	vsel vm11, $0x3F800000, v10  }
0x214: {  	v48 =	vsel vm10, $0x3F800000, v10;
	vm15 =	veq.f32 v12, v13;
	vm10 =	vnez.u8 v49  }
0x215: {  	vm11 =	veq.f32 v11, v13;
	v5 =	vnsel vm1, $0xFF800000, v5;
	[tilespmem:$0x1F890] =	vst v14;
	v14 =	vsel vm10, $0x3F800000, v10  }
0x216: {  	v60 =	vld [tilespmem:$0x1F2E0];
	[tilespmem:$0x1F7D0] =	vst v52;
	v51 =	vsel vm15, $0x7, v25;
	vm15 =	veq.s32 v24, $0x3;
	vm10 =	vnez.u8 v56  }
0x217: {  	[tilespmem:$0x1F8A0] =	vst v14;
	v14 =	vsel vm11, $0x6, v51;
	v52 =	vsel vm15, $0x3F800000, v10;
	vm15 =	veq.f32 v3, v13  }
0x218: {  	[tilespmem:$0x1F6A0] =	vst v15;
	v17 =	vld [tilespmem:$0x1F2F0];
	v15 =	vsel vm10, $0x3F800000, v10;
	vm11 =	veq.f32 v4, v13;
	v14 =	vsel vm0, $0x5, v14  }
0x219: {  	vm10 =	veq.f32 v2, v13;
	v51 =	vsel vm7, $0x0, v9;
	v14 =	vsel vm15, $0x4, v14  }
0x21a: {  	[tilespmem:$0x1F870] =	vst v39;
	vm0 =	veq.f32 v7, v13;
	vm15 =	veq.s32 v24, $0x4;
	v14 =	vsel vm11, $0x3, v14  }
0x21b: {  	[tilespmem:$0x1F7E0] =	vst v58;
	v58 =	vsel vm15, $0x3F800000, v10;
	vm11 =	veq.s32 v24, $0x5;
	vm15 =	vnez.u8 v60  }
0x21c: {  	[tilespmem:$0x1F800] =	vst v16;
	v60 =	vor.u32 $0x5801, v0;
	v14 =	vsel vm0, $0x2, v14;
	v13 =	vsel vm15, $0x3F800000, v10  }
0x21d: {  	[tilespmem:$0x1F8F0] =	vst v58;
	v16 =	vsel vm11, $0x3F800000, v10;
	vm11 =	vnez.u8 v17;
	v58 =	vor.u32 $0x5800, v0  }
0x21e: {  	v14 =	vsel vm10, $0x1, v14;
	[tilespmem:$0x1F900] =	vst v16;
	vm10 =	vmand vm1, vm10;
	v16 =	vor.u32 $0x5802, v0  }
0x21f: {  	[tilespmem:$0x1F8D0] =	vst v13;
	v13 =	vnsel vm1, $0x0, v14;
	v14 =	vsel vm11, $0x3F800000, v10;
	v2 =	vsel vm10, $0xFF800000, v2  }
0x220: {  	[tilespmem:$0x1F8C0] =	vst v48;
	vm11 =	veq.s32 v13, $0x2;
	v18 =	vmax.f32 v5, v2;
	vm15 =	veq.s32 v13, $0x3  }
0x221: {  	[tilespmem:$0x1F8B0] =	vst v15;
	vm0 =	veq.s32 v13, $0x4;
	v7 =	vsel vm11, $0xFF800000, v7;
	v15 =	vsel vm15, $0xFFFFFFFF, v19  }
0x222: {  	v40 =	vld [tilespmem:$0x1F300];
	[tilespmem:$0x1F910] =	vst v14;
	v4 =	vsel vm15, $0xFF800000, v4;
	v3 =	vsel vm0, $0xFF800000, v3;
	vm15 =	veq.s32 v13, $0x5  }
0x223: {  	[tilespmem:$0x1F970] =	vst v15;
	v15 =	vsel vm0, $0xFFFFFFFF, v20;
	v14 =	vmax.f32 v18, v7;
	vm0 =	veq.s32 v13, $0x6  }
0x224: {  	v48 =	vld [tilespmem:$0x1F310];
	v6 =	vsel vm15, $0xFF800000, v6;
	[tilespmem:$0x1FA40] =	vst v15;
	v14 =	vmax.f32 v14, v4;
	v15 =	vsel vm15, $0xFFFFFFFF, v21  }
0x225: {  	v17 =	vld [tilespmem:$0x1F330];
	v11 =	vsel vm0, $0xFF800000, v11;
	vm15 =	veq.s32 v24, $0x6;
	[tilespmem:$0x1FAF0] =	vst v15;
	v15 =	vsel vm0, $0xFFFFFFFF, v22  }
0x226: {  	[tilespmem:$0x1F8E0] =	vst v52;
	v14 =	vmax.f32 v14, v3;
	vm0 =	veq.s32 v13, $0x7;
	v39 =	vsel vm15, $0x3F800000, v10  }
0x227: {  	v52 =	vld [tilespmem:$0x1F320];
	vm15 =	vnez.u8 v40;
	[tilespmem:$0x1FB90] =	vst v15;
	v14 =	vmax.f32 v14, v6;
	v15 =	vsel vm0, $0xFFFFFFFF, v23  }
0x228: {  	[tilespmem:$0x1F880] =	vst v41;
	v12 =	vsel vm0, $0xFF800000, v12;
	vm0 =	veq.s32 v24, $0x7;
	v14 =	vmax.f32 v14, v11  }
0x229: {  	[tilespmem:$0x1FBC0] =	vst v15;
	v15 =	vsel vm15, $0x3F800000, v10;
	v41 =	vsel vm0, $0x3F800000, v10;
	v14 =	vmax.f32 v14, v12  }
0x22a: {  	vm15 =	vnez.u8 v48;
	vm0 =	vnez.u8 v17;
	vm3 =	veq.f32 v12, v14  }
0x22b: {  	v12 =	vsel vm15, $0x3F800000, v10;
	vm15 =	veq.f32 v11, v14;
	v49 =	vsel vm3, $0x7, v25  }
0x22c: {  	[tilespmem:$0x1F930] =	vst v42;
	vm3 =	veq.f32 v6, v14;
	v11 =	vsel vm15, $0x6, v49;
	vm15 =	vnez.u8 v52  }
0x22d: {  	v42 =	vld [tilespmem:$0x1F370];
	[tilespmem:$0x1F960] =	vst v51;
	vm7 =	vmand vm7, vm15;
	v56 =	vsel vm3, $0x5, v11;
	vm15 =	veq.f32 v3, v14  }
0x22e: {  	[tilespmem:$0x80A0] =	vst v13;
	v21 =	vld [tilespmem:$0x1F350];
	vm3 =	vne.f32 v5, v14;
	v5 =	vsel vm0, $0x3F800000, v10;
	v3 =	vsel vm7, $0x3F800000, v10  }
0x22f: {  	v40 =	vld [tilespmem:$0x1F360];
	vm0 =	veq.s32 v30, $0x3;
	[tilespmem:$0x1F990] =	vst v3;
	v3 =	vsel vm15, $0x4, v56;
	vm15 =	veq.f32 v4, v14  }
0x230: {  	[tilespmem:$0x1F940] =	vst v39;
	v11 =	vld [tilespmem:$0x1F340];
	vm7 =	veq.f32 v7, v14;
	v20 =	vsel vm0, $0x3F800000, v10;
	v3 =	vsel vm15, $0x3, v3  }
0x231: {  	[tilespmem:$0x1F950] =	vst v41;
	v49 =	vld [tilespmem:$0x1F380];
	vm15 =	veq.s32 v30, $0x2;
	v3 =	vsel vm7, $0x2, v3;
	vm7 =	veq.f32 v2, v14  }
0x232: {  	v19 =	vor.u32 $0x5804, v0;
	[tilespmem:$0x1F9F0] =	vst v20;
	v56 =	vld [tilespmem:$0x1F390];
	v18 =	vsel vm15, $0x3F800000, v10;
	v2 =	vsel vm7, $0x1, v3  }
0x233: {  	v22 =	vor.u32 $0x5806, v0;
	vm0 =	veq.s32 v30, $0x5;
	v20 =	vld [tilespmem:$0x1F3B0];
	[tilespmem:$0x1F9E0] =	vst v18;
	v3 =	vnsel vm3, $0x0, v2  }
0x234: {  	v23 =	vor.u32 $0x5807, v0;
	v41 =	vsel vm0, $0x3F800000, v10;
	vm0 =	veq.s32 v30, $0x6;
	v18 =	vld [tilespmem:$0x1F3A0];
	[tilespmem:$0x81A0] =	vst v3  }
0x235: {  	[tilespmem:$0x1F920] =	vst v15;
	v52 =	vsel vm8, $0x0, v9;
	v48 =	vsel vm0, $0x3F800000, v10;
	vm15 =	vnez.u8 v11;
	v4 =	vld.idx.msk [tilespmem:v58+s2+$0x0], $0xffff  }
0x236: {  	[tilespmem:$0x1F980] =	vst v12;
	v2 =	vor.u32 $0x5803, v0;
	v11 =	vsel vm15, $0x3F800000, v10;
	vm15 =	vnez.u8 v21;
	v6 =	vld.idx.msk [tilespmem:v60+s2+$0x0], $0xffff  }
0x237: {  	[tilespmem:$0x1F9A0] =	vst v5;
	vm0 =	vnez.u8 v49;
	v12 =	vsel vm15, $0x3F800000, v10;
	vm15 =	veq.s32 v30, $0x4;
	v7 =	vld.idx.msk [tilespmem:v16+s2+$0x0], $0xffff  }
0x238: {  	[tilespmem:$0x1F9B0] =	vst v11;
	v11 =	vor.u32 $0x5805, v0;
	v39 =	vsel vm15, $0x3F800000, v10;
	vm15 =	vnez.u8 v40;
	v5 =	vld.idx.msk [tilespmem:v19+s2+$0x0], $0xffff  }
0x239: {  	[tilespmem:$0x1F9C0] =	vst v12;
	v12 =	vld.idx.msk [tilespmem:v22+s2+$0x0], $0xffff;
	v60 =	vsel vm14, $0x0, v9;
	v14 =	vsel vm15, $0x3F800000, v10;
	vm15 =	vnez.u8 v42  }
0x23a: {  	v22 =	vld [tilespmem:$0x1F3C0];
	[tilespmem:$0x1F9D0] =	vst v14;
	v14 =	vsel vm15, $0x3F800000, v10;
	vm15 =	veq.s32 v30, $0x7;
	vm8 =	vnez.u8 v18  }
0x23b: {  	v2 =	vld.idx.msk [tilespmem:v2+s2+$0x0], $0xffff;
	[tilespmem:$0x1FA20] =	vst v14;
	v14 =	vsel vm0, $0x3F800000, v10;
	v51 =	vsel vm15, $0x3F800000, v10;
	vm15 =	vnez.u8 v56  }
0x23c: {  	[tilespmem:$0x1FA10] =	vst v41;
	v40 =	vld [tilespmem:$0x1F3E0];
	vm0 =	vmand vm14, vm8;
	vm14 =	vnez.u8 v20;
	vm8 =	veq.s32 v37, $0x3  }
0x23d: {  	v20 =	vimm.s32 $0x0;
	[tilespmem:$0x1FA30] =	vst v14;
	v11 =	vld.idx.msk [tilespmem:v11+s2+$0x0], $0xffff;
	v14 =	vsel vm15, $0x3F800000, v10;
	v19 =	vsel vm0, $0x3F800000, v10  }
0x23e: {  	[tilespmem:$0x1FA70] =	vst v48;
	v30 =	vld [tilespmem:$0x1F3D0];
	vm15 =	veq.s32 v37, $0x2;
	v15 =	vsel vm14, $0x3F800000, v10;
	v58 =	vmax.f32 v4, v6  }
0x23f: {  	v13 =	vld.idx.msk [tilespmem:v23+s2+$0x0], $0xffff;
	v23 =	vsel vm8, $0x3F800000, v10;
	vm14 =	veq.s32 v37, $0x4;
	[tilespmem:$0x1FA60] =	vst v14;
	v14 =	vmax.f32 v58, v7  }
0x240: {  	[tilespmem:$0x1FA00] =	vst v39;
	v21 =	vsel vm15, $0x3F800000, v10;
	vm15 =	vnez.u8 v22;
	v14 =	vmax.f32 v14, v2  }
0x241: {  	v48 =	vld [tilespmem:$0x1F3F0];
	[tilespmem:$0x1FA80] =	vst v51;
	v39 =	vsel vm14, $0x3F800000, v10;
	vm8 =	vnez.u8 v40;
	v14 =	vmax.f32 v14, v5  }
0x242: {  	[tilespmem:$0x1FAB0] =	vst v15;
	vm14 =	veq.s32 v37, $0x5;
	v22 =	vimm.s32 $0x0;
	v14 =	vmax.f32 v14, v11  }
0x243: {  	[tilespmem:$0x1FB00] =	vst v21;
	v15 =	vsel vm15, $0x3F800000, v10;
	vm15 =	vnez.u8 v30;
	v14 =	vmax.f32 v14, v12  }
0x244: {  	v41 =	vsel vm14, $0x3F800000, v10;
	[tilespmem:$0x1FAC0] =	vst v15;
	v15 =	vsel vm15, $0x3F800000, v10;
	v14 =	vmax.f32 v14, v13  }
0x245: {  	v51 =	vld [tilespmem:$0x1F400];
	v21 =	vimm.s32 $0x0;
	[tilespmem:$0x1FAD0] =	vst v15;
	v15 =	vsel vm8, $0x3F800000, v10;
	vm15 =	veq.f32 v13, v14  }
0x246: {  	vm14 =	veq.f32 v12, v14;
	v42 =	vsel vm15, $0x7, v25;
	vm15 =	vnez.u8 v48  }
0x247: {  	[tilespmem:$0x1FAE0] =	vst v15;
	vm8 =	veq.f32 v11, v14;
	v16 =	vsel vm15, $0x3F800000, v10;
	v15 =	vsel vm14, $0x6, v42  }
0x248: {  	vm14 =	veq.s32 v37, $0x6;
	vm15 =	veq.f32 v5, v14;
	v15 =	vsel vm8, $0x5, v15  }
0x249: {  	v49 =	vsel vm14, $0x3F800000, v10;
	vm14 =	veq.f32 v2, v14;
	v15 =	vsel vm15, $0x4, v15  }
0x24a: {  	vm8 =	veq.f32 v7, v14;
	vm15 =	vnez.u8 v51;
	v15 =	vsel vm14, $0x3, v15  }
0x24b: {  	[tilespmem:$0x1FB40] =	vst v16;
	v16 =	vsel vm15, $0x3F800000, v10;
	vm15 =	veq.f32 v6, v14;
	v15 =	vsel vm8, $0x2, v15  }
0x24c: {  	vm0 =	vne.f32 v4, v14;
	vm14 =	veq.s32 v37, $0x7;
	v15 =	vsel vm15, $0x1, v15  }
0x24d: {  	[tilespmem:$0x1FA50] =	vst v52;
	v52 =	vsel vm14, $0x3F800000, v10;
	vm14 =	vmand vm0, vm15;
	v58 =	vnsel vm0, $0x0, v15  }
0x24e: {  	[tilespmem:$0x1FA90] =	vst v60;
	v4 =	vnsel vm0, $0xFF800000, v4;
	v6 =	vsel vm14, $0xFF800000, v6;
	vm15 =	veq.s32 v58, $0x2  }
0x24f: {  	[tilespmem:$0x1FB10] =	vst v23;
	v60 =	vmax.f32 v4, v6;
	vm8 =	veq.s32 v58, $0x3;
	v7 =	vsel vm15, $0xFF800000, v7  }
0x250: {  	[tilespmem:$0x1FB50] =	vst v16;
	v16 =	vsel vm8, $0xFFFFFFFF, v20;
	v2 =	vsel vm8, $0xFF800000, v2;
	vm8 =	veq.s32 v58, $0x4  }
0x251: {  	v23 =	vimm.s32 $0x0;
	v37 =	vld [tilespmem:$0x1F410];
	[tilespmem:$0x1FBD0] =	vst v16;
	v15 =	vmax.f32 v60, v7;
	v16 =	vsel vm8, $0xFFFFFFFF, v21  }
0x252: {  	v5 =	vsel vm8, $0xFF800000, v5;
	vm8 =	veq.s32 v58, $0x5;
	v15 =	vmax.f32 v15, v2  }
0x253: {  	[tilespmem:$0x1FBE0] =	vst v16;
	v16 =	vsel vm8, $0xFFFFFFFF, v22;
	v11 =	vsel vm8, $0xFF800000, v11;
	vm8 =	veq.s32 v58, $0x6  }
0x254: {  	v56 =	vsel vm5, $0x0, v9;
	[tilespmem:$0x1FBF0] =	vst v16;
	v15 =	vmax.f32 v15, v5;
	v16 =	vsel vm8, $0xFFFFFFFF, v23  }
0x255: {  	v40 =	vld [tilespmem:$0x1F420];
	v12 =	vsel vm8, $0xFF800000, v12;
	vm8 =	veq.s32 v58, $0x7;
	v15 =	vmax.f32 v15, v11  }
0x256: {  	vm5 =	vnez.u8 v37;
	v13 =	vsel vm8, $0xFF800000, v13;
	v15 =	vmax.f32 v15, v12  }
0x257: {  	v22 =	vsel vm5, $0x3F800000, v10;
	vm5 =	veq.s32 v8, $0x2;
	v15 =	vmax.f32 v15, v13  }
0x258: {  	[tilespmem:$0x1FB30] =	vst v41;
	v30 =	vimm.s32 $0x0;
	v41 =	vsel vm5, $0x3F800000, v10;
	vm5 =	veq.f32 v11, v15;
	v11 =	vld [tilespmem:$0x1F430]  }
0x259: {  	[tilespmem:$0x1FC00] =	vst v16;
	v16 =	vsel vm8, $0xFFFFFFFF, v30;
	vm8 =	vmand vm6, vm13  }
0x25a: {  	vm13 =	vnez.u8 v40;
	v23 =	vsel vm8, $0x3F800000, v10;
	vm8 =	veq.f32 v13, v15  }
0x25b: {  	[tilespmem:$0x1FB70] =	vst v49;
	v49 =	vld [tilespmem:$0x1F440];
	v30 =	vsel vm13, $0x3F800000, v10;
	vm13 =	veq.f32 v12, v15;
	v13 =	vsel vm8, $0x7, v25  }
0x25c: {  	v51 =	vor.u32 $0x6001, v0;
	vm8 =	veq.f32 v5, v15;
	v42 =	vsel vm13, $0x6, v13  }
0x25d: {  	vm13 =	vnez.u8 v11;
	v11 =	vsel vm5, $0x5, v42;
	vm5 =	veq.s32 v8, $0x3  }
0x25e: {  	v21 =	vsel vm13, $0x3F800000, v10;
	v5 =	vsel vm8, $0x4, v11;
	vm13 =	veq.f32 v2, v15  }
0x25f: {  	v20 =	vsel vm5, $0x3F800000, v10;
	vm8 =	veq.f32 v7, v15;
	v2 =	vsel vm13, $0x3, v5  }
0x260: {  	vm5 =	veq.f32 v6, v15;
	vm13 =	vnez.u8 v49;
	v2 =	vsel vm8, $0x2, v2  }
0x261: {  	[tilespmem:$0x1FAA0] =	vst v19;
	v19 =	vsel vm13, $0x3F800000, v10;
	vm13 =	vne.f32 v4, v15;
	v2 =	vsel vm5, $0x1, v2  }
0x262: {  	v24 =	vnsel vm13, $0x0, v2;
	v2 =	vor.u32 $0x6003, v0;
	_ =	sdelay $0x1  }
0x263: {  	[tilespmem:$0x80B0] =	vst v58  }
0x264: {  	[tilespmem:$0x81B0] =	vst v24  }
0x265: {  	v58 =	vld.idx.msk [tilespmem:v51+s2+$0x0], $0xffff  }
0x266: {  	v51 =	vld.idx.msk [tilespmem:v2+s2+$0x0], $0xffff  }
0x267: {  	v2 =	vadd.f32 v29, v26;
	v26 =	vld [tilespmem:$0x1F480];
	_ =	sdelay $0x1  }
0x268: {  	[tilespmem:$0x1FB20] =	vst v39;
	v39 =	vsel vm6, $0x0, v9  }
0x269: {  	v43 =	vadd.f32 v45, v43;
	[tilespmem:$0x1FBA0] =	vst v39;
	v39 =	vor.u32 $0x6005, v0;
	_ =	sdelay $0x1  }
0x26a: {  	[tilespmem:$0x1FBB0] =	vst v41;
	v41 =	vadd.f32 v32, v31;
	v43 =	vadd.f32 v43, v26;
	v26 =	vld [tilespmem:$0x1F490]  }
0x26b: {  	v33 =	vadd.f32 v34, v33;
	v42 =	vadd.f32 v38, v35  }
0x26c: {  	v41 =	vadd.f32 v41, v57  }
0x26d: {  	v42 =	vadd.f32 v42, v63;
	v49 =	vld.idx.msk [tilespmem:v39+s2+$0x0], $0xffff;
	v39 =	vadd.f32 v33, v62  }
0x26e: {  	v41 =	vadd.f32 v59, v41  }
0x26f: {  	v59 =	vadd.f32 v61, v39;
	v61 =	vadd.f32 v26, v42;
	v26 =	vld [tilespmem:$0x1F4A0];
	_ =	sdelay $0x3  }
0x270: {  	v40 =	vor.u32 $0x6007, v0  }
0x271: {  	v43 =	vadd.f32 v26, v43;
	v26 =	vld [tilespmem:$0x1F4B0];
	_ =	sdelay $0x2  }
0x272: {  	v35 =	vadd.f32 v47, v36  }
0x273: {  	v2 =	vadd.f32 v2, v46;
	v46 =	vld.idx.msk [tilespmem:v40+s2+$0x0], $0xffff  }
0x274: {  	v40 =	vadd.f32 v35, v26;
	v26 =	vld [tilespmem:$0x1F4C0];
	_ =	sdelay $0x2  }
0x275: {  	v44 =	vadd.f32 v50, v44;
	_ =	sdelay $0x1  }
0x276: {  	v44 =	vadd.f32 v44, v26;
	v26 =	vld [tilespmem:$0x1F4D0];
	_ =	sdelay $0x2  }
0x277: {  	v2 =	vadd.f32 v54, v2;
	_ =	sdelay $0x1  }
0x278: {  	v63 =	vadd.f32 v2, v26;
	v26 =	vld [tilespmem:$0x1F510]  }
0x279: {  	v48 =	vor.u32 $0x6000, v0;
	v60 =	vld [tilespmem:$0x1F450]  }
0x27a: {  	[tilespmem:$0x1FB80] =	vst v52;
	v52 =	vor.u32 $0x6002, v0  }
0x27b: {  	v2 =	vld [tilespmem:$0x1F4E0]  }
0x27c: {  	v4 =	vor.u32 $0x6004, v0  }
0x27d: {  	vm6 =	veq.s32 v8, $0x4;
	v44 =	vadd.f32 v26, v44;
	v26 =	vld [tilespmem:$0x1F520]  }
0x27e: {  	v18 =	vsel vm6, $0x3F800000, v10;
	vm6 =	vnez.u8 v60;
	v60 =	vld.idx.msk [tilespmem:v48+s2+$0x0], $0xffff  }
0x27f: {  	[tilespmem:$0x1FB60] =	vst v56;
	v56 =	vld.idx.msk [tilespmem:v52+s2+$0x0], $0xffff;
	v29 =	vadd.f32 v28, v27  }
0x280: {  	v40 =	vadd.f32 v2, v40;
	v2 =	vld [tilespmem:$0x1F4F0]  }
0x281: {  	v6 =	vor.u32 $0x6006, v0;
	v52 =	vld.idx.msk [tilespmem:v4+s2+$0x0], $0xffff;
	v4 =	vadd.f32 v29, v53  }
0x282: {  	v45 =	vadd.f32 v26, v63;
	v26 =	vld [tilespmem:$0x1F530]  }
0x283: {  	v4 =	vadd.f32 v55, v4;
	_ =	sdelay $0x1  }
0x284: {  	v4 =	vadd.f32 v4, v2  }
0x285: {  	v48 =	vld.idx.msk [tilespmem:v6+s2+$0x0], $0xffff;
	v34 =	vmax.f32 v60, v58  }
0x286: {  	v6 =	vmax.f32 v34, v56;
	v28 =	vadd.f32 v26, v4;
	v26 =	vld [tilespmem:$0x1F550]  }
0x287: {  	v6 =	vmax.f32 v6, v51  }
0x288: {  	v6 =	vmax.f32 v6, v52  }
0x289: {  	v6 =	vmax.f32 v6, v49  }
0x28a: {  	v6 =	vmax.f32 v6, v48  }
0x28b: {  	v38 =	vmax.f32 v6, v46;
	v6 =	vadd.f32 v59, v26;
	v26 =	vld [tilespmem:$0x1F560];
	_ =	sdelay $0x2  }
0x28c: {  	v29 =	vld [tilespmem:$0x1F540];
	_ =	sdelay $0x1  }
0x28d: {  	v39 =	vadd.f32 v61, v26;
	v26 =	vld [tilespmem:$0x1F570];
	_ =	sdelay $0x2  }
0x28e: {  	v41 =	vadd.f32 v41, v29;
	_ =	sdelay $0x1  }
0x28f: {  	v41 =	vadd.f32 v26, v41;
	v26 =	vld [tilespmem:$0x1F580];
	_ =	sdelay $0x4  }
0x290: {  	v43 =	vadd.f32 v43, v26;
	v26 =	vld [tilespmem:$0x1F590];
	_ =	sdelay $0x4  }
0x291: {  	v31 =	vadd.f32 v26, v6;
	v26 =	vld [tilespmem:$0x1F5C0];
	_ =	sdelay $0x4  }
0x292: {  	v43 =	vadd.f32 v26, v43;
	v26 =	vld [tilespmem:$0x1F5D0];
	_ =	sdelay $0x4  }
0x293: {  	v40 =	vadd.f32 v40, v26;
	v26 =	vld [tilespmem:$0x1F5E0];
	_ =	sdelay $0x4  }
0x294: {  	v44 =	vadd.f32 v44, v26;
	v26 =	vld [tilespmem:$0x1F5F0];
	_ =	sdelay $0x4  }
0x295: {  	v45 =	vadd.f32 v45, v26;
	v26 =	vld [tilespmem:$0x1F600];
	_ =	sdelay $0x4  }
0x296: {  	v40 =	vadd.f32 v26, v40;
	v26 =	vld [tilespmem:$0x1F610];
	_ =	sdelay $0x4  }
0x297: {  	v47 =	vadd.f32 v28, v26;
	v26 =	vld [tilespmem:$0x1F620];
	_ =	sdelay $0x4  }
0x298: {  	v44 =	vadd.f32 v26, v44;
	v26 =	vld [tilespmem:$0x1F630];
	_ =	sdelay $0x4  }
0x299: {  	v45 =	vadd.f32 v26, v45;
	v26 =	vld [tilespmem:$0x1F640];
	_ =	sdelay $0x4  }
0x29a: {  	v47 =	vadd.f32 v26, v47;
	v26 =	vld [tilespmem:$0x1F650];
	_ =	sdelay $0x1  }
0x29b: {  	v13 =	vld [tilespmem:$0x1F470]  }
0x29c: {  	v12 =	vld [tilespmem:$0x1F460];
	_ =	sdelay $0x1  }
0x29d: {  	v15 =	vsel vm6, $0x3F800000, v10;
	vm6 =	veq.s32 v8, $0x5;
	v41 =	vadd.f32 v41, v26;
	v26 =	vld [tilespmem:$0x1F660]  }
0x29e: {  	[tilespmem:$0x1FC10] =	vst v16;
	v16 =	vsel vm6, $0x3F800000, v10;
	vm6 =	veq.s32 v8, $0x6  }
0x29f: {  	v17 =	vsel vm6, $0x3F800000, v10;
	vm6 =	vnez.u8 v13  }
0x2a0: {  	vm8 =	vnez.u8 v12;
	v12 =	vsel vm6, $0x3F800000, v10  }
0x2a1: {  	vm6 =	veq.s32 v8, $0x7;
	v8 =	vsel vm12, $0x3F800000, v10;
	vm12 =	veq.s32 v1, $0x2  }
0x2a2: {  	v4 =	vsel vm12, $0x3F800000, v10;
	vm12 =	vnez.u8 v26;
	v26 =	vld [tilespmem:$0x1F670];
	_ =	sdelay $0x2  }
0x2a3: {  	v32 =	vld [tilespmem:$0x1F5A0];
	_ =	sdelay $0x1  }
0x2a4: {  	v50 =	vadd.f32 v31, v26;
	v26 =	vld [tilespmem:$0x1F680];
	_ =	sdelay $0x2  }
0x2a5: {  	v39 =	vadd.f32 v32, v39;
	_ =	sdelay $0x1  }
0x2a6: {  	v39 =	vadd.f32 v39, v26;
	v26 =	vld [tilespmem:$0x1F690];
	_ =	sdelay $0x4  }
0x2a7: {  	v41 =	vadd.f32 v26, v41;
	v26 =	vld [tilespmem:$0x1F6A0];
	_ =	sdelay $0x4  }
0x2a8: {  	v43 =	vadd.f32 v43, v26;
	v26 =	vld [tilespmem:$0x1F6B0];
	_ =	sdelay $0x4  }
0x2a9: {  	v50 =	vadd.f32 v26, v50;
	v26 =	vld [tilespmem:$0x1F6C0];
	_ =	sdelay $0x4  }
0x2aa: {  	v39 =	vadd.f32 v26, v39;
	v26 =	vld [tilespmem:$0x1F6D0];
	_ =	sdelay $0x4  }
0x2ab: {  	v43 =	vadd.f32 v26, v43;
	v26 =	vld [tilespmem:$0x1F6E0];
	_ =	sdelay $0x4  }
0x2ac: {  	v40 =	vadd.f32 v40, v26;
	v26 =	vld [tilespmem:$0x1F6F0];
	_ =	sdelay $0x4  }
0x2ad: {  	v44 =	vadd.f32 v44, v26;
	v26 =	vld [tilespmem:$0x1F700];
	_ =	sdelay $0x4  }
0x2ae: {  	v45 =	vadd.f32 v45, v26;
	v26 =	vld [tilespmem:$0x1F710];
	_ =	sdelay $0x1  }
0x2af: {  	v13 =	vsel vm6, $0x3F800000, v10;
	vm6 =	veq.f32 v46, v38  }
0x2b0: {  	v14 =	vsel vm8, $0x3F800000, v10;
	vm8 =	veq.f32 v48, v38;
	v62 =	vsel vm6, $0x7, v25  }
0x2b1: {  	v42 =	vsel vm8, $0x6, v62;
	vm8 =	veq.s32 v1, $0x3  }
0x2b2: {  	v63 =	vsel vm8, $0x3F800000, v10;
	vm8 =	vnez.u8 v26;
	v26 =	vld [tilespmem:$0x1F720];
	_ =	sdelay $0x4  }
0x2b3: {  	v40 =	vadd.f32 v26, v40;
	v26 =	vld [tilespmem:$0x1F730];
	_ =	sdelay $0x4  }
0x2b4: {  	v47 =	vadd.f32 v47, v26;
	v26 =	vld [tilespmem:$0x1F740];
	_ =	sdelay $0x4  }
0x2b5: {  	v44 =	vadd.f32 v26, v44;
	v26 =	vld [tilespmem:$0x1F750];
	_ =	sdelay $0x4  }
0x2b6: {  	v45 =	vadd.f32 v26, v45;
	v26 =	vld [tilespmem:$0x1F760];
	_ =	sdelay $0x4  }
0x2b7: {  	v47 =	vadd.f32 v26, v47;
	v26 =	vld [tilespmem:$0x1F770];
	_ =	sdelay $0x4  }
0x2b8: {  	v41 =	vadd.f32 v41, v26;
	v26 =	vld [tilespmem:$0x1F780];
	_ =	sdelay $0x4  }
0x2b9: {  	v62 =	vsel vm12, $0x3F800000, v10;
	vm12 =	vnez.u8 v26;
	v26 =	vld [tilespmem:$0x1F790];
	_ =	sdelay $0x4  }
0x2ba: {  	v50 =	vadd.f32 v50, v26;
	v26 =	vld [tilespmem:$0x1F7A0];
	_ =	sdelay $0x4  }
0x2bb: {  	v39 =	vadd.f32 v39, v26;
	v26 =	vld [tilespmem:$0x1F7B0];
	_ =	sdelay $0x4  }
0x2bc: {  	v41 =	vadd.f32 v26, v41;
	v26 =	vld [tilespmem:$0x1F7C0];
	_ =	sdelay $0x4  }
0x2bd: {  	v43 =	vadd.f32 v43, v26;
	v26 =	vld [tilespmem:$0x1F7D0];
	_ =	sdelay $0x4  }
0x2be: {  	v36 =	vadd.f32 v26, v50;
	v26 =	vld [tilespmem:$0x1F7E0]  }
0x2bf: {  	v33 =	vld [tilespmem:$0x1F5B0]  }
0x2c0: {  	v2 =	vld [tilespmem:$0x1F500];
	_ =	sdelay $0x2  }
0x2c1: {  	v11 =	vsel vm4, $0x0, v9;
	vm4 =	vmand vm4, vm9;
	v39 =	vadd.f32 v26, v39;
	v26 =	vld [tilespmem:$0x1F7F0]  }
0x2c2: {  	v5 =	vsel vm4, $0x3F800000, v10  }
0x2c3: {  	vm4 =	veq.f32 v49, v38;
	vm6 =	vnez.u8 v33;
	vm9 =	vnez.u8 v2  }
0x2c4: {  	v42 =	vsel vm4, $0x5, v42;
	v2 =	vsel vm9, $0x3F800000, v10;
	vm9 =	veq.f32 v52, v38  }
0x2c5: {  	v42 =	vsel vm9, $0x4, v42;
	v6 =	vsel vm6, $0x3F800000, v10;
	vm6 =	veq.f32 v51, v38  }
0x2c6: {  	v42 =	vsel vm6, $0x3, v42;
	vm6 =	vnez.u8 v26;
	v26 =	vld [tilespmem:$0x1F800];
	_ =	sdelay $0x4  }
0x2c7: {  	v35 =	vadd.f32 v26, v43;
	v26 =	vld [tilespmem:$0x1F810];
	_ =	sdelay $0x4  }
0x2c8: {  	v40 =	vadd.f32 v40, v26;
	v26 =	vld [tilespmem:$0x1F820];
	_ =	sdelay $0x4  }
0x2c9: {  	v34 =	vadd.f32 v44, v26;
	v26 =	vld [tilespmem:$0x1F830];
	_ =	sdelay $0x4  }
0x2ca: {  	v45 =	vadd.f32 v45, v26;
	v26 =	vld [tilespmem:$0x1F850];
	_ =	sdelay $0x4  }
0x2cb: {  	v37 =	vadd.f32 v47, v26;
	v26 =	vld [tilespmem:$0x1F860];
	_ =	sdelay $0x4  }
0x2cc: {  	v31 =	vadd.f32 v26, v34;
	v26 =	vld [tilespmem:$0x1F870];
	_ =	sdelay $0x4  }
0x2cd: {  	v32 =	vadd.f32 v26, v45;
	v26 =	vld [tilespmem:$0x1F880];
	_ =	sdelay $0x4  }
0x2ce: {  	v33 =	vadd.f32 v26, v37;
	v26 =	vld [tilespmem:$0x1F890];
	_ =	sdelay $0x4  }
0x2cf: {  	v34 =	vadd.f32 v41, v26;
	v26 =	vld [tilespmem:$0x1F8A0];
	_ =	sdelay $0x4  }
0x2d0: {  	v36 =	vadd.f32 v36, v26;
	v26 =	vld [tilespmem:$0x1F8B0];
	_ =	sdelay $0x4  }
0x2d1: {  	v39 =	vadd.f32 v39, v26;
	v26 =	vld [tilespmem:$0x1F8C0];
	_ =	sdelay $0x4  }
0x2d2: {  	v34 =	vadd.f32 v26, v34;
	v26 =	vld [tilespmem:$0x1F8D0];
	_ =	sdelay $0x4  }
0x2d3: {  	v35 =	vadd.f32 v35, v26;
	v26 =	vld [tilespmem:$0x1F8E0];
	_ =	sdelay $0x4  }
0x2d4: {  	v36 =	vadd.f32 v26, v36;
	v26 =	vld [tilespmem:$0x1F8F0];
	_ =	sdelay $0x4  }
0x2d5: {  	v29 =	vadd.f32 v26, v39;
	v26 =	vld [tilespmem:$0x1F900]  }
0x2d6: {  	vm4 =	veq.s32 v1, $0x4  }
0x2d7: {  	vm9 =	veq.s32 v1, $0x5;
	v61 =	vsel vm4, $0x3F800000, v10  }
0x2d8: {  	vm4 =	veq.s32 v1, $0x6;
	v57 =	vsel vm8, $0x3F800000, v10;
	vm8 =	veq.s32 v1, $0x7;
	v1 =	vld [tilespmem:$0x1F840];
	_ =	sdelay $0x1  }
0x2d9: {  	v35 =	vadd.f32 v26, v35;
	v26 =	vld [tilespmem:$0x1F910];
	_ =	sdelay $0x2  }
0x2da: {  	v1 =	vadd.f32 v1, v40;
	_ =	sdelay $0x1  }
0x2db: {  	v1 =	vadd.f32 v1, v26;
	v26 =	vld [tilespmem:$0x1F920];
	_ =	sdelay $0x4  }
0x2dc: {  	v31 =	vadd.f32 v31, v26;
	v26 =	vld [tilespmem:$0x1F930];
	_ =	sdelay $0x4  }
0x2dd: {  	v32 =	vadd.f32 v32, v26;
	v26 =	vld [tilespmem:$0x1F940];
	_ =	sdelay $0x4  }
0x2de: {  	v1 =	vadd.f32 v26, v1;
	v26 =	vld [tilespmem:$0x1F950];
	_ =	sdelay $0x4  }
0x2df: {  	v31 =	vadd.f32 v26, v31;
	v26 =	vld [tilespmem:$0x1F960];
	_ =	sdelay $0x4  }
0x2e0: {  	v32 =	vadd.f32 v26, v32;
	v26 =	vld [tilespmem:$0x1F970];
	_ =	sdelay $0x4  }
0x2e1: {  	v53 =	vsel vm6, $0x3F800000, v10;
	vm6 =	vnez.u8 v26;
	v26 =	vld [tilespmem:$0x1F980]  }
0x2e2: {  	v54 =	vsel vm9, $0x3F800000, v10;
	v43 =	vsel vm10, $0x3F800000, v10;
	vm10 =	veq.f32 v56, v38  }
0x2e3: {  	vm9 =	vmand vm3, vm7;
	vm7 =	veq.f32 v58, v38;
	v28 =	vsel vm10, $0x2, v42  }
0x2e4: {  	vm10 =	vne.f32 v60, v38;
	v28 =	vsel vm7, $0x1, v28  }
0x2e5: {  	v28 =	vnsel vm10, $0x0, v28;
	v40 =	vsel vm11, $0x3F800000, v10  }
0x2e6: {  	vm11 =	veq.s32 v28, $0x7;
	v33 =	vadd.f32 v33, v26;
	v26 =	vimm.s32 $0x0  }
0x2e7: {  	v26 =	vsel vm11, $0xFFFFFFFF, v26  }
0x2e8: {  	[tilespmem:$0x1FC20] =	vst v26;
	v26 =	vld [tilespmem:$0x1F990];
	_ =	sdelay $0x4  }
0x2e9: {  	v33 =	vadd.f32 v26, v33;
	v26 =	vld [tilespmem:$0x1F9A0];
	_ =	sdelay $0x4  }
0x2ea: {  	v34 =	vadd.f32 v34, v26;
	v26 =	vld [tilespmem:$0x1F9B0];
	_ =	sdelay $0x4  }
0x2eb: {  	v36 =	vadd.f32 v36, v26;
	v26 =	vld [tilespmem:$0x1F9C0];
	_ =	sdelay $0x4  }
0x2ec: {  	v29 =	vadd.f32 v29, v26;
	v26 =	vld [tilespmem:$0x1F9D0];
	_ =	sdelay $0x4  }
0x2ed: {  	v35 =	vadd.f32 v35, v26;
	v26 =	vld [tilespmem:$0x1F9E0];
	_ =	sdelay $0x4  }
0x2ee: {  	v34 =	vadd.f32 v26, v34;
	v26 =	vld [tilespmem:$0x1F9F0];
	_ =	sdelay $0x4  }
0x2ef: {  	v36 =	vadd.f32 v26, v36;
	v26 =	vld [tilespmem:$0x1FA00];
	_ =	sdelay $0x4  }
0x2f0: {  	v29 =	vadd.f32 v26, v29;
	v26 =	vld [tilespmem:$0x1FA10];
	_ =	sdelay $0x4  }
0x2f1: {  	v35 =	vadd.f32 v26, v35;
	v26 =	vld [tilespmem:$0x1FA20];
	_ =	sdelay $0x4  }
0x2f2: {  	v1 =	vadd.f32 v1, v26;
	v26 =	vld [tilespmem:$0x1FA30];
	_ =	sdelay $0x4  }
0x2f3: {  	v31 =	vadd.f32 v31, v26;
	v26 =	vld [tilespmem:$0x1FA40];
	_ =	sdelay $0x4  }
0x2f4: {  	v46 =	vsel vm11, $0xFF800000, v46;
	vm11 =	vnez.u8 v26;
	v26 =	vld [tilespmem:$0x1FA50];
	_ =	sdelay $0x4  }
0x2f5: {  	v32 =	vadd.f32 v32, v26;
	v26 =	vld [tilespmem:$0x1FA60];
	_ =	sdelay $0x4  }
0x2f6: {  	v33 =	vadd.f32 v33, v26;
	v26 =	vld [tilespmem:$0x1FA70];
	_ =	sdelay $0x4  }
0x2f7: {  	v1 =	vadd.f32 v26, v1;
	v26 =	vld [tilespmem:$0x1FA80];
	_ =	sdelay $0x4  }
0x2f8: {  	v31 =	vadd.f32 v26, v31;
	v26 =	vld [tilespmem:$0x1FA90];
	_ =	sdelay $0x4  }
0x2f9: {  	v32 =	vadd.f32 v26, v32;
	v26 =	vld [tilespmem:$0x1FAA0];
	_ =	sdelay $0x3  }
0x2fa: {  	v7 =	vsel vm2, $0x0, v9  }
0x2fb: {  	v50 =	vsel vm8, $0x3F800000, v10;
	vm8 =	vmand vm10, vm7;
	v33 =	vadd.f32 v26, v33;
	v26 =	vld [tilespmem:$0x1FAB0]  }
0x2fc: {  	v38 =	vnsel vm10, $0xFF800000, v60;
	v58 =	vsel vm8, $0xFF800000, v58;
	vm7 =	veq.s32 v28, $0x2  }
0x2fd: {  	v59 =	vsel vm4, $0x3F800000, v10;
	v60 =	vmax.f32 v38, v58;
	v56 =	vsel vm7, $0xFF800000, v56  }
0x2fe: {  	vm4 =	veq.s32 v3, $0x3;
	v60 =	vmax.f32 v60, v56;
	v47 =	vsel vm3, $0x0, v9  }
0x2ff: {  	v39 =	vsel vm4, $0x3F800000, v10;
	v41 =	vsel vm6, $0x3F800000, v10;
	vm6 =	veq.s32 v28, $0x3  }
0x300: {  	vm4 =	veq.s32 v28, $0x4;
	v51 =	vsel vm6, $0xFF800000, v51;
	v34 =	vadd.f32 v34, v26;
	v26 =	vld [tilespmem:$0x1FAC0]  }
0x301: {  	vm3 =	veq.s32 v28, $0x5;
	v52 =	vsel vm4, $0xFF800000, v52;
	v60 =	vmax.f32 v60, v51  }
0x302: {  	vm2 =	veq.s32 v28, $0x6;
	v49 =	vsel vm3, $0xFF800000, v49;
	v37 =	vld [tilespmem:$0x1FB40];
	v60 =	vmax.f32 v60, v52  }
0x303: {  	v48 =	vsel vm2, $0xFF800000, v48;
	v60 =	vmax.f32 v60, v49  }
0x304: {  	v55 =	vsel vm12, $0x3F800000, v10;
	v60 =	vmax.f32 v60, v48  }
0x305: {  	vm12 =	veq.s32 v3, $0x2;
	v60 =	vmax.f32 v60, v46;
	v36 =	vadd.f32 v36, v26;
	v26 =	vld [tilespmem:$0x1FAD0]  }
0x306: {  	v42 =	vsel vm12, $0x3F800000, v10;
	v44 =	vsel vm1, $0x0, v9;
	vm12 =	veq.f32 v46, v60  }
0x307: {  	vm1 =	veq.f32 v48, v60;
	v46 =	vsel vm12, $0x7, v25;
	v1 =	vadd.f32 v1, v37;
	v37 =	vld [tilespmem:$0x1FB50]  }
0x308: {  	v46 =	vsel vm1, $0x6, v46;
	vm1 =	veq.f32 v49, v60  }
0x309: {  	v46 =	vsel vm1, $0x5, v46;
	vm1 =	veq.f32 v52, v60;
	v52 =	vld [tilespmem:$0x1FB80]  }
0x30a: {  	v29 =	vadd.f32 v29, v26;
	v26 =	vld [tilespmem:$0x1FAE0];
	_ =	sdelay $0x1  }
0x30b: {  	v31 =	vadd.f32 v31, v37  }
0x30c: {  	v37 =	vld [tilespmem:$0x1FB60]  }
0x30d: {  	v31 =	vadd.f32 v52, v31;
	v52 =	vld [tilespmem:$0x1FBA0]  }
0x30e: {  	v35 =	vadd.f32 v35, v26;
	v26 =	vld [tilespmem:$0x1FAF0];
	_ =	sdelay $0x2  }
0x30f: {  	v32 =	vadd.f32 v32, v37  }
0x310: {  	v12 =	vadd.f32 v31, v12  }
0x311: {  	v48 =	vsel vm11, $0x3F800000, v10;
	v32 =	vadd.f32 v52, v32;
	vm11 =	vnez.u8 v26;
	v26 =	vld [tilespmem:$0x1FB00]  }
0x312: {  	v12 =	vadd.f32 v13, v12  }
0x313: {  	v7 =	vadd.f32 v32, v7;
	v22 =	vadd.f32 v33, v22;
	v33 =	vsel vm1, $0x4, v46;
	v46 =	vld [tilespmem:$0x1FB70]  }
0x314: {  	vm5 =	vmand vm13, vm5;
	v45 =	vsel vm9, $0x3F800000, v10;
	vm9 =	vne.f32 v38, v60  }
0x315: {  	vm12 =	veq.s32 v3, $0x4;
	v37 =	vld [tilespmem:$0x1FBB0];
	v12 =	vadd.f32 v12, v53;
	v7 =	vadd.f32 v11, v7  }
0x316: {  	v27 =	vsel vm12, $0x3F800000, v10;
	v22 =	vadd.f32 v23, v22;
	v34 =	vadd.f32 v26, v34;
	v26 =	vld [tilespmem:$0x1FB10]  }
0x317: {  	vm12 =	veq.s32 v3, $0x5;
	v12 =	vadd.f32 v50, v12;
	v7 =	vadd.f32 v7, v44  }
0x318: {  	v31 =	vor.u32 $0x7006, v0;
	v8 =	vadd.f32 v22, v8;
	v1 =	vadd.f32 v46, v1  }
0x319: {  	v53 =	vor.u32 $0x6804, v0;
	v7 =	vadd.f32 v47, v7;
	v34 =	vadd.f32 v34, v30  }
0x31a: {  	vm1 =	veq.f32 v51, v60;
	v5 =	vadd.f32 v5, v8;
	v1 =	vadd.f32 v1, v14  }
0x31b: {  	v11 =	vsel vm0, $0x0, v9;
	v23 =	vadd.f32 v37, v34;
	v36 =	vadd.f32 v26, v36;
	v26 =	vld [tilespmem:$0x1FB20]  }
0x31c: {  	v51 =	vor.u32 $0x6801, v0;
	v46 =	vld [tilespmem:$0x1FB90];
	v7 =	vadd.f32 v7, v11;
	v5 =	vadd.f32 v5, v43  }
0x31d: {  	v52 =	vsel vm1, $0x3, v33;
	v1 =	vadd.f32 v17, v1;
	v2 =	vadd.f32 v23, v2  }
0x31e: {  	vm1 =	veq.s32 v3, $0x7;
	v5 =	vadd.f32 v45, v5;
	v36 =	vadd.f32 v36, v21  }
0x31f: {  	vm0 =	veq.f32 v58, v60;
	v17 =	vadd.f32 v1, v55;
	v2 =	vadd.f32 v4, v2  }
0x320: {  	v55 =	vor.u32 $0x6806, v0;
	v20 =	vadd.f32 v20, v36;
	v29 =	vadd.f32 v26, v29;
	v26 =	vld [tilespmem:$0x1FB30]  }
0x321: {  	v17 =	vadd.f32 v59, v17;
	v49 =	vsel vm11, $0x3F800000, v10;
	vm11 =	vnez.u8 v46  }
0x322: {  	v46 =	vsel vm11, $0x3F800000, v10;
	v30 =	vld [tilespmem:$0x1FBC0];
	v2 =	vadd.f32 v2, v40;
	v6 =	vadd.f32 v20, v6  }
0x323: {  	v17 =	vadd.f32 v17, v46;
	v37 =	vor.u32 $0x6800, v0;
	v19 =	vadd.f32 v29, v19  }
0x324: {  	v2 =	vadd.f32 v42, v2;
	v29 =	vor.u32 $0x7005, v0;
	v34 =	vadd.f32 v63, v6  }
0x325: {  	v18 =	vadd.f32 v18, v19;
	v35 =	vadd.f32 v26, v35;
	v26 =	vsel vm12, $0x3F800000, v10  }
0x326: {  	vm12 =	veq.s32 v3, $0x6;
	v3 =	vsel vm1, $0x3F800000, v10;
	v4 =	vadd.f32 v34, v41  }
0x327: {  	vm1 =	veq.s32 v24, $0x2;
	v21 =	vsel vm12, $0x3F800000, v10;
	vm12 =	vnez.u8 v30  }
0x328: {  	v32 =	vadd.f32 v18, v62;
	v30 =	vsel vm5, $0x3F800000, v10;
	v11 =	vsel vm1, $0x3F800000, v10  }
0x329: {  	vm1 =	veq.s32 v24, $0x5;
	v15 =	vadd.f32 v35, v15;
	v4 =	vadd.f32 v39, v4  }
0x32a: {  	v46 =	vsel vm1, $0x3F800000, v10;
	v17 =	vadd.f32 v21, v17;
	v35 =	vadd.f32 v61, v32  }
0x32b: {  	v62 =	vld [tilespmem:$0x1FBE0];
	v15 =	vadd.f32 v16, v15;
	v16 =	vsel vm12, $0x3F800000, v10;
	vm12 =	veq.f32 v56, v60  }
0x32c: {  	v56 =	vor.u32 $0x6807, v0;
	v8 =	vsel vm12, $0x2, v52;
	v52 =	vor.u32 $0x6803, v0  }
0x32d: {  	v6 =	vadd.f32 v35, v48;
	v12 =	vadd.f32 v12, v16;
	vm12 =	veq.s32 v24, $0x3  }
0x32e: {  	v33 =	vadd.f32 v15, v57;
	v15 =	vsel vm14, $0x3F800000, v10;
	v1 =	vsel vm0, $0x1, v8  }
0x32f: {  	v60 =	vld [tilespmem:$0x1FBD0];
	v8 =	vor.u32 $0x6802, v0;
	v57 =	vsel vm13, $0x0, v9;
	v61 =	vsel vm12, $0x3F800000, v10  }
0x330: {  	vm13 =	veq.s32 v24, $0x4;
	vm14 =	vnez.u8 v62;
	v62 =	vor.u32 $0x7002, v0  }
0x331: {  	[tilespmem:$0x80C0] =	vst v28;
	v50 =	vld [tilespmem:$0x1FC10];
	v1 =	vnsel vm9, $0x0, v1;
	v6 =	vadd.f32 v27, v6;
	v32 =	vsel vm14, $0x3F800000, v10  }
0x332: {  	v47 =	vld [tilespmem:$0x1FC00];
	v63 =	vsel vm13, $0x3F800000, v10;
	v3 =	vadd.f32 v3, v12;
	v7 =	vadd.f32 v57, v7;
	[tilespmem:$0x81C0] =	vst v1  }
0x333: {  	vm13 =	veq.s32 v24, $0x6;
	v5 =	vadd.f32 v5, v15;
	v36 =	vadd.f32 v54, v33;
	v14 =	vld.idx.msk [tilespmem:v37+s2+$0x0], $0xffff  }
0x334: {  	v54 =	vor.u32 $0x6805, v0;
	v20 =	vld.idx.msk [tilespmem:v53+s2+$0x0], $0xffff;
	vm11 =	vnez.u8 v60;
	v53 =	vsel vm9, $0x0, v9  }
0x335: {  	v18 =	vld.idx.msk [tilespmem:v51+s2+$0x0], $0xffff;
	v6 =	vadd.f32 v6, v32;
	v5 =	vadd.f32 v30, v5;
	v30 =	vsel vm7, $0x3F800000, v10  }
0x336: {  	vm7 =	veq.s32 v1, $0x2;
	v32 =	vor.u32 $0x7007, v0;
	v13 =	vadd.f32 v36, v49;
	v8 =	vld.idx.msk [tilespmem:v8+s2+$0x0], $0xffff  }
0x337: {  	v19 =	vld.idx.msk [tilespmem:v52+s2+$0x0], $0xffff;
	v28 =	vsel vm11, $0x3F800000, v10;
	vm11 =	vnez.u8 v47;
	v49 =	vsel vm13, $0x3F800000, v10  }
0x338: {  	v45 =	vld [tilespmem:$0x1FBF0];
	vm13 =	veq.s32 v24, $0x7;
	v52 =	vsel vm10, $0x0, v9;
	v33 =	vsel vm7, $0x3F800000, v10  }
0x339: {  	vm7 =	veq.s32 v1, $0x3;
	v36 =	vsel vm11, $0x3F800000, v10;
	vm11 =	vnez.u8 v50;
	v22 =	vld.idx.msk [tilespmem:v54+s2+$0x0], $0xffff  }
0x33a: {  	v58 =	vld.idx.msk [tilespmem:v55+s2+$0x0], $0xffff;
	v51 =	vsel vm13, $0x3F800000, v10;
	v4 =	vadd.f32 v4, v28;
	v59 =	vmax.f32 v14, v18  }
0x33b: {  	v27 =	vld.idx.msk [tilespmem:v56+s2+$0x0], $0xffff;
	v6 =	vadd.f32 v63, v6;
	v63 =	vor.u32 $0x7003, v0;
	v23 =	vmax.f32 v59, v8  }
0x33c: {  	v28 =	vor.u32 $0x7004, v0;
	v7 =	vadd.f32 v7, v52;
	v23 =	vmax.f32 v23, v19  }
0x33d: {  	v35 =	vsel vm7, $0x3F800000, v10;
	vm7 =	veq.s32 v1, $0x5;
	v23 =	vmax.f32 v23, v20  }
0x33e: {  	v13 =	vadd.f32 v26, v13;
	v26 =	vsel vm15, $0x3F800000, v10;
	v23 =	vmax.f32 v23, v22  }
0x33f: {  	vm15 =	vnez.u8 v45;
	v39 =	vsel vm11, $0x3F800000, v10;
	v23 =	vmax.f32 v23, v58  }
0x340: {  	v41 =	vsel vm7, $0x3F800000, v10;
	v34 =	vsel vm15, $0x3F800000, v10;
	v23 =	vmax.f32 v23, v27  }
0x341: {  	v54 =	vimm.s32 $0x0;
	v2 =	vadd.f32 v2, v26;
	vm12 =	veq.f32 v27, v23  }
0x342: {  	v4 =	vadd.f32 v61, v4;
	vm14 =	veq.f32 v58, v23;
	v48 =	vsel vm12, $0x7, v25  }
0x343: {  	v61 =	vor.u32 $0x7001, v0;
	vm15 =	veq.f32 v22, v23;
	v37 =	vsel vm14, $0x6, v48  }
0x344: {  	v3 =	vadd.f32 v3, v39;
	vm12 =	veq.f32 v20, v23;
	v37 =	vsel vm15, $0x5, v37  }
0x345: {  	v7 =	vadd.f32 v53, v7;
	vm14 =	veq.f32 v19, v23;
	v24 =	vsel vm12, $0x4, v37  }
0x346: {  	v39 =	vsel vm3, $0x3F800000, v10;
	vm15 =	veq.f32 v8, v23;
	v24 =	vsel vm14, $0x3, v24  }
0x347: {  	v13 =	vadd.f32 v13, v34;
	vm1 =	veq.f32 v18, v23;
	v24 =	vsel vm15, $0x2, v24  }
0x348: {  	v34 =	vsel vm6, $0x3F800000, v10;
	vm14 =	vne.f32 v14, v23;
	v24 =	vsel vm1, $0x1, v24  }
0x349: {  	vm15 =	vmand vm9, vm0;
	vm13 =	vmand vm14, vm1;
	v23 =	vnsel vm14, $0x0, v24  }
0x34a: {  	v14 =	vnsel vm14, $0xFF800000, v14;
	v18 =	vsel vm13, $0xFF800000, v18;
	vm12 =	veq.s32 v23, $0x2  }
0x34b: {  	v24 =	vmax.f32 v14, v18;
	vm11 =	veq.s32 v23, $0x3;
	v8 =	vsel vm12, $0xFF800000, v8  }
0x34c: {  	vm10 =	veq.s32 v23, $0x4;
	v19 =	vsel vm11, $0xFF800000, v19;
	v24 =	vmax.f32 v24, v8  }
0x34d: {  	vm9 =	veq.s32 v23, $0x5;
	v20 =	vsel vm10, $0xFF800000, v20;
	v24 =	vmax.f32 v24, v19  }
0x34e: {  	v43 =	vld [tilespmem:$0x1FC20];
	vm5 =	veq.s32 v23, $0x6;
	v22 =	vsel vm9, $0xFF800000, v22;
	v24 =	vmax.f32 v24, v20  }
0x34f: {  	vm0 =	veq.s32 v23, $0x7;
	v16 =	vsel vm5, $0xFF800000, v58;
	v24 =	vmax.f32 v24, v22  }
0x350: {  	vm6 =	veq.s32 v1, $0x4;
	v55 =	vsel vm0, $0xFF800000, v27;
	v24 =	vmax.f32 v24, v16  }
0x351: {  	v11 =	vadd.f32 v11, v2;
	v3 =	vadd.f32 v51, v3;
	v56 =	vmax.f32 v24, v55  }
0x352: {  	v4 =	vadd.f32 v4, v34;
	v38 =	vsel vm6, $0x3F800000, v10;
	vm1 =	veq.f32 v55, v56  }
0x353: {  	vm6 =	vnez.u8 v43;
	v57 =	vsel vm1, $0x7, v25;
	vm1 =	veq.f32 v16, v56  }
0x354: {  	v58 =	vsel vm8, $0x3F800000, v10;
	vm8 =	veq.f32 v22, v56;
	v2 =	vsel vm1, $0x6, v57  }
0x355: {  	v59 =	vadd.f32 v17, v36;
	v2 =	vsel vm8, $0x5, v2;
	vm8 =	veq.f32 v20, v56  }
0x356: {  	v60 =	vsel vm15, $0x3F800000, v10;
	v2 =	vsel vm8, $0x4, v2;
	vm8 =	veq.f32 v19, v56  }
0x357: {  	vm15 =	veq.f32 v8, v56;
	v8 =	vor.u32 $0x7000, v0;
	v2 =	vsel vm8, $0x3, v2  }
0x358: {  	v13 =	vadd.f32 v46, v13;
	vm8 =	veq.f32 v18, v56;
	v2 =	vsel vm15, $0x2, v2  }
0x359: {  	v36 =	vsel vm4, $0x3F800000, v10;
	vm15 =	vne.f32 v14, v56;
	v2 =	vsel vm8, $0x1, v2  }
0x35a: {  	v11 =	vadd.f32 v11, v30;
	v6 =	vadd.f32 v6, v36;
	[tilespmem:$0x80D0] =	vst v23;
	v2 =	vnsel vm15, $0x0, v2  }
0x35b: {  	vm4 =	veq.s32 v1, $0x6;
	v4 =	vadd.f32 v35, v4;
	v13 =	vadd.f32 v13, v39;
	[tilespmem:$0x81D0] =	vst v2  }
0x35c: {  	v44 =	vsel vm4, $0x3F800000, v10;
	vm4 =	veq.s32 v1, $0x7;
	v11 =	vadd.f32 v33, v11;
	v8 =	vld.idx.msk [tilespmem:v8+s2+$0x0], $0xffff  }
0x35d: {  	v45 =	vsel vm4, $0x3F800000, v10;
	v6 =	vadd.f32 v38, v6;
	v13 =	vadd.f32 v41, v13;
	v18 =	vld.idx.msk [tilespmem:v61+s2+$0x0], $0xffff  }
0x35e: {  	v26 =	vsel vm13, $0x3F800000, v10;
	v42 =	vsel vm0, $0xFFFFFFFF, v54;
	v5 =	vadd.f32 v5, v58;
	v12 =	vld.idx.msk [tilespmem:v62+s2+$0x0], $0xffff  }
0x35f: {  	v47 =	vsel vm12, $0x3F800000, v10;
	v51 =	vsel vm10, $0x3F800000, v10;
	v54 =	vsel vm9, $0x3F800000, v10;
	v14 =	vld.idx.msk [tilespmem:v63+s2+$0x0], $0xffff  }
0x360: {  	[tilespmem:$0x1FC30] =	vst v42;
	v42 =	vsel vm2, $0x3F800000, v10;
	v11 =	vadd.f32 v11, v47;
	v5 =	vadd.f32 v60, v5;
	v19 =	vld.idx.msk [tilespmem:v28+s2+$0x0], $0xffff  }
0x361: {  	v58 =	vor.u32 $0x7801, v0;
	v6 =	vadd.f32 v6, v51;
	v60 =	vor.u32 $0x7804, v0;
	v20 =	vld.idx.msk [tilespmem:v29+s2+$0x0], $0xffff  }
0x362: {  	v5 =	vadd.f32 v5, v26;
	v24 =	vsel vm14, $0x0, v9;
	v21 =	vld.idx.msk [tilespmem:v31+s2+$0x0], $0xffff;
	v37 =	vmax.f32 v8, v18  }
0x363: {  	v7 =	vadd.f32 v7, v24;
	v16 =	vadd.f32 v49, v59;
	v15 =	vld.idx.msk [tilespmem:v32+s2+$0x0], $0xffff;
	v22 =	vmax.f32 v37, v12  }
0x364: {  	v49 =	vsel vm11, $0x3F800000, v10;
	v59 =	vor.u32 $0x7802, v0;
	v22 =	vmax.f32 v22, v14  }
0x365: {  	v57 =	vor.u32 $0x7800, v0;
	v4 =	vadd.f32 v4, v49;
	v40 =	vmax.f32 v22, v19  }
0x366: {  	v16 =	vadd.f32 v16, v42;
	v56 =	vsel vm5, $0x3F800000, v10;
	v17 =	vmax.f32 v40, v20  }
0x367: {  	v24 =	vsel vm15, $0x0, v9;
	vm8 =	vmand vm15, vm8;
	v17 =	vmax.f32 v17, v21  }
0x368: {  	v46 =	vsel vm8, $0x3F800000, v10;
	v7 =	vadd.f32 v24, v7;
	v17 =	vmax.f32 v17, v15  }
0x369: {  	vm0 =	veq.s32 v2, $0x2;
	vm10 =	veq.s32 v2, $0x5;
	vm7 =	veq.f32 v15, v17  }
0x36a: {  	v22 =	vsel vm6, $0x3F800000, v10;
	vm6 =	veq.f32 v21, v17;
	v1 =	vsel vm7, $0x7, v25  }
0x36b: {  	v5 =	vadd.f32 v46, v5;
	vm7 =	veq.f32 v20, v17;
	v1 =	vsel vm6, $0x6, v1  }
0x36c: {  	vm5 =	veq.s32 v2, $0x7;
	vm14 =	veq.f32 v19, v17;
	v1 =	vsel vm7, $0x5, v1  }
0x36d: {  	v48 =	vsel vm0, $0x3F800000, v10;
	vm4 =	veq.f32 v14, v17;
	v1 =	vsel vm14, $0x4, v1  }
0x36e: {  	vm0 =	veq.s32 v2, $0x3;
	vm6 =	veq.f32 v12, v17;
	v1 =	vsel vm4, $0x3, v1  }
0x36f: {  	v55 =	vsel vm10, $0x3F800000, v10;
	vm7 =	veq.f32 v18, v17;
	v1 =	vsel vm6, $0x2, v1  }
0x370: {  	v62 =	vor.u32 $0x7805, v0;
	vm13 =	vne.f32 v8, v17;
	v1 =	vsel vm7, $0x1, v1  }
0x371: {  	v63 =	vor.u32 $0x7806, v0;
	vm8 =	vmand vm13, vm7;
	v1 =	vnsel vm13, $0x0, v1  }
0x372: {  	v8 =	vnsel vm13, $0xFF800000, v8;
	v18 =	vsel vm8, $0xFF800000, v18;
	vm7 =	veq.s32 v1, $0x2  }
0x373: {  	v27 =	vmax.f32 v8, v18;
	vm6 =	veq.s32 v1, $0x3;
	v12 =	vsel vm7, $0xFF800000, v12  }
0x374: {  	vm4 =	veq.s32 v1, $0x4;
	v14 =	vsel vm6, $0xFF800000, v14;
	v27 =	vmax.f32 v27, v12  }
0x375: {  	vm3 =	veq.s32 v1, $0x5;
	v19 =	vsel vm4, $0xFF800000, v19;
	v27 =	vmax.f32 v27, v14  }
0x376: {  	vm2 =	veq.s32 v1, $0x6;
	v20 =	vsel vm3, $0xFF800000, v20;
	v27 =	vmax.f32 v27, v19  }
0x377: {  	vm1 =	veq.s32 v1, $0x7;
	v21 =	vsel vm2, $0xFF800000, v21;
	v27 =	vmax.f32 v27, v20  }
0x378: {  	v29 =	vor.u32 $0x7807, v0;
	v15 =	vsel vm1, $0xFF800000, v15;
	v27 =	vmax.f32 v27, v21  }
0x379: {  	v30 =	vsel vm5, $0x3F800000, v10;
	v50 =	vsel vm0, $0x3F800000, v10;
	v27 =	vmax.f32 v27, v15  }
0x37a: {  	vm0 =	veq.s32 v2, $0x4;
	v11 =	vadd.f32 v48, v11;
	vm12 =	veq.f32 v15, v27  }
0x37b: {  	v52 =	vsel vm0, $0x3F800000, v10;
	vm14 =	veq.f32 v21, v27;
	v53 =	vsel vm12, $0x7, v25  }
0x37c: {  	vm11 =	veq.f32 v20, v27;
	vm0 =	veq.f32 v14, v27;
	v14 =	vsel vm14, $0x6, v53  }
0x37d: {  	v3 =	vadd.f32 v3, v22;
	vm15 =	veq.f32 v19, v27;
	v14 =	vsel vm11, $0x5, v14  }
0x37e: {  	v4 =	vadd.f32 v50, v4;
	v6 =	vadd.f32 v52, v6;
	v14 =	vsel vm15, $0x4, v14  }
0x37f: {  	v3 =	vadd.f32 v45, v3;
	vm12 =	veq.f32 v12, v27;
	v14 =	vsel vm0, $0x3, v14  }
0x380: {  	v31 =	vsel vm13, $0x0, v9;
	vm9 =	veq.f32 v18, v27;
	v14 =	vsel vm12, $0x2, v14  }
0x381: {  	v61 =	vld [tilespmem:$0x1FC30];
	v7 =	vadd.f32 v7, v31;
	vm10 =	vne.f32 v8, v27;
	v14 =	vsel vm9, $0x1, v14  }
0x382: {  	v33 =	vsel vm8, $0x3F800000, v10;
	[tilespmem:$0x80E0] =	vst v1;
	v1 =	vor.u32 $0x7803, v0;
	v14 =	vnsel vm10, $0x0, v14  }
0x383: {  	v5 =	vadd.f32 v5, v33;
	v37 =	vsel vm7, $0x3F800000, v10;
	v40 =	vsel vm6, $0x3F800000, v10;
	[tilespmem:$0x81E0] =	vst v14  }
0x384: {  	v42 =	vsel vm4, $0x3F800000, v10;
	v11 =	vadd.f32 v11, v37;
	v4 =	vadd.f32 v4, v40;
	v17 =	vld.idx.msk [tilespmem:v57+s2+$0x0], $0xffff  }
0x385: {  	v45 =	vsel vm3, $0x3F800000, v10;
	v6 =	vadd.f32 v6, v42;
	v8 =	vadd.f32 v44, v16;
	v15 =	vld.idx.msk [tilespmem:v58+s2+$0x0], $0xffff  }
0x386: {  	v12 =	vadd.f32 v13, v54;
	vm14 =	vnez.u8 v61;
	vm15 =	veq.s32 v2, $0x6;
	v2 =	vld.idx.msk [tilespmem:v59+s2+$0x0], $0xffff  }
0x387: {  	v32 =	vsel vm10, $0x0, v9;
	v8 =	vadd.f32 v8, v56;
	v16 =	vsel vm14, $0x3F800000, v10;
	v1 =	vld.idx.msk [tilespmem:v1+s2+$0x0], $0xffff  }
0x388: {  	v46 =	vsel vm2, $0x3F800000, v10;
	v7 =	vadd.f32 v32, v7;
	v3 =	vadd.f32 v3, v16;
	v13 =	vld.idx.msk [tilespmem:v60+s2+$0x0], $0xffff  }
0x389: {  	v53 =	vsel vm1, $0x3F800000, v10;
	v12 =	vadd.f32 v55, v12;
	v28 =	vsel vm15, $0x3F800000, v10;
	v20 =	vld.idx.msk [tilespmem:v62+s2+$0x0], $0xffff  }
0x38a: {  	v8 =	vadd.f32 v28, v8;
	v3 =	vadd.f32 v30, v3;
	v16 =	vld.idx.msk [tilespmem:v63+s2+$0x0], $0xffff;
	v34 =	vmax.f32 v17, v15  }
0x38b: {  	v12 =	vadd.f32 v12, v45;
	vm10 =	vmand vm10, vm9;
	v36 =	vld.idx.msk [tilespmem:v29+s2+$0x0], $0xffff;
	v19 =	vmax.f32 v34, v2  }
0x38c: {  	v8 =	vadd.f32 v8, v46;
	v3 =	vadd.f32 v3, v53;
	v19 =	vmax.f32 v19, v1  }
0x38d: {  	v35 =	vsel vm10, $0x3F800000, v10;
	vm11 =	veq.s32 v14, $0x2;
	v38 =	vmax.f32 v19, v13  }
0x38e: {  	vm12 =	veq.s32 v14, $0x3;
	vm15 =	veq.s32 v14, $0x4;
	v18 =	vmax.f32 v38, v20  }
0x38f: {  	v5 =	vadd.f32 v35, v5;
	v39 =	vsel vm11, $0x3F800000, v10;
	v18 =	vmax.f32 v18, v16  }
0x390: {  	v41 =	vsel vm12, $0x3F800000, v10;
	v44 =	vsel vm15, $0x3F800000, v10;
	v18 =	vmax.f32 v18, v36  }
0x391: {  	v11 =	vadd.f32 v39, v11;
	v4 =	vadd.f32 v41, v4;
	vm13 =	veq.f32 v36, v18  }
0x392: {  	v6 =	vadd.f32 v44, v6;
	vm14 =	veq.f32 v16, v18;
	v43 =	vsel vm13, $0x7, v25  }
0x393: {  	vm8 =	veq.f32 v20, v18;
	vm9 =	veq.f32 v13, v18;
	v19 =	vsel vm14, $0x6, v43  }
0x394: {  	vm10 =	veq.f32 v1, v18;
	vm11 =	veq.f32 v2, v18;
	v19 =	vsel vm8, $0x5, v19  }
0x395: {  	vm12 =	veq.f32 v15, v18;
	vm6 =	vne.f32 v17, v18;
	v19 =	vsel vm9, $0x4, v19  }
0x396: {  	vm13 =	veq.s32 v14, $0x5;
	vm7 =	vmand vm6, vm12;
	v19 =	vsel vm10, $0x3, v19  }
0x397: {  	v17 =	vnsel vm6, $0xFF800000, v17;
	v15 =	vsel vm7, $0xFF800000, v15;
	v19 =	vsel vm11, $0x2, v19  }
0x398: {  	v50 =	vsel vm13, $0x3F800000, v10;
	vm14 =	veq.s32 v14, $0x6;
	v19 =	vsel vm12, $0x1, v19  }
0x399: {  	v55 =	vsel vm7, $0x3F800000, v10;
	v47 =	vmax.f32 v17, v15;
	v19 =	vnsel vm6, $0x0, v19  }
0x39a: {  	v12 =	vadd.f32 v50, v12;
	v51 =	vsel vm14, $0x3F800000, v10;
	vm8 =	veq.s32 v19, $0x2  }
0x39b: {  	v5 =	vadd.f32 v5, v55;
	vm3 =	veq.s32 v19, $0x3;
	v2 =	vsel vm8, $0xFF800000, v2  }
0x39c: {  	vm4 =	veq.s32 v19, $0x4;
	v1 =	vsel vm3, $0xFF800000, v1;
	v22 =	vmax.f32 v47, v2  }
0x39d: {  	vm5 =	veq.s32 v19, $0x5;
	v13 =	vsel vm4, $0xFF800000, v13;
	v22 =	vmax.f32 v22, v1  }
0x39e: {  	vm0 =	veq.s32 v19, $0x6;
	v20 =	vsel vm5, $0xFF800000, v20;
	v22 =	vmax.f32 v22, v13  }
0x39f: {  	vm2 =	veq.s32 v19, $0x7;
	v16 =	vsel vm0, $0xFF800000, v16;
	v22 =	vmax.f32 v22, v20  }
0x3a0: {  	v8 =	vadd.f32 v51, v8;
	v48 =	vsel vm2, $0xFF800000, v36;
	v49 =	vmax.f32 v22, v16  }
0x3a1: {  	v57 =	vsel vm8, $0x3F800000, v10;
	v59 =	vsel vm5, $0x3F800000, v10;
	v21 =	vmax.f32 v49, v48  }
0x3a2: {  	v62 =	vsel vm0, $0x3F800000, v10;
	v63 =	vsel vm2, $0x3F800000, v10;
	vm15 =	veq.f32 v48, v21  }
0x3a3: {  	vm12 =	veq.f32 v16, v21;
	vm13 =	veq.f32 v20, v21;
	v52 =	vsel vm15, $0x7, v25  }
0x3a4: {  	vm14 =	veq.f32 v13, v21;
	vm15 =	veq.s32 v14, $0x7;
	v16 =	vsel vm12, $0x6, v52  }
0x3a5: {  	vm12 =	veq.f32 v1, v21;
	v54 =	vsel vm13, $0x5, v16;
	vm13 =	veq.f32 v2, v21  }
0x3a6: {  	v2 =	vsel vm15, $0x3F800000, v10;
	vm15 =	vne.f32 v17, v21;
	v1 =	vsel vm14, $0x4, v54  }
0x3a7: {  	v2 =	vadd.f32 v2, v3;
	vm14 =	veq.f32 v15, v21;
	v3 =	vsel vm6, $0x0, v9  }
0x3a8: {  	v56 =	vsel vm15, $0x0, v9;
	v1 =	vsel vm12, $0x3, v1;
	v3 =	vadd.f32 v7, v3  }
0x3a9: {  	vm1 =	vmand vm15, vm14;
	v7 =	vadd.f32 v11, v57;
	v1 =	vsel vm13, $0x2, v1  }
0x3aa: {  	v11 =	vsel vm1, $0x3F800000, v10;
	v2 =	vadd.f32 v2, v63;
	v1 =	vsel vm14, $0x1, v1  }
0x3ab: {  	v3 =	vadd.f32 v56, v3;
	v5 =	vadd.f32 v11, v5;
	v11 =	vsel vm3, $0x3F800000, v10  }
0x3ac: {  	v1 =	vnsel vm15, $0x0, v1;
	v4 =	vadd.f32 v4, v11;
	v11 =	vsel vm4, $0x3F800000, v10  }
0x3ad: {  	[tilespmem:$0x80F0] =	vst v19;
	vm10 =	veq.s32 v1, $0x2;
	v6 =	vadd.f32 v6, v11;
	v11 =	vadd.f32 v12, v59  }
0x3ae: {  	vm11 =	veq.s32 v1, $0x3;
	[tilespmem:$0x8200] =	vst v3;
	vm12 =	veq.s32 v1, $0x4;
	v58 =	vsel vm10, $0x3F800000, v10  }
0x3af: {  	vm13 =	veq.s32 v1, $0x5;
	[tilespmem:$0x8280] =	vst v5;
	v3 =	vsel vm11, $0x3F800000, v10;
	v7 =	vadd.f32 v58, v7  }
0x3b0: {  	vm14 =	veq.s32 v1, $0x6;
	[tilespmem:$0x81F0] =	vst v1;
	v60 =	vsel vm12, $0x3F800000, v10;
	v3 =	vadd.f32 v3, v4  }
0x3b1: {  	v61 =	vsel vm13, $0x3F800000, v10;
	v4 =	vadd.f32 v60, v6;
	v6 =	vadd.f32 v8, v62;
	[tilespmem:$0x8300] =	vst v7  }
0x3b2: {  	vm15 =	veq.s32 v1, $0x7;
	v1 =	vsel vm14, $0x3F800000, v10;
	v5 =	vadd.f32 v61, v11;
	[tilespmem:$0x8380] =	vst v3  }
0x3b3: {  	v1 =	vadd.f32 v1, v6;
	[tilespmem:$0x8400] =	vst v4;
	v3 =	vsel vm15, $0x3F800000, v10  }
0x3b4: {  	[tilespmem:$0x8480] =	vst v5;
	v2 =	vadd.f32 v3, v2  }
0x3b5: {  	[tilespmem:$0x8500] =	vst v1  }
0x3b6: {  	[tilespmem:$0x8580] =	vst v2  }
0x3b7: {  	[hbm4b:s4+s9] =	stream.strided.scatter [tilespmem:s11], [sflag:$0x1], $0x100, s10, s9, $0x38;
	[tilespmem:$0x8600] =	vst v63  }
0x3b8: {  	_ =	swait.ge [sflag:s8], $0x100  }
0x3b9: {  	[sflag:s8] =	ssyncset.done $0x0  }
0x3ba: {  	[sflag:s8] =	ssyncadd.s32 $0xFFFFFF00  }
0x3bb: {  	[hbm4b:s5+s9] =	stream.strided.scatter [tilespmem:s12], [sflag:$0x1], $0x100, s10, s9, $0x38;
	[tilespmem:$0x8600] =	vst v63  }
0x3bc: {  	_ =	swait.ge [sflag:s8], $0x100  }
0x3bd: {  	p0 =	sne.s32 s7, $0x1;
	[sflag:s8] =	ssyncset.done $0x0  }
.Ltmp0:
0x3be: {  	[sflag:s8] =	ssyncadd.s32 $0xFFFFFF00;
	(pc) =	sbr.rel @p0 .LBB2_1-.Ltmp0, $4  }
0x3bf: {  	[hbm4b:s6+s2] =	stream.linear.scatter [tilespmem:s13], [sflag:$0x1], $0x400, $0x38;
	[tilespmem:$0x8600] =	vst v63  }
0x3c0: {  	_ =	swait.ge [sflag:s8], $0x400  }
0x3c1: {  	[sflag:s8] =	ssyncset.done $0x0  }
0x3c2: {  	s7 =	sadd.s32 $0xFFFFFFFF, s7;
	[sflag:s8] =	ssyncadd.s32 $0xFFFFFC00  }
0x3c3: {  	_ =	sfence.sel $0x180000  }
0x3c4: {  	[bflag:$0x0] =	sbarrier.arrive $0xFFFF  }
0x3c5: {  	p0 =	sne.s32 s1, $0x0;
	_ =	strace $0x90000047  }
0x3c6: {  	s0 =	sadd.s32 @!p0 $0x100000, s0;
	[bflag:$0x2] =	sbarrier.arrive $0xFFFF  }
0x3c7: {  	[sflag:s0] =	ssyncadd.tile.s32 @!p0 $0x1;
	_ =	shalt  }
.Lfunc_end2:
_tile_overlayer_lowered:
.L_overlay_start_2:
0x3c8: {  	(tag) =	ssettag $0x2  }
0x3c9: {  	s0 =	rddreg [dreg:$0x0];
	s2 =	stileid.u32  }
0x3ca: {  	s1 =	rddreg [dreg:$0x1];
	p0 =	sne.s32 s2, $0x0  }
0x3cb: {  	s3 =	rddreg [dreg:$0x2];
	[bflag:$0x3] =	sbarrier.arrive $0xFFFF;
	s2 =	simm.s32 @!p0 $0x1C01  }
0x3cc: {  	[timem:s3], [sflag:s2] =	dma.local @!p0 [hbm:s0], s1  }
0x3cd: {  	s0 =	simm.s32 @!p0 $0x1  }
0x3ce: {  	_ =	swait.ge @!p0 [sflag:s0], s1  }
0x3cf: {  	s1 =	ssub.s32 @!p0 $0x0, s1;
	[sflag:s0] =	ssyncset.done @!p0 $0x0  }
0x3d0: {  	[sflag:s0] =	ssyncadd.s32 @!p0 s1  }
0x3d1: {  	[bflag:$0x3] =	sbarrier.arrive $0xFFFF  }
0x3d2: {  	_ =	shalt  }

</sc_bundles>
